<compile_context>
chip_gen: v7x
topology: tpu7x:2x2x1
jax: 0.10.2.dev20260603
libtpu: 0.0.44.dev20260713+nightly
codegen_flags: <defaults>
</compile_context>

<pallas_src>
import functools

import jax
import jax.numpy as jnp
import numpy as np
from jax import lax
from jax.experimental import pallas as pl
from jax.experimental.pallas import tpu as pltpu
from jax.experimental.pallas import tpu_sc as plsc

_INFO = plsc.get_sparse_core_info()
_NC = _INFO.num_cores
_NS = _INFO.num_subcores
_NW = _NC * _NS
_L = _INFO.num_lanes

_DIM = 128
_CHUNK = 128
_NBUF = 4


def _sc_body(nchunks, x_hbm, table_hbm, phase_hbm, out_hbm,
             idx_v, rows_v, phase_v, gsems, osems):
    wid = lax.axis_index("s") * _NC + lax.axis_index("c")
    row0 = wid * nchunks

    pltpu.sync_copy(phase_hbm, phase_v)
    pv = [phase_v[pl.ds(j * _L, _L)] for j in range(_DIM // _L)]

    pltpu.sync_copy(x_hbm.at[pl.ds(row0, nchunks), :], idx_v)

    def start_gather(c, b):
        pltpu.async_copy(table_hbm.at[idx_v.at[c]], rows_v.at[b], gsems.at[b])

    def wait_gather(b):
        pltpu.make_async_copy(
            table_hbm.at[pl.ds(0, _CHUNK), :], rows_v.at[b], gsems.at[b]).wait()

    def start_out(c, b):
        pltpu.async_copy(
            rows_v.at[b], out_hbm.at[pl.ds((row0 + c) * _CHUNK, _CHUNK), :],
            osems.at[b])

    def wait_out(b):
        pltpu.make_async_copy(
            rows_v.at[b], out_hbm.at[pl.ds(0, _CHUNK), :], osems.at[b]).wait()

    def scale(b):
        @plsc.parallel_loop(0, _CHUNK, unroll=4)
        def _(r):
            for j in range(_DIM // _L):
                sl = pl.ds(j * _L, _L)
                rows_v[b, r, sl] = rows_v[b, r, sl] * pv[j]

    for k in range(_NBUF - 1):
        start_gather(k, k)

    for b in range(_NBUF):
        wait_gather(b)
        scale(b)
        start_out(b, b)
        if b > 0:
            wait_out(b - 1)
        start_gather(b + _NBUF - 1, (b + _NBUF - 1) % _NBUF)

    ngroups = nchunks // _NBUF

    def group(g, carry):
        c0 = g * _NBUF
        for b in range(_NBUF):
            wait_gather(b)
            scale(b)
            start_out(c0 + b, b)
            wait_out((b - 1) % _NBUF)
            start_gather(c0 + b + _NBUF - 1, (b - 1) % _NBUF)
        return carry

    lax.fori_loop(1, ngroups - 1, group, 0)

    c0 = (ngroups - 1) * _NBUF
    for b in range(_NBUF):
        wait_gather(b)
        scale(b)
        start_out(c0 + b, b)
        if b == 0:
            wait_out(_NBUF - 1)
            start_gather(c0 + _NBUF - 1, _NBUF - 1)

    for b in range(_NBUF):
        wait_out(b)


def kernel(x, table, u):
    B, L = x.shape
    n = B * L
    assert n % (_NW * _CHUNK) == 0
    nchunks = n // (_NW * _CHUNK)
    assert nchunks % _NBUF == 0 and nchunks >= 3 * _NBUF

    two_pi_u = 2.0 * np.pi * u
    phase = jnp.concatenate([jnp.cos(two_pi_u), jnp.sin(two_pi_u)])

    x2d = x.reshape(n // _CHUNK, _CHUNK).astype(jnp.int32)

    mesh = plsc.VectorSubcoreMesh(core_axis_name="c", subcore_axis_name="s")
    f = pl.kernel(
        functools.partial(_sc_body, nchunks),
        out_type=jax.ShapeDtypeStruct((n, _DIM), jnp.float32),
        mesh=mesh,
        scratch_types=[
            pltpu.VMEM((nchunks, _CHUNK), jnp.int32),
            pltpu.VMEM((_NBUF, _CHUNK, _DIM), jnp.float32),
            pltpu.VMEM((_DIM,), jnp.float32),
            pltpu.SemaphoreType.DMA((_NBUF,)),
            pltpu.SemaphoreType.DMA((_NBUF,)),
        ],
    )
    out = f(x2d, table, phase)
    return out.reshape(B, L, _DIM)

# --- scband reference (transcript-rebuilt; emitter-appended) ---
"""Pipeline reference for scband-qftspembeddings-34720515620988 (READ-ONLY COPY).

The authoritative reference and input builder live on the scoring server;
editing this copy changes nothing except your own understanding.
"""

import jax, jax.numpy as jnp
import numpy as np

VOCAB = 1000000
DIM = 128
B = 4096
L = 200

def setup_inputs(seed: int = 0) -> dict:
    key = jax.random.key(seed)
    k1, k2, k3 = jax.random.split(key, 3)
    x = jax.random.randint(k1, (B, L), 0, VOCAB, dtype=jnp.int64) if jax.config.jax_enable_x64 else jax.random.randint(k1, (B, L), 0, VOCAB, dtype=jnp.int32)
    table = jax.random.normal(k2, (VOCAB, DIM), dtype=jnp.float32)
    # uniform samples used to build the complex phase shift exp(2j*pi*u)
    u = jax.random.uniform(k3, (DIM // 2,), dtype=jnp.float32)
    return {"x": x, "table": table, "u": u}

def reference(x, table, u):
    # embedding lookup (gather)
    embeds = jnp.take(table, x, axis=0)  # [B, L, DIM]
    # phase_shift = exp(2j*pi*u); real = cos(2*pi*u), imag = sin(2*pi*u)
    two_pi_u = 2.0 * np.pi * u
    phase_real = jnp.cos(two_pi_u)
    phase_imag = jnp.sin(two_pi_u)
    half = DIM // 2
    shifted = jnp.concatenate([
        embeds[:, :, :half] * phase_real,
        embeds[:, :, half:] * phase_imag,
    ], axis=-1)
    return shifted

if __name__ == "__main__":
    import jax
    _d = setup_inputs()
    print(jax.jit(kernel)(*tuple(_d.values())))

</pallas_src>

<mosaic_0001>
#map = affine_map<(d0, d1) -> (0, 0)>
#map1 = affine_map<(d0, d1) -> (0)>
module attributes {stable_mosaic.version = 14 : i64} {
  func.func @_sc_body(%arg0: i32, %arg1: i32, %arg2: memref<6400x128xi32, #tpu.memory_space<hbm>>, %arg3: memref<1000000x128xf32, #tpu.memory_space<hbm>>, %arg4: memref<128xf32, #tpu.memory_space<hbm>>, %arg5: memref<819200x128xf32, #tpu.memory_space<hbm>>, %arg6: memref<200x128xi32, #tpu.memory_space<vmem>>, %arg7: memref<4x128x128xf32, #tpu.memory_space<vmem>>, %arg8: memref<128xf32, #tpu.memory_space<vmem>>, %arg9: memref<4x!tpu.dma_semaphore, #tpu.memory_space<semaphore_mem>>, %arg10: memref<4x!tpu.dma_semaphore, #tpu.memory_space<semaphore_mem>>) attributes {dimension_semantics = [#tpu.dimension_semantics<core_parallel>, #tpu.dimension_semantics<subcore_parallel>], iteration_bounds = array<i64: 2, 16>, scalar_prefetch = 0 : i64, scratch_operands = 5 : i64, tpu.core_type = #tpu.core_type<sc_vector_subcore>, window_params = [{transform_indices = #map}, {transform_indices = #map}, {transform_indices = #map1}, {transform_indices = #map}]} {
    %mul3A = arith.constant 2 : i32
    %mul3A_0 = arith.muli %arg1, %mul3A : i32
    %add3A = arith.addi %mul3A_0, %arg0 : i32
    %mul3A_1 = arith.constant 200 : i32
    %mul3A_2 = arith.muli %add3A, %mul3A_1 : i32
    "tpu.region"() ({
      %run_scoped3A = tpu.sem_alloc : memref<!tpu.dma_semaphore, #tpu.memory_space<semaphore_mem>>
      tpu.enqueue_dma source(%arg4 : memref<128xf32, #tpu.memory_space<hbm>>) target(%arg8 : memref<128xf32, #tpu.memory_space<vmem>>) target_semaphore(%run_scoped3A : memref<!tpu.dma_semaphore, #tpu.memory_space<semaphore_mem>>)
      tpu.wait_dma2 semaphore(%run_scoped3A : memref<!tpu.dma_semaphore, #tpu.memory_space<semaphore_mem>>) src(%arg4 : memref<128xf32, #tpu.memory_space<hbm>>) dst(%arg8 : memref<128xf32, #tpu.memory_space<vmem>>)
      tpu.yield
    }) : () -> ()
    %get3A = arith.constant 0 : index
    %get3A_3 = tpu.vector_load %arg8[%get3A] {strides = array<i32>} : memref<128xf32, #tpu.memory_space<vmem>>, vector<16xf32>,
    %get3A_4 = vector.shape_cast %get3A_3 : vector<16xf32> to vector<16xf32>
    %get3A_5 = arith.constant 16 : index
    %get3A_6 = tpu.vector_load %arg8[%get3A_5] {strides = array<i32>} : memref<128xf32, #tpu.memory_space<vmem>>, vector<16xf32>,
    %get3A_7 = vector.shape_cast %get3A_6 : vector<16xf32> to vector<16xf32>
    %get3A_8 = arith.constant 32 : index
    %get3A_9 = tpu.vector_load %arg8[%get3A_8] {strides = array<i32>} : memref<128xf32, #tpu.memory_space<vmem>>, vector<16xf32>,
    %get3A_10 = vector.shape_cast %get3A_9 : vector<16xf32> to vector<16xf32>
    %get3A_11 = arith.constant 48 : index
    %get3A_12 = tpu.vector_load %arg8[%get3A_11] {strides = array<i32>} : memref<128xf32, #tpu.memory_space<vmem>>, vector<16xf32>,
    %get3A_13 = vector.shape_cast %get3A_12 : vector<16xf32> to vector<16xf32>
    %get3A_14 = arith.constant 64 : index
    %get3A_15 = tpu.vector_load %arg8[%get3A_14] {strides = array<i32>} : memref<128xf32, #tpu.memory_space<vmem>>, vector<16xf32>,
    %get3A_16 = vector.shape_cast %get3A_15 : vector<16xf32> to vector<16xf32>
    %get3A_17 = arith.constant 80 : index
    %get3A_18 = tpu.vector_load %arg8[%get3A_17] {strides = array<i32>} : memref<128xf32, #tpu.memory_space<vmem>>, vector<16xf32>,
    %get3A_19 = vector.shape_cast %get3A_18 : vector<16xf32> to vector<16xf32>
    %get3A_20 = arith.constant 96 : index
    %get3A_21 = tpu.vector_load %arg8[%get3A_20] {strides = array<i32>} : memref<128xf32, #tpu.memory_space<vmem>>, vector<16xf32>,
    %get3A_22 = vector.shape_cast %get3A_21 : vector<16xf32> to vector<16xf32>
    %get3A_23 = arith.constant 112 : index
    %get3A_24 = tpu.vector_load %arg8[%get3A_23] {strides = array<i32>} : memref<128xf32, #tpu.memory_space<vmem>>, vector<16xf32>,
    %get3A_25 = vector.shape_cast %get3A_24 : vector<16xf32> to vector<16xf32>
    "tpu.region"() ({
      %run_scoped3A = tpu.sem_alloc : memref<!tpu.dma_semaphore, #tpu.memory_space<semaphore_mem>>
      %dma_start3A_620 = arith.constant 0 : i32
      %dma_start3A_621 = tpu.memref_slice %arg2[%mul3A_2, %dma_start3A_620] : memref<6400x128xi32, #tpu.memory_space<hbm>> -> memref<200x128xi32, #tpu.memory_space<hbm>>
      %dma_start3A_622 = arith.constant 0 : i32
      %dma_start3A_623 = tpu.memref_slice %arg2[%mul3A_2, %dma_start3A_622] : memref<6400x128xi32, #tpu.memory_space<hbm>> -> memref<200x128xi32, #tpu.memory_space<hbm>>
      tpu.enqueue_dma source(%dma_start3A_623 : memref<200x128xi32, #tpu.memory_space<hbm>>) target(%arg6 : memref<200x128xi32, #tpu.memory_space<vmem>>) target_semaphore(%run_scoped3A : memref<!tpu.dma_semaphore, #tpu.memory_space<semaphore_mem>>)
      %dma_wait3A_624 = arith.constant 0 : i32
      %dma_wait3A_625 = tpu.memref_slice %arg2[%mul3A_2, %dma_wait3A_624] : memref<6400x128xi32, #tpu.memory_space<hbm>> -> memref<200x128xi32, #tpu.memory_space<hbm>>
      %dma_wait3A_626 = arith.constant 0 : i32
      %dma_wait3A_627 = tpu.memref_slice %arg2[%mul3A_2, %dma_wait3A_626] : memref<6400x128xi32, #tpu.memory_space<hbm>> -> memref<200x128xi32, #tpu.memory_space<hbm>>
      tpu.wait_dma2 semaphore(%run_scoped3A : memref<!tpu.dma_semaphore, #tpu.memory_space<semaphore_mem>>) src(%dma_wait3A_627 : memref<200x128xi32, #tpu.memory_space<hbm>>) dst(%arg6 : memref<200x128xi32, #tpu.memory_space<vmem>>)
      tpu.yield
    }) : () -> ()
    %dma_start3A = arith.constant 0 : i32
    %dma_start3A_26 = arith.constant 0 : i32
    %dma_start3A_27 = arith.constant 0 : i32
    %dma_start3A_28 = arith.constant 0 : i32
    %dma_start3A_29 = arith.constant 0 : i32
    %dma_start3A_30 = tpu.memref_slice %arg7[%dma_start3A_26, %dma_start3A_28, %dma_start3A_29] : memref<4x128x128xf32, #tpu.memory_space<vmem>> -> memref<1x128x128xf32, #tpu.memory_space<vmem>>
    %dma_start3A_31 = tpu.memref_squeeze %dma_start3A_30 : memref<1x128x128xf32, #tpu.memory_space<vmem>> -> memref<128x128xf32, #tpu.memory_space<vmem>>
    %dma_start3A_32 = arith.constant 0 : i32
    %dma_start3A_33 = tpu.memref_slice %arg6[%dma_start3A, %dma_start3A_32] : memref<200x128xi32, #tpu.memory_space<vmem>> -> memref<1x128xi32, #tpu.memory_space<vmem>>
    %dma_start3A_34 = tpu.memref_squeeze %dma_start3A_33 : memref<1x128xi32, #tpu.memory_space<vmem>> -> memref<128xi32, #tpu.memory_space<vmem>>
    %dma_start3A_35 = arith.constant 0 : i32
    %dma_start3A_36 = arith.constant 0 : i32
    %dma_start3A_37 = tpu.memref_slice %arg3[%dma_start3A_35, %dma_start3A_36] : memref<1000000x128xf32, #tpu.memory_space<hbm>> -> memref<1000000x128xf32, #tpu.memory_space<hbm>>
    %dma_start3A_38 = tpu.memref_slice %arg9[%dma_start3A_27] : memref<4x!tpu.dma_semaphore, #tpu.memory_space<semaphore_mem>> -> memref<1x!tpu.dma_semaphore, #tpu.memory_space<semaphore_mem>>
    %dma_start3A_39 = tpu.memref_squeeze %dma_start3A_38 : memref<1x!tpu.dma_semaphore, #tpu.memory_space<semaphore_mem>> -> memref<!tpu.dma_semaphore, #tpu.memory_space<semaphore_mem>>
    tpu.enqueue_indirect_dma source(%dma_start3A_37 : memref<1000000x128xf32, #tpu.memory_space<hbm>>) target(%dma_start3A_31 : memref<128x128xf32, #tpu.memory_space<vmem>>) offsets(%dma_start3A_34 : memref<128xi32, #tpu.memory_space<vmem>>) semaphore(%dma_start3A_39 : memref<!tpu.dma_semaphore, #tpu.memory_space<semaphore_mem>>)
    %dma_start3A_40 = arith.constant 1 : i32
    %dma_start3A_41 = arith.constant 1 : i32
    %dma_start3A_42 = arith.constant 1 : i32
    %dma_start3A_43 = arith.constant 0 : i32
    %dma_start3A_44 = arith.constant 0 : i32
    %dma_start3A_45 = tpu.memref_slice %arg7[%dma_start3A_41, %dma_start3A_43, %dma_start3A_44] : memref<4x128x128xf32, #tpu.memory_space<vmem>> -> memref<1x128x128xf32, #tpu.memory_space<vmem>>
    %dma_start3A_46 = tpu.memref_squeeze %dma_start3A_45 : memref<1x128x128xf32, #tpu.memory_space<vmem>> -> memref<128x128xf32, #tpu.memory_space<vmem>>
    %dma_start3A_47 = arith.constant 0 : i32
    %dma_start3A_48 = tpu.memref_slice %arg6[%dma_start3A_40, %dma_start3A_47] : memref<200x128xi32, #tpu.memory_space<vmem>> -> memref<1x128xi32, #tpu.memory_space<vmem>>
    %dma_start3A_49 = tpu.memref_squeeze %dma_start3A_48 : memref<1x128xi32, #tpu.memory_space<vmem>> -> memref<128xi32, #tpu.memory_space<vmem>>
    %dma_start3A_50 = arith.constant 0 : i32
    %dma_start3A_51 = arith.constant 0 : i32
    %dma_start3A_52 = tpu.memref_slice %arg3[%dma_start3A_50, %dma_start3A_51] : memref<1000000x128xf32, #tpu.memory_space<hbm>> -> memref<1000000x128xf32, #tpu.memory_space<hbm>>
    %dma_start3A_53 = tpu.memref_slice %arg9[%dma_start3A_42] : memref<4x!tpu.dma_semaphore, #tpu.memory_space<semaphore_mem>> -> memref<1x!tpu.dma_semaphore, #tpu.memory_space<semaphore_mem>>
    %dma_start3A_54 = tpu.memref_squeeze %dma_start3A_53 : memref<1x!tpu.dma_semaphore, #tpu.memory_space<semaphore_mem>> -> memref<!tpu.dma_semaphore, #tpu.memory_space<semaphore_mem>>
    tpu.enqueue_indirect_dma source(%dma_start3A_52 : memref<1000000x128xf32, #tpu.memory_space<hbm>>) target(%dma_start3A_46 : memref<128x128xf32, #tpu.memory_space<vmem>>) offsets(%dma_start3A_49 : memref<128xi32, #tpu.memory_space<vmem>>) semaphore(%dma_start3A_54 : memref<!tpu.dma_semaphore, #tpu.memory_space<semaphore_mem>>)
    %dma_start3A_55 = arith.constant 2 : i32
    %dma_start3A_56 = arith.constant 2 : i32
    %dma_start3A_57 = arith.constant 2 : i32
    %dma_start3A_58 = arith.constant 0 : i32
    %dma_start3A_59 = arith.constant 0 : i32
    %dma_start3A_60 = tpu.memref_slice %arg7[%dma_start3A_56, %dma_start3A_58, %dma_start3A_59] : memref<4x128x128xf32, #tpu.memory_space<vmem>> -> memref<1x128x128xf32, #tpu.memory_space<vmem>>
    %dma_start3A_61 = tpu.memref_squeeze %dma_start3A_60 : memref<1x128x128xf32, #tpu.memory_space<vmem>> -> memref<128x128xf32, #tpu.memory_space<vmem>>
    %dma_start3A_62 = arith.constant 0 : i32
    %dma_start3A_63 = tpu.memref_slice %arg6[%dma_start3A_55, %dma_start3A_62] : memref<200x128xi32, #tpu.memory_space<vmem>> -> memref<1x128xi32, #tpu.memory_space<vmem>>
    %dma_start3A_64 = tpu.memref_squeeze %dma_start3A_63 : memref<1x128xi32, #tpu.memory_space<vmem>> -> memref<128xi32, #tpu.memory_space<vmem>>
    %dma_start3A_65 = arith.constant 0 : i32
    %dma_start3A_66 = arith.constant 0 : i32
    %dma_start3A_67 = tpu.memref_slice %arg3[%dma_start3A_65, %dma_start3A_66] : memref<1000000x128xf32, #tpu.memory_space<hbm>> -> memref<1000000x128xf32, #tpu.memory_space<hbm>>
    %dma_start3A_68 = tpu.memref_slice %arg9[%dma_start3A_57] : memref<4x!tpu.dma_semaphore, #tpu.memory_space<semaphore_mem>> -> memref<1x!tpu.dma_semaphore, #tpu.memory_space<semaphore_mem>>
    %dma_start3A_69 = tpu.memref_squeeze %dma_start3A_68 : memref<1x!tpu.dma_semaphore, #tpu.memory_space<semaphore_mem>> -> memref<!tpu.dma_semaphore, #tpu.memory_space<semaphore_mem>>
    tpu.enqueue_indirect_dma source(%dma_start3A_67 : memref<1000000x128xf32, #tpu.memory_space<hbm>>) target(%dma_start3A_61 : memref<128x128xf32, #tpu.memory_space<vmem>>) offsets(%dma_start3A_64 : memref<128xi32, #tpu.memory_space<vmem>>) semaphore(%dma_start3A_69 : memref<!tpu.dma_semaphore, #tpu.memory_space<semaphore_mem>>)
    %dma_wait3A = arith.constant 0 : i32
    %dma_wait3A_70 = arith.constant 0 : i32
    %dma_wait3A_71 = arith.constant 0 : i32
    %dma_wait3A_72 = arith.constant 0 : i32
    %dma_wait3A_73 = tpu.memref_slice %arg7[%dma_wait3A, %dma_wait3A_71, %dma_wait3A_72] : memref<4x128x128xf32, #tpu.memory_space<vmem>> -> memref<1x128x128xf32, #tpu.memory_space<vmem>>
    %dma_wait3A_74 = tpu.memref_squeeze %dma_wait3A_73 : memref<1x128x128xf32, #tpu.memory_space<vmem>> -> memref<128x128xf32, #tpu.memory_space<vmem>>
    %dma_wait3A_75 = arith.constant 0 : i32
    %dma_wait3A_76 = arith.constant 0 : i32
    %dma_wait3A_77 = tpu.memref_slice %arg3[%dma_wait3A_75, %dma_wait3A_76] : memref<1000000x128xf32, #tpu.memory_space<hbm>> -> memref<128x128xf32, #tpu.memory_space<hbm>>
    %dma_wait3A_78 = tpu.memref_slice %arg9[%dma_wait3A_70] : memref<4x!tpu.dma_semaphore, #tpu.memory_space<semaphore_mem>> -> memref<1x!tpu.dma_semaphore, #tpu.memory_space<semaphore_mem>>
    %dma_wait3A_79 = tpu.memref_squeeze %dma_wait3A_78 : memref<1x!tpu.dma_semaphore, #tpu.memory_space<semaphore_mem>> -> memref<!tpu.dma_semaphore, #tpu.memory_space<semaphore_mem>>
    %dma_wait3A_80 = arith.constant 0 : i32
    %dma_wait3A_81 = arith.constant 0 : i32
    %dma_wait3A_82 = tpu.memref_slice %arg7[%dma_wait3A, %dma_wait3A_80, %dma_wait3A_81] : memref<4x128x128xf32, #tpu.memory_space<vmem>> -> memref<1x128x128xf32, #tpu.memory_space<vmem>>
    %dma_wait3A_83 = tpu.memref_squeeze %dma_wait3A_82 : memref<1x128x128xf32, #tpu.memory_space<vmem>> -> memref<128x128xf32, #tpu.memory_space<vmem>>
    %dma_wait3A_84 = arith.constant 0 : i32
    %dma_wait3A_85 = arith.constant 0 : i32
    %dma_wait3A_86 = tpu.memref_slice %arg3[%dma_wait3A_84, %dma_wait3A_85] : memref<1000000x128xf32, #tpu.memory_space<hbm>> -> memref<128x128xf32, #tpu.memory_space<hbm>>
    tpu.wait_dma2 semaphore(%dma_wait3A_79 : memref<!tpu.dma_semaphore, #tpu.memory_space<semaphore_mem>>) src(%dma_wait3A_86 : memref<128x128xf32, #tpu.memory_space<hbm>>) dst(%dma_wait3A_83 : memref<128x128xf32, #tpu.memory_space<vmem>>)
    %parallel_loop3A = arith.constant 0 : i32
    %parallel_loop3A_87 = arith.constant 128 : i32
    %parallel_loop3A_88 = arith.constant 1 : i32
    scf.for %parallel_loop3A_620 = %parallel_loop3A to %parallel_loop3A_87 step %parallel_loop3A_88  : i32 {
      %parallel_loop3A_621 = arith.constant 0 : i32
      %parallel_loop3A_622 = arith.index_cast %parallel_loop3A_621 : i32 to index
      %parallel_loop3A_623 = arith.index_cast %parallel_loop3A_620 : i32 to index
      %parallel_loop3A_624 = arith.constant 0 : index
      %parallel_loop3A_625 = tpu.vector_load %arg7[%parallel_loop3A_622, %parallel_loop3A_623, %parallel_loop3A_624] {strides = array<i32>} : memref<4x128x128xf32, #tpu.memory_space<vmem>>, vector<1x1x16xf32>,
      %parallel_loop3A_626 = vector.shape_cast %parallel_loop3A_625 : vector<1x1x16xf32> to vector<16xf32>
      %parallel_loop3A_627 = arith.mulf %parallel_loop3A_626, %get3A_4 : vector<16xf32>
      %parallel_loop3A_628 = arith.constant 0 : i32
      %parallel_loop3A_629 = arith.index_cast %parallel_loop3A_628 : i32 to index
      %parallel_loop3A_630 = arith.index_cast %parallel_loop3A_620 : i32 to index
      %parallel_loop3A_631 = arith.constant 0 : index
      %parallel_loop3A_632 = tpu.vector_load %arg7[%parallel_loop3A_629, %parallel_loop3A_630, %parallel_loop3A_631] {strides = array<i32>} : memref<4x128x128xf32, #tpu.memory_space<vmem>>, vector<1x1x16xf32>,
      %parallel_loop3A_633 = vector.shape_cast %parallel_loop3A_632 : vector<1x1x16xf32> to vector<16xf32>
      %parallel_loop3A_634 = vector.shape_cast %parallel_loop3A_627 : vector<16xf32> to vector<1x1x16xf32>
      tpu.vector_store %arg7[%parallel_loop3A_629, %parallel_loop3A_630, %parallel_loop3A_631], %parallel_loop3A_634 {strides = array<i32>} : memref<4x128x128xf32, #tpu.memory_space<vmem>>, vector<1x1x16xf32>,
      %parallel_loop3A_635 = arith.constant 0 : i32
      %parallel_loop3A_636 = arith.index_cast %parallel_loop3A_635 : i32 to index
      %parallel_loop3A_637 = arith.index_cast %parallel_loop3A_620 : i32 to index
      %parallel_loop3A_638 = arith.constant 16 : index
      %parallel_loop3A_639 = tpu.vector_load %arg7[%parallel_loop3A_636, %parallel_loop3A_637, %parallel_loop3A_638] {strides = array<i32>} : memref<4x128x128xf32, #tpu.memory_space<vmem>>, vector<1x1x16xf32>,
      %parallel_loop3A_640 = vector.shape_cast %parallel_loop3A_639 : vector<1x1x16xf32> to vector<16xf32>
      %parallel_loop3A_641 = arith.mulf %parallel_loop3A_640, %get3A_7 : vector<16xf32>
      %parallel_loop3A_642 = arith.constant 0 : i32
      %parallel_loop3A_643 = arith.index_cast %parallel_loop3A_642 : i32 to index
      %parallel_loop3A_644 = arith.index_cast %parallel_loop3A_620 : i32 to index
      %parallel_loop3A_645 = arith.constant 16 : index
      %parallel_loop3A_646 = tpu.vector_load %arg7[%parallel_loop3A_643, %parallel_loop3A_644, %parallel_loop3A_645] {strides = array<i32>} : memref<4x128x128xf32, #tpu.memory_space<vmem>>, vector<1x1x16xf32>,
      %parallel_loop3A_647 = vector.shape_cast %parallel_loop3A_646 : vector<1x1x16xf32> to vector<16xf32>
      %parallel_loop3A_648 = vector.shape_cast %parallel_loop3A_641 : vector<16xf32> to vector<1x1x16xf32>
      tpu.vector_store %arg7[%parallel_loop3A_643, %parallel_loop3A_644, %parallel_loop3A_645], %parallel_loop3A_648 {strides = array<i32>} : memref<4x128x128xf32, #tpu.memory_space<vmem>>, vector<1x1x16xf32>,
      %parallel_loop3A_649 = arith.constant 0 : i32
      %parallel_loop3A_650 = arith.index_cast %parallel_loop3A_649 : i32 to index
      %parallel_loop3A_651 = arith.index_cast %parallel_loop3A_620 : i32 to index
      %parallel_loop3A_652 = arith.constant 32 : index
      %parallel_loop3A_653 = tpu.vector_load %arg7[%parallel_loop3A_650, %parallel_loop3A_651, %parallel_loop3A_652] {strides = array<i32>} : memref<4x128x128xf32, #tpu.memory_space<vmem>>, vector<1x1x16xf32>,
      %parallel_loop3A_654 = vector.shape_cast %parallel_loop3A_653 : vector<1x1x16xf32> to vector<16xf32>
      %parallel_loop3A_655 = arith.mulf %parallel_loop3A_654, %get3A_10 : vector<16xf32>
      %parallel_loop3A_656 = arith.constant 0 : i32
      %parallel_loop3A_657 = arith.index_cast %parallel_loop3A_656 : i32 to index
      %parallel_loop3A_658 = arith.index_cast %parallel_loop3A_620 : i32 to index
      %parallel_loop3A_659 = arith.constant 32 : index
      %parallel_loop3A_660 = tpu.vector_load %arg7[%parallel_loop3A_657, %parallel_loop3A_658, %parallel_loop3A_659] {strides = array<i32>} : memref<4x128x128xf32, #tpu.memory_space<vmem>>, vector<1x1x16xf32>,
      %parallel_loop3A_661 = vector.shape_cast %parallel_loop3A_660 : vector<1x1x16xf32> to vector<16xf32>
      %parallel_loop3A_662 = vector.shape_cast %parallel_loop3A_655 : vector<16xf32> to vector<1x1x16xf32>
      tpu.vector_store %arg7[%parallel_loop3A_657, %parallel_loop3A_658, %parallel_loop3A_659], %parallel_loop3A_662 {strides = array<i32>} : memref<4x128x128xf32, #tpu.memory_space<vmem>>, vector<1x1x16xf32>,
      %parallel_loop3A_663 = arith.constant 0 : i32
      %parallel_loop3A_664 = arith.index_cast %parallel_loop3A_663 : i32 to index
      %parallel_loop3A_665 = arith.index_cast %parallel_loop3A_620 : i32 to index
      %parallel_loop3A_666 = arith.constant 48 : index
      %parallel_loop3A_667 = tpu.vector_load %arg7[%parallel_loop3A_664, %parallel_loop3A_665, %parallel_loop3A_666] {strides = array<i32>} : memref<4x128x128xf32, #tpu.memory_space<vmem>>, vector<1x1x16xf32>,
      %parallel_loop3A_668 = vector.shape_cast %parallel_loop3A_667 : vector<1x1x16xf32> to vector<16xf32>
      %parallel_loop3A_669 = arith.mulf %parallel_loop3A_668, %get3A_13 : vector<16xf32>
      %parallel_loop3A_670 = arith.constant 0 : i32
      %parallel_loop3A_671 = arith.index_cast %parallel_loop3A_670 : i32 to index
      %parallel_loop3A_672 = arith.index_cast %parallel_loop3A_620 : i32 to index
      %parallel_loop3A_673 = arith.constant 48 : index
      %parallel_loop3A_674 = tpu.vector_load %arg7[%parallel_loop3A_671, %parallel_loop3A_672, %parallel_loop3A_673] {strides = array<i32>} : memref<4x128x128xf32, #tpu.memory_space<vmem>>, vector<1x1x16xf32>,
      %parallel_loop3A_675 = vector.shape_cast %parallel_loop3A_674 : vector<1x1x16xf32> to vector<16xf32>
      %parallel_loop3A_676 = vector.shape_cast %parallel_loop3A_669 : vector<16xf32> to vector<1x1x16xf32>
      tpu.vector_store %arg7[%parallel_loop3A_671, %parallel_loop3A_672, %parallel_loop3A_673], %parallel_loop3A_676 {strides = array<i32>} : memref<4x128x128xf32, #tpu.memory_space<vmem>>, vector<1x1x16xf32>,
      %parallel_loop3A_677 = arith.constant 0 : i32
      %parallel_loop3A_678 = arith.index_cast %parallel_loop3A_677 : i32 to index
      %parallel_loop3A_679 = arith.index_cast %parallel_loop3A_620 : i32 to index
      %parallel_loop3A_680 = arith.constant 64 : index
      %parallel_loop3A_681 = tpu.vector_load %arg7[%parallel_loop3A_678, %parallel_loop3A_679, %parallel_loop3A_680] {strides = array<i32>} : memref<4x128x128xf32, #tpu.memory_space<vmem>>, vector<1x1x16xf32>,
      %parallel_loop3A_682 = vector.shape_cast %parallel_loop3A_681 : vector<1x1x16xf32> to vector<16xf32>
      %parallel_loop3A_683 = arith.mulf %parallel_loop3A_682, %get3A_16 : vector<16xf32>
      %parallel_loop3A_684 = arith.constant 0 : i32
      %parallel_loop3A_685 = arith.index_cast %parallel_loop3A_684 : i32 to index
      %parallel_loop3A_686 = arith.index_cast %parallel_loop3A_620 : i32 to index
      %parallel_loop3A_687 = arith.constant 64 : index
      %parallel_loop3A_688 = tpu.vector_load %arg7[%parallel_loop3A_685, %parallel_loop3A_686, %parallel_loop3A_687] {strides = array<i32>} : memref<4x128x128xf32, #tpu.memory_space<vmem>>, vector<1x1x16xf32>,
      %parallel_loop3A_689 = vector.shape_cast %parallel_loop3A_688 : vector<1x1x16xf32> to vector<16xf32>
      %parallel_loop3A_690 = vector.shape_cast %parallel_loop3A_683 : vector<16xf32> to vector<1x1x16xf32>
      tpu.vector_store %arg7[%parallel_loop3A_685, %parallel_loop3A_686, %parallel_loop3A_687], %parallel_loop3A_690 {strides = array<i32>} : memref<4x128x128xf32, #tpu.memory_space<vmem>>, vector<1x1x16xf32>,
      %parallel_loop3A_691 = arith.constant 0 : i32
      %parallel_loop3A_692 = arith.index_cast %parallel_loop3A_691 : i32 to index
      %parallel_loop3A_693 = arith.index_cast %parallel_loop3A_620 : i32 to index
      %parallel_loop3A_694 = arith.constant 80 : index
      %parallel_loop3A_695 = tpu.vector_load %arg7[%parallel_loop3A_692, %parallel_loop3A_693, %parallel_loop3A_694] {strides = array<i32>} : memref<4x128x128xf32, #tpu.memory_space<vmem>>, vector<1x1x16xf32>,
      %parallel_loop3A_696 = vector.shape_cast %parallel_loop3A_695 : vector<1x1x16xf32> to vector<16xf32>
      %parallel_loop3A_697 = arith.mulf %parallel_loop3A_696, %get3A_19 : vector<16xf32>
      %parallel_loop3A_698 = arith.constant 0 : i32
      %parallel_loop3A_699 = arith.index_cast %parallel_loop3A_698 : i32 to index
      %parallel_loop3A_700 = arith.index_cast %parallel_loop3A_620 : i32 to index
      %parallel_loop3A_701 = arith.constant 80 : index
      %parallel_loop3A_702 = tpu.vector_load %arg7[%parallel_loop3A_699, %parallel_loop3A_700, %parallel_loop3A_701] {strides = array<i32>} : memref<4x128x128xf32, #tpu.memory_space<vmem>>, vector<1x1x16xf32>,
      %parallel_loop3A_703 = vector.shape_cast %parallel_loop3A_702 : vector<1x1x16xf32> to vector<16xf32>
      %parallel_loop3A_704 = vector.shape_cast %parallel_loop3A_697 : vector<16xf32> to vector<1x1x16xf32>
      tpu.vector_store %arg7[%parallel_loop3A_699, %parallel_loop3A_700, %parallel_loop3A_701], %parallel_loop3A_704 {strides = array<i32>} : memref<4x128x128xf32, #tpu.memory_space<vmem>>, vector<1x1x16xf32>,
      %parallel_loop3A_705 = arith.constant 0 : i32
      %parallel_loop3A_706 = arith.index_cast %parallel_loop3A_705 : i32 to index
      %parallel_loop3A_707 = arith.index_cast %parallel_loop3A_620 : i32 to index
      %parallel_loop3A_708 = arith.constant 96 : index
      %parallel_loop3A_709 = tpu.vector_load %arg7[%parallel_loop3A_706, %parallel_loop3A_707, %parallel_loop3A_708] {strides = array<i32>} : memref<4x128x128xf32, #tpu.memory_space<vmem>>, vector<1x1x16xf32>,
      %parallel_loop3A_710 = vector.shape_cast %parallel_loop3A_709 : vector<1x1x16xf32> to vector<16xf32>
      %parallel_loop3A_711 = arith.mulf %parallel_loop3A_710, %get3A_22 : vector<16xf32>
      %parallel_loop3A_712 = arith.constant 0 : i32
      %parallel_loop3A_713 = arith.index_cast %parallel_loop3A_712 : i32 to index
      %parallel_loop3A_714 = arith.index_cast %parallel_loop3A_620 : i32 to index
      %parallel_loop3A_715 = arith.constant 96 : index
      %parallel_loop3A_716 = tpu.vector_load %arg7[%parallel_loop3A_713, %parallel_loop3A_714, %parallel_loop3A_715] {strides = array<i32>} : memref<4x128x128xf32, #tpu.memory_space<vmem>>, vector<1x1x16xf32>,
      %parallel_loop3A_717 = vector.shape_cast %parallel_loop3A_716 : vector<1x1x16xf32> to vector<16xf32>
      %parallel_loop3A_718 = vector.shape_cast %parallel_loop3A_711 : vector<16xf32> to vector<1x1x16xf32>
      tpu.vector_store %arg7[%parallel_loop3A_713, %parallel_loop3A_714, %parallel_loop3A_715], %parallel_loop3A_718 {strides = array<i32>} : memref<4x128x128xf32, #tpu.memory_space<vmem>>, vector<1x1x16xf32>,
      %parallel_loop3A_719 = arith.constant 0 : i32
      %parallel_loop3A_720 = arith.index_cast %parallel_loop3A_719 : i32 to index
      %parallel_loop3A_721 = arith.index_cast %parallel_loop3A_620 : i32 to index
      %parallel_loop3A_722 = arith.constant 112 : index
      %parallel_loop3A_723 = tpu.vector_load %arg7[%parallel_loop3A_720, %parallel_loop3A_721, %parallel_loop3A_722] {strides = array<i32>} : memref<4x128x128xf32, #tpu.memory_space<vmem>>, vector<1x1x16xf32>,
      %parallel_loop3A_724 = vector.shape_cast %parallel_loop3A_723 : vector<1x1x16xf32> to vector<16xf32>
      %parallel_loop3A_725 = arith.mulf %parallel_loop3A_724, %get3A_25 : vector<16xf32>
      %parallel_loop3A_726 = arith.constant 0 : i32
      %parallel_loop3A_727 = arith.index_cast %parallel_loop3A_726 : i32 to index
      %parallel_loop3A_728 = arith.index_cast %parallel_loop3A_620 : i32 to index
      %parallel_loop3A_729 = arith.constant 112 : index
      %parallel_loop3A_730 = tpu.vector_load %arg7[%parallel_loop3A_727, %parallel_loop3A_728, %parallel_loop3A_729] {strides = array<i32>} : memref<4x128x128xf32, #tpu.memory_space<vmem>>, vector<1x1x16xf32>,
      %parallel_loop3A_731 = vector.shape_cast %parallel_loop3A_730 : vector<1x1x16xf32> to vector<16xf32>
      %parallel_loop3A_732 = vector.shape_cast %parallel_loop3A_725 : vector<16xf32> to vector<1x1x16xf32>
      tpu.vector_store %arg7[%parallel_loop3A_727, %parallel_loop3A_728, %parallel_loop3A_729], %parallel_loop3A_732 {strides = array<i32>} : memref<4x128x128xf32, #tpu.memory_space<vmem>>, vector<1x1x16xf32>,
    } {sc.loop_unroll_factor = 4 : i64, sc.parallel_access}
    %add3A_89 = arith.constant 0 : i32
    %add3A_90 = arith.addi %mul3A_2, %add3A_89 : i32
    %mul3A_91 = arith.constant 128 : i32
    %mul3A_92 = arith.muli %add3A_90, %mul3A_91 : i32
    %dma_start3A_93 = arith.constant 0 : i32
    %dma_start3A_94 = arith.constant 0 : i32
    %dma_start3A_95 = arith.constant 0 : i32
    %dma_start3A_96 = arith.constant 0 : i32
    %dma_start3A_97 = tpu.memref_slice %arg7[%dma_start3A_93, %dma_start3A_95, %dma_start3A_96] : memref<4x128x128xf32, #tpu.memory_space<vmem>> -> memref<1x128x128xf32, #tpu.memory_space<vmem>>
    %dma_start3A_98 = tpu.memref_squeeze %dma_start3A_97 : memref<1x128x128xf32, #tpu.memory_space<vmem>> -> memref<128x128xf32, #tpu.memory_space<vmem>>
    %dma_start3A_99 = arith.constant 0 : i32
    %dma_start3A_100 = tpu.memref_slice %arg5[%mul3A_92, %dma_start3A_99] : memref<819200x128xf32, #tpu.memory_space<hbm>> -> memref<128x128xf32, #tpu.memory_space<hbm>>
    %dma_start3A_101 = tpu.memref_slice %arg10[%dma_start3A_94] : memref<4x!tpu.dma_semaphore, #tpu.memory_space<semaphore_mem>> -> memref<1x!tpu.dma_semaphore, #tpu.memory_space<semaphore_mem>>
    %dma_start3A_102 = tpu.memref_squeeze %dma_start3A_101 : memref<1x!tpu.dma_semaphore, #tpu.memory_space<semaphore_mem>> -> memref<!tpu.dma_semaphore, #tpu.memory_space<semaphore_mem>>
    %dma_start3A_103 = arith.constant 0 : i32
    %dma_start3A_104 = tpu.memref_slice %arg5[%mul3A_92, %dma_start3A_103] : memref<819200x128xf32, #tpu.memory_space<hbm>> -> memref<128x128xf32, #tpu.memory_space<hbm>>
    %dma_start3A_105 = arith.constant 0 : i32
    %dma_start3A_106 = arith.constant 0 : i32
    %dma_start3A_107 = tpu.memref_slice %arg7[%dma_start3A_93, %dma_start3A_105, %dma_start3A_106] : memref<4x128x128xf32, #tpu.memory_space<vmem>> -> memref<1x128x128xf32, #tpu.memory_space<vmem>>
    %dma_start3A_108 = tpu.memref_squeeze %dma_start3A_107 : memref<1x128x128xf32, #tpu.memory_space<vmem>> -> memref<128x128xf32, #tpu.memory_space<vmem>>
    tpu.enqueue_dma source(%dma_start3A_108 : memref<128x128xf32, #tpu.memory_space<vmem>>) target(%dma_start3A_104 : memref<128x128xf32, #tpu.memory_space<hbm>>) target_semaphore(%dma_start3A_102 : memref<!tpu.dma_semaphore, #tpu.memory_space<semaphore_mem>>)
    %dma_start3A_109 = arith.constant 3 : i32
    %dma_start3A_110 = arith.constant 3 : i32
    %dma_start3A_111 = arith.constant 3 : i32
    %dma_start3A_112 = arith.constant 0 : i32
    %dma_start3A_113 = arith.constant 0 : i32
    %dma_start3A_114 = tpu.memref_slice %arg7[%dma_start3A_110, %dma_start3A_112, %dma_start3A_113] : memref<4x128x128xf32, #tpu.memory_space<vmem>> -> memref<1x128x128xf32, #tpu.memory_space<vmem>>
    %dma_start3A_115 = tpu.memref_squeeze %dma_start3A_114 : memref<1x128x128xf32, #tpu.memory_space<vmem>> -> memref<128x128xf32, #tpu.memory_space<vmem>>
    %dma_start3A_116 = arith.constant 0 : i32
    %dma_start3A_117 = tpu.memref_slice %arg6[%dma_start3A_109, %dma_start3A_116] : memref<200x128xi32, #tpu.memory_space<vmem>> -> memref<1x128xi32, #tpu.memory_space<vmem>>
    %dma_start3A_118 = tpu.memref_squeeze %dma_start3A_117 : memref<1x128xi32, #tpu.memory_space<vmem>> -> memref<128xi32, #tpu.memory_space<vmem>>
    %dma_start3A_119 = arith.constant 0 : i32
    %dma_start3A_120 = arith.constant 0 : i32
    %dma_start3A_121 = tpu.memref_slice %arg3[%dma_start3A_119, %dma_start3A_120] : memref<1000000x128xf32, #tpu.memory_space<hbm>> -> memref<1000000x128xf32, #tpu.memory_space<hbm>>
    %dma_start3A_122 = tpu.memref_slice %arg9[%dma_start3A_111] : memref<4x!tpu.dma_semaphore, #tpu.memory_space<semaphore_mem>> -> memref<1x!tpu.dma_semaphore, #tpu.memory_space<semaphore_mem>>
    %dma_start3A_123 = tpu.memref_squeeze %dma_start3A_122 : memref<1x!tpu.dma_semaphore, #tpu.memory_space<semaphore_mem>> -> memref<!tpu.dma_semaphore, #tpu.memory_space<semaphore_mem>>
    tpu.enqueue_indirect_dma source(%dma_start3A_121 : memref<1000000x128xf32, #tpu.memory_space<hbm>>) target(%dma_start3A_115 : memref<128x128xf32, #tpu.memory_space<vmem>>) offsets(%dma_start3A_118 : memref<128xi32, #tpu.memory_space<vmem>>) semaphore(%dma_start3A_123 : memref<!tpu.dma_semaphore, #tpu.memory_space<semaphore_mem>>)
    %dma_wait3A_124 = arith.constant 1 : i32
    %dma_wait3A_125 = arith.constant 1 : i32
    %dma_wait3A_126 = arith.constant 0 : i32
    %dma_wait3A_127 = arith.constant 0 : i32
    %dma_wait3A_128 = tpu.memref_slice %arg7[%dma_wait3A_124, %dma_wait3A_126, %dma_wait3A_127] : memref<4x128x128xf32, #tpu.memory_space<vmem>> -> memref<1x128x128xf32, #tpu.memory_space<vmem>>
    %dma_wait3A_129 = tpu.memref_squeeze %dma_wait3A_128 : memref<1x128x128xf32, #tpu.memory_space<vmem>> -> memref<128x128xf32, #tpu.memory_space<vmem>>
    %dma_wait3A_130 = arith.constant 0 : i32
    %dma_wait3A_131 = arith.constant 0 : i32
    %dma_wait3A_132 = tpu.memref_slice %arg3[%dma_wait3A_130, %dma_wait3A_131] : memref<1000000x128xf32, #tpu.memory_space<hbm>> -> memref<128x128xf32, #tpu.memory_space<hbm>>
    %dma_wait3A_133 = tpu.memref_slice %arg9[%dma_wait3A_125] : memref<4x!tpu.dma_semaphore, #tpu.memory_space<semaphore_mem>> -> memref<1x!tpu.dma_semaphore, #tpu.memory_space<semaphore_mem>>
    %dma_wait3A_134 = tpu.memref_squeeze %dma_wait3A_133 : memref<1x!tpu.dma_semaphore, #tpu.memory_space<semaphore_mem>> -> memref<!tpu.dma_semaphore, #tpu.memory_space<semaphore_mem>>
    %dma_wait3A_135 = arith.constant 0 : i32
    %dma_wait3A_136 = arith.constant 0 : i32
    %dma_wait3A_137 = tpu.memref_slice %arg7[%dma_wait3A_124, %dma_wait3A_135, %dma_wait3A_136] : memref<4x128x128xf32, #tpu.memory_space<vmem>> -> memref<1x128x128xf32, #tpu.memory_space<vmem>>
    %dma_wait3A_138 = tpu.memref_squeeze %dma_wait3A_137 : memref<1x128x128xf32, #tpu.memory_space<vmem>> -> memref<128x128xf32, #tpu.memory_space<vmem>>
    %dma_wait3A_139 = arith.constant 0 : i32
    %dma_wait3A_140 = arith.constant 0 : i32
    %dma_wait3A_141 = tpu.memref_slice %arg3[%dma_wait3A_139, %dma_wait3A_140] : memref<1000000x128xf32, #tpu.memory_space<hbm>> -> memref<128x128xf32, #tpu.memory_space<hbm>>
    tpu.wait_dma2 semaphore(%dma_wait3A_134 : memref<!tpu.dma_semaphore, #tpu.memory_space<semaphore_mem>>) src(%dma_wait3A_141 : memref<128x128xf32, #tpu.memory_space<hbm>>) dst(%dma_wait3A_138 : memref<128x128xf32, #tpu.memory_space<vmem>>)
    %parallel_loop3A_142 = arith.constant 0 : i32
    %parallel_loop3A_143 = arith.constant 128 : i32
    %parallel_loop3A_144 = arith.constant 1 : i32
    scf.for %parallel_loop3A_620 = %parallel_loop3A_142 to %parallel_loop3A_143 step %parallel_loop3A_144  : i32 {
      %parallel_loop3A_621 = arith.constant 1 : i32
      %parallel_loop3A_622 = arith.index_cast %parallel_loop3A_621 : i32 to index
      %parallel_loop3A_623 = arith.index_cast %parallel_loop3A_620 : i32 to index
      %parallel_loop3A_624 = arith.constant 0 : index
      %parallel_loop3A_625 = tpu.vector_load %arg7[%parallel_loop3A_622, %parallel_loop3A_623, %parallel_loop3A_624] {strides = array<i32>} : memref<4x128x128xf32, #tpu.memory_space<vmem>>, vector<1x1x16xf32>,
      %parallel_loop3A_626 = vector.shape_cast %parallel_loop3A_625 : vector<1x1x16xf32> to vector<16xf32>
      %parallel_loop3A_627 = arith.mulf %parallel_loop3A_626, %get3A_4 : vector<16xf32>
      %parallel_loop3A_628 = arith.constant 1 : i32
      %parallel_loop3A_629 = arith.index_cast %parallel_loop3A_628 : i32 to index
      %parallel_loop3A_630 = arith.index_cast %parallel_loop3A_620 : i32 to index
      %parallel_loop3A_631 = arith.constant 0 : index
      %parallel_loop3A_632 = tpu.vector_load %arg7[%parallel_loop3A_629, %parallel_loop3A_630, %parallel_loop3A_631] {strides = array<i32>} : memref<4x128x128xf32, #tpu.memory_space<vmem>>, vector<1x1x16xf32>,
      %parallel_loop3A_633 = vector.shape_cast %parallel_loop3A_632 : vector<1x1x16xf32> to vector<16xf32>
      %parallel_loop3A_634 = vector.shape_cast %parallel_loop3A_627 : vector<16xf32> to vector<1x1x16xf32>
      tpu.vector_store %arg7[%parallel_loop3A_629, %parallel_loop3A_630, %parallel_loop3A_631], %parallel_loop3A_634 {strides = array<i32>} : memref<4x128x128xf32, #tpu.memory_space<vmem>>, vector<1x1x16xf32>,
      %parallel_loop3A_635 = arith.constant 1 : i32
      %parallel_loop3A_636 = arith.index_cast %parallel_loop3A_635 : i32 to index
      %parallel_loop3A_637 = arith.index_cast %parallel_loop3A_620 : i32 to index
      %parallel_loop3A_638 = arith.constant 16 : index
      %parallel_loop3A_639 = tpu.vector_load %arg7[%parallel_loop3A_636, %parallel_loop3A_637, %parallel_loop3A_638] {strides = array<i32>} : memref<4x128x128xf32, #tpu.memory_space<vmem>>, vector<1x1x16xf32>,
      %parallel_loop3A_640 = vector.shape_cast %parallel_loop3A_639 : vector<1x1x16xf32> to vector<16xf32>
      %parallel_loop3A_641 = arith.mulf %parallel_loop3A_640, %get3A_7 : vector<16xf32>
      %parallel_loop3A_642 = arith.constant 1 : i32
      %parallel_loop3A_643 = arith.index_cast %parallel_loop3A_642 : i32 to index
      %parallel_loop3A_644 = arith.index_cast %parallel_loop3A_620 : i32 to index
      %parallel_loop3A_645 = arith.constant 16 : index
      %parallel_loop3A_646 = tpu.vector_load %arg7[%parallel_loop3A_643, %parallel_loop3A_644, %parallel_loop3A_645] {strides = array<i32>} : memref<4x128x128xf32, #tpu.memory_space<vmem>>, vector<1x1x16xf32>,
      %parallel_loop3A_647 = vector.shape_cast %parallel_loop3A_646 : vector<1x1x16xf32> to vector<16xf32>
      %parallel_loop3A_648 = vector.shape_cast %parallel_loop3A_641 : vector<16xf32> to vector<1x1x16xf32>
      tpu.vector_store %arg7[%parallel_loop3A_643, %parallel_loop3A_644, %parallel_loop3A_645], %parallel_loop3A_648 {strides = array<i32>} : memref<4x128x128xf32, #tpu.memory_space<vmem>>, vector<1x1x16xf32>,
      %parallel_loop3A_649 = arith.constant 1 : i32
      %parallel_loop3A_650 = arith.index_cast %parallel_loop3A_649 : i32 to index
      %parallel_loop3A_651 = arith.index_cast %parallel_loop3A_620 : i32 to index
      %parallel_loop3A_652 = arith.constant 32 : index
      %parallel_loop3A_653 = tpu.vector_load %arg7[%parallel_loop3A_650, %parallel_loop3A_651, %parallel_loop3A_652] {strides = array<i32>} : memref<4x128x128xf32, #tpu.memory_space<vmem>>, vector<1x1x16xf32>,
      %parallel_loop3A_654 = vector.shape_cast %parallel_loop3A_653 : vector<1x1x16xf32> to vector<16xf32>
      %parallel_loop3A_655 = arith.mulf %parallel_loop3A_654, %get3A_10 : vector<16xf32>
      %parallel_loop3A_656 = arith.constant 1 : i32
      %parallel_loop3A_657 = arith.index_cast %parallel_loop3A_656 : i32 to index
      %parallel_loop3A_658 = arith.index_cast %parallel_loop3A_620 : i32 to index
      %parallel_loop3A_659 = arith.constant 32 : index
      %parallel_loop3A_660 = tpu.vector_load %arg7[%parallel_loop3A_657, %parallel_loop3A_658, %parallel_loop3A_659] {strides = array<i32>} : memref<4x128x128xf32, #tpu.memory_space<vmem>>, vector<1x1x16xf32>,
      %parallel_loop3A_661 = vector.shape_cast %parallel_loop3A_660 : vector<1x1x16xf32> to vector<16xf32>
      %parallel_loop3A_662 = vector.shape_cast %parallel_loop3A_655 : vector<16xf32> to vector<1x1x16xf32>
      tpu.vector_store %arg7[%parallel_loop3A_657, %parallel_loop3A_658, %parallel_loop3A_659], %parallel_loop3A_662 {strides = array<i32>} : memref<4x128x128xf32, #tpu.memory_space<vmem>>, vector<1x1x16xf32>,
      %parallel_loop3A_663 = arith.constant 1 : i32
      %parallel_loop3A_664 = arith.index_cast %parallel_loop3A_663 : i32 to index
      %parallel_loop3A_665 = arith.index_cast %parallel_loop3A_620 : i32 to index
      %parallel_loop3A_666 = arith.constant 48 : index
      %parallel_loop3A_667 = tpu.vector_load %arg7[%parallel_loop3A_664, %parallel_loop3A_665, %parallel_loop3A_666] {strides = array<i32>} : memref<4x128x128xf32, #tpu.memory_space<vmem>>, vector<1x1x16xf32>,
      %parallel_loop3A_668 = vector.shape_cast %parallel_loop3A_667 : vector<1x1x16xf32> to vector<16xf32>
      %parallel_loop3A_669 = arith.mulf %parallel_loop3A_668, %get3A_13 : vector<16xf32>
      %parallel_loop3A_670 = arith.constant 1 : i32
      %parallel_loop3A_671 = arith.index_cast %parallel_loop3A_670 : i32 to index
      %parallel_loop3A_672 = arith.index_cast %parallel_loop3A_620 : i32 to index
      %parallel_loop3A_673 = arith.constant 48 : index
      %parallel_loop3A_674 = tpu.vector_load %arg7[%parallel_loop3A_671, %parallel_loop3A_672, %parallel_loop3A_673] {strides = array<i32>} : memref<4x128x128xf32, #tpu.memory_space<vmem>>, vector<1x1x16xf32>,
      %parallel_loop3A_675 = vector.shape_cast %parallel_loop3A_674 : vector<1x1x16xf32> to vector<16xf32>
      %parallel_loop3A_676 = vector.shape_cast %parallel_loop3A_669 : vector<16xf32> to vector<1x1x16xf32>
      tpu.vector_store %arg7[%parallel_loop3A_671, %parallel_loop3A_672, %parallel_loop3A_673], %parallel_loop3A_676 {strides = array<i32>} : memref<4x128x128xf32, #tpu.memory_space<vmem>>, vector<1x1x16xf32>,
      %parallel_loop3A_677 = arith.constant 1 : i32
      %parallel_loop3A_678 = arith.index_cast %parallel_loop3A_677 : i32 to index
      %parallel_loop3A_679 = arith.index_cast %parallel_loop3A_620 : i32 to index
      %parallel_loop3A_680 = arith.constant 64 : index
      %parallel_loop3A_681 = tpu.vector_load %arg7[%parallel_loop3A_678, %parallel_loop3A_679, %parallel_loop3A_680] {strides = array<i32>} : memref<4x128x128xf32, #tpu.memory_space<vmem>>, vector<1x1x16xf32>,
      %parallel_loop3A_682 = vector.shape_cast %parallel_loop3A_681 : vector<1x1x16xf32> to vector<16xf32>
      %parallel_loop3A_683 = arith.mulf %parallel_loop3A_682, %get3A_16 : vector<16xf32>
      %parallel_loop3A_684 = arith.constant 1 : i32
      %parallel_loop3A_685 = arith.index_cast %parallel_loop3A_684 : i32 to index
      %parallel_loop3A_686 = arith.index_cast %parallel_loop3A_620 : i32 to index
      %parallel_loop3A_687 = arith.constant 64 : index
      %parallel_loop3A_688 = tpu.vector_load %arg7[%parallel_loop3A_685, %parallel_loop3A_686, %parallel_loop3A_687] {strides = array<i32>} : memref<4x128x128xf32, #tpu.memory_space<vmem>>, vector<1x1x16xf32>,
      %parallel_loop3A_689 = vector.shape_cast %parallel_loop3A_688 : vector<1x1x16xf32> to vector<16xf32>
      %parallel_loop3A_690 = vector.shape_cast %parallel_loop3A_683 : vector<16xf32> to vector<1x1x16xf32>
      tpu.vector_store %arg7[%parallel_loop3A_685, %parallel_loop3A_686, %parallel_loop3A_687], %parallel_loop3A_690 {strides = array<i32>} : memref<4x128x128xf32, #tpu.memory_space<vmem>>, vector<1x1x16xf32>,
      %parallel_loop3A_691 = arith.constant 1 : i32
      %parallel_loop3A_692 = arith.index_cast %parallel_loop3A_691 : i32 to index
      %parallel_loop3A_693 = arith.index_cast %parallel_loop3A_620 : i32 to index
      %parallel_loop3A_694 = arith.constant 80 : index
      %parallel_loop3A_695 = tpu.vector_load %arg7[%parallel_loop3A_692, %parallel_loop3A_693, %parallel_loop3A_694] {strides = array<i32>} : memref<4x128x128xf32, #tpu.memory_space<vmem>>, vector<1x1x16xf32>,
      %parallel_loop3A_696 = vector.shape_cast %parallel_loop3A_695 : vector<1x1x16xf32> to vector<16xf32>
      %parallel_loop3A_697 = arith.mulf %parallel_loop3A_696, %get3A_19 : vector<16xf32>
      %parallel_loop3A_698 = arith.constant 1 : i32
      %parallel_loop3A_699 = arith.index_cast %parallel_loop3A_698 : i32 to index
      %parallel_loop3A_700 = arith.index_cast %parallel_loop3A_620 : i32 to index
      %parallel_loop3A_701 = arith.constant 80 : index
      %parallel_loop3A_702 = tpu.vector_load %arg7[%parallel_loop3A_699, %parallel_loop3A_700, %parallel_loop3A_701] {strides = array<i32>} : memref<4x128x128xf32, #tpu.memory_space<vmem>>, vector<1x1x16xf32>,
      %parallel_loop3A_703 = vector.shape_cast %parallel_loop3A_702 : vector<1x1x16xf32> to vector<16xf32>
      %parallel_loop3A_704 = vector.shape_cast %parallel_loop3A_697 : vector<16xf32> to vector<1x1x16xf32>
      tpu.vector_store %arg7[%parallel_loop3A_699, %parallel_loop3A_700, %parallel_loop3A_701], %parallel_loop3A_704 {strides = array<i32>} : memref<4x128x128xf32, #tpu.memory_space<vmem>>, vector<1x1x16xf32>,
      %parallel_loop3A_705 = arith.constant 1 : i32
      %parallel_loop3A_706 = arith.index_cast %parallel_loop3A_705 : i32 to index
      %parallel_loop3A_707 = arith.index_cast %parallel_loop3A_620 : i32 to index
      %parallel_loop3A_708 = arith.constant 96 : index
      %parallel_loop3A_709 = tpu.vector_load %arg7[%parallel_loop3A_706, %parallel_loop3A_707, %parallel_loop3A_708] {strides = array<i32>} : memref<4x128x128xf32, #tpu.memory_space<vmem>>, vector<1x1x16xf32>,
      %parallel_loop3A_710 = vector.shape_cast %parallel_loop3A_709 : vector<1x1x16xf32> to vector<16xf32>
      %parallel_loop3A_711 = arith.mulf %parallel_loop3A_710, %get3A_22 : vector<16xf32>
      %parallel_loop3A_712 = arith.constant 1 : i32
      %parallel_loop3A_713 = arith.index_cast %parallel_loop3A_712 : i32 to index
      %parallel_loop3A_714 = arith.index_cast %parallel_loop3A_620 : i32 to index
      %parallel_loop3A_715 = arith.constant 96 : index
      %parallel_loop3A_716 = tpu.vector_load %arg7[%parallel_loop3A_713, %parallel_loop3A_714, %parallel_loop3A_715] {strides = array<i32>} : memref<4x128x128xf32, #tpu.memory_space<vmem>>, vector<1x1x16xf32>,
      %parallel_loop3A_717 = vector.shape_cast %parallel_loop3A_716 : vector<1x1x16xf32> to vector<16xf32>
      %parallel_loop3A_718 = vector.shape_cast %parallel_loop3A_711 : vector<16xf32> to vector<1x1x16xf32>
      tpu.vector_store %arg7[%parallel_loop3A_713, %parallel_loop3A_714, %parallel_loop3A_715], %parallel_loop3A_718 {strides = array<i32>} : memref<4x128x128xf32, #tpu.memory_space<vmem>>, vector<1x1x16xf32>,
      %parallel_loop3A_719 = arith.constant 1 : i32
      %parallel_loop3A_720 = arith.index_cast %parallel_loop3A_719 : i32 to index
      %parallel_loop3A_721 = arith.index_cast %parallel_loop3A_620 : i32 to index
      %parallel_loop3A_722 = arith.constant 112 : index
      %parallel_loop3A_723 = tpu.vector_load %arg7[%parallel_loop3A_720, %parallel_loop3A_721, %parallel_loop3A_722] {strides = array<i32>} : memref<4x128x128xf32, #tpu.memory_space<vmem>>, vector<1x1x16xf32>,
      %parallel_loop3A_724 = vector.shape_cast %parallel_loop3A_723 : vector<1x1x16xf32> to vector<16xf32>
      %parallel_loop3A_725 = arith.mulf %parallel_loop3A_724, %get3A_25 : vector<16xf32>
      %parallel_loop3A_726 = arith.constant 1 : i32
      %parallel_loop3A_727 = arith.index_cast %parallel_loop3A_726 : i32 to index
      %parallel_loop3A_728 = arith.index_cast %parallel_loop3A_620 : i32 to index
      %parallel_loop3A_729 = arith.constant 112 : index
      %parallel_loop3A_730 = tpu.vector_load %arg7[%parallel_loop3A_727, %parallel_loop3A_728, %parallel_loop3A_729] {strides = array<i32>} : memref<4x128x128xf32, #tpu.memory_space<vmem>>, vector<1x1x16xf32>,
      %parallel_loop3A_731 = vector.shape_cast %parallel_loop3A_730 : vector<1x1x16xf32> to vector<16xf32>
      %parallel_loop3A_732 = vector.shape_cast %parallel_loop3A_725 : vector<16xf32> to vector<1x1x16xf32>
      tpu.vector_store %arg7[%parallel_loop3A_727, %parallel_loop3A_728, %parallel_loop3A_729], %parallel_loop3A_732 {strides = array<i32>} : memref<4x128x128xf32, #tpu.memory_space<vmem>>, vector<1x1x16xf32>,
    } {sc.loop_unroll_factor = 4 : i64, sc.parallel_access}
    %add3A_145 = arith.constant 1 : i32
    %add3A_146 = arith.addi %mul3A_2, %add3A_145 : i32
    %mul3A_147 = arith.constant 128 : i32
    %mul3A_148 = arith.muli %add3A_146, %mul3A_147 : i32
    %dma_start3A_149 = arith.constant 1 : i32
    %dma_start3A_150 = arith.constant 1 : i32
    %dma_start3A_151 = arith.constant 0 : i32
    %dma_start3A_152 = arith.constant 0 : i32
    %dma_start3A_153 = tpu.memref_slice %arg7[%dma_start3A_149, %dma_start3A_151, %dma_start3A_152] : memref<4x128x128xf32, #tpu.memory_space<vmem>> -> memref<1x128x128xf32, #tpu.memory_space<vmem>>
    %dma_start3A_154 = tpu.memref_squeeze %dma_start3A_153 : memref<1x128x128xf32, #tpu.memory_space<vmem>> -> memref<128x128xf32, #tpu.memory_space<vmem>>
    %dma_start3A_155 = arith.constant 0 : i32
    %dma_start3A_156 = tpu.memref_slice %arg5[%mul3A_148, %dma_start3A_155] : memref<819200x128xf32, #tpu.memory_space<hbm>> -> memref<128x128xf32, #tpu.memory_space<hbm>>
    %dma_start3A_157 = tpu.memref_slice %arg10[%dma_start3A_150] : memref<4x!tpu.dma_semaphore, #tpu.memory_space<semaphore_mem>> -> memref<1x!tpu.dma_semaphore, #tpu.memory_space<semaphore_mem>>
    %dma_start3A_158 = tpu.memref_squeeze %dma_start3A_157 : memref<1x!tpu.dma_semaphore, #tpu.memory_space<semaphore_mem>> -> memref<!tpu.dma_semaphore, #tpu.memory_space<semaphore_mem>>
    %dma_start3A_159 = arith.constant 0 : i32
    %dma_start3A_160 = tpu.memref_slice %arg5[%mul3A_148, %dma_start3A_159] : memref<819200x128xf32, #tpu.memory_space<hbm>> -> memref<128x128xf32, #tpu.memory_space<hbm>>
    %dma_start3A_161 = arith.constant 0 : i32
    %dma_start3A_162 = arith.constant 0 : i32
    %dma_start3A_163 = tpu.memref_slice %arg7[%dma_start3A_149, %dma_start3A_161, %dma_start3A_162] : memref<4x128x128xf32, #tpu.memory_space<vmem>> -> memref<1x128x128xf32, #tpu.memory_space<vmem>>
    %dma_start3A_164 = tpu.memref_squeeze %dma_start3A_163 : memref<1x128x128xf32, #tpu.memory_space<vmem>> -> memref<128x128xf32, #tpu.memory_space<vmem>>
    tpu.enqueue_dma source(%dma_start3A_164 : memref<128x128xf32, #tpu.memory_space<vmem>>) target(%dma_start3A_160 : memref<128x128xf32, #tpu.memory_space<hbm>>) target_semaphore(%dma_start3A_158 : memref<!tpu.dma_semaphore, #tpu.memory_space<semaphore_mem>>)
    %dma_wait3A_165 = arith.constant 0 : i32
    %dma_wait3A_166 = arith.constant 0 : i32
    %dma_wait3A_167 = arith.constant 0 : i32
    %dma_wait3A_168 = arith.constant 0 : i32
    %dma_wait3A_169 = tpu.memref_slice %arg7[%dma_wait3A_165, %dma_wait3A_167, %dma_wait3A_168] : memref<4x128x128xf32, #tpu.memory_space<vmem>> -> memref<1x128x128xf32, #tpu.memory_space<vmem>>
    %dma_wait3A_170 = tpu.memref_squeeze %dma_wait3A_169 : memref<1x128x128xf32, #tpu.memory_space<vmem>> -> memref<128x128xf32, #tpu.memory_space<vmem>>
    %dma_wait3A_171 = arith.constant 0 : i32
    %dma_wait3A_172 = arith.constant 0 : i32
    %dma_wait3A_173 = tpu.memref_slice %arg5[%dma_wait3A_171, %dma_wait3A_172] : memref<819200x128xf32, #tpu.memory_space<hbm>> -> memref<128x128xf32, #tpu.memory_space<hbm>>
    %dma_wait3A_174 = tpu.memref_slice %arg10[%dma_wait3A_166] : memref<4x!tpu.dma_semaphore, #tpu.memory_space<semaphore_mem>> -> memref<1x!tpu.dma_semaphore, #tpu.memory_space<semaphore_mem>>
    %dma_wait3A_175 = tpu.memref_squeeze %dma_wait3A_174 : memref<1x!tpu.dma_semaphore, #tpu.memory_space<semaphore_mem>> -> memref<!tpu.dma_semaphore, #tpu.memory_space<semaphore_mem>>
    %dma_wait3A_176 = arith.constant 0 : i32
    %dma_wait3A_177 = arith.constant 0 : i32
    %dma_wait3A_178 = tpu.memref_slice %arg5[%dma_wait3A_176, %dma_wait3A_177] : memref<819200x128xf32, #tpu.memory_space<hbm>> -> memref<128x128xf32, #tpu.memory_space<hbm>>
    %dma_wait3A_179 = arith.constant 0 : i32
    %dma_wait3A_180 = arith.constant 0 : i32
    %dma_wait3A_181 = tpu.memref_slice %arg7[%dma_wait3A_165, %dma_wait3A_179, %dma_wait3A_180] : memref<4x128x128xf32, #tpu.memory_space<vmem>> -> memref<1x128x128xf32, #tpu.memory_space<vmem>>
    %dma_wait3A_182 = tpu.memref_squeeze %dma_wait3A_181 : memref<1x128x128xf32, #tpu.memory_space<vmem>> -> memref<128x128xf32, #tpu.memory_space<vmem>>
    tpu.wait_dma2 semaphore(%dma_wait3A_175 : memref<!tpu.dma_semaphore, #tpu.memory_space<semaphore_mem>>) src(%dma_wait3A_182 : memref<128x128xf32, #tpu.memory_space<vmem>>) dst(%dma_wait3A_178 : memref<128x128xf32, #tpu.memory_space<hbm>>)
    %dma_start3A_183 = arith.constant 4 : i32
    %dma_start3A_184 = arith.constant 0 : i32
    %dma_start3A_185 = arith.constant 0 : i32
    %dma_start3A_186 = arith.constant 0 : i32
    %dma_start3A_187 = arith.constant 0 : i32
    %dma_start3A_188 = tpu.memref_slice %arg7[%dma_start3A_184, %dma_start3A_186, %dma_start3A_187] : memref<4x128x128xf32, #tpu.memory_space<vmem>> -> memref<1x128x128xf32, #tpu.memory_space<vmem>>
    %dma_start3A_189 = tpu.memref_squeeze %dma_start3A_188 : memref<1x128x128xf32, #tpu.memory_space<vmem>> -> memref<128x128xf32, #tpu.memory_space<vmem>>
    %dma_start3A_190 = arith.constant 0 : i32
    %dma_start3A_191 = tpu.memref_slice %arg6[%dma_start3A_183, %dma_start3A_190] : memref<200x128xi32, #tpu.memory_space<vmem>> -> memref<1x128xi32, #tpu.memory_space<vmem>>
    %dma_start3A_192 = tpu.memref_squeeze %dma_start3A_191 : memref<1x128xi32, #tpu.memory_space<vmem>> -> memref<128xi32, #tpu.memory_space<vmem>>
    %dma_start3A_193 = arith.constant 0 : i32
    %dma_start3A_194 = arith.constant 0 : i32
    %dma_start3A_195 = tpu.memref_slice %arg3[%dma_start3A_193, %dma_start3A_194] : memref<1000000x128xf32, #tpu.memory_space<hbm>> -> memref<1000000x128xf32, #tpu.memory_space<hbm>>
    %dma_start3A_196 = tpu.memref_slice %arg9[%dma_start3A_185] : memref<4x!tpu.dma_semaphore, #tpu.memory_space<semaphore_mem>> -> memref<1x!tpu.dma_semaphore, #tpu.memory_space<semaphore_mem>>
    %dma_start3A_197 = tpu.memref_squeeze %dma_start3A_196 : memref<1x!tpu.dma_semaphore, #tpu.memory_space<semaphore_mem>> -> memref<!tpu.dma_semaphore, #tpu.memory_space<semaphore_mem>>
    tpu.enqueue_indirect_dma source(%dma_start3A_195 : memref<1000000x128xf32, #tpu.memory_space<hbm>>) target(%dma_start3A_189 : memref<128x128xf32, #tpu.memory_space<vmem>>) offsets(%dma_start3A_192 : memref<128xi32, #tpu.memory_space<vmem>>) semaphore(%dma_start3A_197 : memref<!tpu.dma_semaphore, #tpu.memory_space<semaphore_mem>>)
    %dma_wait3A_198 = arith.constant 2 : i32
    %dma_wait3A_199 = arith.constant 2 : i32
    %dma_wait3A_200 = arith.constant 0 : i32
    %dma_wait3A_201 = arith.constant 0 : i32
    %dma_wait3A_202 = tpu.memref_slice %arg7[%dma_wait3A_198, %dma_wait3A_200, %dma_wait3A_201] : memref<4x128x128xf32, #tpu.memory_space<vmem>> -> memref<1x128x128xf32, #tpu.memory_space<vmem>>
    %dma_wait3A_203 = tpu.memref_squeeze %dma_wait3A_202 : memref<1x128x128xf32, #tpu.memory_space<vmem>> -> memref<128x128xf32, #tpu.memory_space<vmem>>
    %dma_wait3A_204 = arith.constant 0 : i32
    %dma_wait3A_205 = arith.constant 0 : i32
    %dma_wait3A_206 = tpu.memref_slice %arg3[%dma_wait3A_204, %dma_wait3A_205] : memref<1000000x128xf32, #tpu.memory_space<hbm>> -> memref<128x128xf32, #tpu.memory_space<hbm>>
    %dma_wait3A_207 = tpu.memref_slice %arg9[%dma_wait3A_199] : memref<4x!tpu.dma_semaphore, #tpu.memory_space<semaphore_mem>> -> memref<1x!tpu.dma_semaphore, #tpu.memory_space<semaphore_mem>>
    %dma_wait3A_208 = tpu.memref_squeeze %dma_wait3A_207 : memref<1x!tpu.dma_semaphore, #tpu.memory_space<semaphore_mem>> -> memref<!tpu.dma_semaphore, #tpu.memory_space<semaphore_mem>>
    %dma_wait3A_209 = arith.constant 0 : i32
    %dma_wait3A_210 = arith.constant 0 : i32
    %dma_wait3A_211 = tpu.memref_slice %arg7[%dma_wait3A_198, %dma_wait3A_209, %dma_wait3A_210] : memref<4x128x128xf32, #tpu.memory_space<vmem>> -> memref<1x128x128xf32, #tpu.memory_space<vmem>>
    %dma_wait3A_212 = tpu.memref_squeeze %dma_wait3A_211 : memref<1x128x128xf32, #tpu.memory_space<vmem>> -> memref<128x128xf32, #tpu.memory_space<vmem>>
    %dma_wait3A_213 = arith.constant 0 : i32
    %dma_wait3A_214 = arith.constant 0 : i32
    %dma_wait3A_215 = tpu.memref_slice %arg3[%dma_wait3A_213, %dma_wait3A_214] : memref<1000000x128xf32, #tpu.memory_space<hbm>> -> memref<128x128xf32, #tpu.memory_space<hbm>>
    tpu.wait_dma2 semaphore(%dma_wait3A_208 : memref<!tpu.dma_semaphore, #tpu.memory_space<semaphore_mem>>) src(%dma_wait3A_215 : memref<128x128xf32, #tpu.memory_space<hbm>>) dst(%dma_wait3A_212 : memref<128x128xf32, #tpu.memory_space<vmem>>)
    %parallel_loop3A_216 = arith.constant 0 : i32
    %parallel_loop3A_217 = arith.constant 128 : i32
    %parallel_loop3A_218 = arith.constant 1 : i32
    scf.for %parallel_loop3A_620 = %parallel_loop3A_216 to %parallel_loop3A_217 step %parallel_loop3A_218  : i32 {
      %parallel_loop3A_621 = arith.constant 2 : i32
      %parallel_loop3A_622 = arith.index_cast %parallel_loop3A_621 : i32 to index
      %parallel_loop3A_623 = arith.index_cast %parallel_loop3A_620 : i32 to index
      %parallel_loop3A_624 = arith.constant 0 : index
      %parallel_loop3A_625 = tpu.vector_load %arg7[%parallel_loop3A_622, %parallel_loop3A_623, %parallel_loop3A_624] {strides = array<i32>} : memref<4x128x128xf32, #tpu.memory_space<vmem>>, vector<1x1x16xf32>,
      %parallel_loop3A_626 = vector.shape_cast %parallel_loop3A_625 : vector<1x1x16xf32> to vector<16xf32>
      %parallel_loop3A_627 = arith.mulf %parallel_loop3A_626, %get3A_4 : vector<16xf32>
      %parallel_loop3A_628 = arith.constant 2 : i32
      %parallel_loop3A_629 = arith.index_cast %parallel_loop3A_628 : i32 to index
      %parallel_loop3A_630 = arith.index_cast %parallel_loop3A_620 : i32 to index
      %parallel_loop3A_631 = arith.constant 0 : index
      %parallel_loop3A_632 = tpu.vector_load %arg7[%parallel_loop3A_629, %parallel_loop3A_630, %parallel_loop3A_631] {strides = array<i32>} : memref<4x128x128xf32, #tpu.memory_space<vmem>>, vector<1x1x16xf32>,
      %parallel_loop3A_633 = vector.shape_cast %parallel_loop3A_632 : vector<1x1x16xf32> to vector<16xf32>
      %parallel_loop3A_634 = vector.shape_cast %parallel_loop3A_627 : vector<16xf32> to vector<1x1x16xf32>
      tpu.vector_store %arg7[%parallel_loop3A_629, %parallel_loop3A_630, %parallel_loop3A_631], %parallel_loop3A_634 {strides = array<i32>} : memref<4x128x128xf32, #tpu.memory_space<vmem>>, vector<1x1x16xf32>,
      %parallel_loop3A_635 = arith.constant 2 : i32
      %parallel_loop3A_636 = arith.index_cast %parallel_loop3A_635 : i32 to index
      %parallel_loop3A_637 = arith.index_cast %parallel_loop3A_620 : i32 to index
      %parallel_loop3A_638 = arith.constant 16 : index
      %parallel_loop3A_639 = tpu.vector_load %arg7[%parallel_loop3A_636, %parallel_loop3A_637, %parallel_loop3A_638] {strides = array<i32>} : memref<4x128x128xf32, #tpu.memory_space<vmem>>, vector<1x1x16xf32>,
      %parallel_loop3A_640 = vector.shape_cast %parallel_loop3A_639 : vector<1x1x16xf32> to vector<16xf32>
      %parallel_loop3A_641 = arith.mulf %parallel_loop3A_640, %get3A_7 : vector<16xf32>
      %parallel_loop3A_642 = arith.constant 2 : i32
      %parallel_loop3A_643 = arith.index_cast %parallel_loop3A_642 : i32 to index
      %parallel_loop3A_644 = arith.index_cast %parallel_loop3A_620 : i32 to index
      %parallel_loop3A_645 = arith.constant 16 : index
      %parallel_loop3A_646 = tpu.vector_load %arg7[%parallel_loop3A_643, %parallel_loop3A_644, %parallel_loop3A_645] {strides = array<i32>} : memref<4x128x128xf32, #tpu.memory_space<vmem>>, vector<1x1x16xf32>,
      %parallel_loop3A_647 = vector.shape_cast %parallel_loop3A_646 : vector<1x1x16xf32> to vector<16xf32>
      %parallel_loop3A_648 = vector.shape_cast %parallel_loop3A_641 : vector<16xf32> to vector<1x1x16xf32>
      tpu.vector_store %arg7[%parallel_loop3A_643, %parallel_loop3A_644, %parallel_loop3A_645], %parallel_loop3A_648 {strides = array<i32>} : memref<4x128x128xf32, #tpu.memory_space<vmem>>, vector<1x1x16xf32>,
      %parallel_loop3A_649 = arith.constant 2 : i32
      %parallel_loop3A_650 = arith.index_cast %parallel_loop3A_649 : i32 to index
      %parallel_loop3A_651 = arith.index_cast %parallel_loop3A_620 : i32 to index
      %parallel_loop3A_652 = arith.constant 32 : index
      %parallel_loop3A_653 = tpu.vector_load %arg7[%parallel_loop3A_650, %parallel_loop3A_651, %parallel_loop3A_652] {strides = array<i32>} : memref<4x128x128xf32, #tpu.memory_space<vmem>>, vector<1x1x16xf32>,
      %parallel_loop3A_654 = vector.shape_cast %parallel_loop3A_653 : vector<1x1x16xf32> to vector<16xf32>
      %parallel_loop3A_655 = arith.mulf %parallel_loop3A_654, %get3A_10 : vector<16xf32>
      %parallel_loop3A_656 = arith.constant 2 : i32
      %parallel_loop3A_657 = arith.index_cast %parallel_loop3A_656 : i32 to index
      %parallel_loop3A_658 = arith.index_cast %parallel_loop3A_620 : i32 to index
      %parallel_loop3A_659 = arith.constant 32 : index
      %parallel_loop3A_660 = tpu.vector_load %arg7[%parallel_loop3A_657, %parallel_loop3A_658, %parallel_loop3A_659] {strides = array<i32>} : memref<4x128x128xf32, #tpu.memory_space<vmem>>, vector<1x1x16xf32>,
      %parallel_loop3A_661 = vector.shape_cast %parallel_loop3A_660 : vector<1x1x16xf32> to vector<16xf32>
      %parallel_loop3A_662 = vector.shape_cast %parallel_loop3A_655 : vector<16xf32> to vector<1x1x16xf32>
      tpu.vector_store %arg7[%parallel_loop3A_657, %parallel_loop3A_658, %parallel_loop3A_659], %parallel_loop3A_662 {strides = array<i32>} : memref<4x128x128xf32, #tpu.memory_space<vmem>>, vector<1x1x16xf32>,
      %parallel_loop3A_663 = arith.constant 2 : i32
      %parallel_loop3A_664 = arith.index_cast %parallel_loop3A_663 : i32 to index
      %parallel_loop3A_665 = arith.index_cast %parallel_loop3A_620 : i32 to index
      %parallel_loop3A_666 = arith.constant 48 : index
      %parallel_loop3A_667 = tpu.vector_load %arg7[%parallel_loop3A_664, %parallel_loop3A_665, %parallel_loop3A_666] {strides = array<i32>} : memref<4x128x128xf32, #tpu.memory_space<vmem>>, vector<1x1x16xf32>,
      %parallel_loop3A_668 = vector.shape_cast %parallel_loop3A_667 : vector<1x1x16xf32> to vector<16xf32>
      %parallel_loop3A_669 = arith.mulf %parallel_loop3A_668, %get3A_13 : vector<16xf32>
      %parallel_loop3A_670 = arith.constant 2 : i32
      %parallel_loop3A_671 = arith.index_cast %parallel_loop3A_670 : i32 to index
      %parallel_loop3A_672 = arith.index_cast %parallel_loop3A_620 : i32 to index
      %parallel_loop3A_673 = arith.constant 48 : index
      %parallel_loop3A_674 = tpu.vector_load %arg7[%parallel_loop3A_671, %parallel_loop3A_672, %parallel_loop3A_673] {strides = array<i32>} : memref<4x128x128xf32, #tpu.memory_space<vmem>>, vector<1x1x16xf32>,
      %parallel_loop3A_675 = vector.shape_cast %parallel_loop3A_674 : vector<1x1x16xf32> to vector<16xf32>
      %parallel_loop3A_676 = vector.shape_cast %parallel_loop3A_669 : vector<16xf32> to vector<1x1x16xf32>
      tpu.vector_store %arg7[%parallel_loop3A_671, %parallel_loop3A_672, %parallel_loop3A_673], %parallel_loop3A_676 {strides = array<i32>} : memref<4x128x128xf32, #tpu.memory_space<vmem>>, vector<1x1x16xf32>,
      %parallel_loop3A_677 = arith.constant 2 : i32
      %parallel_loop3A_678 = arith.index_cast %parallel_loop3A_677 : i32 to index
      %parallel_loop3A_679 = arith.index_cast %parallel_loop3A_620 : i32 to index
      %parallel_loop3A_680 = arith.constant 64 : index
      %parallel_loop3A_681 = tpu.vector_load %arg7[%parallel_loop3A_678, %parallel_loop3A_679, %parallel_loop3A_680] {strides = array<i32>} : memref<4x128x128xf32, #tpu.memory_space<vmem>>, vector<1x1x16xf32>,
      %parallel_loop3A_682 = vector.shape_cast %parallel_loop3A_681 : vector<1x1x16xf32> to vector<16xf32>
      %parallel_loop3A_683 = arith.mulf %parallel_loop3A_682, %get3A_16 : vector<16xf32>
      %parallel_loop3A_684 = arith.constant 2 : i32
      %parallel_loop3A_685 = arith.index_cast %parallel_loop3A_684 : i32 to index
      %parallel_loop3A_686 = arith.index_cast %parallel_loop3A_620 : i32 to index
      %parallel_loop3A_687 = arith.constant 64 : index
      %parallel_loop3A_688 = tpu.vector_load %arg7[%parallel_loop3A_685, %parallel_loop3A_686, %parallel_loop3A_687] {strides = array<i32>} : memref<4x128x128xf32, #tpu.memory_space<vmem>>, vector<1x1x16xf32>,
      %parallel_loop3A_689 = vector.shape_cast %parallel_loop3A_688 : vector<1x1x16xf32> to vector<16xf32>
      %parallel_loop3A_690 = vector.shape_cast %parallel_loop3A_683 : vector<16xf32> to vector<1x1x16xf32>
      tpu.vector_store %arg7[%parallel_loop3A_685, %parallel_loop3A_686, %parallel_loop3A_687], %parallel_loop3A_690 {strides = array<i32>} : memref<4x128x128xf32, #tpu.memory_space<vmem>>, vector<1x1x16xf32>,
      %parallel_loop3A_691 = arith.constant 2 : i32
      %parallel_loop3A_692 = arith.index_cast %parallel_loop3A_691 : i32 to index
      %parallel_loop3A_693 = arith.index_cast %parallel_loop3A_620 : i32 to index
      %parallel_loop3A_694 = arith.constant 80 : index
      %parallel_loop3A_695 = tpu.vector_load %arg7[%parallel_loop3A_692, %parallel_loop3A_693, %parallel_loop3A_694] {strides = array<i32>} : memref<4x128x128xf32, #tpu.memory_space<vmem>>, vector<1x1x16xf32>,
      %parallel_loop3A_696 = vector.shape_cast %parallel_loop3A_695 : vector<1x1x16xf32> to vector<16xf32>
      %parallel_loop3A_697 = arith.mulf %parallel_loop3A_696, %get3A_19 : vector<16xf32>
      %parallel_loop3A_698 = arith.constant 2 : i32
      %parallel_loop3A_699 = arith.index_cast %parallel_loop3A_698 : i32 to index
      %parallel_loop3A_700 = arith.index_cast %parallel_loop3A_620 : i32 to index
      %parallel_loop3A_701 = arith.constant 80 : index
      %parallel_loop3A_702 = tpu.vector_load %arg7[%parallel_loop3A_699, %parallel_loop3A_700, %parallel_loop3A_701] {strides = array<i32>} : memref<4x128x128xf32, #tpu.memory_space<vmem>>, vector<1x1x16xf32>,
      %parallel_loop3A_703 = vector.shape_cast %parallel_loop3A_702 : vector<1x1x16xf32> to vector<16xf32>
      %parallel_loop3A_704 = vector.shape_cast %parallel_loop3A_697 : vector<16xf32> to vector<1x1x16xf32>
      tpu.vector_store %arg7[%parallel_loop3A_699, %parallel_loop3A_700, %parallel_loop3A_701], %parallel_loop3A_704 {strides = array<i32>} : memref<4x128x128xf32, #tpu.memory_space<vmem>>, vector<1x1x16xf32>,
      %parallel_loop3A_705 = arith.constant 2 : i32
      %parallel_loop3A_706 = arith.index_cast %parallel_loop3A_705 : i32 to index
      %parallel_loop3A_707 = arith.index_cast %parallel_loop3A_620 : i32 to index
      %parallel_loop3A_708 = arith.constant 96 : index
      %parallel_loop3A_709 = tpu.vector_load %arg7[%parallel_loop3A_706, %parallel_loop3A_707, %parallel_loop3A_708] {strides = array<i32>} : memref<4x128x128xf32, #tpu.memory_space<vmem>>, vector<1x1x16xf32>,
      %parallel_loop3A_710 = vector.shape_cast %parallel_loop3A_709 : vector<1x1x16xf32> to vector<16xf32>
      %parallel_loop3A_711 = arith.mulf %parallel_loop3A_710, %get3A_22 : vector<16xf32>
      %parallel_loop3A_712 = arith.constant 2 : i32
      %parallel_loop3A_713 = arith.index_cast %parallel_loop3A_712 : i32 to index
      %parallel_loop3A_714 = arith.index_cast %parallel_loop3A_620 : i32 to index
      %parallel_loop3A_715 = arith.constant 96 : index
      %parallel_loop3A_716 = tpu.vector_load %arg7[%parallel_loop3A_713, %parallel_loop3A_714, %parallel_loop3A_715] {strides = array<i32>} : memref<4x128x128xf32, #tpu.memory_space<vmem>>, vector<1x1x16xf32>,
      %parallel_loop3A_717 = vector.shape_cast %parallel_loop3A_716 : vector<1x1x16xf32> to vector<16xf32>
      %parallel_loop3A_718 = vector.shape_cast %parallel_loop3A_711 : vector<16xf32> to vector<1x1x16xf32>
      tpu.vector_store %arg7[%parallel_loop3A_713, %parallel_loop3A_714, %parallel_loop3A_715], %parallel_loop3A_718 {strides = array<i32>} : memref<4x128x128xf32, #tpu.memory_space<vmem>>, vector<1x1x16xf32>,
      %parallel_loop3A_719 = arith.constant 2 : i32
      %parallel_loop3A_720 = arith.index_cast %parallel_loop3A_719 : i32 to index
      %parallel_loop3A_721 = arith.index_cast %parallel_loop3A_620 : i32 to index
      %parallel_loop3A_722 = arith.constant 112 : index
      %parallel_loop3A_723 = tpu.vector_load %arg7[%parallel_loop3A_720, %parallel_loop3A_721, %parallel_loop3A_722] {strides = array<i32>} : memref<4x128x128xf32, #tpu.memory_space<vmem>>, vector<1x1x16xf32>,
      %parallel_loop3A_724 = vector.shape_cast %parallel_loop3A_723 : vector<1x1x16xf32> to vector<16xf32>
      %parallel_loop3A_725 = arith.mulf %parallel_loop3A_724, %get3A_25 : vector<16xf32>
      %parallel_loop3A_726 = arith.constant 2 : i32
      %parallel_loop3A_727 = arith.index_cast %parallel_loop3A_726 : i32 to index
      %parallel_loop3A_728 = arith.index_cast %parallel_loop3A_620 : i32 to index
      %parallel_loop3A_729 = arith.constant 112 : index
      %parallel_loop3A_730 = tpu.vector_load %arg7[%parallel_loop3A_727, %parallel_loop3A_728, %parallel_loop3A_729] {strides = array<i32>} : memref<4x128x128xf32, #tpu.memory_space<vmem>>, vector<1x1x16xf32>,
      %parallel_loop3A_731 = vector.shape_cast %parallel_loop3A_730 : vector<1x1x16xf32> to vector<16xf32>
      %parallel_loop3A_732 = vector.shape_cast %parallel_loop3A_725 : vector<16xf32> to vector<1x1x16xf32>
      tpu.vector_store %arg7[%parallel_loop3A_727, %parallel_loop3A_728, %parallel_loop3A_729], %parallel_loop3A_732 {strides = array<i32>} : memref<4x128x128xf32, #tpu.memory_space<vmem>>, vector<1x1x16xf32>,
    } {sc.loop_unroll_factor = 4 : i64, sc.parallel_access}
    %add3A_219 = arith.constant 2 : i32
    %add3A_220 = arith.addi %mul3A_2, %add3A_219 : i32
    %mul3A_221 = arith.constant 128 : i32
    %mul3A_222 = arith.muli %add3A_220, %mul3A_221 : i32
    %dma_start3A_223 = arith.constant 2 : i32
    %dma_start3A_224 = arith.constant 2 : i32
    %dma_start3A_225 = arith.constant 0 : i32
    %dma_start3A_226 = arith.constant 0 : i32
    %dma_start3A_227 = tpu.memref_slice %arg7[%dma_start3A_223, %dma_start3A_225, %dma_start3A_226] : memref<4x128x128xf32, #tpu.memory_space<vmem>> -> memref<1x128x128xf32, #tpu.memory_space<vmem>>
    %dma_start3A_228 = tpu.memref_squeeze %dma_start3A_227 : memref<1x128x128xf32, #tpu.memory_space<vmem>> -> memref<128x128xf32, #tpu.memory_space<vmem>>
    %dma_start3A_229 = arith.constant 0 : i32
    %dma_start3A_230 = tpu.memref_slice %arg5[%mul3A_222, %dma_start3A_229] : memref<819200x128xf32, #tpu.memory_space<hbm>> -> memref<128x128xf32, #tpu.memory_space<hbm>>
    %dma_start3A_231 = tpu.memref_slice %arg10[%dma_start3A_224] : memref<4x!tpu.dma_semaphore, #tpu.memory_space<semaphore_mem>> -> memref<1x!tpu.dma_semaphore, #tpu.memory_space<semaphore_mem>>
    %dma_start3A_232 = tpu.memref_squeeze %dma_start3A_231 : memref<1x!tpu.dma_semaphore, #tpu.memory_space<semaphore_mem>> -> memref<!tpu.dma_semaphore, #tpu.memory_space<semaphore_mem>>
    %dma_start3A_233 = arith.constant 0 : i32
    %dma_start3A_234 = tpu.memref_slice %arg5[%mul3A_222, %dma_start3A_233] : memref<819200x128xf32, #tpu.memory_space<hbm>> -> memref<128x128xf32, #tpu.memory_space<hbm>>
    %dma_start3A_235 = arith.constant 0 : i32
    %dma_start3A_236 = arith.constant 0 : i32
    %dma_start3A_237 = tpu.memref_slice %arg7[%dma_start3A_223, %dma_start3A_235, %dma_start3A_236] : memref<4x128x128xf32, #tpu.memory_space<vmem>> -> memref<1x128x128xf32, #tpu.memory_space<vmem>>
    %dma_start3A_238 = tpu.memref_squeeze %dma_start3A_237 : memref<1x128x128xf32, #tpu.memory_space<vmem>> -> memref<128x128xf32, #tpu.memory_space<vmem>>
    tpu.enqueue_dma source(%dma_start3A_238 : memref<128x128xf32, #tpu.memory_space<vmem>>) target(%dma_start3A_234 : memref<128x128xf32, #tpu.memory_space<hbm>>) target_semaphore(%dma_start3A_232 : memref<!tpu.dma_semaphore, #tpu.memory_space<semaphore_mem>>)
    %dma_wait3A_239 = arith.constant 1 : i32
    %dma_wait3A_240 = arith.constant 1 : i32
    %dma_wait3A_241 = arith.constant 0 : i32
    %dma_wait3A_242 = arith.constant 0 : i32
    %dma_wait3A_243 = tpu.memref_slice %arg7[%dma_wait3A_239, %dma_wait3A_241, %dma_wait3A_242] : memref<4x128x128xf32, #tpu.memory_space<vmem>> -> memref<1x128x128xf32, #tpu.memory_space<vmem>>
    %dma_wait3A_244 = tpu.memref_squeeze %dma_wait3A_243 : memref<1x128x128xf32, #tpu.memory_space<vmem>> -> memref<128x128xf32, #tpu.memory_space<vmem>>
    %dma_wait3A_245 = arith.constant 0 : i32
    %dma_wait3A_246 = arith.constant 0 : i32
    %dma_wait3A_247 = tpu.memref_slice %arg5[%dma_wait3A_245, %dma_wait3A_246] : memref<819200x128xf32, #tpu.memory_space<hbm>> -> memref<128x128xf32, #tpu.memory_space<hbm>>
    %dma_wait3A_248 = tpu.memref_slice %arg10[%dma_wait3A_240] : memref<4x!tpu.dma_semaphore, #tpu.memory_space<semaphore_mem>> -> memref<1x!tpu.dma_semaphore, #tpu.memory_space<semaphore_mem>>
    %dma_wait3A_249 = tpu.memref_squeeze %dma_wait3A_248 : memref<1x!tpu.dma_semaphore, #tpu.memory_space<semaphore_mem>> -> memref<!tpu.dma_semaphore, #tpu.memory_space<semaphore_mem>>
    %dma_wait3A_250 = arith.constant 0 : i32
    %dma_wait3A_251 = arith.constant 0 : i32
    %dma_wait3A_252 = tpu.memref_slice %arg5[%dma_wait3A_250, %dma_wait3A_251] : memref<819200x128xf32, #tpu.memory_space<hbm>> -> memref<128x128xf32, #tpu.memory_space<hbm>>
    %dma_wait3A_253 = arith.constant 0 : i32
    %dma_wait3A_254 = arith.constant 0 : i32
    %dma_wait3A_255 = tpu.memref_slice %arg7[%dma_wait3A_239, %dma_wait3A_253, %dma_wait3A_254] : memref<4x128x128xf32, #tpu.memory_space<vmem>> -> memref<1x128x128xf32, #tpu.memory_space<vmem>>
    %dma_wait3A_256 = tpu.memref_squeeze %dma_wait3A_255 : memref<1x128x128xf32, #tpu.memory_space<vmem>> -> memref<128x128xf32, #tpu.memory_space<vmem>>
    tpu.wait_dma2 semaphore(%dma_wait3A_249 : memref<!tpu.dma_semaphore, #tpu.memory_space<semaphore_mem>>) src(%dma_wait3A_256 : memref<128x128xf32, #tpu.memory_space<vmem>>) dst(%dma_wait3A_252 : memref<128x128xf32, #tpu.memory_space<hbm>>)
    %dma_start3A_257 = arith.constant 5 : i32
    %dma_start3A_258 = arith.constant 1 : i32
    %dma_start3A_259 = arith.constant 1 : i32
    %dma_start3A_260 = arith.constant 0 : i32
    %dma_start3A_261 = arith.constant 0 : i32
    %dma_start3A_262 = tpu.memref_slice %arg7[%dma_start3A_258, %dma_start3A_260, %dma_start3A_261] : memref<4x128x128xf32, #tpu.memory_space<vmem>> -> memref<1x128x128xf32, #tpu.memory_space<vmem>>
    %dma_start3A_263 = tpu.memref_squeeze %dma_start3A_262 : memref<1x128x128xf32, #tpu.memory_space<vmem>> -> memref<128x128xf32, #tpu.memory_space<vmem>>
    %dma_start3A_264 = arith.constant 0 : i32
    %dma_start3A_265 = tpu.memref_slice %arg6[%dma_start3A_257, %dma_start3A_264] : memref<200x128xi32, #tpu.memory_space<vmem>> -> memref<1x128xi32, #tpu.memory_space<vmem>>
    %dma_start3A_266 = tpu.memref_squeeze %dma_start3A_265 : memref<1x128xi32, #tpu.memory_space<vmem>> -> memref<128xi32, #tpu.memory_space<vmem>>
    %dma_start3A_267 = arith.constant 0 : i32
    %dma_start3A_268 = arith.constant 0 : i32
    %dma_start3A_269 = tpu.memref_slice %arg3[%dma_start3A_267, %dma_start3A_268] : memref<1000000x128xf32, #tpu.memory_space<hbm>> -> memref<1000000x128xf32, #tpu.memory_space<hbm>>
    %dma_start3A_270 = tpu.memref_slice %arg9[%dma_start3A_259] : memref<4x!tpu.dma_semaphore, #tpu.memory_space<semaphore_mem>> -> memref<1x!tpu.dma_semaphore, #tpu.memory_space<semaphore_mem>>
    %dma_start3A_271 = tpu.memref_squeeze %dma_start3A_270 : memref<1x!tpu.dma_semaphore, #tpu.memory_space<semaphore_mem>> -> memref<!tpu.dma_semaphore, #tpu.memory_space<semaphore_mem>>
    tpu.enqueue_indirect_dma source(%dma_start3A_269 : memref<1000000x128xf32, #tpu.memory_space<hbm>>) target(%dma_start3A_263 : memref<128x128xf32, #tpu.memory_space<vmem>>) offsets(%dma_start3A_266 : memref<128xi32, #tpu.memory_space<vmem>>) semaphore(%dma_start3A_271 : memref<!tpu.dma_semaphore, #tpu.memory_space<semaphore_mem>>)
    %dma_wait3A_272 = arith.constant 3 : i32
    %dma_wait3A_273 = arith.constant 3 : i32
    %dma_wait3A_274 = arith.constant 0 : i32
    %dma_wait3A_275 = arith.constant 0 : i32
    %dma_wait3A_276 = tpu.memref_slice %arg7[%dma_wait3A_272, %dma_wait3A_274, %dma_wait3A_275] : memref<4x128x128xf32, #tpu.memory_space<vmem>> -> memref<1x128x128xf32, #tpu.memory_space<vmem>>
    %dma_wait3A_277 = tpu.memref_squeeze %dma_wait3A_276 : memref<1x128x128xf32, #tpu.memory_space<vmem>> -> memref<128x128xf32, #tpu.memory_space<vmem>>
    %dma_wait3A_278 = arith.constant 0 : i32
    %dma_wait3A_279 = arith.constant 0 : i32
    %dma_wait3A_280 = tpu.memref_slice %arg3[%dma_wait3A_278, %dma_wait3A_279] : memref<1000000x128xf32, #tpu.memory_space<hbm>> -> memref<128x128xf32, #tpu.memory_space<hbm>>
    %dma_wait3A_281 = tpu.memref_slice %arg9[%dma_wait3A_273] : memref<4x!tpu.dma_semaphore, #tpu.memory_space<semaphore_mem>> -> memref<1x!tpu.dma_semaphore, #tpu.memory_space<semaphore_mem>>
    %dma_wait3A_282 = tpu.memref_squeeze %dma_wait3A_281 : memref<1x!tpu.dma_semaphore, #tpu.memory_space<semaphore_mem>> -> memref<!tpu.dma_semaphore, #tpu.memory_space<semaphore_mem>>
    %dma_wait3A_283 = arith.constant 0 : i32
    %dma_wait3A_284 = arith.constant 0 : i32
    %dma_wait3A_285 = tpu.memref_slice %arg7[%dma_wait3A_272, %dma_wait3A_283, %dma_wait3A_284] : memref<4x128x128xf32, #tpu.memory_space<vmem>> -> memref<1x128x128xf32, #tpu.memory_space<vmem>>
    %dma_wait3A_286 = tpu.memref_squeeze %dma_wait3A_285 : memref<1x128x128xf32, #tpu.memory_space<vmem>> -> memref<128x128xf32, #tpu.memory_space<vmem>>
    %dma_wait3A_287 = arith.constant 0 : i32
    %dma_wait3A_288 = arith.constant 0 : i32
    %dma_wait3A_289 = tpu.memref_slice %arg3[%dma_wait3A_287, %dma_wait3A_288] : memref<1000000x128xf32, #tpu.memory_space<hbm>> -> memref<128x128xf32, #tpu.memory_space<hbm>>
    tpu.wait_dma2 semaphore(%dma_wait3A_282 : memref<!tpu.dma_semaphore, #tpu.memory_space<semaphore_mem>>) src(%dma_wait3A_289 : memref<128x128xf32, #tpu.memory_space<hbm>>) dst(%dma_wait3A_286 : memref<128x128xf32, #tpu.memory_space<vmem>>)
    %parallel_loop3A_290 = arith.constant 0 : i32
    %parallel_loop3A_291 = arith.constant 128 : i32
    %parallel_loop3A_292 = arith.constant 1 : i32
    scf.for %parallel_loop3A_620 = %parallel_loop3A_290 to %parallel_loop3A_291 step %parallel_loop3A_292  : i32 {
      %parallel_loop3A_621 = arith.constant 3 : i32
      %parallel_loop3A_622 = arith.index_cast %parallel_loop3A_621 : i32 to index
      %parallel_loop3A_623 = arith.index_cast %parallel_loop3A_620 : i32 to index
      %parallel_loop3A_624 = arith.constant 0 : index
      %parallel_loop3A_625 = tpu.vector_load %arg7[%parallel_loop3A_622, %parallel_loop3A_623, %parallel_loop3A_624] {strides = array<i32>} : memref<4x128x128xf32, #tpu.memory_space<vmem>>, vector<1x1x16xf32>,
      %parallel_loop3A_626 = vector.shape_cast %parallel_loop3A_625 : vector<1x1x16xf32> to vector<16xf32>
      %parallel_loop3A_627 = arith.mulf %parallel_loop3A_626, %get3A_4 : vector<16xf32>
      %parallel_loop3A_628 = arith.constant 3 : i32
      %parallel_loop3A_629 = arith.index_cast %parallel_loop3A_628 : i32 to index
      %parallel_loop3A_630 = arith.index_cast %parallel_loop3A_620 : i32 to index
      %parallel_loop3A_631 = arith.constant 0 : index
      %parallel_loop3A_632 = tpu.vector_load %arg7[%parallel_loop3A_629, %parallel_loop3A_630, %parallel_loop3A_631] {strides = array<i32>} : memref<4x128x128xf32, #tpu.memory_space<vmem>>, vector<1x1x16xf32>,
      %parallel_loop3A_633 = vector.shape_cast %parallel_loop3A_632 : vector<1x1x16xf32> to vector<16xf32>
      %parallel_loop3A_634 = vector.shape_cast %parallel_loop3A_627 : vector<16xf32> to vector<1x1x16xf32>
      tpu.vector_store %arg7[%parallel_loop3A_629, %parallel_loop3A_630, %parallel_loop3A_631], %parallel_loop3A_634 {strides = array<i32>} : memref<4x128x128xf32, #tpu.memory_space<vmem>>, vector<1x1x16xf32>,
      %parallel_loop3A_635 = arith.constant 3 : i32
      %parallel_loop3A_636 = arith.index_cast %parallel_loop3A_635 : i32 to index
      %parallel_loop3A_637 = arith.index_cast %parallel_loop3A_620 : i32 to index
      %parallel_loop3A_638 = arith.constant 16 : index
      %parallel_loop3A_639 = tpu.vector_load %arg7[%parallel_loop3A_636, %parallel_loop3A_637, %parallel_loop3A_638] {strides = array<i32>} : memref<4x128x128xf32, #tpu.memory_space<vmem>>, vector<1x1x16xf32>,
      %parallel_loop3A_640 = vector.shape_cast %parallel_loop3A_639 : vector<1x1x16xf32> to vector<16xf32>
      %parallel_loop3A_641 = arith.mulf %parallel_loop3A_640, %get3A_7 : vector<16xf32>
      %parallel_loop3A_642 = arith.constant 3 : i32
      %parallel_loop3A_643 = arith.index_cast %parallel_loop3A_642 : i32 to index
      %parallel_loop3A_644 = arith.index_cast %parallel_loop3A_620 : i32 to index
      %parallel_loop3A_645 = arith.constant 16 : index
      %parallel_loop3A_646 = tpu.vector_load %arg7[%parallel_loop3A_643, %parallel_loop3A_644, %parallel_loop3A_645] {strides = array<i32>} : memref<4x128x128xf32, #tpu.memory_space<vmem>>, vector<1x1x16xf32>,
      %parallel_loop3A_647 = vector.shape_cast %parallel_loop3A_646 : vector<1x1x16xf32> to vector<16xf32>
      %parallel_loop3A_648 = vector.shape_cast %parallel_loop3A_641 : vector<16xf32> to vector<1x1x16xf32>
      tpu.vector_store %arg7[%parallel_loop3A_643, %parallel_loop3A_644, %parallel_loop3A_645], %parallel_loop3A_648 {strides = array<i32>} : memref<4x128x128xf32, #tpu.memory_space<vmem>>, vector<1x1x16xf32>,
      %parallel_loop3A_649 = arith.constant 3 : i32
      %parallel_loop3A_650 = arith.index_cast %parallel_loop3A_649 : i32 to index
      %parallel_loop3A_651 = arith.index_cast %parallel_loop3A_620 : i32 to index
      %parallel_loop3A_652 = arith.constant 32 : index
      %parallel_loop3A_653 = tpu.vector_load %arg7[%parallel_loop3A_650, %parallel_loop3A_651, %parallel_loop3A_652] {strides = array<i32>} : memref<4x128x128xf32, #tpu.memory_space<vmem>>, vector<1x1x16xf32>,
      %parallel_loop3A_654 = vector.shape_cast %parallel_loop3A_653 : vector<1x1x16xf32> to vector<16xf32>
      %parallel_loop3A_655 = arith.mulf %parallel_loop3A_654, %get3A_10 : vector<16xf32>
      %parallel_loop3A_656 = arith.constant 3 : i32
      %parallel_loop3A_657 = arith.index_cast %parallel_loop3A_656 : i32 to index
      %parallel_loop3A_658 = arith.index_cast %parallel_loop3A_620 : i32 to index
      %parallel_loop3A_659 = arith.constant 32 : index
      %parallel_loop3A_660 = tpu.vector_load %arg7[%parallel_loop3A_657, %parallel_loop3A_658, %parallel_loop3A_659] {strides = array<i32>} : memref<4x128x128xf32, #tpu.memory_space<vmem>>, vector<1x1x16xf32>,
      %parallel_loop3A_661 = vector.shape_cast %parallel_loop3A_660 : vector<1x1x16xf32> to vector<16xf32>
      %parallel_loop3A_662 = vector.shape_cast %parallel_loop3A_655 : vector<16xf32> to vector<1x1x16xf32>
      tpu.vector_store %arg7[%parallel_loop3A_657, %parallel_loop3A_658, %parallel_loop3A_659], %parallel_loop3A_662 {strides = array<i32>} : memref<4x128x128xf32, #tpu.memory_space<vmem>>, vector<1x1x16xf32>,
      %parallel_loop3A_663 = arith.constant 3 : i32
      %parallel_loop3A_664 = arith.index_cast %parallel_loop3A_663 : i32 to index
      %parallel_loop3A_665 = arith.index_cast %parallel_loop3A_620 : i32 to index
      %parallel_loop3A_666 = arith.constant 48 : index
      %parallel_loop3A_667 = tpu.vector_load %arg7[%parallel_loop3A_664, %parallel_loop3A_665, %parallel_loop3A_666] {strides = array<i32>} : memref<4x128x128xf32, #tpu.memory_space<vmem>>, vector<1x1x16xf32>,
      %parallel_loop3A_668 = vector.shape_cast %parallel_loop3A_667 : vector<1x1x16xf32> to vector<16xf32>
      %parallel_loop3A_669 = arith.mulf %parallel_loop3A_668, %get3A_13 : vector<16xf32>
      %parallel_loop3A_670 = arith.constant 3 : i32
      %parallel_loop3A_671 = arith.index_cast %parallel_loop3A_670 : i32 to index
      %parallel_loop3A_672 = arith.index_cast %parallel_loop3A_620 : i32 to index
      %parallel_loop3A_673 = arith.constant 48 : index
      %parallel_loop3A_674 = tpu.vector_load %arg7[%parallel_loop3A_671, %parallel_loop3A_672, %parallel_loop3A_673] {strides = array<i32>} : memref<4x128x128xf32, #tpu.memory_space<vmem>>, vector<1x1x16xf32>,
      %parallel_loop3A_675 = vector.shape_cast %parallel_loop3A_674 : vector<1x1x16xf32> to vector<16xf32>
      %parallel_loop3A_676 = vector.shape_cast %parallel_loop3A_669 : vector<16xf32> to vector<1x1x16xf32>
      tpu.vector_store %arg7[%parallel_loop3A_671, %parallel_loop3A_672, %parallel_loop3A_673], %parallel_loop3A_676 {strides = array<i32>} : memref<4x128x128xf32, #tpu.memory_space<vmem>>, vector<1x1x16xf32>,
      %parallel_loop3A_677 = arith.constant 3 : i32
      %parallel_loop3A_678 = arith.index_cast %parallel_loop3A_677 : i32 to index
      %parallel_loop3A_679 = arith.index_cast %parallel_loop3A_620 : i32 to index
      %parallel_loop3A_680 = arith.constant 64 : index
      %parallel_loop3A_681 = tpu.vector_load %arg7[%parallel_loop3A_678, %parallel_loop3A_679, %parallel_loop3A_680] {strides = array<i32>} : memref<4x128x128xf32, #tpu.memory_space<vmem>>, vector<1x1x16xf32>,
      %parallel_loop3A_682 = vector.shape_cast %parallel_loop3A_681 : vector<1x1x16xf32> to vector<16xf32>
      %parallel_loop3A_683 = arith.mulf %parallel_loop3A_682, %get3A_16 : vector<16xf32>
      %parallel_loop3A_684 = arith.constant 3 : i32
      %parallel_loop3A_685 = arith.index_cast %parallel_loop3A_684 : i32 to index
      %parallel_loop3A_686 = arith.index_cast %parallel_loop3A_620 : i32 to index
      %parallel_loop3A_687 = arith.constant 64 : index
      %parallel_loop3A_688 = tpu.vector_load %arg7[%parallel_loop3A_685, %parallel_loop3A_686, %parallel_loop3A_687] {strides = array<i32>} : memref<4x128x128xf32, #tpu.memory_space<vmem>>, vector<1x1x16xf32>,
      %parallel_loop3A_689 = vector.shape_cast %parallel_loop3A_688 : vector<1x1x16xf32> to vector<16xf32>
      %parallel_loop3A_690 = vector.shape_cast %parallel_loop3A_683 : vector<16xf32> to vector<1x1x16xf32>
      tpu.vector_store %arg7[%parallel_loop3A_685, %parallel_loop3A_686, %parallel_loop3A_687], %parallel_loop3A_690 {strides = array<i32>} : memref<4x128x128xf32, #tpu.memory_space<vmem>>, vector<1x1x16xf32>,
      %parallel_loop3A_691 = arith.constant 3 : i32
      %parallel_loop3A_692 = arith.index_cast %parallel_loop3A_691 : i32 to index
      %parallel_loop3A_693 = arith.index_cast %parallel_loop3A_620 : i32 to index
      %parallel_loop3A_694 = arith.constant 80 : index
      %parallel_loop3A_695 = tpu.vector_load %arg7[%parallel_loop3A_692, %parallel_loop3A_693, %parallel_loop3A_694] {strides = array<i32>} : memref<4x128x128xf32, #tpu.memory_space<vmem>>, vector<1x1x16xf32>,
      %parallel_loop3A_696 = vector.shape_cast %parallel_loop3A_695 : vector<1x1x16xf32> to vector<16xf32>
      %parallel_loop3A_697 = arith.mulf %parallel_loop3A_696, %get3A_19 : vector<16xf32>
      %parallel_loop3A_698 = arith.constant 3 : i32
      %parallel_loop3A_699 = arith.index_cast %parallel_loop3A_698 : i32 to index
      %parallel_loop3A_700 = arith.index_cast %parallel_loop3A_620 : i32 to index
      %parallel_loop3A_701 = arith.constant 80 : index
      %parallel_loop3A_702 = tpu.vector_load %arg7[%parallel_loop3A_699, %parallel_loop3A_700, %parallel_loop3A_701] {strides = array<i32>} : memref<4x128x128xf32, #tpu.memory_space<vmem>>, vector<1x1x16xf32>,
      %parallel_loop3A_703 = vector.shape_cast %parallel_loop3A_702 : vector<1x1x16xf32> to vector<16xf32>
      %parallel_loop3A_704 = vector.shape_cast %parallel_loop3A_697 : vector<16xf32> to vector<1x1x16xf32>
      tpu.vector_store %arg7[%parallel_loop3A_699, %parallel_loop3A_700, %parallel_loop3A_701], %parallel_loop3A_704 {strides = array<i32>} : memref<4x128x128xf32, #tpu.memory_space<vmem>>, vector<1x1x16xf32>,
      %parallel_loop3A_705 = arith.constant 3 : i32
      %parallel_loop3A_706 = arith.index_cast %parallel_loop3A_705 : i32 to index
      %parallel_loop3A_707 = arith.index_cast %parallel_loop3A_620 : i32 to index
      %parallel_loop3A_708 = arith.constant 96 : index
      %parallel_loop3A_709 = tpu.vector_load %arg7[%parallel_loop3A_706, %parallel_loop3A_707, %parallel_loop3A_708] {strides = array<i32>} : memref<4x128x128xf32, #tpu.memory_space<vmem>>, vector<1x1x16xf32>,
      %parallel_loop3A_710 = vector.shape_cast %parallel_loop3A_709 : vector<1x1x16xf32> to vector<16xf32>
      %parallel_loop3A_711 = arith.mulf %parallel_loop3A_710, %get3A_22 : vector<16xf32>
      %parallel_loop3A_712 = arith.constant 3 : i32
      %parallel_loop3A_713 = arith.index_cast %parallel_loop3A_712 : i32 to index
      %parallel_loop3A_714 = arith.index_cast %parallel_loop3A_620 : i32 to index
      %parallel_loop3A_715 = arith.constant 96 : index
      %parallel_loop3A_716 = tpu.vector_load %arg7[%parallel_loop3A_713, %parallel_loop3A_714, %parallel_loop3A_715] {strides = array<i32>} : memref<4x128x128xf32, #tpu.memory_space<vmem>>, vector<1x1x16xf32>,
      %parallel_loop3A_717 = vector.shape_cast %parallel_loop3A_716 : vector<1x1x16xf32> to vector<16xf32>
      %parallel_loop3A_718 = vector.shape_cast %parallel_loop3A_711 : vector<16xf32> to vector<1x1x16xf32>
      tpu.vector_store %arg7[%parallel_loop3A_713, %parallel_loop3A_714, %parallel_loop3A_715], %parallel_loop3A_718 {strides = array<i32>} : memref<4x128x128xf32, #tpu.memory_space<vmem>>, vector<1x1x16xf32>,
      %parallel_loop3A_719 = arith.constant 3 : i32
      %parallel_loop3A_720 = arith.index_cast %parallel_loop3A_719 : i32 to index
      %parallel_loop3A_721 = arith.index_cast %parallel_loop3A_620 : i32 to index
      %parallel_loop3A_722 = arith.constant 112 : index
      %parallel_loop3A_723 = tpu.vector_load %arg7[%parallel_loop3A_720, %parallel_loop3A_721, %parallel_loop3A_722] {strides = array<i32>} : memref<4x128x128xf32, #tpu.memory_space<vmem>>, vector<1x1x16xf32>,
      %parallel_loop3A_724 = vector.shape_cast %parallel_loop3A_723 : vector<1x1x16xf32> to vector<16xf32>
      %parallel_loop3A_725 = arith.mulf %parallel_loop3A_724, %get3A_25 : vector<16xf32>
      %parallel_loop3A_726 = arith.constant 3 : i32
      %parallel_loop3A_727 = arith.index_cast %parallel_loop3A_726 : i32 to index
      %parallel_loop3A_728 = arith.index_cast %parallel_loop3A_620 : i32 to index
      %parallel_loop3A_729 = arith.constant 112 : index
      %parallel_loop3A_730 = tpu.vector_load %arg7[%parallel_loop3A_727, %parallel_loop3A_728, %parallel_loop3A_729] {strides = array<i32>} : memref<4x128x128xf32, #tpu.memory_space<vmem>>, vector<1x1x16xf32>,
      %parallel_loop3A_731 = vector.shape_cast %parallel_loop3A_730 : vector<1x1x16xf32> to vector<16xf32>
      %parallel_loop3A_732 = vector.shape_cast %parallel_loop3A_725 : vector<16xf32> to vector<1x1x16xf32>
      tpu.vector_store %arg7[%parallel_loop3A_727, %parallel_loop3A_728, %parallel_loop3A_729], %parallel_loop3A_732 {strides = array<i32>} : memref<4x128x128xf32, #tpu.memory_space<vmem>>, vector<1x1x16xf32>,
    } {sc.loop_unroll_factor = 4 : i64, sc.parallel_access}
    %add3A_293 = arith.constant 3 : i32
    %add3A_294 = arith.addi %mul3A_2, %add3A_293 : i32
    %mul3A_295 = arith.constant 128 : i32
    %mul3A_296 = arith.muli %add3A_294, %mul3A_295 : i32
    %dma_start3A_297 = arith.constant 3 : i32
    %dma_start3A_298 = arith.constant 3 : i32
    %dma_start3A_299 = arith.constant 0 : i32
    %dma_start3A_300 = arith.constant 0 : i32
    %dma_start3A_301 = tpu.memref_slice %arg7[%dma_start3A_297, %dma_start3A_299, %dma_start3A_300] : memref<4x128x128xf32, #tpu.memory_space<vmem>> -> memref<1x128x128xf32, #tpu.memory_space<vmem>>
    %dma_start3A_302 = tpu.memref_squeeze %dma_start3A_301 : memref<1x128x128xf32, #tpu.memory_space<vmem>> -> memref<128x128xf32, #tpu.memory_space<vmem>>
    %dma_start3A_303 = arith.constant 0 : i32
    %dma_start3A_304 = tpu.memref_slice %arg5[%mul3A_296, %dma_start3A_303] : memref<819200x128xf32, #tpu.memory_space<hbm>> -> memref<128x128xf32, #tpu.memory_space<hbm>>
    %dma_start3A_305 = tpu.memref_slice %arg10[%dma_start3A_298] : memref<4x!tpu.dma_semaphore, #tpu.memory_space<semaphore_mem>> -> memref<1x!tpu.dma_semaphore, #tpu.memory_space<semaphore_mem>>
    %dma_start3A_306 = tpu.memref_squeeze %dma_start3A_305 : memref<1x!tpu.dma_semaphore, #tpu.memory_space<semaphore_mem>> -> memref<!tpu.dma_semaphore, #tpu.memory_space<semaphore_mem>>
    %dma_start3A_307 = arith.constant 0 : i32
    %dma_start3A_308 = tpu.memref_slice %arg5[%mul3A_296, %dma_start3A_307] : memref<819200x128xf32, #tpu.memory_space<hbm>> -> memref<128x128xf32, #tpu.memory_space<hbm>>
    %dma_start3A_309 = arith.constant 0 : i32
    %dma_start3A_310 = arith.constant 0 : i32
    %dma_start3A_311 = tpu.memref_slice %arg7[%dma_start3A_297, %dma_start3A_309, %dma_start3A_310] : memref<4x128x128xf32, #tpu.memory_space<vmem>> -> memref<1x128x128xf32, #tpu.memory_space<vmem>>
    %dma_start3A_312 = tpu.memref_squeeze %dma_start3A_311 : memref<1x128x128xf32, #tpu.memory_space<vmem>> -> memref<128x128xf32, #tpu.memory_space<vmem>>
    tpu.enqueue_dma source(%dma_start3A_312 : memref<128x128xf32, #tpu.memory_space<vmem>>) target(%dma_start3A_308 : memref<128x128xf32, #tpu.memory_space<hbm>>) target_semaphore(%dma_start3A_306 : memref<!tpu.dma_semaphore, #tpu.memory_space<semaphore_mem>>)
    %dma_wait3A_313 = arith.constant 2 : i32
    %dma_wait3A_314 = arith.constant 2 : i32
    %dma_wait3A_315 = arith.constant 0 : i32
    %dma_wait3A_316 = arith.constant 0 : i32
    %dma_wait3A_317 = tpu.memref_slice %arg7[%dma_wait3A_313, %dma_wait3A_315, %dma_wait3A_316] : memref<4x128x128xf32, #tpu.memory_space<vmem>> -> memref<1x128x128xf32, #tpu.memory_space<vmem>>
    %dma_wait3A_318 = tpu.memref_squeeze %dma_wait3A_317 : memref<1x128x128xf32, #tpu.memory_space<vmem>> -> memref<128x128xf32, #tpu.memory_space<vmem>>
    %dma_wait3A_319 = arith.constant 0 : i32
    %dma_wait3A_320 = arith.constant 0 : i32
    %dma_wait3A_321 = tpu.memref_slice %arg5[%dma_wait3A_319, %dma_wait3A_320] : memref<819200x128xf32, #tpu.memory_space<hbm>> -> memref<128x128xf32, #tpu.memory_space<hbm>>
    %dma_wait3A_322 = tpu.memref_slice %arg10[%dma_wait3A_314] : memref<4x!tpu.dma_semaphore, #tpu.memory_space<semaphore_mem>> -> memref<1x!tpu.dma_semaphore, #tpu.memory_space<semaphore_mem>>
    %dma_wait3A_323 = tpu.memref_squeeze %dma_wait3A_322 : memref<1x!tpu.dma_semaphore, #tpu.memory_space<semaphore_mem>> -> memref<!tpu.dma_semaphore, #tpu.memory_space<semaphore_mem>>
    %dma_wait3A_324 = arith.constant 0 : i32
    %dma_wait3A_325 = arith.constant 0 : i32
    %dma_wait3A_326 = tpu.memref_slice %arg5[%dma_wait3A_324, %dma_wait3A_325] : memref<819200x128xf32, #tpu.memory_space<hbm>> -> memref<128x128xf32, #tpu.memory_space<hbm>>
    %dma_wait3A_327 = arith.constant 0 : i32
    %dma_wait3A_328 = arith.constant 0 : i32
    %dma_wait3A_329 = tpu.memref_slice %arg7[%dma_wait3A_313, %dma_wait3A_327, %dma_wait3A_328] : memref<4x128x128xf32, #tpu.memory_space<vmem>> -> memref<1x128x128xf32, #tpu.memory_space<vmem>>
    %dma_wait3A_330 = tpu.memref_squeeze %dma_wait3A_329 : memref<1x128x128xf32, #tpu.memory_space<vmem>> -> memref<128x128xf32, #tpu.memory_space<vmem>>
    tpu.wait_dma2 semaphore(%dma_wait3A_323 : memref<!tpu.dma_semaphore, #tpu.memory_space<semaphore_mem>>) src(%dma_wait3A_330 : memref<128x128xf32, #tpu.memory_space<vmem>>) dst(%dma_wait3A_326 : memref<128x128xf32, #tpu.memory_space<hbm>>)
    %dma_start3A_331 = arith.constant 6 : i32
    %dma_start3A_332 = arith.constant 2 : i32
    %dma_start3A_333 = arith.constant 2 : i32
    %dma_start3A_334 = arith.constant 0 : i32
    %dma_start3A_335 = arith.constant 0 : i32
    %dma_start3A_336 = tpu.memref_slice %arg7[%dma_start3A_332, %dma_start3A_334, %dma_start3A_335] : memref<4x128x128xf32, #tpu.memory_space<vmem>> -> memref<1x128x128xf32, #tpu.memory_space<vmem>>
    %dma_start3A_337 = tpu.memref_squeeze %dma_start3A_336 : memref<1x128x128xf32, #tpu.memory_space<vmem>> -> memref<128x128xf32, #tpu.memory_space<vmem>>
    %dma_start3A_338 = arith.constant 0 : i32
    %dma_start3A_339 = tpu.memref_slice %arg6[%dma_start3A_331, %dma_start3A_338] : memref<200x128xi32, #tpu.memory_space<vmem>> -> memref<1x128xi32, #tpu.memory_space<vmem>>
    %dma_start3A_340 = tpu.memref_squeeze %dma_start3A_339 : memref<1x128xi32, #tpu.memory_space<vmem>> -> memref<128xi32, #tpu.memory_space<vmem>>
    %dma_start3A_341 = arith.constant 0 : i32
    %dma_start3A_342 = arith.constant 0 : i32
    %dma_start3A_343 = tpu.memref_slice %arg3[%dma_start3A_341, %dma_start3A_342] : memref<1000000x128xf32, #tpu.memory_space<hbm>> -> memref<1000000x128xf32, #tpu.memory_space<hbm>>
    %dma_start3A_344 = tpu.memref_slice %arg9[%dma_start3A_333] : memref<4x!tpu.dma_semaphore, #tpu.memory_space<semaphore_mem>> -> memref<1x!tpu.dma_semaphore, #tpu.memory_space<semaphore_mem>>
    %dma_start3A_345 = tpu.memref_squeeze %dma_start3A_344 : memref<1x!tpu.dma_semaphore, #tpu.memory_space<semaphore_mem>> -> memref<!tpu.dma_semaphore, #tpu.memory_space<semaphore_mem>>
    tpu.enqueue_indirect_dma source(%dma_start3A_343 : memref<1000000x128xf32, #tpu.memory_space<hbm>>) target(%dma_start3A_337 : memref<128x128xf32, #tpu.memory_space<vmem>>) offsets(%dma_start3A_340 : memref<128xi32, #tpu.memory_space<vmem>>) semaphore(%dma_start3A_345 : memref<!tpu.dma_semaphore, #tpu.memory_space<semaphore_mem>>)
    %scan3A = arith.constant 0 : i32
    %scan3A_346 = arith.constant 1 : i32
    %scan3A_347 = arith.constant 48 : i32
    %scan3A_348 = arith.addi %scan3A_346, %scan3A_347 : i32
    %scan3A_349 = arith.constant 1 : i32
    scf.for %scan3A_620 = %scan3A_346 to %scan3A_348 step %scan3A_349  : i32 {
      %mul3A_621 = arith.constant 4 : i32
      %mul3A_622 = arith.muli %scan3A_620, %mul3A_621 : i32
      %dma_wait3A_623 = arith.constant 0 : i32
      %dma_wait3A_624 = arith.constant 0 : i32
      %dma_wait3A_625 = arith.constant 0 : i32
      %dma_wait3A_626 = arith.constant 0 : i32
      %dma_wait3A_627 = tpu.memref_slice %arg7[%dma_wait3A_623, %dma_wait3A_625, %dma_wait3A_626] : memref<4x128x128xf32, #tpu.memory_space<vmem>> -> memref<1x128x128xf32, #tpu.memory_space<vmem>>
      %dma_wait3A_628 = tpu.memref_squeeze %dma_wait3A_627 : memref<1x128x128xf32, #tpu.memory_space<vmem>> -> memref<128x128xf32, #tpu.memory_space<vmem>>
      %dma_wait3A_629 = arith.constant 0 : i32
      %dma_wait3A_630 = arith.constant 0 : i32
      %dma_wait3A_631 = tpu.memref_slice %arg3[%dma_wait3A_629, %dma_wait3A_630] : memref<1000000x128xf32, #tpu.memory_space<hbm>> -> memref<128x128xf32, #tpu.memory_space<hbm>>
      %dma_wait3A_632 = tpu.memref_slice %arg9[%dma_wait3A_624] : memref<4x!tpu.dma_semaphore, #tpu.memory_space<semaphore_mem>> -> memref<1x!tpu.dma_semaphore, #tpu.memory_space<semaphore_mem>>
      %dma_wait3A_633 = tpu.memref_squeeze %dma_wait3A_632 : memref<1x!tpu.dma_semaphore, #tpu.memory_space<semaphore_mem>> -> memref<!tpu.dma_semaphore, #tpu.memory_space<semaphore_mem>>
      %dma_wait3A_634 = arith.constant 0 : i32
      %dma_wait3A_635 = arith.constant 0 : i32
      %dma_wait3A_636 = tpu.memref_slice %arg7[%dma_wait3A_623, %dma_wait3A_634, %dma_wait3A_635] : memref<4x128x128xf32, #tpu.memory_space<vmem>> -> memref<1x128x128xf32, #tpu.memory_space<vmem>>
      %dma_wait3A_637 = tpu.memref_squeeze %dma_wait3A_636 : memref<1x128x128xf32, #tpu.memory_space<vmem>> -> memref<128x128xf32, #tpu.memory_space<vmem>>
      %dma_wait3A_638 = arith.constant 0 : i32
      %dma_wait3A_639 = arith.constant 0 : i32
      %dma_wait3A_640 = tpu.memref_slice %arg3[%dma_wait3A_638, %dma_wait3A_639] : memref<1000000x128xf32, #tpu.memory_space<hbm>> -> memref<128x128xf32, #tpu.memory_space<hbm>>
      tpu.wait_dma2 semaphore(%dma_wait3A_633 : memref<!tpu.dma_semaphore, #tpu.memory_space<semaphore_mem>>) src(%dma_wait3A_640 : memref<128x128xf32, #tpu.memory_space<hbm>>) dst(%dma_wait3A_637 : memref<128x128xf32, #tpu.memory_space<vmem>>)
      %parallel_loop3A_641 = arith.constant 0 : i32
      %parallel_loop3A_642 = arith.constant 128 : i32
      %parallel_loop3A_643 = arith.constant 1 : i32
      scf.for %parallel_loop3A_942 = %parallel_loop3A_641 to %parallel_loop3A_642 step %parallel_loop3A_643  : i32 {
        %parallel_loop3A_943 = arith.constant 0 : i32
        %parallel_loop3A_944 = arith.index_cast %parallel_loop3A_943 : i32 to index
        %parallel_loop3A_945 = arith.index_cast %parallel_loop3A_942 : i32 to index
        %parallel_loop3A_946 = arith.constant 0 : index
        %parallel_loop3A_947 = tpu.vector_load %arg7[%parallel_loop3A_944, %parallel_loop3A_945, %parallel_loop3A_946] {strides = array<i32>} : memref<4x128x128xf32, #tpu.memory_space<vmem>>, vector<1x1x16xf32>,
        %parallel_loop3A_948 = vector.shape_cast %parallel_loop3A_947 : vector<1x1x16xf32> to vector<16xf32>
        %parallel_loop3A_949 = arith.mulf %parallel_loop3A_948, %get3A_4 : vector<16xf32>
        %parallel_loop3A_950 = arith.constant 0 : i32
        %parallel_loop3A_951 = arith.index_cast %parallel_loop3A_950 : i32 to index
        %parallel_loop3A_952 = arith.index_cast %parallel_loop3A_942 : i32 to index
        %parallel_loop3A_953 = arith.constant 0 : index
        %parallel_loop3A_954 = tpu.vector_load %arg7[%parallel_loop3A_951, %parallel_loop3A_952, %parallel_loop3A_953] {strides = array<i32>} : memref<4x128x128xf32, #tpu.memory_space<vmem>>, vector<1x1x16xf32>,
        %parallel_loop3A_955 = vector.shape_cast %parallel_loop3A_954 : vector<1x1x16xf32> to vector<16xf32>
        %parallel_loop3A_956 = vector.shape_cast %parallel_loop3A_949 : vector<16xf32> to vector<1x1x16xf32>
        tpu.vector_store %arg7[%parallel_loop3A_951, %parallel_loop3A_952, %parallel_loop3A_953], %parallel_loop3A_956 {strides = array<i32>} : memref<4x128x128xf32, #tpu.memory_space<vmem>>, vector<1x1x16xf32>,
        %parallel_loop3A_957 = arith.constant 0 : i32
        %parallel_loop3A_958 = arith.index_cast %parallel_loop3A_957 : i32 to index
        %parallel_loop3A_959 = arith.index_cast %parallel_loop3A_942 : i32 to index
        %parallel_loop3A_960 = arith.constant 16 : index
        %parallel_loop3A_961 = tpu.vector_load %arg7[%parallel_loop3A_958, %parallel_loop3A_959, %parallel_loop3A_960] {strides = array<i32>} : memref<4x128x128xf32, #tpu.memory_space<vmem>>, vector<1x1x16xf32>,
        %parallel_loop3A_962 = vector.shape_cast %parallel_loop3A_961 : vector<1x1x16xf32> to vector<16xf32>
        %parallel_loop3A_963 = arith.mulf %parallel_loop3A_962, %get3A_7 : vector<16xf32>
        %parallel_loop3A_964 = arith.constant 0 : i32
        %parallel_loop3A_965 = arith.index_cast %parallel_loop3A_964 : i32 to index
        %parallel_loop3A_966 = arith.index_cast %parallel_loop3A_942 : i32 to index
        %parallel_loop3A_967 = arith.constant 16 : index
        %parallel_loop3A_968 = tpu.vector_load %arg7[%parallel_loop3A_965, %parallel_loop3A_966, %parallel_loop3A_967] {strides = array<i32>} : memref<4x128x128xf32, #tpu.memory_space<vmem>>, vector<1x1x16xf32>,
        %parallel_loop3A_969 = vector.shape_cast %parallel_loop3A_968 : vector<1x1x16xf32> to vector<16xf32>
        %parallel_loop3A_970 = vector.shape_cast %parallel_loop3A_963 : vector<16xf32> to vector<1x1x16xf32>
        tpu.vector_store %arg7[%parallel_loop3A_965, %parallel_loop3A_966, %parallel_loop3A_967], %parallel_loop3A_970 {strides = array<i32>} : memref<4x128x128xf32, #tpu.memory_space<vmem>>, vector<1x1x16xf32>,
        %parallel_loop3A_971 = arith.constant 0 : i32
        %parallel_loop3A_972 = arith.index_cast %parallel_loop3A_971 : i32 to index
        %parallel_loop3A_973 = arith.index_cast %parallel_loop3A_942 : i32 to index
        %parallel_loop3A_974 = arith.constant 32 : index
        %parallel_loop3A_975 = tpu.vector_load %arg7[%parallel_loop3A_972, %parallel_loop3A_973, %parallel_loop3A_974] {strides = array<i32>} : memref<4x128x128xf32, #tpu.memory_space<vmem>>, vector<1x1x16xf32>,
        %parallel_loop3A_976 = vector.shape_cast %parallel_loop3A_975 : vector<1x1x16xf32> to vector<16xf32>
        %parallel_loop3A_977 = arith.mulf %parallel_loop3A_976, %get3A_10 : vector<16xf32>
        %parallel_loop3A_978 = arith.constant 0 : i32
        %parallel_loop3A_979 = arith.index_cast %parallel_loop3A_978 : i32 to index
        %parallel_loop3A_980 = arith.index_cast %parallel_loop3A_942 : i32 to index
        %parallel_loop3A_981 = arith.constant 32 : index
        %parallel_loop3A_982 = tpu.vector_load %arg7[%parallel_loop3A_979, %parallel_loop3A_980, %parallel_loop3A_981] {strides = array<i32>} : memref<4x128x128xf32, #tpu.memory_space<vmem>>, vector<1x1x16xf32>,
        %parallel_loop3A_983 = vector.shape_cast %parallel_loop3A_982 : vector<1x1x16xf32> to vector<16xf32>
        %parallel_loop3A_984 = vector.shape_cast %parallel_loop3A_977 : vector<16xf32> to vector<1x1x16xf32>
        tpu.vector_store %arg7[%parallel_loop3A_979, %parallel_loop3A_980, %parallel_loop3A_981], %parallel_loop3A_984 {strides = array<i32>} : memref<4x128x128xf32, #tpu.memory_space<vmem>>, vector<1x1x16xf32>,
        %parallel_loop3A_985 = arith.constant 0 : i32
        %parallel_loop3A_986 = arith.index_cast %parallel_loop3A_985 : i32 to index
        %parallel_loop3A_987 = arith.index_cast %parallel_loop3A_942 : i32 to index
        %parallel_loop3A_988 = arith.constant 48 : index
        %parallel_loop3A_989 = tpu.vector_load %arg7[%parallel_loop3A_986, %parallel_loop3A_987, %parallel_loop3A_988] {strides = array<i32>} : memref<4x128x128xf32, #tpu.memory_space<vmem>>, vector<1x1x16xf32>,
        %parallel_loop3A_990 = vector.shape_cast %parallel_loop3A_989 : vector<1x1x16xf32> to vector<16xf32>
        %parallel_loop3A_991 = arith.mulf %parallel_loop3A_990, %get3A_13 : vector<16xf32>
        %parallel_loop3A_992 = arith.constant 0 : i32
        %parallel_loop3A_993 = arith.index_cast %parallel_loop3A_992 : i32 to index
        %parallel_loop3A_994 = arith.index_cast %parallel_loop3A_942 : i32 to index
        %parallel_loop3A_995 = arith.constant 48 : index
        %parallel_loop3A_996 = tpu.vector_load %arg7[%parallel_loop3A_993, %parallel_loop3A_994, %parallel_loop3A_995] {strides = array<i32>} : memref<4x128x128xf32, #tpu.memory_space<vmem>>, vector<1x1x16xf32>,
        %parallel_loop3A_997 = vector.shape_cast %parallel_loop3A_996 : vector<1x1x16xf32> to vector<16xf32>
        %parallel_loop3A_998 = vector.shape_cast %parallel_loop3A_991 : vector<16xf32> to vector<1x1x16xf32>
        tpu.vector_store %arg7[%parallel_loop3A_993, %parallel_loop3A_994, %parallel_loop3A_995], %parallel_loop3A_998 {strides = array<i32>} : memref<4x128x128xf32, #tpu.memory_space<vmem>>, vector<1x1x16xf32>,
        %parallel_loop3A_999 = arith.constant 0 : i32
        %parallel_loop3A_1000 = arith.index_cast %parallel_loop3A_999 : i32 to index
        %parallel_loop3A_1001 = arith.index_cast %parallel_loop3A_942 : i32 to index
        %parallel_loop3A_1002 = arith.constant 64 : index
        %parallel_loop3A_1003 = tpu.vector_load %arg7[%parallel_loop3A_1000, %parallel_loop3A_1001, %parallel_loop3A_1002] {strides = array<i32>} : memref<4x128x128xf32, #tpu.memory_space<vmem>>, vector<1x1x16xf32>,
        %parallel_loop3A_1004 = vector.shape_cast %parallel_loop3A_1003 : vector<1x1x16xf32> to vector<16xf32>
        %parallel_loop3A_1005 = arith.mulf %parallel_loop3A_1004, %get3A_16 : vector<16xf32>
        %parallel_loop3A_1006 = arith.constant 0 : i32
        %parallel_loop3A_1007 = arith.index_cast %parallel_loop3A_1006 : i32 to index
        %parallel_loop3A_1008 = arith.index_cast %parallel_loop3A_942 : i32 to index
        %parallel_loop3A_1009 = arith.constant 64 : index
        %parallel_loop3A_1010 = tpu.vector_load %arg7[%parallel_loop3A_1007, %parallel_loop3A_1008, %parallel_loop3A_1009] {strides = array<i32>} : memref<4x128x128xf32, #tpu.memory_space<vmem>>, vector<1x1x16xf32>,
        %parallel_loop3A_1011 = vector.shape_cast %parallel_loop3A_1010 : vector<1x1x16xf32> to vector<16xf32>
        %parallel_loop3A_1012 = vector.shape_cast %parallel_loop3A_1005 : vector<16xf32> to vector<1x1x16xf32>
        tpu.vector_store %arg7[%parallel_loop3A_1007, %parallel_loop3A_1008, %parallel_loop3A_1009], %parallel_loop3A_1012 {strides = array<i32>} : memref<4x128x128xf32, #tpu.memory_space<vmem>>, vector<1x1x16xf32>,
        %parallel_loop3A_1013 = arith.constant 0 : i32
        %parallel_loop3A_1014 = arith.index_cast %parallel_loop3A_1013 : i32 to index
        %parallel_loop3A_1015 = arith.index_cast %parallel_loop3A_942 : i32 to index
        %parallel_loop3A_1016 = arith.constant 80 : index
        %parallel_loop3A_1017 = tpu.vector_load %arg7[%parallel_loop3A_1014, %parallel_loop3A_1015, %parallel_loop3A_1016] {strides = array<i32>} : memref<4x128x128xf32, #tpu.memory_space<vmem>>, vector<1x1x16xf32>,
        %parallel_loop3A_1018 = vector.shape_cast %parallel_loop3A_1017 : vector<1x1x16xf32> to vector<16xf32>
        %parallel_loop3A_1019 = arith.mulf %parallel_loop3A_1018, %get3A_19 : vector<16xf32>
        %parallel_loop3A_1020 = arith.constant 0 : i32
        %parallel_loop3A_1021 = arith.index_cast %parallel_loop3A_1020 : i32 to index
        %parallel_loop3A_1022 = arith.index_cast %parallel_loop3A_942 : i32 to index
        %parallel_loop3A_1023 = arith.constant 80 : index
        %parallel_loop3A_1024 = tpu.vector_load %arg7[%parallel_loop3A_1021, %parallel_loop3A_1022, %parallel_loop3A_1023] {strides = array<i32>} : memref<4x128x128xf32, #tpu.memory_space<vmem>>, vector<1x1x16xf32>,
        %parallel_loop3A_1025 = vector.shape_cast %parallel_loop3A_1024 : vector<1x1x16xf32> to vector<16xf32>
        %parallel_loop3A_1026 = vector.shape_cast %parallel_loop3A_1019 : vector<16xf32> to vector<1x1x16xf32>
        tpu.vector_store %arg7[%parallel_loop3A_1021, %parallel_loop3A_1022, %parallel_loop3A_1023], %parallel_loop3A_1026 {strides = array<i32>} : memref<4x128x128xf32, #tpu.memory_space<vmem>>, vector<1x1x16xf32>,
        %parallel_loop3A_1027 = arith.constant 0 : i32
        %parallel_loop3A_1028 = arith.index_cast %parallel_loop3A_1027 : i32 to index
        %parallel_loop3A_1029 = arith.index_cast %parallel_loop3A_942 : i32 to index
        %parallel_loop3A_1030 = arith.constant 96 : index
        %parallel_loop3A_1031 = tpu.vector_load %arg7[%parallel_loop3A_1028, %parallel_loop3A_1029, %parallel_loop3A_1030] {strides = array<i32>} : memref<4x128x128xf32, #tpu.memory_space<vmem>>, vector<1x1x16xf32>,
        %parallel_loop3A_1032 = vector.shape_cast %parallel_loop3A_1031 : vector<1x1x16xf32> to vector<16xf32>
        %parallel_loop3A_1033 = arith.mulf %parallel_loop3A_1032, %get3A_22 : vector<16xf32>
        %parallel_loop3A_1034 = arith.constant 0 : i32
        %parallel_loop3A_1035 = arith.index_cast %parallel_loop3A_1034 : i32 to index
        %parallel_loop3A_1036 = arith.index_cast %parallel_loop3A_942 : i32 to index
        %parallel_loop3A_1037 = arith.constant 96 : index
        %parallel_loop3A_1038 = tpu.vector_load %arg7[%parallel_loop3A_1035, %parallel_loop3A_1036, %parallel_loop3A_1037] {strides = array<i32>} : memref<4x128x128xf32, #tpu.memory_space<vmem>>, vector<1x1x16xf32>,
        %parallel_loop3A_1039 = vector.shape_cast %parallel_loop3A_1038 : vector<1x1x16xf32> to vector<16xf32>
        %parallel_loop3A_1040 = vector.shape_cast %parallel_loop3A_1033 : vector<16xf32> to vector<1x1x16xf32>
        tpu.vector_store %arg7[%parallel_loop3A_1035, %parallel_loop3A_1036, %parallel_loop3A_1037], %parallel_loop3A_1040 {strides = array<i32>} : memref<4x128x128xf32, #tpu.memory_space<vmem>>, vector<1x1x16xf32>,
        %parallel_loop3A_1041 = arith.constant 0 : i32
        %parallel_loop3A_1042 = arith.index_cast %parallel_loop3A_1041 : i32 to index
        %parallel_loop3A_1043 = arith.index_cast %parallel_loop3A_942 : i32 to index
        %parallel_loop3A_1044 = arith.constant 112 : index
        %parallel_loop3A_1045 = tpu.vector_load %arg7[%parallel_loop3A_1042, %parallel_loop3A_1043, %parallel_loop3A_1044] {strides = array<i32>} : memref<4x128x128xf32, #tpu.memory_space<vmem>>, vector<1x1x16xf32>,
        %parallel_loop3A_1046 = vector.shape_cast %parallel_loop3A_1045 : vector<1x1x16xf32> to vector<16xf32>
        %parallel_loop3A_1047 = arith.mulf %parallel_loop3A_1046, %get3A_25 : vector<16xf32>
        %parallel_loop3A_1048 = arith.constant 0 : i32
        %parallel_loop3A_1049 = arith.index_cast %parallel_loop3A_1048 : i32 to index
        %parallel_loop3A_1050 = arith.index_cast %parallel_loop3A_942 : i32 to index
        %parallel_loop3A_1051 = arith.constant 112 : index
        %parallel_loop3A_1052 = tpu.vector_load %arg7[%parallel_loop3A_1049, %parallel_loop3A_1050, %parallel_loop3A_1051] {strides = array<i32>} : memref<4x128x128xf32, #tpu.memory_space<vmem>>, vector<1x1x16xf32>,
        %parallel_loop3A_1053 = vector.shape_cast %parallel_loop3A_1052 : vector<1x1x16xf32> to vector<16xf32>
        %parallel_loop3A_1054 = vector.shape_cast %parallel_loop3A_1047 : vector<16xf32> to vector<1x1x16xf32>
        tpu.vector_store %arg7[%parallel_loop3A_1049, %parallel_loop3A_1050, %parallel_loop3A_1051], %parallel_loop3A_1054 {strides = array<i32>} : memref<4x128x128xf32, #tpu.memory_space<vmem>>, vector<1x1x16xf32>,
      } {sc.loop_unroll_factor = 4 : i64, sc.parallel_access}
      %add3A_644 = arith.constant 0 : i32
      %add3A_645 = arith.addi %mul3A_622, %add3A_644 : i32
      %add3A_646 = arith.addi %mul3A_2, %add3A_645 : i32
      %mul3A_647 = arith.constant 128 : i32
      %mul3A_648 = arith.muli %add3A_646, %mul3A_647 : i32
      %dma_start3A_649 = arith.constant 0 : i32
      %dma_start3A_650 = arith.constant 0 : i32
      %dma_start3A_651 = arith.constant 0 : i32
      %dma_start3A_652 = arith.constant 0 : i32
      %dma_start3A_653 = tpu.memref_slice %arg7[%dma_start3A_649, %dma_start3A_651, %dma_start3A_652] : memref<4x128x128xf32, #tpu.memory_space<vmem>> -> memref<1x128x128xf32, #tpu.memory_space<vmem>>
      %dma_start3A_654 = tpu.memref_squeeze %dma_start3A_653 : memref<1x128x128xf32, #tpu.memory_space<vmem>> -> memref<128x128xf32, #tpu.memory_space<vmem>>
      %dma_start3A_655 = arith.constant 0 : i32
      %dma_start3A_656 = tpu.memref_slice %arg5[%mul3A_648, %dma_start3A_655] : memref<819200x128xf32, #tpu.memory_space<hbm>> -> memref<128x128xf32, #tpu.memory_space<hbm>>
      %dma_start3A_657 = tpu.memref_slice %arg10[%dma_start3A_650] : memref<4x!tpu.dma_semaphore, #tpu.memory_space<semaphore_mem>> -> memref<1x!tpu.dma_semaphore, #tpu.memory_space<semaphore_mem>>
      %dma_start3A_658 = tpu.memref_squeeze %dma_start3A_657 : memref<1x!tpu.dma_semaphore, #tpu.memory_space<semaphore_mem>> -> memref<!tpu.dma_semaphore, #tpu.memory_space<semaphore_mem>>
      %dma_start3A_659 = arith.constant 0 : i32
      %dma_start3A_660 = tpu.memref_slice %arg5[%mul3A_648, %dma_start3A_659] : memref<819200x128xf32, #tpu.memory_space<hbm>> -> memref<128x128xf32, #tpu.memory_space<hbm>>
      %dma_start3A_661 = arith.constant 0 : i32
      %dma_start3A_662 = arith.constant 0 : i32
      %dma_start3A_663 = tpu.memref_slice %arg7[%dma_start3A_649, %dma_start3A_661, %dma_start3A_662] : memref<4x128x128xf32, #tpu.memory_space<vmem>> -> memref<1x128x128xf32, #tpu.memory_space<vmem>>
      %dma_start3A_664 = tpu.memref_squeeze %dma_start3A_663 : memref<1x128x128xf32, #tpu.memory_space<vmem>> -> memref<128x128xf32, #tpu.memory_space<vmem>>
      tpu.enqueue_dma source(%dma_start3A_664 : memref<128x128xf32, #tpu.memory_space<vmem>>) target(%dma_start3A_660 : memref<128x128xf32, #tpu.memory_space<hbm>>) target_semaphore(%dma_start3A_658 : memref<!tpu.dma_semaphore, #tpu.memory_space<semaphore_mem>>)
      %dma_wait3A_665 = arith.constant 3 : i32
      %dma_wait3A_666 = arith.constant 3 : i32
      %dma_wait3A_667 = arith.constant 0 : i32
      %dma_wait3A_668 = arith.constant 0 : i32
      %dma_wait3A_669 = tpu.memref_slice %arg7[%dma_wait3A_665, %dma_wait3A_667, %dma_wait3A_668] : memref<4x128x128xf32, #tpu.memory_space<vmem>> -> memref<1x128x128xf32, #tpu.memory_space<vmem>>
      %dma_wait3A_670 = tpu.memref_squeeze %dma_wait3A_669 : memref<1x128x128xf32, #tpu.memory_space<vmem>> -> memref<128x128xf32, #tpu.memory_space<vmem>>
      %dma_wait3A_671 = arith.constant 0 : i32
      %dma_wait3A_672 = arith.constant 0 : i32
      %dma_wait3A_673 = tpu.memref_slice %arg5[%dma_wait3A_671, %dma_wait3A_672] : memref<819200x128xf32, #tpu.memory_space<hbm>> -> memref<128x128xf32, #tpu.memory_space<hbm>>
      %dma_wait3A_674 = tpu.memref_slice %arg10[%dma_wait3A_666] : memref<4x!tpu.dma_semaphore, #tpu.memory_space<semaphore_mem>> -> memref<1x!tpu.dma_semaphore, #tpu.memory_space<semaphore_mem>>
      %dma_wait3A_675 = tpu.memref_squeeze %dma_wait3A_674 : memref<1x!tpu.dma_semaphore, #tpu.memory_space<semaphore_mem>> -> memref<!tpu.dma_semaphore, #tpu.memory_space<semaphore_mem>>
      %dma_wait3A_676 = arith.constant 0 : i32
      %dma_wait3A_677 = arith.constant 0 : i32
      %dma_wait3A_678 = tpu.memref_slice %arg5[%dma_wait3A_676, %dma_wait3A_677] : memref<819200x128xf32, #tpu.memory_space<hbm>> -> memref<128x128xf32, #tpu.memory_space<hbm>>
      %dma_wait3A_679 = arith.constant 0 : i32
      %dma_wait3A_680 = arith.constant 0 : i32
      %dma_wait3A_681 = tpu.memref_slice %arg7[%dma_wait3A_665, %dma_wait3A_679, %dma_wait3A_680] : memref<4x128x128xf32, #tpu.memory_space<vmem>> -> memref<1x128x128xf32, #tpu.memory_space<vmem>>
      %dma_wait3A_682 = tpu.memref_squeeze %dma_wait3A_681 : memref<1x128x128xf32, #tpu.memory_space<vmem>> -> memref<128x128xf32, #tpu.memory_space<vmem>>
      tpu.wait_dma2 semaphore(%dma_wait3A_675 : memref<!tpu.dma_semaphore, #tpu.memory_space<semaphore_mem>>) src(%dma_wait3A_682 : memref<128x128xf32, #tpu.memory_space<vmem>>) dst(%dma_wait3A_678 : memref<128x128xf32, #tpu.memory_space<hbm>>)
      %add3A_683 = arith.constant 0 : i32
      %add3A_684 = arith.addi %mul3A_622, %add3A_683 : i32
      %add3A_685 = arith.constant 4 : i32
      %add3A_686 = arith.addi %add3A_684, %add3A_685 : i32
      %sub3A = arith.constant 1 : i32
      %sub3A_687 = arith.subi %add3A_686, %sub3A : i32
      %dma_start3A_688 = arith.constant 3 : i32
      %dma_start3A_689 = arith.constant 3 : i32
      %dma_start3A_690 = arith.constant 0 : i32
      %dma_start3A_691 = arith.constant 0 : i32
      %dma_start3A_692 = tpu.memref_slice %arg7[%dma_start3A_688, %dma_start3A_690, %dma_start3A_691] : memref<4x128x128xf32, #tpu.memory_space<vmem>> -> memref<1x128x128xf32, #tpu.memory_space<vmem>>
      %dma_start3A_693 = tpu.memref_squeeze %dma_start3A_692 : memref<1x128x128xf32, #tpu.memory_space<vmem>> -> memref<128x128xf32, #tpu.memory_space<vmem>>
      %dma_start3A_694 = arith.constant 0 : i32
      %dma_start3A_695 = tpu.memref_slice %arg6[%sub3A_687, %dma_start3A_694] : memref<200x128xi32, #tpu.memory_space<vmem>> -> memref<1x128xi32, #tpu.memory_space<vmem>>
      %dma_start3A_696 = tpu.memref_squeeze %dma_start3A_695 : memref<1x128xi32, #tpu.memory_space<vmem>> -> memref<128xi32, #tpu.memory_space<vmem>>
      %dma_start3A_697 = arith.constant 0 : i32
      %dma_start3A_698 = arith.constant 0 : i32
      %dma_start3A_699 = tpu.memref_slice %arg3[%dma_start3A_697, %dma_start3A_698] : memref<1000000x128xf32, #tpu.memory_space<hbm>> -> memref<1000000x128xf32, #tpu.memory_space<hbm>>
      %dma_start3A_700 = tpu.memref_slice %arg9[%dma_start3A_689] : memref<4x!tpu.dma_semaphore, #tpu.memory_space<semaphore_mem>> -> memref<1x!tpu.dma_semaphore, #tpu.memory_space<semaphore_mem>>
      %dma_start3A_701 = tpu.memref_squeeze %dma_start3A_700 : memref<1x!tpu.dma_semaphore, #tpu.memory_space<semaphore_mem>> -> memref<!tpu.dma_semaphore, #tpu.memory_space<semaphore_mem>>
      tpu.enqueue_indirect_dma source(%dma_start3A_699 : memref<1000000x128xf32, #tpu.memory_space<hbm>>) target(%dma_start3A_693 : memref<128x128xf32, #tpu.memory_space<vmem>>) offsets(%dma_start3A_696 : memref<128xi32, #tpu.memory_space<vmem>>) semaphore(%dma_start3A_701 : memref<!tpu.dma_semaphore, #tpu.memory_space<semaphore_mem>>)
      %dma_wait3A_702 = arith.constant 1 : i32
      %dma_wait3A_703 = arith.constant 1 : i32
      %dma_wait3A_704 = arith.constant 0 : i32
      %dma_wait3A_705 = arith.constant 0 : i32
      %dma_wait3A_706 = tpu.memref_slice %arg7[%dma_wait3A_702, %dma_wait3A_704, %dma_wait3A_705] : memref<4x128x128xf32, #tpu.memory_space<vmem>> -> memref<1x128x128xf32, #tpu.memory_space<vmem>>
      %dma_wait3A_707 = tpu.memref_squeeze %dma_wait3A_706 : memref<1x128x128xf32, #tpu.memory_space<vmem>> -> memref<128x128xf32, #tpu.memory_space<vmem>>
      %dma_wait3A_708 = arith.constant 0 : i32
      %dma_wait3A_709 = arith.constant 0 : i32
      %dma_wait3A_710 = tpu.memref_slice %arg3[%dma_wait3A_708, %dma_wait3A_709] : memref<1000000x128xf32, #tpu.memory_space<hbm>> -> memref<128x128xf32, #tpu.memory_space<hbm>>
      %dma_wait3A_711 = tpu.memref_slice %arg9[%dma_wait3A_703] : memref<4x!tpu.dma_semaphore, #tpu.memory_space<semaphore_mem>> -> memref<1x!tpu.dma_semaphore, #tpu.memory_space<semaphore_mem>>
      %dma_wait3A_712 = tpu.memref_squeeze %dma_wait3A_711 : memref<1x!tpu.dma_semaphore, #tpu.memory_space<semaphore_mem>> -> memref<!tpu.dma_semaphore, #tpu.memory_space<semaphore_mem>>
      %dma_wait3A_713 = arith.constant 0 : i32
      %dma_wait3A_714 = arith.constant 0 : i32
      %dma_wait3A_715 = tpu.memref_slice %arg7[%dma_wait3A_702, %dma_wait3A_713, %dma_wait3A_714] : memref<4x128x128xf32, #tpu.memory_space<vmem>> -> memref<1x128x128xf32, #tpu.memory_space<vmem>>
      %dma_wait3A_716 = tpu.memref_squeeze %dma_wait3A_715 : memref<1x128x128xf32, #tpu.memory_space<vmem>> -> memref<128x128xf32, #tpu.memory_space<vmem>>
      %dma_wait3A_717 = arith.constant 0 : i32
      %dma_wait3A_718 = arith.constant 0 : i32
      %dma_wait3A_719 = tpu.memref_slice %arg3[%dma_wait3A_717, %dma_wait3A_718] : memref<1000000x128xf32, #tpu.memory_space<hbm>> -> memref<128x128xf32, #tpu.memory_space<hbm>>
      tpu.wait_dma2 semaphore(%dma_wait3A_712 : memref<!tpu.dma_semaphore, #tpu.memory_space<semaphore_mem>>) src(%dma_wait3A_719 : memref<128x128xf32, #tpu.memory_space<hbm>>) dst(%dma_wait3A_716 : memref<128x128xf32, #tpu.memory_space<vmem>>)
      %parallel_loop3A_720 = arith.constant 0 : i32
      %parallel_loop3A_721 = arith.constant 128 : i32
      %parallel_loop3A_722 = arith.constant 1 : i32
      scf.for %parallel_loop3A_942 = %parallel_loop3A_720 to %parallel_loop3A_721 step %parallel_loop3A_722  : i32 {
        %parallel_loop3A_943 = arith.constant 1 : i32
        %parallel_loop3A_944 = arith.index_cast %parallel_loop3A_943 : i32 to index
        %parallel_loop3A_945 = arith.index_cast %parallel_loop3A_942 : i32 to index
        %parallel_loop3A_946 = arith.constant 0 : index
        %parallel_loop3A_947 = tpu.vector_load %arg7[%parallel_loop3A_944, %parallel_loop3A_945, %parallel_loop3A_946] {strides = array<i32>} : memref<4x128x128xf32, #tpu.memory_space<vmem>>, vector<1x1x16xf32>,
        %parallel_loop3A_948 = vector.shape_cast %parallel_loop3A_947 : vector<1x1x16xf32> to vector<16xf32>
        %parallel_loop3A_949 = arith.mulf %parallel_loop3A_948, %get3A_4 : vector<16xf32>
        %parallel_loop3A_950 = arith.constant 1 : i32
        %parallel_loop3A_951 = arith.index_cast %parallel_loop3A_950 : i32 to index
        %parallel_loop3A_952 = arith.index_cast %parallel_loop3A_942 : i32 to index
        %parallel_loop3A_953 = arith.constant 0 : index
        %parallel_loop3A_954 = tpu.vector_load %arg7[%parallel_loop3A_951, %parallel_loop3A_952, %parallel_loop3A_953] {strides = array<i32>} : memref<4x128x128xf32, #tpu.memory_space<vmem>>, vector<1x1x16xf32>,
        %parallel_loop3A_955 = vector.shape_cast %parallel_loop3A_954 : vector<1x1x16xf32> to vector<16xf32>
        %parallel_loop3A_956 = vector.shape_cast %parallel_loop3A_949 : vector<16xf32> to vector<1x1x16xf32>
        tpu.vector_store %arg7[%parallel_loop3A_951, %parallel_loop3A_952, %parallel_loop3A_953], %parallel_loop3A_956 {strides = array<i32>} : memref<4x128x128xf32, #tpu.memory_space<vmem>>, vector<1x1x16xf32>,
        %parallel_loop3A_957 = arith.constant 1 : i32
        %parallel_loop3A_958 = arith.index_cast %parallel_loop3A_957 : i32 to index
        %parallel_loop3A_959 = arith.index_cast %parallel_loop3A_942 : i32 to index
        %parallel_loop3A_960 = arith.constant 16 : index
        %parallel_loop3A_961 = tpu.vector_load %arg7[%parallel_loop3A_958, %parallel_loop3A_959, %parallel_loop3A_960] {strides = array<i32>} : memref<4x128x128xf32, #tpu.memory_space<vmem>>, vector<1x1x16xf32>,
        %parallel_loop3A_962 = vector.shape_cast %parallel_loop3A_961 : vector<1x1x16xf32> to vector<16xf32>
        %parallel_loop3A_963 = arith.mulf %parallel_loop3A_962, %get3A_7 : vector<16xf32>
        %parallel_loop3A_964 = arith.constant 1 : i32
        %parallel_loop3A_965 = arith.index_cast %parallel_loop3A_964 : i32 to index
        %parallel_loop3A_966 = arith.index_cast %parallel_loop3A_942 : i32 to index
        %parallel_loop3A_967 = arith.constant 16 : index
        %parallel_loop3A_968 = tpu.vector_load %arg7[%parallel_loop3A_965, %parallel_loop3A_966, %parallel_loop3A_967] {strides = array<i32>} : memref<4x128x128xf32, #tpu.memory_space<vmem>>, vector<1x1x16xf32>,
        %parallel_loop3A_969 = vector.shape_cast %parallel_loop3A_968 : vector<1x1x16xf32> to vector<16xf32>
        %parallel_loop3A_970 = vector.shape_cast %parallel_loop3A_963 : vector<16xf32> to vector<1x1x16xf32>
        tpu.vector_store %arg7[%parallel_loop3A_965, %parallel_loop3A_966, %parallel_loop3A_967], %parallel_loop3A_970 {strides = array<i32>} : memref<4x128x128xf32, #tpu.memory_space<vmem>>, vector<1x1x16xf32>,
        %parallel_loop3A_971 = arith.constant 1 : i32
        %parallel_loop3A_972 = arith.index_cast %parallel_loop3A_971 : i32 to index
        %parallel_loop3A_973 = arith.index_cast %parallel_loop3A_942 : i32 to index
        %parallel_loop3A_974 = arith.constant 32 : index
        %parallel_loop3A_975 = tpu.vector_load %arg7[%parallel_loop3A_972, %parallel_loop3A_973, %parallel_loop3A_974] {strides = array<i32>} : memref<4x128x128xf32, #tpu.memory_space<vmem>>, vector<1x1x16xf32>,
        %parallel_loop3A_976 = vector.shape_cast %parallel_loop3A_975 : vector<1x1x16xf32> to vector<16xf32>
        %parallel_loop3A_977 = arith.mulf %parallel_loop3A_976, %get3A_10 : vector<16xf32>
        %parallel_loop3A_978 = arith.constant 1 : i32
        %parallel_loop3A_979 = arith.index_cast %parallel_loop3A_978 : i32 to index
        %parallel_loop3A_980 = arith.index_cast %parallel_loop3A_942 : i32 to index
        %parallel_loop3A_981 = arith.constant 32 : index
        %parallel_loop3A_982 = tpu.vector_load %arg7[%parallel_loop3A_979, %parallel_loop3A_980, %parallel_loop3A_981] {strides = array<i32>} : memref<4x128x128xf32, #tpu.memory_space<vmem>>, vector<1x1x16xf32>,
        %parallel_loop3A_983 = vector.shape_cast %parallel_loop3A_982 : vector<1x1x16xf32> to vector<16xf32>
        %parallel_loop3A_984 = vector.shape_cast %parallel_loop3A_977 : vector<16xf32> to vector<1x1x16xf32>
        tpu.vector_store %arg7[%parallel_loop3A_979, %parallel_loop3A_980, %parallel_loop3A_981], %parallel_loop3A_984 {strides = array<i32>} : memref<4x128x128xf32, #tpu.memory_space<vmem>>, vector<1x1x16xf32>,
        %parallel_loop3A_985 = arith.constant 1 : i32
        %parallel_loop3A_986 = arith.index_cast %parallel_loop3A_985 : i32 to index
        %parallel_loop3A_987 = arith.index_cast %parallel_loop3A_942 : i32 to index
        %parallel_loop3A_988 = arith.constant 48 : index
        %parallel_loop3A_989 = tpu.vector_load %arg7[%parallel_loop3A_986, %parallel_loop3A_987, %parallel_loop3A_988] {strides = array<i32>} : memref<4x128x128xf32, #tpu.memory_space<vmem>>, vector<1x1x16xf32>,
        %parallel_loop3A_990 = vector.shape_cast %parallel_loop3A_989 : vector<1x1x16xf32> to vector<16xf32>
        %parallel_loop3A_991 = arith.mulf %parallel_loop3A_990, %get3A_13 : vector<16xf32>
        %parallel_loop3A_992 = arith.constant 1 : i32
        %parallel_loop3A_993 = arith.index_cast %parallel_loop3A_992 : i32 to index
        %parallel_loop3A_994 = arith.index_cast %parallel_loop3A_942 : i32 to index
        %parallel_loop3A_995 = arith.constant 48 : index
        %parallel_loop3A_996 = tpu.vector_load %arg7[%parallel_loop3A_993, %parallel_loop3A_994, %parallel_loop3A_995] {strides = array<i32>} : memref<4x128x128xf32, #tpu.memory_space<vmem>>, vector<1x1x16xf32>,
        %parallel_loop3A_997 = vector.shape_cast %parallel_loop3A_996 : vector<1x1x16xf32> to vector<16xf32>
        %parallel_loop3A_998 = vector.shape_cast %parallel_loop3A_991 : vector<16xf32> to vector<1x1x16xf32>
        tpu.vector_store %arg7[%parallel_loop3A_993, %parallel_loop3A_994, %parallel_loop3A_995], %parallel_loop3A_998 {strides = array<i32>} : memref<4x128x128xf32, #tpu.memory_space<vmem>>, vector<1x1x16xf32>,
        %parallel_loop3A_999 = arith.constant 1 : i32
        %parallel_loop3A_1000 = arith.index_cast %parallel_loop3A_999 : i32 to index
        %parallel_loop3A_1001 = arith.index_cast %parallel_loop3A_942 : i32 to index
        %parallel_loop3A_1002 = arith.constant 64 : index
        %parallel_loop3A_1003 = tpu.vector_load %arg7[%parallel_loop3A_1000, %parallel_loop3A_1001, %parallel_loop3A_1002] {strides = array<i32>} : memref<4x128x128xf32, #tpu.memory_space<vmem>>, vector<1x1x16xf32>,
        %parallel_loop3A_1004 = vector.shape_cast %parallel_loop3A_1003 : vector<1x1x16xf32> to vector<16xf32>
        %parallel_loop3A_1005 = arith.mulf %parallel_loop3A_1004, %get3A_16 : vector<16xf32>
        %parallel_loop3A_1006 = arith.constant 1 : i32
        %parallel_loop3A_1007 = arith.index_cast %parallel_loop3A_1006 : i32 to index
        %parallel_loop3A_1008 = arith.index_cast %parallel_loop3A_942 : i32 to index
        %parallel_loop3A_1009 = arith.constant 64 : index
        %parallel_loop3A_1010 = tpu.vector_load %arg7[%parallel_loop3A_1007, %parallel_loop3A_1008, %parallel_loop3A_1009] {strides = array<i32>} : memref<4x128x128xf32, #tpu.memory_space<vmem>>, vector<1x1x16xf32>,
        %parallel_loop3A_1011 = vector.shape_cast %parallel_loop3A_1010 : vector<1x1x16xf32> to vector<16xf32>
        %parallel_loop3A_1012 = vector.shape_cast %parallel_loop3A_1005 : vector<16xf32> to vector<1x1x16xf32>
        tpu.vector_store %arg7[%parallel_loop3A_1007, %parallel_loop3A_1008, %parallel_loop3A_1009], %parallel_loop3A_1012 {strides = array<i32>} : memref<4x128x128xf32, #tpu.memory_space<vmem>>, vector<1x1x16xf32>,
        %parallel_loop3A_1013 = arith.constant 1 : i32
        %parallel_loop3A_1014 = arith.index_cast %parallel_loop3A_1013 : i32 to index
        %parallel_loop3A_1015 = arith.index_cast %parallel_loop3A_942 : i32 to index
        %parallel_loop3A_1016 = arith.constant 80 : index
        %parallel_loop3A_1017 = tpu.vector_load %arg7[%parallel_loop3A_1014, %parallel_loop3A_1015, %parallel_loop3A_1016] {strides = array<i32>} : memref<4x128x128xf32, #tpu.memory_space<vmem>>, vector<1x1x16xf32>,
        %parallel_loop3A_1018 = vector.shape_cast %parallel_loop3A_1017 : vector<1x1x16xf32> to vector<16xf32>
        %parallel_loop3A_1019 = arith.mulf %parallel_loop3A_1018, %get3A_19 : vector<16xf32>
        %parallel_loop3A_1020 = arith.constant 1 : i32
        %parallel_loop3A_1021 = arith.index_cast %parallel_loop3A_1020 : i32 to index
        %parallel_loop3A_1022 = arith.index_cast %parallel_loop3A_942 : i32 to index
        %parallel_loop3A_1023 = arith.constant 80 : index
        %parallel_loop3A_1024 = tpu.vector_load %arg7[%parallel_loop3A_1021, %parallel_loop3A_1022, %parallel_loop3A_1023] {strides = array<i32>} : memref<4x128x128xf32, #tpu.memory_space<vmem>>, vector<1x1x16xf32>,
        %parallel_loop3A_1025 = vector.shape_cast %parallel_loop3A_1024 : vector<1x1x16xf32> to vector<16xf32>
        %parallel_loop3A_1026 = vector.shape_cast %parallel_loop3A_1019 : vector<16xf32> to vector<1x1x16xf32>
        tpu.vector_store %arg7[%parallel_loop3A_1021, %parallel_loop3A_1022, %parallel_loop3A_1023], %parallel_loop3A_1026 {strides = array<i32>} : memref<4x128x128xf32, #tpu.memory_space<vmem>>, vector<1x1x16xf32>,
        %parallel_loop3A_1027 = arith.constant 1 : i32
        %parallel_loop3A_1028 = arith.index_cast %parallel_loop3A_1027 : i32 to index
        %parallel_loop3A_1029 = arith.index_cast %parallel_loop3A_942 : i32 to index
        %parallel_loop3A_1030 = arith.constant 96 : index
        %parallel_loop3A_1031 = tpu.vector_load %arg7[%parallel_loop3A_1028, %parallel_loop3A_1029, %parallel_loop3A_1030] {strides = array<i32>} : memref<4x128x128xf32, #tpu.memory_space<vmem>>, vector<1x1x16xf32>,
        %parallel_loop3A_1032 = vector.shape_cast %parallel_loop3A_1031 : vector<1x1x16xf32> to vector<16xf32>
        %parallel_loop3A_1033 = arith.mulf %parallel_loop3A_1032, %get3A_22 : vector<16xf32>
        %parallel_loop3A_1034 = arith.constant 1 : i32
        %parallel_loop3A_1035 = arith.index_cast %parallel_loop3A_1034 : i32 to index
        %parallel_loop3A_1036 = arith.index_cast %parallel_loop3A_942 : i32 to index
        %parallel_loop3A_1037 = arith.constant 96 : index
        %parallel_loop3A_1038 = tpu.vector_load %arg7[%parallel_loop3A_1035, %parallel_loop3A_1036, %parallel_loop3A_1037] {strides = array<i32>} : memref<4x128x128xf32, #tpu.memory_space<vmem>>, vector<1x1x16xf32>,
        %parallel_loop3A_1039 = vector.shape_cast %parallel_loop3A_1038 : vector<1x1x16xf32> to vector<16xf32>
        %parallel_loop3A_1040 = vector.shape_cast %parallel_loop3A_1033 : vector<16xf32> to vector<1x1x16xf32>
        tpu.vector_store %arg7[%parallel_loop3A_1035, %parallel_loop3A_1036, %parallel_loop3A_1037], %parallel_loop3A_1040 {strides = array<i32>} : memref<4x128x128xf32, #tpu.memory_space<vmem>>, vector<1x1x16xf32>,
        %parallel_loop3A_1041 = arith.constant 1 : i32
        %parallel_loop3A_1042 = arith.index_cast %parallel_loop3A_1041 : i32 to index
        %parallel_loop3A_1043 = arith.index_cast %parallel_loop3A_942 : i32 to index
        %parallel_loop3A_1044 = arith.constant 112 : index
        %parallel_loop3A_1045 = tpu.vector_load %arg7[%parallel_loop3A_1042, %parallel_loop3A_1043, %parallel_loop3A_1044] {strides = array<i32>} : memref<4x128x128xf32, #tpu.memory_space<vmem>>, vector<1x1x16xf32>,
        %parallel_loop3A_1046 = vector.shape_cast %parallel_loop3A_1045 : vector<1x1x16xf32> to vector<16xf32>
        %parallel_loop3A_1047 = arith.mulf %parallel_loop3A_1046, %get3A_25 : vector<16xf32>
        %parallel_loop3A_1048 = arith.constant 1 : i32
        %parallel_loop3A_1049 = arith.index_cast %parallel_loop3A_1048 : i32 to index
        %parallel_loop3A_1050 = arith.index_cast %parallel_loop3A_942 : i32 to index
        %parallel_loop3A_1051 = arith.constant 112 : index
        %parallel_loop3A_1052 = tpu.vector_load %arg7[%parallel_loop3A_1049, %parallel_loop3A_1050, %parallel_loop3A_1051] {strides = array<i32>} : memref<4x128x128xf32, #tpu.memory_space<vmem>>, vector<1x1x16xf32>,
        %parallel_loop3A_1053 = vector.shape_cast %parallel_loop3A_1052 : vector<1x1x16xf32> to vector<16xf32>
        %parallel_loop3A_1054 = vector.shape_cast %parallel_loop3A_1047 : vector<16xf32> to vector<1x1x16xf32>
        tpu.vector_store %arg7[%parallel_loop3A_1049, %parallel_loop3A_1050, %parallel_loop3A_1051], %parallel_loop3A_1054 {strides = array<i32>} : memref<4x128x128xf32, #tpu.memory_space<vmem>>, vector<1x1x16xf32>,
      } {sc.loop_unroll_factor = 4 : i64, sc.parallel_access}
      %add3A_723 = arith.constant 1 : i32
      %add3A_724 = arith.addi %mul3A_622, %add3A_723 : i32
      %add3A_725 = arith.addi %mul3A_2, %add3A_724 : i32
      %mul3A_726 = arith.constant 128 : i32
      %mul3A_727 = arith.muli %add3A_725, %mul3A_726 : i32
      %dma_start3A_728 = arith.constant 1 : i32
      %dma_start3A_729 = arith.constant 1 : i32
      %dma_start3A_730 = arith.constant 0 : i32
      %dma_start3A_731 = arith.constant 0 : i32
      %dma_start3A_732 = tpu.memref_slice %arg7[%dma_start3A_728, %dma_start3A_730, %dma_start3A_731] : memref<4x128x128xf32, #tpu.memory_space<vmem>> -> memref<1x128x128xf32, #tpu.memory_space<vmem>>
      %dma_start3A_733 = tpu.memref_squeeze %dma_start3A_732 : memref<1x128x128xf32, #tpu.memory_space<vmem>> -> memref<128x128xf32, #tpu.memory_space<vmem>>
      %dma_start3A_734 = arith.constant 0 : i32
      %dma_start3A_735 = tpu.memref_slice %arg5[%mul3A_727, %dma_start3A_734] : memref<819200x128xf32, #tpu.memory_space<hbm>> -> memref<128x128xf32, #tpu.memory_space<hbm>>
      %dma_start3A_736 = tpu.memref_slice %arg10[%dma_start3A_729] : memref<4x!tpu.dma_semaphore, #tpu.memory_space<semaphore_mem>> -> memref<1x!tpu.dma_semaphore, #tpu.memory_space<semaphore_mem>>
      %dma_start3A_737 = tpu.memref_squeeze %dma_start3A_736 : memref<1x!tpu.dma_semaphore, #tpu.memory_space<semaphore_mem>> -> memref<!tpu.dma_semaphore, #tpu.memory_space<semaphore_mem>>
      %dma_start3A_738 = arith.constant 0 : i32
      %dma_start3A_739 = tpu.memref_slice %arg5[%mul3A_727, %dma_start3A_738] : memref<819200x128xf32, #tpu.memory_space<hbm>> -> memref<128x128xf32, #tpu.memory_space<hbm>>
      %dma_start3A_740 = arith.constant 0 : i32
      %dma_start3A_741 = arith.constant 0 : i32
      %dma_start3A_742 = tpu.memref_slice %arg7[%dma_start3A_728, %dma_start3A_740, %dma_start3A_741] : memref<4x128x128xf32, #tpu.memory_space<vmem>> -> memref<1x128x128xf32, #tpu.memory_space<vmem>>
      %dma_start3A_743 = tpu.memref_squeeze %dma_start3A_742 : memref<1x128x128xf32, #tpu.memory_space<vmem>> -> memref<128x128xf32, #tpu.memory_space<vmem>>
      tpu.enqueue_dma source(%dma_start3A_743 : memref<128x128xf32, #tpu.memory_space<vmem>>) target(%dma_start3A_739 : memref<128x128xf32, #tpu.memory_space<hbm>>) target_semaphore(%dma_start3A_737 : memref<!tpu.dma_semaphore, #tpu.memory_space<semaphore_mem>>)
      %dma_wait3A_744 = arith.constant 0 : i32
      %dma_wait3A_745 = arith.constant 0 : i32
      %dma_wait3A_746 = arith.constant 0 : i32
      %dma_wait3A_747 = arith.constant 0 : i32
      %dma_wait3A_748 = tpu.memref_slice %arg7[%dma_wait3A_744, %dma_wait3A_746, %dma_wait3A_747] : memref<4x128x128xf32, #tpu.memory_space<vmem>> -> memref<1x128x128xf32, #tpu.memory_space<vmem>>
      %dma_wait3A_749 = tpu.memref_squeeze %dma_wait3A_748 : memref<1x128x128xf32, #tpu.memory_space<vmem>> -> memref<128x128xf32, #tpu.memory_space<vmem>>
      %dma_wait3A_750 = arith.constant 0 : i32
      %dma_wait3A_751 = arith.constant 0 : i32
      %dma_wait3A_752 = tpu.memref_slice %arg5[%dma_wait3A_750, %dma_wait3A_751] : memref<819200x128xf32, #tpu.memory_space<hbm>> -> memref<128x128xf32, #tpu.memory_space<hbm>>
      %dma_wait3A_753 = tpu.memref_slice %arg10[%dma_wait3A_745] : memref<4x!tpu.dma_semaphore, #tpu.memory_space<semaphore_mem>> -> memref<1x!tpu.dma_semaphore, #tpu.memory_space<semaphore_mem>>
      %dma_wait3A_754 = tpu.memref_squeeze %dma_wait3A_753 : memref<1x!tpu.dma_semaphore, #tpu.memory_space<semaphore_mem>> -> memref<!tpu.dma_semaphore, #tpu.memory_space<semaphore_mem>>
      %dma_wait3A_755 = arith.constant 0 : i32
      %dma_wait3A_756 = arith.constant 0 : i32
      %dma_wait3A_757 = tpu.memref_slice %arg5[%dma_wait3A_755, %dma_wait3A_756] : memref<819200x128xf32, #tpu.memory_space<hbm>> -> memref<128x128xf32, #tpu.memory_space<hbm>>
      %dma_wait3A_758 = arith.constant 0 : i32
      %dma_wait3A_759 = arith.constant 0 : i32
      %dma_wait3A_760 = tpu.memref_slice %arg7[%dma_wait3A_744, %dma_wait3A_758, %dma_wait3A_759] : memref<4x128x128xf32, #tpu.memory_space<vmem>> -> memref<1x128x128xf32, #tpu.memory_space<vmem>>
      %dma_wait3A_761 = tpu.memref_squeeze %dma_wait3A_760 : memref<1x128x128xf32, #tpu.memory_space<vmem>> -> memref<128x128xf32, #tpu.memory_space<vmem>>
      tpu.wait_dma2 semaphore(%dma_wait3A_754 : memref<!tpu.dma_semaphore, #tpu.memory_space<semaphore_mem>>) src(%dma_wait3A_761 : memref<128x128xf32, #tpu.memory_space<vmem>>) dst(%dma_wait3A_757 : memref<128x128xf32, #tpu.memory_space<hbm>>)
      %add3A_762 = arith.constant 1 : i32
      %add3A_763 = arith.addi %mul3A_622, %add3A_762 : i32
      %add3A_764 = arith.constant 4 : i32
      %add3A_765 = arith.addi %add3A_763, %add3A_764 : i32
      %sub3A_766 = arith.constant 1 : i32
      %sub3A_767 = arith.subi %add3A_765, %sub3A_766 : i32
      %dma_start3A_768 = arith.constant 0 : i32
      %dma_start3A_769 = arith.constant 0 : i32
      %dma_start3A_770 = arith.constant 0 : i32
      %dma_start3A_771 = arith.constant 0 : i32
      %dma_start3A_772 = tpu.memref_slice %arg7[%dma_start3A_768, %dma_start3A_770, %dma_start3A_771] : memref<4x128x128xf32, #tpu.memory_space<vmem>> -> memref<1x128x128xf32, #tpu.memory_space<vmem>>
      %dma_start3A_773 = tpu.memref_squeeze %dma_start3A_772 : memref<1x128x128xf32, #tpu.memory_space<vmem>> -> memref<128x128xf32, #tpu.memory_space<vmem>>
      %dma_start3A_774 = arith.constant 0 : i32
      %dma_start3A_775 = tpu.memref_slice %arg6[%sub3A_767, %dma_start3A_774] : memref<200x128xi32, #tpu.memory_space<vmem>> -> memref<1x128xi32, #tpu.memory_space<vmem>>
      %dma_start3A_776 = tpu.memref_squeeze %dma_start3A_775 : memref<1x128xi32, #tpu.memory_space<vmem>> -> memref<128xi32, #tpu.memory_space<vmem>>
      %dma_start3A_777 = arith.constant 0 : i32
      %dma_start3A_778 = arith.constant 0 : i32
      %dma_start3A_779 = tpu.memref_slice %arg3[%dma_start3A_777, %dma_start3A_778] : memref<1000000x128xf32, #tpu.memory_space<hbm>> -> memref<1000000x128xf32, #tpu.memory_space<hbm>>
      %dma_start3A_780 = tpu.memref_slice %arg9[%dma_start3A_769] : memref<4x!tpu.dma_semaphore, #tpu.memory_space<semaphore_mem>> -> memref<1x!tpu.dma_semaphore, #tpu.memory_space<semaphore_mem>>
      %dma_start3A_781 = tpu.memref_squeeze %dma_start3A_780 : memref<1x!tpu.dma_semaphore, #tpu.memory_space<semaphore_mem>> -> memref<!tpu.dma_semaphore, #tpu.memory_space<semaphore_mem>>
      tpu.enqueue_indirect_dma source(%dma_start3A_779 : memref<1000000x128xf32, #tpu.memory_space<hbm>>) target(%dma_start3A_773 : memref<128x128xf32, #tpu.memory_space<vmem>>) offsets(%dma_start3A_776 : memref<128xi32, #tpu.memory_space<vmem>>) semaphore(%dma_start3A_781 : memref<!tpu.dma_semaphore, #tpu.memory_space<semaphore_mem>>)
      %dma_wait3A_782 = arith.constant 2 : i32
      %dma_wait3A_783 = arith.constant 2 : i32
      %dma_wait3A_784 = arith.constant 0 : i32
      %dma_wait3A_785 = arith.constant 0 : i32
      %dma_wait3A_786 = tpu.memref_slice %arg7[%dma_wait3A_782, %dma_wait3A_784, %dma_wait3A_785] : memref<4x128x128xf32, #tpu.memory_space<vmem>> -> memref<1x128x128xf32, #tpu.memory_space<vmem>>
      %dma_wait3A_787 = tpu.memref_squeeze %dma_wait3A_786 : memref<1x128x128xf32, #tpu.memory_space<vmem>> -> memref<128x128xf32, #tpu.memory_space<vmem>>
      %dma_wait3A_788 = arith.constant 0 : i32
      %dma_wait3A_789 = arith.constant 0 : i32
      %dma_wait3A_790 = tpu.memref_slice %arg3[%dma_wait3A_788, %dma_wait3A_789] : memref<1000000x128xf32, #tpu.memory_space<hbm>> -> memref<128x128xf32, #tpu.memory_space<hbm>>
      %dma_wait3A_791 = tpu.memref_slice %arg9[%dma_wait3A_783] : memref<4x!tpu.dma_semaphore, #tpu.memory_space<semaphore_mem>> -> memref<1x!tpu.dma_semaphore, #tpu.memory_space<semaphore_mem>>
      %dma_wait3A_792 = tpu.memref_squeeze %dma_wait3A_791 : memref<1x!tpu.dma_semaphore, #tpu.memory_space<semaphore_mem>> -> memref<!tpu.dma_semaphore, #tpu.memory_space<semaphore_mem>>
      %dma_wait3A_793 = arith.constant 0 : i32
      %dma_wait3A_794 = arith.constant 0 : i32
      %dma_wait3A_795 = tpu.memref_slice %arg7[%dma_wait3A_782, %dma_wait3A_793, %dma_wait3A_794] : memref<4x128x128xf32, #tpu.memory_space<vmem>> -> memref<1x128x128xf32, #tpu.memory_space<vmem>>
      %dma_wait3A_796 = tpu.memref_squeeze %dma_wait3A_795 : memref<1x128x128xf32, #tpu.memory_space<vmem>> -> memref<128x128xf32, #tpu.memory_space<vmem>>
      %dma_wait3A_797 = arith.constant 0 : i32
      %dma_wait3A_798 = arith.constant 0 : i32
      %dma_wait3A_799 = tpu.memref_slice %arg3[%dma_wait3A_797, %dma_wait3A_798] : memref<1000000x128xf32, #tpu.memory_space<hbm>> -> memref<128x128xf32, #tpu.memory_space<hbm>>
      tpu.wait_dma2 semaphore(%dma_wait3A_792 : memref<!tpu.dma_semaphore, #tpu.memory_space<semaphore_mem>>) src(%dma_wait3A_799 : memref<128x128xf32, #tpu.memory_space<hbm>>) dst(%dma_wait3A_796 : memref<128x128xf32, #tpu.memory_space<vmem>>)
      %parallel_loop3A_800 = arith.constant 0 : i32
      %parallel_loop3A_801 = arith.constant 128 : i32
      %parallel_loop3A_802 = arith.constant 1 : i32
      scf.for %parallel_loop3A_942 = %parallel_loop3A_800 to %parallel_loop3A_801 step %parallel_loop3A_802  : i32 {
        %parallel_loop3A_943 = arith.constant 2 : i32
        %parallel_loop3A_944 = arith.index_cast %parallel_loop3A_943 : i32 to index
        %parallel_loop3A_945 = arith.index_cast %parallel_loop3A_942 : i32 to index
        %parallel_loop3A_946 = arith.constant 0 : index
        %parallel_loop3A_947 = tpu.vector_load %arg7[%parallel_loop3A_944, %parallel_loop3A_945, %parallel_loop3A_946] {strides = array<i32>} : memref<4x128x128xf32, #tpu.memory_space<vmem>>, vector<1x1x16xf32>,
        %parallel_loop3A_948 = vector.shape_cast %parallel_loop3A_947 : vector<1x1x16xf32> to vector<16xf32>
        %parallel_loop3A_949 = arith.mulf %parallel_loop3A_948, %get3A_4 : vector<16xf32>
        %parallel_loop3A_950 = arith.constant 2 : i32
        %parallel_loop3A_951 = arith.index_cast %parallel_loop3A_950 : i32 to index
        %parallel_loop3A_952 = arith.index_cast %parallel_loop3A_942 : i32 to index
        %parallel_loop3A_953 = arith.constant 0 : index
        %parallel_loop3A_954 = tpu.vector_load %arg7[%parallel_loop3A_951, %parallel_loop3A_952, %parallel_loop3A_953] {strides = array<i32>} : memref<4x128x128xf32, #tpu.memory_space<vmem>>, vector<1x1x16xf32>,
        %parallel_loop3A_955 = vector.shape_cast %parallel_loop3A_954 : vector<1x1x16xf32> to vector<16xf32>
        %parallel_loop3A_956 = vector.shape_cast %parallel_loop3A_949 : vector<16xf32> to vector<1x1x16xf32>
        tpu.vector_store %arg7[%parallel_loop3A_951, %parallel_loop3A_952, %parallel_loop3A_953], %parallel_loop3A_956 {strides = array<i32>} : memref<4x128x128xf32, #tpu.memory_space<vmem>>, vector<1x1x16xf32>,
        %parallel_loop3A_957 = arith.constant 2 : i32
        %parallel_loop3A_958 = arith.index_cast %parallel_loop3A_957 : i32 to index
        %parallel_loop3A_959 = arith.index_cast %parallel_loop3A_942 : i32 to index
        %parallel_loop3A_960 = arith.constant 16 : index
        %parallel_loop3A_961 = tpu.vector_load %arg7[%parallel_loop3A_958, %parallel_loop3A_959, %parallel_loop3A_960] {strides = array<i32>} : memref<4x128x128xf32, #tpu.memory_space<vmem>>, vector<1x1x16xf32>,
        %parallel_loop3A_962 = vector.shape_cast %parallel_loop3A_961 : vector<1x1x16xf32> to vector<16xf32>
        %parallel_loop3A_963 = arith.mulf %parallel_loop3A_962, %get3A_7 : vector<16xf32>
        %parallel_loop3A_964 = arith.constant 2 : i32
        %parallel_loop3A_965 = arith.index_cast %parallel_loop3A_964 : i32 to index
        %parallel_loop3A_966 = arith.index_cast %parallel_loop3A_942 : i32 to index
        %parallel_loop3A_967 = arith.constant 16 : index
        %parallel_loop3A_968 = tpu.vector_load %arg7[%parallel_loop3A_965, %parallel_loop3A_966, %parallel_loop3A_967] {strides = array<i32>} : memref<4x128x128xf32, #tpu.memory_space<vmem>>, vector<1x1x16xf32>,
        %parallel_loop3A_969 = vector.shape_cast %parallel_loop3A_968 : vector<1x1x16xf32> to vector<16xf32>
        %parallel_loop3A_970 = vector.shape_cast %parallel_loop3A_963 : vector<16xf32> to vector<1x1x16xf32>
        tpu.vector_store %arg7[%parallel_loop3A_965, %parallel_loop3A_966, %parallel_loop3A_967], %parallel_loop3A_970 {strides = array<i32>} : memref<4x128x128xf32, #tpu.memory_space<vmem>>, vector<1x1x16xf32>,
        %parallel_loop3A_971 = arith.constant 2 : i32
        %parallel_loop3A_972 = arith.index_cast %parallel_loop3A_971 : i32 to index
        %parallel_loop3A_973 = arith.index_cast %parallel_loop3A_942 : i32 to index
        %parallel_loop3A_974 = arith.constant 32 : index
        %parallel_loop3A_975 = tpu.vector_load %arg7[%parallel_loop3A_972, %parallel_loop3A_973, %parallel_loop3A_974] {strides = array<i32>} : memref<4x128x128xf32, #tpu.memory_space<vmem>>, vector<1x1x16xf32>,
        %parallel_loop3A_976 = vector.shape_cast %parallel_loop3A_975 : vector<1x1x16xf32> to vector<16xf32>
        %parallel_loop3A_977 = arith.mulf %parallel_loop3A_976, %get3A_10 : vector<16xf32>
        %parallel_loop3A_978 = arith.constant 2 : i32
        %parallel_loop3A_979 = arith.index_cast %parallel_loop3A_978 : i32 to index
        %parallel_loop3A_980 = arith.index_cast %parallel_loop3A_942 : i32 to index
        %parallel_loop3A_981 = arith.constant 32 : index
        %parallel_loop3A_982 = tpu.vector_load %arg7[%parallel_loop3A_979, %parallel_loop3A_980, %parallel_loop3A_981] {strides = array<i32>} : memref<4x128x128xf32, #tpu.memory_space<vmem>>, vector<1x1x16xf32>,
        %parallel_loop3A_983 = vector.shape_cast %parallel_loop3A_982 : vector<1x1x16xf32> to vector<16xf32>
        %parallel_loop3A_984 = vector.shape_cast %parallel_loop3A_977 : vector<16xf32> to vector<1x1x16xf32>
        tpu.vector_store %arg7[%parallel_loop3A_979, %parallel_loop3A_980, %parallel_loop3A_981], %parallel_loop3A_984 {strides = array<i32>} : memref<4x128x128xf32, #tpu.memory_space<vmem>>, vector<1x1x16xf32>,
        %parallel_loop3A_985 = arith.constant 2 : i32
        %parallel_loop3A_986 = arith.index_cast %parallel_loop3A_985 : i32 to index
        %parallel_loop3A_987 = arith.index_cast %parallel_loop3A_942 : i32 to index
        %parallel_loop3A_988 = arith.constant 48 : index
        %parallel_loop3A_989 = tpu.vector_load %arg7[%parallel_loop3A_986, %parallel_loop3A_987, %parallel_loop3A_988] {strides = array<i32>} : memref<4x128x128xf32, #tpu.memory_space<vmem>>, vector<1x1x16xf32>,
        %parallel_loop3A_990 = vector.shape_cast %parallel_loop3A_989 : vector<1x1x16xf32> to vector<16xf32>
        %parallel_loop3A_991 = arith.mulf %parallel_loop3A_990, %get3A_13 : vector<16xf32>
        %parallel_loop3A_992 = arith.constant 2 : i32
        %parallel_loop3A_993 = arith.index_cast %parallel_loop3A_992 : i32 to index
        %parallel_loop3A_994 = arith.index_cast %parallel_loop3A_942 : i32 to index
        %parallel_loop3A_995 = arith.constant 48 : index
        %parallel_loop3A_996 = tpu.vector_load %arg7[%parallel_loop3A_993, %parallel_loop3A_994, %parallel_loop3A_995] {strides = array<i32>} : memref<4x128x128xf32, #tpu.memory_space<vmem>>, vector<1x1x16xf32>,
        %parallel_loop3A_997 = vector.shape_cast %parallel_loop3A_996 : vector<1x1x16xf32> to vector<16xf32>
        %parallel_loop3A_998 = vector.shape_cast %parallel_loop3A_991 : vector<16xf32> to vector<1x1x16xf32>
        tpu.vector_store %arg7[%parallel_loop3A_993, %parallel_loop3A_994, %parallel_loop3A_995], %parallel_loop3A_998 {strides = array<i32>} : memref<4x128x128xf32, #tpu.memory_space<vmem>>, vector<1x1x16xf32>,
        %parallel_loop3A_999 = arith.constant 2 : i32
        %parallel_loop3A_1000 = arith.index_cast %parallel_loop3A_999 : i32 to index
        %parallel_loop3A_1001 = arith.index_cast %parallel_loop3A_942 : i32 to index
        %parallel_loop3A_1002 = arith.constant 64 : index
        %parallel_loop3A_1003 = tpu.vector_load %arg7[%parallel_loop3A_1000, %parallel_loop3A_1001, %parallel_loop3A_1002] {strides = array<i32>} : memref<4x128x128xf32, #tpu.memory_space<vmem>>, vector<1x1x16xf32>,
        %parallel_loop3A_1004 = vector.shape_cast %parallel_loop3A_1003 : vector<1x1x16xf32> to vector<16xf32>
        %parallel_loop3A_1005 = arith.mulf %parallel_loop3A_1004, %get3A_16 : vector<16xf32>
        %parallel_loop3A_1006 = arith.constant 2 : i32
        %parallel_loop3A_1007 = arith.index_cast %parallel_loop3A_1006 : i32 to index
        %parallel_loop3A_1008 = arith.index_cast %parallel_loop3A_942 : i32 to index
        %parallel_loop3A_1009 = arith.constant 64 : index
        %parallel_loop3A_1010 = tpu.vector_load %arg7[%parallel_loop3A_1007, %parallel_loop3A_1008, %parallel_loop3A_1009] {strides = array<i32>} : memref<4x128x128xf32, #tpu.memory_space<vmem>>, vector<1x1x16xf32>,
        %parallel_loop3A_1011 = vector.shape_cast %parallel_loop3A_1010 : vector<1x1x16xf32> to vector<16xf32>
        %parallel_loop3A_1012 = vector.shape_cast %parallel_loop3A_1005 : vector<16xf32> to vector<1x1x16xf32>
        tpu.vector_store %arg7[%parallel_loop3A_1007, %parallel_loop3A_1008, %parallel_loop3A_1009], %parallel_loop3A_1012 {strides = array<i32>} : memref<4x128x128xf32, #tpu.memory_space<vmem>>, vector<1x1x16xf32>,
        %parallel_loop3A_1013 = arith.constant 2 : i32
        %parallel_loop3A_1014 = arith.index_cast %parallel_loop3A_1013 : i32 to index
        %parallel_loop3A_1015 = arith.index_cast %parallel_loop3A_942 : i32 to index
        %parallel_loop3A_1016 = arith.constant 80 : index
        %parallel_loop3A_1017 = tpu.vector_load %arg7[%parallel_loop3A_1014, %parallel_loop3A_1015, %parallel_loop3A_1016] {strides = array<i32>} : memref<4x128x128xf32, #tpu.memory_space<vmem>>, vector<1x1x16xf32>,
        %parallel_loop3A_1018 = vector.shape_cast %parallel_loop3A_1017 : vector<1x1x16xf32> to vector<16xf32>
        %parallel_loop3A_1019 = arith.mulf %parallel_loop3A_1018, %get3A_19 : vector<16xf32>
        %parallel_loop3A_1020 = arith.constant 2 : i32
        %parallel_loop3A_1021 = arith.index_cast %parallel_loop3A_1020 : i32 to index
        %parallel_loop3A_1022 = arith.index_cast %parallel_loop3A_942 : i32 to index
        %parallel_loop3A_1023 = arith.constant 80 : index
        %parallel_loop3A_1024 = tpu.vector_load %arg7[%parallel_loop3A_1021, %parallel_loop3A_1022, %parallel_loop3A_1023] {strides = array<i32>} : memref<4x128x128xf32, #tpu.memory_space<vmem>>, vector<1x1x16xf32>,
        %parallel_loop3A_1025 = vector.shape_cast %parallel_loop3A_1024 : vector<1x1x16xf32> to vector<16xf32>
        %parallel_loop3A_1026 = vector.shape_cast %parallel_loop3A_1019 : vector<16xf32> to vector<1x1x16xf32>
        tpu.vector_store %arg7[%parallel_loop3A_1021, %parallel_loop3A_1022, %parallel_loop3A_1023], %parallel_loop3A_1026 {strides = array<i32>} : memref<4x128x128xf32, #tpu.memory_space<vmem>>, vector<1x1x16xf32>,
        %parallel_loop3A_1027 = arith.constant 2 : i32
        %parallel_loop3A_1028 = arith.index_cast %parallel_loop3A_1027 : i32 to index
        %parallel_loop3A_1029 = arith.index_cast %parallel_loop3A_942 : i32 to index
        %parallel_loop3A_1030 = arith.constant 96 : index
        %parallel_loop3A_1031 = tpu.vector_load %arg7[%parallel_loop3A_1028, %parallel_loop3A_1029, %parallel_loop3A_1030] {strides = array<i32>} : memref<4x128x128xf32, #tpu.memory_space<vmem>>, vector<1x1x16xf32>,
        %parallel_loop3A_1032 = vector.shape_cast %parallel_loop3A_1031 : vector<1x1x16xf32> to vector<16xf32>
        %parallel_loop3A_1033 = arith.mulf %parallel_loop3A_1032, %get3A_22 : vector<16xf32>
        %parallel_loop3A_1034 = arith.constant 2 : i32
        %parallel_loop3A_1035 = arith.index_cast %parallel_loop3A_1034 : i32 to index
        %parallel_loop3A_1036 = arith.index_cast %parallel_loop3A_942 : i32 to index
        %parallel_loop3A_1037 = arith.constant 96 : index
        %parallel_loop3A_1038 = tpu.vector_load %arg7[%parallel_loop3A_1035, %parallel_loop3A_1036, %parallel_loop3A_1037] {strides = array<i32>} : memref<4x128x128xf32, #tpu.memory_space<vmem>>, vector<1x1x16xf32>,
        %parallel_loop3A_1039 = vector.shape_cast %parallel_loop3A_1038 : vector<1x1x16xf32> to vector<16xf32>
        %parallel_loop3A_1040 = vector.shape_cast %parallel_loop3A_1033 : vector<16xf32> to vector<1x1x16xf32>
        tpu.vector_store %arg7[%parallel_loop3A_1035, %parallel_loop3A_1036, %parallel_loop3A_1037], %parallel_loop3A_1040 {strides = array<i32>} : memref<4x128x128xf32, #tpu.memory_space<vmem>>, vector<1x1x16xf32>,
        %parallel_loop3A_1041 = arith.constant 2 : i32
        %parallel_loop3A_1042 = arith.index_cast %parallel_loop3A_1041 : i32 to index
        %parallel_loop3A_1043 = arith.index_cast %parallel_loop3A_942 : i32 to index
        %parallel_loop3A_1044 = arith.constant 112 : index
        %parallel_loop3A_1045 = tpu.vector_load %arg7[%parallel_loop3A_1042, %parallel_loop3A_1043, %parallel_loop3A_1044] {strides = array<i32>} : memref<4x128x128xf32, #tpu.memory_space<vmem>>, vector<1x1x16xf32>,
        %parallel_loop3A_1046 = vector.shape_cast %parallel_loop3A_1045 : vector<1x1x16xf32> to vector<16xf32>
        %parallel_loop3A_1047 = arith.mulf %parallel_loop3A_1046, %get3A_25 : vector<16xf32>
        %parallel_loop3A_1048 = arith.constant 2 : i32
        %parallel_loop3A_1049 = arith.index_cast %parallel_loop3A_1048 : i32 to index
        %parallel_loop3A_1050 = arith.index_cast %parallel_loop3A_942 : i32 to index
        %parallel_loop3A_1051 = arith.constant 112 : index
        %parallel_loop3A_1052 = tpu.vector_load %arg7[%parallel_loop3A_1049, %parallel_loop3A_1050, %parallel_loop3A_1051] {strides = array<i32>} : memref<4x128x128xf32, #tpu.memory_space<vmem>>, vector<1x1x16xf32>,
        %parallel_loop3A_1053 = vector.shape_cast %parallel_loop3A_1052 : vector<1x1x16xf32> to vector<16xf32>
        %parallel_loop3A_1054 = vector.shape_cast %parallel_loop3A_1047 : vector<16xf32> to vector<1x1x16xf32>
        tpu.vector_store %arg7[%parallel_loop3A_1049, %parallel_loop3A_1050, %parallel_loop3A_1051], %parallel_loop3A_1054 {strides = array<i32>} : memref<4x128x128xf32, #tpu.memory_space<vmem>>, vector<1x1x16xf32>,
      } {sc.loop_unroll_factor = 4 : i64, sc.parallel_access}
      %add3A_803 = arith.constant 2 : i32
      %add3A_804 = arith.addi %mul3A_622, %add3A_803 : i32
      %add3A_805 = arith.addi %mul3A_2, %add3A_804 : i32
      %mul3A_806 = arith.constant 128 : i32
      %mul3A_807 = arith.muli %add3A_805, %mul3A_806 : i32
      %dma_start3A_808 = arith.constant 2 : i32
      %dma_start3A_809 = arith.constant 2 : i32
      %dma_start3A_810 = arith.constant 0 : i32
      %dma_start3A_811 = arith.constant 0 : i32
      %dma_start3A_812 = tpu.memref_slice %arg7[%dma_start3A_808, %dma_start3A_810, %dma_start3A_811] : memref<4x128x128xf32, #tpu.memory_space<vmem>> -> memref<1x128x128xf32, #tpu.memory_space<vmem>>
      %dma_start3A_813 = tpu.memref_squeeze %dma_start3A_812 : memref<1x128x128xf32, #tpu.memory_space<vmem>> -> memref<128x128xf32, #tpu.memory_space<vmem>>
      %dma_start3A_814 = arith.constant 0 : i32
      %dma_start3A_815 = tpu.memref_slice %arg5[%mul3A_807, %dma_start3A_814] : memref<819200x128xf32, #tpu.memory_space<hbm>> -> memref<128x128xf32, #tpu.memory_space<hbm>>
      %dma_start3A_816 = tpu.memref_slice %arg10[%dma_start3A_809] : memref<4x!tpu.dma_semaphore, #tpu.memory_space<semaphore_mem>> -> memref<1x!tpu.dma_semaphore, #tpu.memory_space<semaphore_mem>>
      %dma_start3A_817 = tpu.memref_squeeze %dma_start3A_816 : memref<1x!tpu.dma_semaphore, #tpu.memory_space<semaphore_mem>> -> memref<!tpu.dma_semaphore, #tpu.memory_space<semaphore_mem>>
      %dma_start3A_818 = arith.constant 0 : i32
      %dma_start3A_819 = tpu.memref_slice %arg5[%mul3A_807, %dma_start3A_818] : memref<819200x128xf32, #tpu.memory_space<hbm>> -> memref<128x128xf32, #tpu.memory_space<hbm>>
      %dma_start3A_820 = arith.constant 0 : i32
      %dma_start3A_821 = arith.constant 0 : i32
      %dma_start3A_822 = tpu.memref_slice %arg7[%dma_start3A_808, %dma_start3A_820, %dma_start3A_821] : memref<4x128x128xf32, #tpu.memory_space<vmem>> -> memref<1x128x128xf32, #tpu.memory_space<vmem>>
      %dma_start3A_823 = tpu.memref_squeeze %dma_start3A_822 : memref<1x128x128xf32, #tpu.memory_space<vmem>> -> memref<128x128xf32, #tpu.memory_space<vmem>>
      tpu.enqueue_dma source(%dma_start3A_823 : memref<128x128xf32, #tpu.memory_space<vmem>>) target(%dma_start3A_819 : memref<128x128xf32, #tpu.memory_space<hbm>>) target_semaphore(%dma_start3A_817 : memref<!tpu.dma_semaphore, #tpu.memory_space<semaphore_mem>>)
      %dma_wait3A_824 = arith.constant 1 : i32
      %dma_wait3A_825 = arith.constant 1 : i32
      %dma_wait3A_826 = arith.constant 0 : i32
      %dma_wait3A_827 = arith.constant 0 : i32
      %dma_wait3A_828 = tpu.memref_slice %arg7[%dma_wait3A_824, %dma_wait3A_826, %dma_wait3A_827] : memref<4x128x128xf32, #tpu.memory_space<vmem>> -> memref<1x128x128xf32, #tpu.memory_space<vmem>>
      %dma_wait3A_829 = tpu.memref_squeeze %dma_wait3A_828 : memref<1x128x128xf32, #tpu.memory_space<vmem>> -> memref<128x128xf32, #tpu.memory_space<vmem>>
      %dma_wait3A_830 = arith.constant 0 : i32
      %dma_wait3A_831 = arith.constant 0 : i32
      %dma_wait3A_832 = tpu.memref_slice %arg5[%dma_wait3A_830, %dma_wait3A_831] : memref<819200x128xf32, #tpu.memory_space<hbm>> -> memref<128x128xf32, #tpu.memory_space<hbm>>
      %dma_wait3A_833 = tpu.memref_slice %arg10[%dma_wait3A_825] : memref<4x!tpu.dma_semaphore, #tpu.memory_space<semaphore_mem>> -> memref<1x!tpu.dma_semaphore, #tpu.memory_space<semaphore_mem>>
      %dma_wait3A_834 = tpu.memref_squeeze %dma_wait3A_833 : memref<1x!tpu.dma_semaphore, #tpu.memory_space<semaphore_mem>> -> memref<!tpu.dma_semaphore, #tpu.memory_space<semaphore_mem>>
      %dma_wait3A_835 = arith.constant 0 : i32
      %dma_wait3A_836 = arith.constant 0 : i32
      %dma_wait3A_837 = tpu.memref_slice %arg5[%dma_wait3A_835, %dma_wait3A_836] : memref<819200x128xf32, #tpu.memory_space<hbm>> -> memref<128x128xf32, #tpu.memory_space<hbm>>
      %dma_wait3A_838 = arith.constant 0 : i32
      %dma_wait3A_839 = arith.constant 0 : i32
      %dma_wait3A_840 = tpu.memref_slice %arg7[%dma_wait3A_824, %dma_wait3A_838, %dma_wait3A_839] : memref<4x128x128xf32, #tpu.memory_space<vmem>> -> memref<1x128x128xf32, #tpu.memory_space<vmem>>
      %dma_wait3A_841 = tpu.memref_squeeze %dma_wait3A_840 : memref<1x128x128xf32, #tpu.memory_space<vmem>> -> memref<128x128xf32, #tpu.memory_space<vmem>>
      tpu.wait_dma2 semaphore(%dma_wait3A_834 : memref<!tpu.dma_semaphore, #tpu.memory_space<semaphore_mem>>) src(%dma_wait3A_841 : memref<128x128xf32, #tpu.memory_space<vmem>>) dst(%dma_wait3A_837 : memref<128x128xf32, #tpu.memory_space<hbm>>)
      %add3A_842 = arith.constant 2 : i32
      %add3A_843 = arith.addi %mul3A_622, %add3A_842 : i32
      %add3A_844 = arith.constant 4 : i32
      %add3A_845 = arith.addi %add3A_843, %add3A_844 : i32
      %sub3A_846 = arith.constant 1 : i32
      %sub3A_847 = arith.subi %add3A_845, %sub3A_846 : i32
      %dma_start3A_848 = arith.constant 1 : i32
      %dma_start3A_849 = arith.constant 1 : i32
      %dma_start3A_850 = arith.constant 0 : i32
      %dma_start3A_851 = arith.constant 0 : i32
      %dma_start3A_852 = tpu.memref_slice %arg7[%dma_start3A_848, %dma_start3A_850, %dma_start3A_851] : memref<4x128x128xf32, #tpu.memory_space<vmem>> -> memref<1x128x128xf32, #tpu.memory_space<vmem>>
      %dma_start3A_853 = tpu.memref_squeeze %dma_start3A_852 : memref<1x128x128xf32, #tpu.memory_space<vmem>> -> memref<128x128xf32, #tpu.memory_space<vmem>>
      %dma_start3A_854 = arith.constant 0 : i32
      %dma_start3A_855 = tpu.memref_slice %arg6[%sub3A_847, %dma_start3A_854] : memref<200x128xi32, #tpu.memory_space<vmem>> -> memref<1x128xi32, #tpu.memory_space<vmem>>
      %dma_start3A_856 = tpu.memref_squeeze %dma_start3A_855 : memref<1x128xi32, #tpu.memory_space<vmem>> -> memref<128xi32, #tpu.memory_space<vmem>>
      %dma_start3A_857 = arith.constant 0 : i32
      %dma_start3A_858 = arith.constant 0 : i32
      %dma_start3A_859 = tpu.memref_slice %arg3[%dma_start3A_857, %dma_start3A_858] : memref<1000000x128xf32, #tpu.memory_space<hbm>> -> memref<1000000x128xf32, #tpu.memory_space<hbm>>
      %dma_start3A_860 = tpu.memref_slice %arg9[%dma_start3A_849] : memref<4x!tpu.dma_semaphore, #tpu.memory_space<semaphore_mem>> -> memref<1x!tpu.dma_semaphore, #tpu.memory_space<semaphore_mem>>
      %dma_start3A_861 = tpu.memref_squeeze %dma_start3A_860 : memref<1x!tpu.dma_semaphore, #tpu.memory_space<semaphore_mem>> -> memref<!tpu.dma_semaphore, #tpu.memory_space<semaphore_mem>>
      tpu.enqueue_indirect_dma source(%dma_start3A_859 : memref<1000000x128xf32, #tpu.memory_space<hbm>>) target(%dma_start3A_853 : memref<128x128xf32, #tpu.memory_space<vmem>>) offsets(%dma_start3A_856 : memref<128xi32, #tpu.memory_space<vmem>>) semaphore(%dma_start3A_861 : memref<!tpu.dma_semaphore, #tpu.memory_space<semaphore_mem>>)
      %dma_wait3A_862 = arith.constant 3 : i32
      %dma_wait3A_863 = arith.constant 3 : i32
      %dma_wait3A_864 = arith.constant 0 : i32
      %dma_wait3A_865 = arith.constant 0 : i32
      %dma_wait3A_866 = tpu.memref_slice %arg7[%dma_wait3A_862, %dma_wait3A_864, %dma_wait3A_865] : memref<4x128x128xf32, #tpu.memory_space<vmem>> -> memref<1x128x128xf32, #tpu.memory_space<vmem>>
      %dma_wait3A_867 = tpu.memref_squeeze %dma_wait3A_866 : memref<1x128x128xf32, #tpu.memory_space<vmem>> -> memref<128x128xf32, #tpu.memory_space<vmem>>
      %dma_wait3A_868 = arith.constant 0 : i32
      %dma_wait3A_869 = arith.constant 0 : i32
      %dma_wait3A_870 = tpu.memref_slice %arg3[%dma_wait3A_868, %dma_wait3A_869] : memref<1000000x128xf32, #tpu.memory_space<hbm>> -> memref<128x128xf32, #tpu.memory_space<hbm>>
      %dma_wait3A_871 = tpu.memref_slice %arg9[%dma_wait3A_863] : memref<4x!tpu.dma_semaphore, #tpu.memory_space<semaphore_mem>> -> memref<1x!tpu.dma_semaphore, #tpu.memory_space<semaphore_mem>>
      %dma_wait3A_872 = tpu.memref_squeeze %dma_wait3A_871 : memref<1x!tpu.dma_semaphore, #tpu.memory_space<semaphore_mem>> -> memref<!tpu.dma_semaphore, #tpu.memory_space<semaphore_mem>>
      %dma_wait3A_873 = arith.constant 0 : i32
      %dma_wait3A_874 = arith.constant 0 : i32
      %dma_wait3A_875 = tpu.memref_slice %arg7[%dma_wait3A_862, %dma_wait3A_873, %dma_wait3A_874] : memref<4x128x128xf32, #tpu.memory_space<vmem>> -> memref<1x128x128xf32, #tpu.memory_space<vmem>>
      %dma_wait3A_876 = tpu.memref_squeeze %dma_wait3A_875 : memref<1x128x128xf32, #tpu.memory_space<vmem>> -> memref<128x128xf32, #tpu.memory_space<vmem>>
      %dma_wait3A_877 = arith.constant 0 : i32
      %dma_wait3A_878 = arith.constant 0 : i32
      %dma_wait3A_879 = tpu.memref_slice %arg3[%dma_wait3A_877, %dma_wait3A_878] : memref<1000000x128xf32, #tpu.memory_space<hbm>> -> memref<128x128xf32, #tpu.memory_space<hbm>>
      tpu.wait_dma2 semaphore(%dma_wait3A_872 : memref<!tpu.dma_semaphore, #tpu.memory_space<semaphore_mem>>) src(%dma_wait3A_879 : memref<128x128xf32, #tpu.memory_space<hbm>>) dst(%dma_wait3A_876 : memref<128x128xf32, #tpu.memory_space<vmem>>)
      %parallel_loop3A_880 = arith.constant 0 : i32
      %parallel_loop3A_881 = arith.constant 128 : i32
      %parallel_loop3A_882 = arith.constant 1 : i32
      scf.for %parallel_loop3A_942 = %parallel_loop3A_880 to %parallel_loop3A_881 step %parallel_loop3A_882  : i32 {
        %parallel_loop3A_943 = arith.constant 3 : i32
        %parallel_loop3A_944 = arith.index_cast %parallel_loop3A_943 : i32 to index
        %parallel_loop3A_945 = arith.index_cast %parallel_loop3A_942 : i32 to index
        %parallel_loop3A_946 = arith.constant 0 : index
        %parallel_loop3A_947 = tpu.vector_load %arg7[%parallel_loop3A_944, %parallel_loop3A_945, %parallel_loop3A_946] {strides = array<i32>} : memref<4x128x128xf32, #tpu.memory_space<vmem>>, vector<1x1x16xf32>,
        %parallel_loop3A_948 = vector.shape_cast %parallel_loop3A_947 : vector<1x1x16xf32> to vector<16xf32>
        %parallel_loop3A_949 = arith.mulf %parallel_loop3A_948, %get3A_4 : vector<16xf32>
        %parallel_loop3A_950 = arith.constant 3 : i32
        %parallel_loop3A_951 = arith.index_cast %parallel_loop3A_950 : i32 to index
        %parallel_loop3A_952 = arith.index_cast %parallel_loop3A_942 : i32 to index
        %parallel_loop3A_953 = arith.constant 0 : index
        %parallel_loop3A_954 = tpu.vector_load %arg7[%parallel_loop3A_951, %parallel_loop3A_952, %parallel_loop3A_953] {strides = array<i32>} : memref<4x128x128xf32, #tpu.memory_space<vmem>>, vector<1x1x16xf32>,
        %parallel_loop3A_955 = vector.shape_cast %parallel_loop3A_954 : vector<1x1x16xf32> to vector<16xf32>
        %parallel_loop3A_956 = vector.shape_cast %parallel_loop3A_949 : vector<16xf32> to vector<1x1x16xf32>
        tpu.vector_store %arg7[%parallel_loop3A_951, %parallel_loop3A_952, %parallel_loop3A_953], %parallel_loop3A_956 {strides = array<i32>} : memref<4x128x128xf32, #tpu.memory_space<vmem>>, vector<1x1x16xf32>,
        %parallel_loop3A_957 = arith.constant 3 : i32
        %parallel_loop3A_958 = arith.index_cast %parallel_loop3A_957 : i32 to index
        %parallel_loop3A_959 = arith.index_cast %parallel_loop3A_942 : i32 to index
        %parallel_loop3A_960 = arith.constant 16 : index
        %parallel_loop3A_961 = tpu.vector_load %arg7[%parallel_loop3A_958, %parallel_loop3A_959, %parallel_loop3A_960] {strides = array<i32>} : memref<4x128x128xf32, #tpu.memory_space<vmem>>, vector<1x1x16xf32>,
        %parallel_loop3A_962 = vector.shape_cast %parallel_loop3A_961 : vector<1x1x16xf32> to vector<16xf32>
        %parallel_loop3A_963 = arith.mulf %parallel_loop3A_962, %get3A_7 : vector<16xf32>
        %parallel_loop3A_964 = arith.constant 3 : i32
        %parallel_loop3A_965 = arith.index_cast %parallel_loop3A_964 : i32 to index
        %parallel_loop3A_966 = arith.index_cast %parallel_loop3A_942 : i32 to index
        %parallel_loop3A_967 = arith.constant 16 : index
        %parallel_loop3A_968 = tpu.vector_load %arg7[%parallel_loop3A_965, %parallel_loop3A_966, %parallel_loop3A_967] {strides = array<i32>} : memref<4x128x128xf32, #tpu.memory_space<vmem>>, vector<1x1x16xf32>,
        %parallel_loop3A_969 = vector.shape_cast %parallel_loop3A_968 : vector<1x1x16xf32> to vector<16xf32>
        %parallel_loop3A_970 = vector.shape_cast %parallel_loop3A_963 : vector<16xf32> to vector<1x1x16xf32>
        tpu.vector_store %arg7[%parallel_loop3A_965, %parallel_loop3A_966, %parallel_loop3A_967], %parallel_loop3A_970 {strides = array<i32>} : memref<4x128x128xf32, #tpu.memory_space<vmem>>, vector<1x1x16xf32>,
        %parallel_loop3A_971 = arith.constant 3 : i32
        %parallel_loop3A_972 = arith.index_cast %parallel_loop3A_971 : i32 to index
        %parallel_loop3A_973 = arith.index_cast %parallel_loop3A_942 : i32 to index
        %parallel_loop3A_974 = arith.constant 32 : index
        %parallel_loop3A_975 = tpu.vector_load %arg7[%parallel_loop3A_972, %parallel_loop3A_973, %parallel_loop3A_974] {strides = array<i32>} : memref<4x128x128xf32, #tpu.memory_space<vmem>>, vector<1x1x16xf32>,
        %parallel_loop3A_976 = vector.shape_cast %parallel_loop3A_975 : vector<1x1x16xf32> to vector<16xf32>
        %parallel_loop3A_977 = arith.mulf %parallel_loop3A_976, %get3A_10 : vector<16xf32>
        %parallel_loop3A_978 = arith.constant 3 : i32
        %parallel_loop3A_979 = arith.index_cast %parallel_loop3A_978 : i32 to index
        %parallel_loop3A_980 = arith.index_cast %parallel_loop3A_942 : i32 to index
        %parallel_loop3A_981 = arith.constant 32 : index
        %parallel_loop3A_982 = tpu.vector_load %arg7[%parallel_loop3A_979, %parallel_loop3A_980, %parallel_loop3A_981] {strides = array<i32>} : memref<4x128x128xf32, #tpu.memory_space<vmem>>, vector<1x1x16xf32>,
        %parallel_loop3A_983 = vector.shape_cast %parallel_loop3A_982 : vector<1x1x16xf32> to vector<16xf32>
        %parallel_loop3A_984 = vector.shape_cast %parallel_loop3A_977 : vector<16xf32> to vector<1x1x16xf32>
        tpu.vector_store %arg7[%parallel_loop3A_979, %parallel_loop3A_980, %parallel_loop3A_981], %parallel_loop3A_984 {strides = array<i32>} : memref<4x128x128xf32, #tpu.memory_space<vmem>>, vector<1x1x16xf32>,
        %parallel_loop3A_985 = arith.constant 3 : i32
        %parallel_loop3A_986 = arith.index_cast %parallel_loop3A_985 : i32 to index
        %parallel_loop3A_987 = arith.index_cast %parallel_loop3A_942 : i32 to index
        %parallel_loop3A_988 = arith.constant 48 : index
        %parallel_loop3A_989 = tpu.vector_load %arg7[%parallel_loop3A_986, %parallel_loop3A_987, %parallel_loop3A_988] {strides = array<i32>} : memref<4x128x128xf32, #tpu.memory_space<vmem>>, vector<1x1x16xf32>,
        %parallel_loop3A_990 = vector.shape_cast %parallel_loop3A_989 : vector<1x1x16xf32> to vector<16xf32>
        %parallel_loop3A_991 = arith.mulf %parallel_loop3A_990, %get3A_13 : vector<16xf32>
        %parallel_loop3A_992 = arith.constant 3 : i32
        %parallel_loop3A_993 = arith.index_cast %parallel_loop3A_992 : i32 to index
        %parallel_loop3A_994 = arith.index_cast %parallel_loop3A_942 : i32 to index
        %parallel_loop3A_995 = arith.constant 48 : index
        %parallel_loop3A_996 = tpu.vector_load %arg7[%parallel_loop3A_993, %parallel_loop3A_994, %parallel_loop3A_995] {strides = array<i32>} : memref<4x128x128xf32, #tpu.memory_space<vmem>>, vector<1x1x16xf32>,
        %parallel_loop3A_997 = vector.shape_cast %parallel_loop3A_996 : vector<1x1x16xf32> to vector<16xf32>
        %parallel_loop3A_998 = vector.shape_cast %parallel_loop3A_991 : vector<16xf32> to vector<1x1x16xf32>
        tpu.vector_store %arg7[%parallel_loop3A_993, %parallel_loop3A_994, %parallel_loop3A_995], %parallel_loop3A_998 {strides = array<i32>} : memref<4x128x128xf32, #tpu.memory_space<vmem>>, vector<1x1x16xf32>,
        %parallel_loop3A_999 = arith.constant 3 : i32
        %parallel_loop3A_1000 = arith.index_cast %parallel_loop3A_999 : i32 to index
        %parallel_loop3A_1001 = arith.index_cast %parallel_loop3A_942 : i32 to index
        %parallel_loop3A_1002 = arith.constant 64 : index
        %parallel_loop3A_1003 = tpu.vector_load %arg7[%parallel_loop3A_1000, %parallel_loop3A_1001, %parallel_loop3A_1002] {strides = array<i32>} : memref<4x128x128xf32, #tpu.memory_space<vmem>>, vector<1x1x16xf32>,
        %parallel_loop3A_1004 = vector.shape_cast %parallel_loop3A_1003 : vector<1x1x16xf32> to vector<16xf32>
        %parallel_loop3A_1005 = arith.mulf %parallel_loop3A_1004, %get3A_16 : vector<16xf32>
        %parallel_loop3A_1006 = arith.constant 3 : i32
        %parallel_loop3A_1007 = arith.index_cast %parallel_loop3A_1006 : i32 to index
        %parallel_loop3A_1008 = arith.index_cast %parallel_loop3A_942 : i32 to index
        %parallel_loop3A_1009 = arith.constant 64 : index
        %parallel_loop3A_1010 = tpu.vector_load %arg7[%parallel_loop3A_1007, %parallel_loop3A_1008, %parallel_loop3A_1009] {strides = array<i32>} : memref<4x128x128xf32, #tpu.memory_space<vmem>>, vector<1x1x16xf32>,
        %parallel_loop3A_1011 = vector.shape_cast %parallel_loop3A_1010 : vector<1x1x16xf32> to vector<16xf32>
        %parallel_loop3A_1012 = vector.shape_cast %parallel_loop3A_1005 : vector<16xf32> to vector<1x1x16xf32>
        tpu.vector_store %arg7[%parallel_loop3A_1007, %parallel_loop3A_1008, %parallel_loop3A_1009], %parallel_loop3A_1012 {strides = array<i32>} : memref<4x128x128xf32, #tpu.memory_space<vmem>>, vector<1x1x16xf32>,
        %parallel_loop3A_1013 = arith.constant 3 : i32
        %parallel_loop3A_1014 = arith.index_cast %parallel_loop3A_1013 : i32 to index
        %parallel_loop3A_1015 = arith.index_cast %parallel_loop3A_942 : i32 to index
        %parallel_loop3A_1016 = arith.constant 80 : index
        %parallel_loop3A_1017 = tpu.vector_load %arg7[%parallel_loop3A_1014, %parallel_loop3A_1015, %parallel_loop3A_1016] {strides = array<i32>} : memref<4x128x128xf32, #tpu.memory_space<vmem>>, vector<1x1x16xf32>,
        %parallel_loop3A_1018 = vector.shape_cast %parallel_loop3A_1017 : vector<1x1x16xf32> to vector<16xf32>
        %parallel_loop3A_1019 = arith.mulf %parallel_loop3A_1018, %get3A_19 : vector<16xf32>
        %parallel_loop3A_1020 = arith.constant 3 : i32
        %parallel_loop3A_1021 = arith.index_cast %parallel_loop3A_1020 : i32 to index
        %parallel_loop3A_1022 = arith.index_cast %parallel_loop3A_942 : i32 to index
        %parallel_loop3A_1023 = arith.constant 80 : index
        %parallel_loop3A_1024 = tpu.vector_load %arg7[%parallel_loop3A_1021, %parallel_loop3A_1022, %parallel_loop3A_1023] {strides = array<i32>} : memref<4x128x128xf32, #tpu.memory_space<vmem>>, vector<1x1x16xf32>,
        %parallel_loop3A_1025 = vector.shape_cast %parallel_loop3A_1024 : vector<1x1x16xf32> to vector<16xf32>
        %parallel_loop3A_1026 = vector.shape_cast %parallel_loop3A_1019 : vector<16xf32> to vector<1x1x16xf32>
        tpu.vector_store %arg7[%parallel_loop3A_1021, %parallel_loop3A_1022, %parallel_loop3A_1023], %parallel_loop3A_1026 {strides = array<i32>} : memref<4x128x128xf32, #tpu.memory_space<vmem>>, vector<1x1x16xf32>,
        %parallel_loop3A_1027 = arith.constant 3 : i32
        %parallel_loop3A_1028 = arith.index_cast %parallel_loop3A_1027 : i32 to index
        %parallel_loop3A_1029 = arith.index_cast %parallel_loop3A_942 : i32 to index
        %parallel_loop3A_1030 = arith.constant 96 : index
        %parallel_loop3A_1031 = tpu.vector_load %arg7[%parallel_loop3A_1028, %parallel_loop3A_1029, %parallel_loop3A_1030] {strides = array<i32>} : memref<4x128x128xf32, #tpu.memory_space<vmem>>, vector<1x1x16xf32>,
        %parallel_loop3A_1032 = vector.shape_cast %parallel_loop3A_1031 : vector<1x1x16xf32> to vector<16xf32>
        %parallel_loop3A_1033 = arith.mulf %parallel_loop3A_1032, %get3A_22 : vector<16xf32>
        %parallel_loop3A_1034 = arith.constant 3 : i32
        %parallel_loop3A_1035 = arith.index_cast %parallel_loop3A_1034 : i32 to index
        %parallel_loop3A_1036 = arith.index_cast %parallel_loop3A_942 : i32 to index
        %parallel_loop3A_1037 = arith.constant 96 : index
        %parallel_loop3A_1038 = tpu.vector_load %arg7[%parallel_loop3A_1035, %parallel_loop3A_1036, %parallel_loop3A_1037] {strides = array<i32>} : memref<4x128x128xf32, #tpu.memory_space<vmem>>, vector<1x1x16xf32>,
        %parallel_loop3A_1039 = vector.shape_cast %parallel_loop3A_1038 : vector<1x1x16xf32> to vector<16xf32>
        %parallel_loop3A_1040 = vector.shape_cast %parallel_loop3A_1033 : vector<16xf32> to vector<1x1x16xf32>
        tpu.vector_store %arg7[%parallel_loop3A_1035, %parallel_loop3A_1036, %parallel_loop3A_1037], %parallel_loop3A_1040 {strides = array<i32>} : memref<4x128x128xf32, #tpu.memory_space<vmem>>, vector<1x1x16xf32>,
        %parallel_loop3A_1041 = arith.constant 3 : i32
        %parallel_loop3A_1042 = arith.index_cast %parallel_loop3A_1041 : i32 to index
        %parallel_loop3A_1043 = arith.index_cast %parallel_loop3A_942 : i32 to index
        %parallel_loop3A_1044 = arith.constant 112 : index
        %parallel_loop3A_1045 = tpu.vector_load %arg7[%parallel_loop3A_1042, %parallel_loop3A_1043, %parallel_loop3A_1044] {strides = array<i32>} : memref<4x128x128xf32, #tpu.memory_space<vmem>>, vector<1x1x16xf32>,
        %parallel_loop3A_1046 = vector.shape_cast %parallel_loop3A_1045 : vector<1x1x16xf32> to vector<16xf32>
        %parallel_loop3A_1047 = arith.mulf %parallel_loop3A_1046, %get3A_25 : vector<16xf32>
        %parallel_loop3A_1048 = arith.constant 3 : i32
        %parallel_loop3A_1049 = arith.index_cast %parallel_loop3A_1048 : i32 to index
        %parallel_loop3A_1050 = arith.index_cast %parallel_loop3A_942 : i32 to index
        %parallel_loop3A_1051 = arith.constant 112 : index
        %parallel_loop3A_1052 = tpu.vector_load %arg7[%parallel_loop3A_1049, %parallel_loop3A_1050, %parallel_loop3A_1051] {strides = array<i32>} : memref<4x128x128xf32, #tpu.memory_space<vmem>>, vector<1x1x16xf32>,
        %parallel_loop3A_1053 = vector.shape_cast %parallel_loop3A_1052 : vector<1x1x16xf32> to vector<16xf32>
        %parallel_loop3A_1054 = vector.shape_cast %parallel_loop3A_1047 : vector<16xf32> to vector<1x1x16xf32>
        tpu.vector_store %arg7[%parallel_loop3A_1049, %parallel_loop3A_1050, %parallel_loop3A_1051], %parallel_loop3A_1054 {strides = array<i32>} : memref<4x128x128xf32, #tpu.memory_space<vmem>>, vector<1x1x16xf32>,
      } {sc.loop_unroll_factor = 4 : i64, sc.parallel_access}
      %add3A_883 = arith.constant 3 : i32
      %add3A_884 = arith.addi %mul3A_622, %add3A_883 : i32
      %add3A_885 = arith.addi %mul3A_2, %add3A_884 : i32
      %mul3A_886 = arith.constant 128 : i32
      %mul3A_887 = arith.muli %add3A_885, %mul3A_886 : i32
      %dma_start3A_888 = arith.constant 3 : i32
      %dma_start3A_889 = arith.constant 3 : i32
      %dma_start3A_890 = arith.constant 0 : i32
      %dma_start3A_891 = arith.constant 0 : i32
      %dma_start3A_892 = tpu.memref_slice %arg7[%dma_start3A_888, %dma_start3A_890, %dma_start3A_891] : memref<4x128x128xf32, #tpu.memory_space<vmem>> -> memref<1x128x128xf32, #tpu.memory_space<vmem>>
      %dma_start3A_893 = tpu.memref_squeeze %dma_start3A_892 : memref<1x128x128xf32, #tpu.memory_space<vmem>> -> memref<128x128xf32, #tpu.memory_space<vmem>>
      %dma_start3A_894 = arith.constant 0 : i32
      %dma_start3A_895 = tpu.memref_slice %arg5[%mul3A_887, %dma_start3A_894] : memref<819200x128xf32, #tpu.memory_space<hbm>> -> memref<128x128xf32, #tpu.memory_space<hbm>>
      %dma_start3A_896 = tpu.memref_slice %arg10[%dma_start3A_889] : memref<4x!tpu.dma_semaphore, #tpu.memory_space<semaphore_mem>> -> memref<1x!tpu.dma_semaphore, #tpu.memory_space<semaphore_mem>>
      %dma_start3A_897 = tpu.memref_squeeze %dma_start3A_896 : memref<1x!tpu.dma_semaphore, #tpu.memory_space<semaphore_mem>> -> memref<!tpu.dma_semaphore, #tpu.memory_space<semaphore_mem>>
      %dma_start3A_898 = arith.constant 0 : i32
      %dma_start3A_899 = tpu.memref_slice %arg5[%mul3A_887, %dma_start3A_898] : memref<819200x128xf32, #tpu.memory_space<hbm>> -> memref<128x128xf32, #tpu.memory_space<hbm>>
      %dma_start3A_900 = arith.constant 0 : i32
      %dma_start3A_901 = arith.constant 0 : i32
      %dma_start3A_902 = tpu.memref_slice %arg7[%dma_start3A_888, %dma_start3A_900, %dma_start3A_901] : memref<4x128x128xf32, #tpu.memory_space<vmem>> -> memref<1x128x128xf32, #tpu.memory_space<vmem>>
      %dma_start3A_903 = tpu.memref_squeeze %dma_start3A_902 : memref<1x128x128xf32, #tpu.memory_space<vmem>> -> memref<128x128xf32, #tpu.memory_space<vmem>>
      tpu.enqueue_dma source(%dma_start3A_903 : memref<128x128xf32, #tpu.memory_space<vmem>>) target(%dma_start3A_899 : memref<128x128xf32, #tpu.memory_space<hbm>>) target_semaphore(%dma_start3A_897 : memref<!tpu.dma_semaphore, #tpu.memory_space<semaphore_mem>>)
      %dma_wait3A_904 = arith.constant 2 : i32
      %dma_wait3A_905 = arith.constant 2 : i32
      %dma_wait3A_906 = arith.constant 0 : i32
      %dma_wait3A_907 = arith.constant 0 : i32
      %dma_wait3A_908 = tpu.memref_slice %arg7[%dma_wait3A_904, %dma_wait3A_906, %dma_wait3A_907] : memref<4x128x128xf32, #tpu.memory_space<vmem>> -> memref<1x128x128xf32, #tpu.memory_space<vmem>>
      %dma_wait3A_909 = tpu.memref_squeeze %dma_wait3A_908 : memref<1x128x128xf32, #tpu.memory_space<vmem>> -> memref<128x128xf32, #tpu.memory_space<vmem>>
      %dma_wait3A_910 = arith.constant 0 : i32
      %dma_wait3A_911 = arith.constant 0 : i32
      %dma_wait3A_912 = tpu.memref_slice %arg5[%dma_wait3A_910, %dma_wait3A_911] : memref<819200x128xf32, #tpu.memory_space<hbm>> -> memref<128x128xf32, #tpu.memory_space<hbm>>
      %dma_wait3A_913 = tpu.memref_slice %arg10[%dma_wait3A_905] : memref<4x!tpu.dma_semaphore, #tpu.memory_space<semaphore_mem>> -> memref<1x!tpu.dma_semaphore, #tpu.memory_space<semaphore_mem>>
      %dma_wait3A_914 = tpu.memref_squeeze %dma_wait3A_913 : memref<1x!tpu.dma_semaphore, #tpu.memory_space<semaphore_mem>> -> memref<!tpu.dma_semaphore, #tpu.memory_space<semaphore_mem>>
      %dma_wait3A_915 = arith.constant 0 : i32
      %dma_wait3A_916 = arith.constant 0 : i32
      %dma_wait3A_917 = tpu.memref_slice %arg5[%dma_wait3A_915, %dma_wait3A_916] : memref<819200x128xf32, #tpu.memory_space<hbm>> -> memref<128x128xf32, #tpu.memory_space<hbm>>
      %dma_wait3A_918 = arith.constant 0 : i32
      %dma_wait3A_919 = arith.constant 0 : i32
      %dma_wait3A_920 = tpu.memref_slice %arg7[%dma_wait3A_904, %dma_wait3A_918, %dma_wait3A_919] : memref<4x128x128xf32, #tpu.memory_space<vmem>> -> memref<1x128x128xf32, #tpu.memory_space<vmem>>
      %dma_wait3A_921 = tpu.memref_squeeze %dma_wait3A_920 : memref<1x128x128xf32, #tpu.memory_space<vmem>> -> memref<128x128xf32, #tpu.memory_space<vmem>>
      tpu.wait_dma2 semaphore(%dma_wait3A_914 : memref<!tpu.dma_semaphore, #tpu.memory_space<semaphore_mem>>) src(%dma_wait3A_921 : memref<128x128xf32, #tpu.memory_space<vmem>>) dst(%dma_wait3A_917 : memref<128x128xf32, #tpu.memory_space<hbm>>)
      %add3A_922 = arith.constant 3 : i32
      %add3A_923 = arith.addi %mul3A_622, %add3A_922 : i32
      %add3A_924 = arith.constant 4 : i32
      %add3A_925 = arith.addi %add3A_923, %add3A_924 : i32
      %sub3A_926 = arith.constant 1 : i32
      %sub3A_927 = arith.subi %add3A_925, %sub3A_926 : i32
      %dma_start3A_928 = arith.constant 2 : i32
      %dma_start3A_929 = arith.constant 2 : i32
      %dma_start3A_930 = arith.constant 0 : i32
      %dma_start3A_931 = arith.constant 0 : i32
      %dma_start3A_932 = tpu.memref_slice %arg7[%dma_start3A_928, %dma_start3A_930, %dma_start3A_931] : memref<4x128x128xf32, #tpu.memory_space<vmem>> -> memref<1x128x128xf32, #tpu.memory_space<vmem>>
      %dma_start3A_933 = tpu.memref_squeeze %dma_start3A_932 : memref<1x128x128xf32, #tpu.memory_space<vmem>> -> memref<128x128xf32, #tpu.memory_space<vmem>>
      %dma_start3A_934 = arith.constant 0 : i32
      %dma_start3A_935 = tpu.memref_slice %arg6[%sub3A_927, %dma_start3A_934] : memref<200x128xi32, #tpu.memory_space<vmem>> -> memref<1x128xi32, #tpu.memory_space<vmem>>
      %dma_start3A_936 = tpu.memref_squeeze %dma_start3A_935 : memref<1x128xi32, #tpu.memory_space<vmem>> -> memref<128xi32, #tpu.memory_space<vmem>>
      %dma_start3A_937 = arith.constant 0 : i32
      %dma_start3A_938 = arith.constant 0 : i32
      %dma_start3A_939 = tpu.memref_slice %arg3[%dma_start3A_937, %dma_start3A_938] : memref<1000000x128xf32, #tpu.memory_space<hbm>> -> memref<1000000x128xf32, #tpu.memory_space<hbm>>
      %dma_start3A_940 = tpu.memref_slice %arg9[%dma_start3A_929] : memref<4x!tpu.dma_semaphore, #tpu.memory_space<semaphore_mem>> -> memref<1x!tpu.dma_semaphore, #tpu.memory_space<semaphore_mem>>
      %dma_start3A_941 = tpu.memref_squeeze %dma_start3A_940 : memref<1x!tpu.dma_semaphore, #tpu.memory_space<semaphore_mem>> -> memref<!tpu.dma_semaphore, #tpu.memory_space<semaphore_mem>>
      tpu.enqueue_indirect_dma source(%dma_start3A_939 : memref<1000000x128xf32, #tpu.memory_space<hbm>>) target(%dma_start3A_933 : memref<128x128xf32, #tpu.memory_space<vmem>>) offsets(%dma_start3A_936 : memref<128xi32, #tpu.memory_space<vmem>>) semaphore(%dma_start3A_941 : memref<!tpu.dma_semaphore, #tpu.memory_space<semaphore_mem>>)
    }
    %scan3A_350 = arith.constant 48 : i32
    %dma_wait3A_351 = arith.constant 0 : i32
    %dma_wait3A_352 = arith.constant 0 : i32
    %dma_wait3A_353 = arith.constant 0 : i32
    %dma_wait3A_354 = arith.constant 0 : i32
    %dma_wait3A_355 = tpu.memref_slice %arg7[%dma_wait3A_351, %dma_wait3A_353, %dma_wait3A_354] : memref<4x128x128xf32, #tpu.memory_space<vmem>> -> memref<1x128x128xf32, #tpu.memory_space<vmem>>
    %dma_wait3A_356 = tpu.memref_squeeze %dma_wait3A_355 : memref<1x128x128xf32, #tpu.memory_space<vmem>> -> memref<128x128xf32, #tpu.memory_space<vmem>>
    %dma_wait3A_357 = arith.constant 0 : i32
    %dma_wait3A_358 = arith.constant 0 : i32
    %dma_wait3A_359 = tpu.memref_slice %arg3[%dma_wait3A_357, %dma_wait3A_358] : memref<1000000x128xf32, #tpu.memory_space<hbm>> -> memref<128x128xf32, #tpu.memory_space<hbm>>
    %dma_wait3A_360 = tpu.memref_slice %arg9[%dma_wait3A_352] : memref<4x!tpu.dma_semaphore, #tpu.memory_space<semaphore_mem>> -> memref<1x!tpu.dma_semaphore, #tpu.memory_space<semaphore_mem>>
    %dma_wait3A_361 = tpu.memref_squeeze %dma_wait3A_360 : memref<1x!tpu.dma_semaphore, #tpu.memory_space<semaphore_mem>> -> memref<!tpu.dma_semaphore, #tpu.memory_space<semaphore_mem>>
    %dma_wait3A_362 = arith.constant 0 : i32
    %dma_wait3A_363 = arith.constant 0 : i32
    %dma_wait3A_364 = tpu.memref_slice %arg7[%dma_wait3A_351, %dma_wait3A_362, %dma_wait3A_363] : memref<4x128x128xf32, #tpu.memory_space<vmem>> -> memref<1x128x128xf32, #tpu.memory_space<vmem>>
    %dma_wait3A_365 = tpu.memref_squeeze %dma_wait3A_364 : memref<1x128x128xf32, #tpu.memory_space<vmem>> -> memref<128x128xf32, #tpu.memory_space<vmem>>
    %dma_wait3A_366 = arith.constant 0 : i32
    %dma_wait3A_367 = arith.constant 0 : i32
    %dma_wait3A_368 = tpu.memref_slice %arg3[%dma_wait3A_366, %dma_wait3A_367] : memref<1000000x128xf32, #tpu.memory_space<hbm>> -> memref<128x128xf32, #tpu.memory_space<hbm>>
    tpu.wait_dma2 semaphore(%dma_wait3A_361 : memref<!tpu.dma_semaphore, #tpu.memory_space<semaphore_mem>>) src(%dma_wait3A_368 : memref<128x128xf32, #tpu.memory_space<hbm>>) dst(%dma_wait3A_365 : memref<128x128xf32, #tpu.memory_space<vmem>>)
    %parallel_loop3A_369 = arith.constant 0 : i32
    %parallel_loop3A_370 = arith.constant 128 : i32
    %parallel_loop3A_371 = arith.constant 1 : i32
    scf.for %parallel_loop3A_620 = %parallel_loop3A_369 to %parallel_loop3A_370 step %parallel_loop3A_371  : i32 {
      %parallel_loop3A_621 = arith.constant 0 : i32
      %parallel_loop3A_622 = arith.index_cast %parallel_loop3A_621 : i32 to index
      %parallel_loop3A_623 = arith.index_cast %parallel_loop3A_620 : i32 to index
      %parallel_loop3A_624 = arith.constant 0 : index
      %parallel_loop3A_625 = tpu.vector_load %arg7[%parallel_loop3A_622, %parallel_loop3A_623, %parallel_loop3A_624] {strides = array<i32>} : memref<4x128x128xf32, #tpu.memory_space<vmem>>, vector<1x1x16xf32>,
      %parallel_loop3A_626 = vector.shape_cast %parallel_loop3A_625 : vector<1x1x16xf32> to vector<16xf32>
      %parallel_loop3A_627 = arith.mulf %parallel_loop3A_626, %get3A_4 : vector<16xf32>
      %parallel_loop3A_628 = arith.constant 0 : i32
      %parallel_loop3A_629 = arith.index_cast %parallel_loop3A_628 : i32 to index
      %parallel_loop3A_630 = arith.index_cast %parallel_loop3A_620 : i32 to index
      %parallel_loop3A_631 = arith.constant 0 : index
      %parallel_loop3A_632 = tpu.vector_load %arg7[%parallel_loop3A_629, %parallel_loop3A_630, %parallel_loop3A_631] {strides = array<i32>} : memref<4x128x128xf32, #tpu.memory_space<vmem>>, vector<1x1x16xf32>,
      %parallel_loop3A_633 = vector.shape_cast %parallel_loop3A_632 : vector<1x1x16xf32> to vector<16xf32>
      %parallel_loop3A_634 = vector.shape_cast %parallel_loop3A_627 : vector<16xf32> to vector<1x1x16xf32>
      tpu.vector_store %arg7[%parallel_loop3A_629, %parallel_loop3A_630, %parallel_loop3A_631], %parallel_loop3A_634 {strides = array<i32>} : memref<4x128x128xf32, #tpu.memory_space<vmem>>, vector<1x1x16xf32>,
      %parallel_loop3A_635 = arith.constant 0 : i32
      %parallel_loop3A_636 = arith.index_cast %parallel_loop3A_635 : i32 to index
      %parallel_loop3A_637 = arith.index_cast %parallel_loop3A_620 : i32 to index
      %parallel_loop3A_638 = arith.constant 16 : index
      %parallel_loop3A_639 = tpu.vector_load %arg7[%parallel_loop3A_636, %parallel_loop3A_637, %parallel_loop3A_638] {strides = array<i32>} : memref<4x128x128xf32, #tpu.memory_space<vmem>>, vector<1x1x16xf32>,
      %parallel_loop3A_640 = vector.shape_cast %parallel_loop3A_639 : vector<1x1x16xf32> to vector<16xf32>
      %parallel_loop3A_641 = arith.mulf %parallel_loop3A_640, %get3A_7 : vector<16xf32>
      %parallel_loop3A_642 = arith.constant 0 : i32
      %parallel_loop3A_643 = arith.index_cast %parallel_loop3A_642 : i32 to index
      %parallel_loop3A_644 = arith.index_cast %parallel_loop3A_620 : i32 to index
      %parallel_loop3A_645 = arith.constant 16 : index
      %parallel_loop3A_646 = tpu.vector_load %arg7[%parallel_loop3A_643, %parallel_loop3A_644, %parallel_loop3A_645] {strides = array<i32>} : memref<4x128x128xf32, #tpu.memory_space<vmem>>, vector<1x1x16xf32>,
      %parallel_loop3A_647 = vector.shape_cast %parallel_loop3A_646 : vector<1x1x16xf32> to vector<16xf32>
      %parallel_loop3A_648 = vector.shape_cast %parallel_loop3A_641 : vector<16xf32> to vector<1x1x16xf32>
      tpu.vector_store %arg7[%parallel_loop3A_643, %parallel_loop3A_644, %parallel_loop3A_645], %parallel_loop3A_648 {strides = array<i32>} : memref<4x128x128xf32, #tpu.memory_space<vmem>>, vector<1x1x16xf32>,
      %parallel_loop3A_649 = arith.constant 0 : i32
      %parallel_loop3A_650 = arith.index_cast %parallel_loop3A_649 : i32 to index
      %parallel_loop3A_651 = arith.index_cast %parallel_loop3A_620 : i32 to index
      %parallel_loop3A_652 = arith.constant 32 : index
      %parallel_loop3A_653 = tpu.vector_load %arg7[%parallel_loop3A_650, %parallel_loop3A_651, %parallel_loop3A_652] {strides = array<i32>} : memref<4x128x128xf32, #tpu.memory_space<vmem>>, vector<1x1x16xf32>,
      %parallel_loop3A_654 = vector.shape_cast %parallel_loop3A_653 : vector<1x1x16xf32> to vector<16xf32>
      %parallel_loop3A_655 = arith.mulf %parallel_loop3A_654, %get3A_10 : vector<16xf32>
      %parallel_loop3A_656 = arith.constant 0 : i32
      %parallel_loop3A_657 = arith.index_cast %parallel_loop3A_656 : i32 to index
      %parallel_loop3A_658 = arith.index_cast %parallel_loop3A_620 : i32 to index
      %parallel_loop3A_659 = arith.constant 32 : index
      %parallel_loop3A_660 = tpu.vector_load %arg7[%parallel_loop3A_657, %parallel_loop3A_658, %parallel_loop3A_659] {strides = array<i32>} : memref<4x128x128xf32, #tpu.memory_space<vmem>>, vector<1x1x16xf32>,
      %parallel_loop3A_661 = vector.shape_cast %parallel_loop3A_660 : vector<1x1x16xf32> to vector<16xf32>
      %parallel_loop3A_662 = vector.shape_cast %parallel_loop3A_655 : vector<16xf32> to vector<1x1x16xf32>
      tpu.vector_store %arg7[%parallel_loop3A_657, %parallel_loop3A_658, %parallel_loop3A_659], %parallel_loop3A_662 {strides = array<i32>} : memref<4x128x128xf32, #tpu.memory_space<vmem>>, vector<1x1x16xf32>,
      %parallel_loop3A_663 = arith.constant 0 : i32
      %parallel_loop3A_664 = arith.index_cast %parallel_loop3A_663 : i32 to index
      %parallel_loop3A_665 = arith.index_cast %parallel_loop3A_620 : i32 to index
      %parallel_loop3A_666 = arith.constant 48 : index
      %parallel_loop3A_667 = tpu.vector_load %arg7[%parallel_loop3A_664, %parallel_loop3A_665, %parallel_loop3A_666] {strides = array<i32>} : memref<4x128x128xf32, #tpu.memory_space<vmem>>, vector<1x1x16xf32>,
      %parallel_loop3A_668 = vector.shape_cast %parallel_loop3A_667 : vector<1x1x16xf32> to vector<16xf32>
      %parallel_loop3A_669 = arith.mulf %parallel_loop3A_668, %get3A_13 : vector<16xf32>
      %parallel_loop3A_670 = arith.constant 0 : i32
      %parallel_loop3A_671 = arith.index_cast %parallel_loop3A_670 : i32 to index
      %parallel_loop3A_672 = arith.index_cast %parallel_loop3A_620 : i32 to index
      %parallel_loop3A_673 = arith.constant 48 : index
      %parallel_loop3A_674 = tpu.vector_load %arg7[%parallel_loop3A_671, %parallel_loop3A_672, %parallel_loop3A_673] {strides = array<i32>} : memref<4x128x128xf32, #tpu.memory_space<vmem>>, vector<1x1x16xf32>,
      %parallel_loop3A_675 = vector.shape_cast %parallel_loop3A_674 : vector<1x1x16xf32> to vector<16xf32>
      %parallel_loop3A_676 = vector.shape_cast %parallel_loop3A_669 : vector<16xf32> to vector<1x1x16xf32>
      tpu.vector_store %arg7[%parallel_loop3A_671, %parallel_loop3A_672, %parallel_loop3A_673], %parallel_loop3A_676 {strides = array<i32>} : memref<4x128x128xf32, #tpu.memory_space<vmem>>, vector<1x1x16xf32>,
      %parallel_loop3A_677 = arith.constant 0 : i32
      %parallel_loop3A_678 = arith.index_cast %parallel_loop3A_677 : i32 to index
      %parallel_loop3A_679 = arith.index_cast %parallel_loop3A_620 : i32 to index
      %parallel_loop3A_680 = arith.constant 64 : index
      %parallel_loop3A_681 = tpu.vector_load %arg7[%parallel_loop3A_678, %parallel_loop3A_679, %parallel_loop3A_680] {strides = array<i32>} : memref<4x128x128xf32, #tpu.memory_space<vmem>>, vector<1x1x16xf32>,
      %parallel_loop3A_682 = vector.shape_cast %parallel_loop3A_681 : vector<1x1x16xf32> to vector<16xf32>
      %parallel_loop3A_683 = arith.mulf %parallel_loop3A_682, %get3A_16 : vector<16xf32>
      %parallel_loop3A_684 = arith.constant 0 : i32
      %parallel_loop3A_685 = arith.index_cast %parallel_loop3A_684 : i32 to index
      %parallel_loop3A_686 = arith.index_cast %parallel_loop3A_620 : i32 to index
      %parallel_loop3A_687 = arith.constant 64 : index
      %parallel_loop3A_688 = tpu.vector_load %arg7[%parallel_loop3A_685, %parallel_loop3A_686, %parallel_loop3A_687] {strides = array<i32>} : memref<4x128x128xf32, #tpu.memory_space<vmem>>, vector<1x1x16xf32>,
      %parallel_loop3A_689 = vector.shape_cast %parallel_loop3A_688 : vector<1x1x16xf32> to vector<16xf32>
      %parallel_loop3A_690 = vector.shape_cast %parallel_loop3A_683 : vector<16xf32> to vector<1x1x16xf32>
      tpu.vector_store %arg7[%parallel_loop3A_685, %parallel_loop3A_686, %parallel_loop3A_687], %parallel_loop3A_690 {strides = array<i32>} : memref<4x128x128xf32, #tpu.memory_space<vmem>>, vector<1x1x16xf32>,
      %parallel_loop3A_691 = arith.constant 0 : i32
      %parallel_loop3A_692 = arith.index_cast %parallel_loop3A_691 : i32 to index
      %parallel_loop3A_693 = arith.index_cast %parallel_loop3A_620 : i32 to index
      %parallel_loop3A_694 = arith.constant 80 : index
      %parallel_loop3A_695 = tpu.vector_load %arg7[%parallel_loop3A_692, %parallel_loop3A_693, %parallel_loop3A_694] {strides = array<i32>} : memref<4x128x128xf32, #tpu.memory_space<vmem>>, vector<1x1x16xf32>,
      %parallel_loop3A_696 = vector.shape_cast %parallel_loop3A_695 : vector<1x1x16xf32> to vector<16xf32>
      %parallel_loop3A_697 = arith.mulf %parallel_loop3A_696, %get3A_19 : vector<16xf32>
      %parallel_loop3A_698 = arith.constant 0 : i32
      %parallel_loop3A_699 = arith.index_cast %parallel_loop3A_698 : i32 to index
      %parallel_loop3A_700 = arith.index_cast %parallel_loop3A_620 : i32 to index
      %parallel_loop3A_701 = arith.constant 80 : index
      %parallel_loop3A_702 = tpu.vector_load %arg7[%parallel_loop3A_699, %parallel_loop3A_700, %parallel_loop3A_701] {strides = array<i32>} : memref<4x128x128xf32, #tpu.memory_space<vmem>>, vector<1x1x16xf32>,
      %parallel_loop3A_703 = vector.shape_cast %parallel_loop3A_702 : vector<1x1x16xf32> to vector<16xf32>
      %parallel_loop3A_704 = vector.shape_cast %parallel_loop3A_697 : vector<16xf32> to vector<1x1x16xf32>
      tpu.vector_store %arg7[%parallel_loop3A_699, %parallel_loop3A_700, %parallel_loop3A_701], %parallel_loop3A_704 {strides = array<i32>} : memref<4x128x128xf32, #tpu.memory_space<vmem>>, vector<1x1x16xf32>,
      %parallel_loop3A_705 = arith.constant 0 : i32
      %parallel_loop3A_706 = arith.index_cast %parallel_loop3A_705 : i32 to index
      %parallel_loop3A_707 = arith.index_cast %parallel_loop3A_620 : i32 to index
      %parallel_loop3A_708 = arith.constant 96 : index
      %parallel_loop3A_709 = tpu.vector_load %arg7[%parallel_loop3A_706, %parallel_loop3A_707, %parallel_loop3A_708] {strides = array<i32>} : memref<4x128x128xf32, #tpu.memory_space<vmem>>, vector<1x1x16xf32>,
      %parallel_loop3A_710 = vector.shape_cast %parallel_loop3A_709 : vector<1x1x16xf32> to vector<16xf32>
      %parallel_loop3A_711 = arith.mulf %parallel_loop3A_710, %get3A_22 : vector<16xf32>
      %parallel_loop3A_712 = arith.constant 0 : i32
      %parallel_loop3A_713 = arith.index_cast %parallel_loop3A_712 : i32 to index
      %parallel_loop3A_714 = arith.index_cast %parallel_loop3A_620 : i32 to index
      %parallel_loop3A_715 = arith.constant 96 : index
      %parallel_loop3A_716 = tpu.vector_load %arg7[%parallel_loop3A_713, %parallel_loop3A_714, %parallel_loop3A_715] {strides = array<i32>} : memref<4x128x128xf32, #tpu.memory_space<vmem>>, vector<1x1x16xf32>,
      %parallel_loop3A_717 = vector.shape_cast %parallel_loop3A_716 : vector<1x1x16xf32> to vector<16xf32>
      %parallel_loop3A_718 = vector.shape_cast %parallel_loop3A_711 : vector<16xf32> to vector<1x1x16xf32>
      tpu.vector_store %arg7[%parallel_loop3A_713, %parallel_loop3A_714, %parallel_loop3A_715], %parallel_loop3A_718 {strides = array<i32>} : memref<4x128x128xf32, #tpu.memory_space<vmem>>, vector<1x1x16xf32>,
      %parallel_loop3A_719 = arith.constant 0 : i32
      %parallel_loop3A_720 = arith.index_cast %parallel_loop3A_719 : i32 to index
      %parallel_loop3A_721 = arith.index_cast %parallel_loop3A_620 : i32 to index
      %parallel_loop3A_722 = arith.constant 112 : index
      %parallel_loop3A_723 = tpu.vector_load %arg7[%parallel_loop3A_720, %parallel_loop3A_721, %parallel_loop3A_722] {strides = array<i32>} : memref<4x128x128xf32, #tpu.memory_space<vmem>>, vector<1x1x16xf32>,
      %parallel_loop3A_724 = vector.shape_cast %parallel_loop3A_723 : vector<1x1x16xf32> to vector<16xf32>
      %parallel_loop3A_725 = arith.mulf %parallel_loop3A_724, %get3A_25 : vector<16xf32>
      %parallel_loop3A_726 = arith.constant 0 : i32
      %parallel_loop3A_727 = arith.index_cast %parallel_loop3A_726 : i32 to index
      %parallel_loop3A_728 = arith.index_cast %parallel_loop3A_620 : i32 to index
      %parallel_loop3A_729 = arith.constant 112 : index
      %parallel_loop3A_730 = tpu.vector_load %arg7[%parallel_loop3A_727, %parallel_loop3A_728, %parallel_loop3A_729] {strides = array<i32>} : memref<4x128x128xf32, #tpu.memory_space<vmem>>, vector<1x1x16xf32>,
      %parallel_loop3A_731 = vector.shape_cast %parallel_loop3A_730 : vector<1x1x16xf32> to vector<16xf32>
      %parallel_loop3A_732 = vector.shape_cast %parallel_loop3A_725 : vector<16xf32> to vector<1x1x16xf32>
      tpu.vector_store %arg7[%parallel_loop3A_727, %parallel_loop3A_728, %parallel_loop3A_729], %parallel_loop3A_732 {strides = array<i32>} : memref<4x128x128xf32, #tpu.memory_space<vmem>>, vector<1x1x16xf32>,
    } {sc.loop_unroll_factor = 4 : i64, sc.parallel_access}
    %add3A_372 = arith.constant 196 : i32
    %add3A_373 = arith.addi %mul3A_2, %add3A_372 : i32
    %mul3A_374 = arith.constant 128 : i32
    %mul3A_375 = arith.muli %add3A_373, %mul3A_374 : i32
    %dma_start3A_376 = arith.constant 0 : i32
    %dma_start3A_377 = arith.constant 0 : i32
    %dma_start3A_378 = arith.constant 0 : i32
    %dma_start3A_379 = arith.constant 0 : i32
    %dma_start3A_380 = tpu.memref_slice %arg7[%dma_start3A_376, %dma_start3A_378, %dma_start3A_379] : memref<4x128x128xf32, #tpu.memory_space<vmem>> -> memref<1x128x128xf32, #tpu.memory_space<vmem>>
    %dma_start3A_381 = tpu.memref_squeeze %dma_start3A_380 : memref<1x128x128xf32, #tpu.memory_space<vmem>> -> memref<128x128xf32, #tpu.memory_space<vmem>>
    %dma_start3A_382 = arith.constant 0 : i32
    %dma_start3A_383 = tpu.memref_slice %arg5[%mul3A_375, %dma_start3A_382] : memref<819200x128xf32, #tpu.memory_space<hbm>> -> memref<128x128xf32, #tpu.memory_space<hbm>>
    %dma_start3A_384 = tpu.memref_slice %arg10[%dma_start3A_377] : memref<4x!tpu.dma_semaphore, #tpu.memory_space<semaphore_mem>> -> memref<1x!tpu.dma_semaphore, #tpu.memory_space<semaphore_mem>>
    %dma_start3A_385 = tpu.memref_squeeze %dma_start3A_384 : memref<1x!tpu.dma_semaphore, #tpu.memory_space<semaphore_mem>> -> memref<!tpu.dma_semaphore, #tpu.memory_space<semaphore_mem>>
    %dma_start3A_386 = arith.constant 0 : i32
    %dma_start3A_387 = tpu.memref_slice %arg5[%mul3A_375, %dma_start3A_386] : memref<819200x128xf32, #tpu.memory_space<hbm>> -> memref<128x128xf32, #tpu.memory_space<hbm>>
    %dma_start3A_388 = arith.constant 0 : i32
    %dma_start3A_389 = arith.constant 0 : i32
    %dma_start3A_390 = tpu.memref_slice %arg7[%dma_start3A_376, %dma_start3A_388, %dma_start3A_389] : memref<4x128x128xf32, #tpu.memory_space<vmem>> -> memref<1x128x128xf32, #tpu.memory_space<vmem>>
    %dma_start3A_391 = tpu.memref_squeeze %dma_start3A_390 : memref<1x128x128xf32, #tpu.memory_space<vmem>> -> memref<128x128xf32, #tpu.memory_space<vmem>>
    tpu.enqueue_dma source(%dma_start3A_391 : memref<128x128xf32, #tpu.memory_space<vmem>>) target(%dma_start3A_387 : memref<128x128xf32, #tpu.memory_space<hbm>>) target_semaphore(%dma_start3A_385 : memref<!tpu.dma_semaphore, #tpu.memory_space<semaphore_mem>>)
    %dma_wait3A_392 = arith.constant 3 : i32
    %dma_wait3A_393 = arith.constant 3 : i32
    %dma_wait3A_394 = arith.constant 0 : i32
    %dma_wait3A_395 = arith.constant 0 : i32
    %dma_wait3A_396 = tpu.memref_slice %arg7[%dma_wait3A_392, %dma_wait3A_394, %dma_wait3A_395] : memref<4x128x128xf32, #tpu.memory_space<vmem>> -> memref<1x128x128xf32, #tpu.memory_space<vmem>>
    %dma_wait3A_397 = tpu.memref_squeeze %dma_wait3A_396 : memref<1x128x128xf32, #tpu.memory_space<vmem>> -> memref<128x128xf32, #tpu.memory_space<vmem>>
    %dma_wait3A_398 = arith.constant 0 : i32
    %dma_wait3A_399 = arith.constant 0 : i32
    %dma_wait3A_400 = tpu.memref_slice %arg5[%dma_wait3A_398, %dma_wait3A_399] : memref<819200x128xf32, #tpu.memory_space<hbm>> -> memref<128x128xf32, #tpu.memory_space<hbm>>
    %dma_wait3A_401 = tpu.memref_slice %arg10[%dma_wait3A_393] : memref<4x!tpu.dma_semaphore, #tpu.memory_space<semaphore_mem>> -> memref<1x!tpu.dma_semaphore, #tpu.memory_space<semaphore_mem>>
    %dma_wait3A_402 = tpu.memref_squeeze %dma_wait3A_401 : memref<1x!tpu.dma_semaphore, #tpu.memory_space<semaphore_mem>> -> memref<!tpu.dma_semaphore, #tpu.memory_space<semaphore_mem>>
    %dma_wait3A_403 = arith.constant 0 : i32
    %dma_wait3A_404 = arith.constant 0 : i32
    %dma_wait3A_405 = tpu.memref_slice %arg5[%dma_wait3A_403, %dma_wait3A_404] : memref<819200x128xf32, #tpu.memory_space<hbm>> -> memref<128x128xf32, #tpu.memory_space<hbm>>
    %dma_wait3A_406 = arith.constant 0 : i32
    %dma_wait3A_407 = arith.constant 0 : i32
    %dma_wait3A_408 = tpu.memref_slice %arg7[%dma_wait3A_392, %dma_wait3A_406, %dma_wait3A_407] : memref<4x128x128xf32, #tpu.memory_space<vmem>> -> memref<1x128x128xf32, #tpu.memory_space<vmem>>
    %dma_wait3A_409 = tpu.memref_squeeze %dma_wait3A_408 : memref<1x128x128xf32, #tpu.memory_space<vmem>> -> memref<128x128xf32, #tpu.memory_space<vmem>>
    tpu.wait_dma2 semaphore(%dma_wait3A_402 : memref<!tpu.dma_semaphore, #tpu.memory_space<semaphore_mem>>) src(%dma_wait3A_409 : memref<128x128xf32, #tpu.memory_space<vmem>>) dst(%dma_wait3A_405 : memref<128x128xf32, #tpu.memory_space<hbm>>)
    %dma_start3A_410 = arith.constant 199 : i32
    %dma_start3A_411 = arith.constant 3 : i32
    %dma_start3A_412 = arith.constant 3 : i32
    %dma_start3A_413 = arith.constant 0 : i32
    %dma_start3A_414 = arith.constant 0 : i32
    %dma_start3A_415 = tpu.memref_slice %arg7[%dma_start3A_411, %dma_start3A_413, %dma_start3A_414] : memref<4x128x128xf32, #tpu.memory_space<vmem>> -> memref<1x128x128xf32, #tpu.memory_space<vmem>>
    %dma_start3A_416 = tpu.memref_squeeze %dma_start3A_415 : memref<1x128x128xf32, #tpu.memory_space<vmem>> -> memref<128x128xf32, #tpu.memory_space<vmem>>
    %dma_start3A_417 = arith.constant 0 : i32
    %dma_start3A_418 = tpu.memref_slice %arg6[%dma_start3A_410, %dma_start3A_417] : memref<200x128xi32, #tpu.memory_space<vmem>> -> memref<1x128xi32, #tpu.memory_space<vmem>>
    %dma_start3A_419 = tpu.memref_squeeze %dma_start3A_418 : memref<1x128xi32, #tpu.memory_space<vmem>> -> memref<128xi32, #tpu.memory_space<vmem>>
    %dma_start3A_420 = arith.constant 0 : i32
    %dma_start3A_421 = arith.constant 0 : i32
    %dma_start3A_422 = tpu.memref_slice %arg3[%dma_start3A_420, %dma_start3A_421] : memref<1000000x128xf32, #tpu.memory_space<hbm>> -> memref<1000000x128xf32, #tpu.memory_space<hbm>>
    %dma_start3A_423 = tpu.memref_slice %arg9[%dma_start3A_412] : memref<4x!tpu.dma_semaphore, #tpu.memory_space<semaphore_mem>> -> memref<1x!tpu.dma_semaphore, #tpu.memory_space<semaphore_mem>>
    %dma_start3A_424 = tpu.memref_squeeze %dma_start3A_423 : memref<1x!tpu.dma_semaphore, #tpu.memory_space<semaphore_mem>> -> memref<!tpu.dma_semaphore, #tpu.memory_space<semaphore_mem>>
    tpu.enqueue_indirect_dma source(%dma_start3A_422 : memref<1000000x128xf32, #tpu.memory_space<hbm>>) target(%dma_start3A_416 : memref<128x128xf32, #tpu.memory_space<vmem>>) offsets(%dma_start3A_419 : memref<128xi32, #tpu.memory_space<vmem>>) semaphore(%dma_start3A_424 : memref<!tpu.dma_semaphore, #tpu.memory_space<semaphore_mem>>)
    %dma_wait3A_425 = arith.constant 1 : i32
    %dma_wait3A_426 = arith.constant 1 : i32
    %dma_wait3A_427 = arith.constant 0 : i32
    %dma_wait3A_428 = arith.constant 0 : i32
    %dma_wait3A_429 = tpu.memref_slice %arg7[%dma_wait3A_425, %dma_wait3A_427, %dma_wait3A_428] : memref<4x128x128xf32, #tpu.memory_space<vmem>> -> memref<1x128x128xf32, #tpu.memory_space<vmem>>
    %dma_wait3A_430 = tpu.memref_squeeze %dma_wait3A_429 : memref<1x128x128xf32, #tpu.memory_space<vmem>> -> memref<128x128xf32, #tpu.memory_space<vmem>>
    %dma_wait3A_431 = arith.constant 0 : i32
    %dma_wait3A_432 = arith.constant 0 : i32
    %dma_wait3A_433 = tpu.memref_slice %arg3[%dma_wait3A_431, %dma_wait3A_432] : memref<1000000x128xf32, #tpu.memory_space<hbm>> -> memref<128x128xf32, #tpu.memory_space<hbm>>
    %dma_wait3A_434 = tpu.memref_slice %arg9[%dma_wait3A_426] : memref<4x!tpu.dma_semaphore, #tpu.memory_space<semaphore_mem>> -> memref<1x!tpu.dma_semaphore, #tpu.memory_space<semaphore_mem>>
    %dma_wait3A_435 = tpu.memref_squeeze %dma_wait3A_434 : memref<1x!tpu.dma_semaphore, #tpu.memory_space<semaphore_mem>> -> memref<!tpu.dma_semaphore, #tpu.memory_space<semaphore_mem>>
    %dma_wait3A_436 = arith.constant 0 : i32
    %dma_wait3A_437 = arith.constant 0 : i32
    %dma_wait3A_438 = tpu.memref_slice %arg7[%dma_wait3A_425, %dma_wait3A_436, %dma_wait3A_437] : memref<4x128x128xf32, #tpu.memory_space<vmem>> -> memref<1x128x128xf32, #tpu.memory_space<vmem>>
    %dma_wait3A_439 = tpu.memref_squeeze %dma_wait3A_438 : memref<1x128x128xf32, #tpu.memory_space<vmem>> -> memref<128x128xf32, #tpu.memory_space<vmem>>
    %dma_wait3A_440 = arith.constant 0 : i32
    %dma_wait3A_441 = arith.constant 0 : i32
    %dma_wait3A_442 = tpu.memref_slice %arg3[%dma_wait3A_440, %dma_wait3A_441] : memref<1000000x128xf32, #tpu.memory_space<hbm>> -> memref<128x128xf32, #tpu.memory_space<hbm>>
    tpu.wait_dma2 semaphore(%dma_wait3A_435 : memref<!tpu.dma_semaphore, #tpu.memory_space<semaphore_mem>>) src(%dma_wait3A_442 : memref<128x128xf32, #tpu.memory_space<hbm>>) dst(%dma_wait3A_439 : memref<128x128xf32, #tpu.memory_space<vmem>>)
    %parallel_loop3A_443 = arith.constant 0 : i32
    %parallel_loop3A_444 = arith.constant 128 : i32
    %parallel_loop3A_445 = arith.constant 1 : i32
    scf.for %parallel_loop3A_620 = %parallel_loop3A_443 to %parallel_loop3A_444 step %parallel_loop3A_445  : i32 {
      %parallel_loop3A_621 = arith.constant 1 : i32
      %parallel_loop3A_622 = arith.index_cast %parallel_loop3A_621 : i32 to index
      %parallel_loop3A_623 = arith.index_cast %parallel_loop3A_620 : i32 to index
      %parallel_loop3A_624 = arith.constant 0 : index
      %parallel_loop3A_625 = tpu.vector_load %arg7[%parallel_loop3A_622, %parallel_loop3A_623, %parallel_loop3A_624] {strides = array<i32>} : memref<4x128x128xf32, #tpu.memory_space<vmem>>, vector<1x1x16xf32>,
      %parallel_loop3A_626 = vector.shape_cast %parallel_loop3A_625 : vector<1x1x16xf32> to vector<16xf32>
      %parallel_loop3A_627 = arith.mulf %parallel_loop3A_626, %get3A_4 : vector<16xf32>
      %parallel_loop3A_628 = arith.constant 1 : i32
      %parallel_loop3A_629 = arith.index_cast %parallel_loop3A_628 : i32 to index
      %parallel_loop3A_630 = arith.index_cast %parallel_loop3A_620 : i32 to index
      %parallel_loop3A_631 = arith.constant 0 : index
      %parallel_loop3A_632 = tpu.vector_load %arg7[%parallel_loop3A_629, %parallel_loop3A_630, %parallel_loop3A_631] {strides = array<i32>} : memref<4x128x128xf32, #tpu.memory_space<vmem>>, vector<1x1x16xf32>,
      %parallel_loop3A_633 = vector.shape_cast %parallel_loop3A_632 : vector<1x1x16xf32> to vector<16xf32>
      %parallel_loop3A_634 = vector.shape_cast %parallel_loop3A_627 : vector<16xf32> to vector<1x1x16xf32>
      tpu.vector_store %arg7[%parallel_loop3A_629, %parallel_loop3A_630, %parallel_loop3A_631], %parallel_loop3A_634 {strides = array<i32>} : memref<4x128x128xf32, #tpu.memory_space<vmem>>, vector<1x1x16xf32>,
      %parallel_loop3A_635 = arith.constant 1 : i32
      %parallel_loop3A_636 = arith.index_cast %parallel_loop3A_635 : i32 to index
      %parallel_loop3A_637 = arith.index_cast %parallel_loop3A_620 : i32 to index
      %parallel_loop3A_638 = arith.constant 16 : index
      %parallel_loop3A_639 = tpu.vector_load %arg7[%parallel_loop3A_636, %parallel_loop3A_637, %parallel_loop3A_638] {strides = array<i32>} : memref<4x128x128xf32, #tpu.memory_space<vmem>>, vector<1x1x16xf32>,
      %parallel_loop3A_640 = vector.shape_cast %parallel_loop3A_639 : vector<1x1x16xf32> to vector<16xf32>
      %parallel_loop3A_641 = arith.mulf %parallel_loop3A_640, %get3A_7 : vector<16xf32>
      %parallel_loop3A_642 = arith.constant 1 : i32
      %parallel_loop3A_643 = arith.index_cast %parallel_loop3A_642 : i32 to index
      %parallel_loop3A_644 = arith.index_cast %parallel_loop3A_620 : i32 to index
      %parallel_loop3A_645 = arith.constant 16 : index
      %parallel_loop3A_646 = tpu.vector_load %arg7[%parallel_loop3A_643, %parallel_loop3A_644, %parallel_loop3A_645] {strides = array<i32>} : memref<4x128x128xf32, #tpu.memory_space<vmem>>, vector<1x1x16xf32>,
      %parallel_loop3A_647 = vector.shape_cast %parallel_loop3A_646 : vector<1x1x16xf32> to vector<16xf32>
      %parallel_loop3A_648 = vector.shape_cast %parallel_loop3A_641 : vector<16xf32> to vector<1x1x16xf32>
      tpu.vector_store %arg7[%parallel_loop3A_643, %parallel_loop3A_644, %parallel_loop3A_645], %parallel_loop3A_648 {strides = array<i32>} : memref<4x128x128xf32, #tpu.memory_space<vmem>>, vector<1x1x16xf32>,
      %parallel_loop3A_649 = arith.constant 1 : i32
      %parallel_loop3A_650 = arith.index_cast %parallel_loop3A_649 : i32 to index
      %parallel_loop3A_651 = arith.index_cast %parallel_loop3A_620 : i32 to index
      %parallel_loop3A_652 = arith.constant 32 : index
      %parallel_loop3A_653 = tpu.vector_load %arg7[%parallel_loop3A_650, %parallel_loop3A_651, %parallel_loop3A_652] {strides = array<i32>} : memref<4x128x128xf32, #tpu.memory_space<vmem>>, vector<1x1x16xf32>,
      %parallel_loop3A_654 = vector.shape_cast %parallel_loop3A_653 : vector<1x1x16xf32> to vector<16xf32>
      %parallel_loop3A_655 = arith.mulf %parallel_loop3A_654, %get3A_10 : vector<16xf32>
      %parallel_loop3A_656 = arith.constant 1 : i32
      %parallel_loop3A_657 = arith.index_cast %parallel_loop3A_656 : i32 to index
      %parallel_loop3A_658 = arith.index_cast %parallel_loop3A_620 : i32 to index
      %parallel_loop3A_659 = arith.constant 32 : index
      %parallel_loop3A_660 = tpu.vector_load %arg7[%parallel_loop3A_657, %parallel_loop3A_658, %parallel_loop3A_659] {strides = array<i32>} : memref<4x128x128xf32, #tpu.memory_space<vmem>>, vector<1x1x16xf32>,
      %parallel_loop3A_661 = vector.shape_cast %parallel_loop3A_660 : vector<1x1x16xf32> to vector<16xf32>
      %parallel_loop3A_662 = vector.shape_cast %parallel_loop3A_655 : vector<16xf32> to vector<1x1x16xf32>
      tpu.vector_store %arg7[%parallel_loop3A_657, %parallel_loop3A_658, %parallel_loop3A_659], %parallel_loop3A_662 {strides = array<i32>} : memref<4x128x128xf32, #tpu.memory_space<vmem>>, vector<1x1x16xf32>,
      %parallel_loop3A_663 = arith.constant 1 : i32
      %parallel_loop3A_664 = arith.index_cast %parallel_loop3A_663 : i32 to index
      %parallel_loop3A_665 = arith.index_cast %parallel_loop3A_620 : i32 to index
      %parallel_loop3A_666 = arith.constant 48 : index
      %parallel_loop3A_667 = tpu.vector_load %arg7[%parallel_loop3A_664, %parallel_loop3A_665, %parallel_loop3A_666] {strides = array<i32>} : memref<4x128x128xf32, #tpu.memory_space<vmem>>, vector<1x1x16xf32>,
      %parallel_loop3A_668 = vector.shape_cast %parallel_loop3A_667 : vector<1x1x16xf32> to vector<16xf32>
      %parallel_loop3A_669 = arith.mulf %parallel_loop3A_668, %get3A_13 : vector<16xf32>
      %parallel_loop3A_670 = arith.constant 1 : i32
      %parallel_loop3A_671 = arith.index_cast %parallel_loop3A_670 : i32 to index
      %parallel_loop3A_672 = arith.index_cast %parallel_loop3A_620 : i32 to index
      %parallel_loop3A_673 = arith.constant 48 : index
      %parallel_loop3A_674 = tpu.vector_load %arg7[%parallel_loop3A_671, %parallel_loop3A_672, %parallel_loop3A_673] {strides = array<i32>} : memref<4x128x128xf32, #tpu.memory_space<vmem>>, vector<1x1x16xf32>,
      %parallel_loop3A_675 = vector.shape_cast %parallel_loop3A_674 : vector<1x1x16xf32> to vector<16xf32>
      %parallel_loop3A_676 = vector.shape_cast %parallel_loop3A_669 : vector<16xf32> to vector<1x1x16xf32>
      tpu.vector_store %arg7[%parallel_loop3A_671, %parallel_loop3A_672, %parallel_loop3A_673], %parallel_loop3A_676 {strides = array<i32>} : memref<4x128x128xf32, #tpu.memory_space<vmem>>, vector<1x1x16xf32>,
      %parallel_loop3A_677 = arith.constant 1 : i32
      %parallel_loop3A_678 = arith.index_cast %parallel_loop3A_677 : i32 to index
      %parallel_loop3A_679 = arith.index_cast %parallel_loop3A_620 : i32 to index
      %parallel_loop3A_680 = arith.constant 64 : index
      %parallel_loop3A_681 = tpu.vector_load %arg7[%parallel_loop3A_678, %parallel_loop3A_679, %parallel_loop3A_680] {strides = array<i32>} : memref<4x128x128xf32, #tpu.memory_space<vmem>>, vector<1x1x16xf32>,
      %parallel_loop3A_682 = vector.shape_cast %parallel_loop3A_681 : vector<1x1x16xf32> to vector<16xf32>
      %parallel_loop3A_683 = arith.mulf %parallel_loop3A_682, %get3A_16 : vector<16xf32>
      %parallel_loop3A_684 = arith.constant 1 : i32
      %parallel_loop3A_685 = arith.index_cast %parallel_loop3A_684 : i32 to index
      %parallel_loop3A_686 = arith.index_cast %parallel_loop3A_620 : i32 to index
      %parallel_loop3A_687 = arith.constant 64 : index
      %parallel_loop3A_688 = tpu.vector_load %arg7[%parallel_loop3A_685, %parallel_loop3A_686, %parallel_loop3A_687] {strides = array<i32>} : memref<4x128x128xf32, #tpu.memory_space<vmem>>, vector<1x1x16xf32>,
      %parallel_loop3A_689 = vector.shape_cast %parallel_loop3A_688 : vector<1x1x16xf32> to vector<16xf32>
      %parallel_loop3A_690 = vector.shape_cast %parallel_loop3A_683 : vector<16xf32> to vector<1x1x16xf32>
      tpu.vector_store %arg7[%parallel_loop3A_685, %parallel_loop3A_686, %parallel_loop3A_687], %parallel_loop3A_690 {strides = array<i32>} : memref<4x128x128xf32, #tpu.memory_space<vmem>>, vector<1x1x16xf32>,
      %parallel_loop3A_691 = arith.constant 1 : i32
      %parallel_loop3A_692 = arith.index_cast %parallel_loop3A_691 : i32 to index
      %parallel_loop3A_693 = arith.index_cast %parallel_loop3A_620 : i32 to index
      %parallel_loop3A_694 = arith.constant 80 : index
      %parallel_loop3A_695 = tpu.vector_load %arg7[%parallel_loop3A_692, %parallel_loop3A_693, %parallel_loop3A_694] {strides = array<i32>} : memref<4x128x128xf32, #tpu.memory_space<vmem>>, vector<1x1x16xf32>,
      %parallel_loop3A_696 = vector.shape_cast %parallel_loop3A_695 : vector<1x1x16xf32> to vector<16xf32>
      %parallel_loop3A_697 = arith.mulf %parallel_loop3A_696, %get3A_19 : vector<16xf32>
      %parallel_loop3A_698 = arith.constant 1 : i32
      %parallel_loop3A_699 = arith.index_cast %parallel_loop3A_698 : i32 to index
      %parallel_loop3A_700 = arith.index_cast %parallel_loop3A_620 : i32 to index
      %parallel_loop3A_701 = arith.constant 80 : index
      %parallel_loop3A_702 = tpu.vector_load %arg7[%parallel_loop3A_699, %parallel_loop3A_700, %parallel_loop3A_701] {strides = array<i32>} : memref<4x128x128xf32, #tpu.memory_space<vmem>>, vector<1x1x16xf32>,
      %parallel_loop3A_703 = vector.shape_cast %parallel_loop3A_702 : vector<1x1x16xf32> to vector<16xf32>
      %parallel_loop3A_704 = vector.shape_cast %parallel_loop3A_697 : vector<16xf32> to vector<1x1x16xf32>
      tpu.vector_store %arg7[%parallel_loop3A_699, %parallel_loop3A_700, %parallel_loop3A_701], %parallel_loop3A_704 {strides = array<i32>} : memref<4x128x128xf32, #tpu.memory_space<vmem>>, vector<1x1x16xf32>,
      %parallel_loop3A_705 = arith.constant 1 : i32
      %parallel_loop3A_706 = arith.index_cast %parallel_loop3A_705 : i32 to index
      %parallel_loop3A_707 = arith.index_cast %parallel_loop3A_620 : i32 to index
      %parallel_loop3A_708 = arith.constant 96 : index
      %parallel_loop3A_709 = tpu.vector_load %arg7[%parallel_loop3A_706, %parallel_loop3A_707, %parallel_loop3A_708] {strides = array<i32>} : memref<4x128x128xf32, #tpu.memory_space<vmem>>, vector<1x1x16xf32>,
      %parallel_loop3A_710 = vector.shape_cast %parallel_loop3A_709 : vector<1x1x16xf32> to vector<16xf32>
      %parallel_loop3A_711 = arith.mulf %parallel_loop3A_710, %get3A_22 : vector<16xf32>
      %parallel_loop3A_712 = arith.constant 1 : i32
      %parallel_loop3A_713 = arith.index_cast %parallel_loop3A_712 : i32 to index
      %parallel_loop3A_714 = arith.index_cast %parallel_loop3A_620 : i32 to index
      %parallel_loop3A_715 = arith.constant 96 : index
      %parallel_loop3A_716 = tpu.vector_load %arg7[%parallel_loop3A_713, %parallel_loop3A_714, %parallel_loop3A_715] {strides = array<i32>} : memref<4x128x128xf32, #tpu.memory_space<vmem>>, vector<1x1x16xf32>,
      %parallel_loop3A_717 = vector.shape_cast %parallel_loop3A_716 : vector<1x1x16xf32> to vector<16xf32>
      %parallel_loop3A_718 = vector.shape_cast %parallel_loop3A_711 : vector<16xf32> to vector<1x1x16xf32>
      tpu.vector_store %arg7[%parallel_loop3A_713, %parallel_loop3A_714, %parallel_loop3A_715], %parallel_loop3A_718 {strides = array<i32>} : memref<4x128x128xf32, #tpu.memory_space<vmem>>, vector<1x1x16xf32>,
      %parallel_loop3A_719 = arith.constant 1 : i32
      %parallel_loop3A_720 = arith.index_cast %parallel_loop3A_719 : i32 to index
      %parallel_loop3A_721 = arith.index_cast %parallel_loop3A_620 : i32 to index
      %parallel_loop3A_722 = arith.constant 112 : index
      %parallel_loop3A_723 = tpu.vector_load %arg7[%parallel_loop3A_720, %parallel_loop3A_721, %parallel_loop3A_722] {strides = array<i32>} : memref<4x128x128xf32, #tpu.memory_space<vmem>>, vector<1x1x16xf32>,
      %parallel_loop3A_724 = vector.shape_cast %parallel_loop3A_723 : vector<1x1x16xf32> to vector<16xf32>
      %parallel_loop3A_725 = arith.mulf %parallel_loop3A_724, %get3A_25 : vector<16xf32>
      %parallel_loop3A_726 = arith.constant 1 : i32
      %parallel_loop3A_727 = arith.index_cast %parallel_loop3A_726 : i32 to index
      %parallel_loop3A_728 = arith.index_cast %parallel_loop3A_620 : i32 to index
      %parallel_loop3A_729 = arith.constant 112 : index
      %parallel_loop3A_730 = tpu.vector_load %arg7[%parallel_loop3A_727, %parallel_loop3A_728, %parallel_loop3A_729] {strides = array<i32>} : memref<4x128x128xf32, #tpu.memory_space<vmem>>, vector<1x1x16xf32>,
      %parallel_loop3A_731 = vector.shape_cast %parallel_loop3A_730 : vector<1x1x16xf32> to vector<16xf32>
      %parallel_loop3A_732 = vector.shape_cast %parallel_loop3A_725 : vector<16xf32> to vector<1x1x16xf32>
      tpu.vector_store %arg7[%parallel_loop3A_727, %parallel_loop3A_728, %parallel_loop3A_729], %parallel_loop3A_732 {strides = array<i32>} : memref<4x128x128xf32, #tpu.memory_space<vmem>>, vector<1x1x16xf32>,
    } {sc.loop_unroll_factor = 4 : i64, sc.parallel_access}
    %add3A_446 = arith.constant 197 : i32
    %add3A_447 = arith.addi %mul3A_2, %add3A_446 : i32
    %mul3A_448 = arith.constant 128 : i32
    %mul3A_449 = arith.muli %add3A_447, %mul3A_448 : i32
    %dma_start3A_450 = arith.constant 1 : i32
    %dma_start3A_451 = arith.constant 1 : i32
    %dma_start3A_452 = arith.constant 0 : i32
    %dma_start3A_453 = arith.constant 0 : i32
    %dma_start3A_454 = tpu.memref_slice %arg7[%dma_start3A_450, %dma_start3A_452, %dma_start3A_453] : memref<4x128x128xf32, #tpu.memory_space<vmem>> -> memref<1x128x128xf32, #tpu.memory_space<vmem>>
    %dma_start3A_455 = tpu.memref_squeeze %dma_start3A_454 : memref<1x128x128xf32, #tpu.memory_space<vmem>> -> memref<128x128xf32, #tpu.memory_space<vmem>>
    %dma_start3A_456 = arith.constant 0 : i32
    %dma_start3A_457 = tpu.memref_slice %arg5[%mul3A_449, %dma_start3A_456] : memref<819200x128xf32, #tpu.memory_space<hbm>> -> memref<128x128xf32, #tpu.memory_space<hbm>>
    %dma_start3A_458 = tpu.memref_slice %arg10[%dma_start3A_451] : memref<4x!tpu.dma_semaphore, #tpu.memory_space<semaphore_mem>> -> memref<1x!tpu.dma_semaphore, #tpu.memory_space<semaphore_mem>>
    %dma_start3A_459 = tpu.memref_squeeze %dma_start3A_458 : memref<1x!tpu.dma_semaphore, #tpu.memory_space<semaphore_mem>> -> memref<!tpu.dma_semaphore, #tpu.memory_space<semaphore_mem>>
    %dma_start3A_460 = arith.constant 0 : i32
    %dma_start3A_461 = tpu.memref_slice %arg5[%mul3A_449, %dma_start3A_460] : memref<819200x128xf32, #tpu.memory_space<hbm>> -> memref<128x128xf32, #tpu.memory_space<hbm>>
    %dma_start3A_462 = arith.constant 0 : i32
    %dma_start3A_463 = arith.constant 0 : i32
    %dma_start3A_464 = tpu.memref_slice %arg7[%dma_start3A_450, %dma_start3A_462, %dma_start3A_463] : memref<4x128x128xf32, #tpu.memory_space<vmem>> -> memref<1x128x128xf32, #tpu.memory_space<vmem>>
    %dma_start3A_465 = tpu.memref_squeeze %dma_start3A_464 : memref<1x128x128xf32, #tpu.memory_space<vmem>> -> memref<128x128xf32, #tpu.memory_space<vmem>>
    tpu.enqueue_dma source(%dma_start3A_465 : memref<128x128xf32, #tpu.memory_space<vmem>>) target(%dma_start3A_461 : memref<128x128xf32, #tpu.memory_space<hbm>>) target_semaphore(%dma_start3A_459 : memref<!tpu.dma_semaphore, #tpu.memory_space<semaphore_mem>>)
    %dma_wait3A_466 = arith.constant 2 : i32
    %dma_wait3A_467 = arith.constant 2 : i32
    %dma_wait3A_468 = arith.constant 0 : i32
    %dma_wait3A_469 = arith.constant 0 : i32
    %dma_wait3A_470 = tpu.memref_slice %arg7[%dma_wait3A_466, %dma_wait3A_468, %dma_wait3A_469] : memref<4x128x128xf32, #tpu.memory_space<vmem>> -> memref<1x128x128xf32, #tpu.memory_space<vmem>>
    %dma_wait3A_471 = tpu.memref_squeeze %dma_wait3A_470 : memref<1x128x128xf32, #tpu.memory_space<vmem>> -> memref<128x128xf32, #tpu.memory_space<vmem>>
    %dma_wait3A_472 = arith.constant 0 : i32
    %dma_wait3A_473 = arith.constant 0 : i32
    %dma_wait3A_474 = tpu.memref_slice %arg3[%dma_wait3A_472, %dma_wait3A_473] : memref<1000000x128xf32, #tpu.memory_space<hbm>> -> memref<128x128xf32, #tpu.memory_space<hbm>>
    %dma_wait3A_475 = tpu.memref_slice %arg9[%dma_wait3A_467] : memref<4x!tpu.dma_semaphore, #tpu.memory_space<semaphore_mem>> -> memref<1x!tpu.dma_semaphore, #tpu.memory_space<semaphore_mem>>
    %dma_wait3A_476 = tpu.memref_squeeze %dma_wait3A_475 : memref<1x!tpu.dma_semaphore, #tpu.memory_space<semaphore_mem>> -> memref<!tpu.dma_semaphore, #tpu.memory_space<semaphore_mem>>
    %dma_wait3A_477 = arith.constant 0 : i32
    %dma_wait3A_478 = arith.constant 0 : i32
    %dma_wait3A_479 = tpu.memref_slice %arg7[%dma_wait3A_466, %dma_wait3A_477, %dma_wait3A_478] : memref<4x128x128xf32, #tpu.memory_space<vmem>> -> memref<1x128x128xf32, #tpu.memory_space<vmem>>
    %dma_wait3A_480 = tpu.memref_squeeze %dma_wait3A_479 : memref<1x128x128xf32, #tpu.memory_space<vmem>> -> memref<128x128xf32, #tpu.memory_space<vmem>>
    %dma_wait3A_481 = arith.constant 0 : i32
    %dma_wait3A_482 = arith.constant 0 : i32
    %dma_wait3A_483 = tpu.memref_slice %arg3[%dma_wait3A_481, %dma_wait3A_482] : memref<1000000x128xf32, #tpu.memory_space<hbm>> -> memref<128x128xf32, #tpu.memory_space<hbm>>
    tpu.wait_dma2 semaphore(%dma_wait3A_476 : memref<!tpu.dma_semaphore, #tpu.memory_space<semaphore_mem>>) src(%dma_wait3A_483 : memref<128x128xf32, #tpu.memory_space<hbm>>) dst(%dma_wait3A_480 : memref<128x128xf32, #tpu.memory_space<vmem>>)
    %parallel_loop3A_484 = arith.constant 0 : i32
    %parallel_loop3A_485 = arith.constant 128 : i32
    %parallel_loop3A_486 = arith.constant 1 : i32
    scf.for %parallel_loop3A_620 = %parallel_loop3A_484 to %parallel_loop3A_485 step %parallel_loop3A_486  : i32 {
      %parallel_loop3A_621 = arith.constant 2 : i32
      %parallel_loop3A_622 = arith.index_cast %parallel_loop3A_621 : i32 to index
      %parallel_loop3A_623 = arith.index_cast %parallel_loop3A_620 : i32 to index
      %parallel_loop3A_624 = arith.constant 0 : index
      %parallel_loop3A_625 = tpu.vector_load %arg7[%parallel_loop3A_622, %parallel_loop3A_623, %parallel_loop3A_624] {strides = array<i32>} : memref<4x128x128xf32, #tpu.memory_space<vmem>>, vector<1x1x16xf32>,
      %parallel_loop3A_626 = vector.shape_cast %parallel_loop3A_625 : vector<1x1x16xf32> to vector<16xf32>
      %parallel_loop3A_627 = arith.mulf %parallel_loop3A_626, %get3A_4 : vector<16xf32>
      %parallel_loop3A_628 = arith.constant 2 : i32
      %parallel_loop3A_629 = arith.index_cast %parallel_loop3A_628 : i32 to index
      %parallel_loop3A_630 = arith.index_cast %parallel_loop3A_620 : i32 to index
      %parallel_loop3A_631 = arith.constant 0 : index
      %parallel_loop3A_632 = tpu.vector_load %arg7[%parallel_loop3A_629, %parallel_loop3A_630, %parallel_loop3A_631] {strides = array<i32>} : memref<4x128x128xf32, #tpu.memory_space<vmem>>, vector<1x1x16xf32>,
      %parallel_loop3A_633 = vector.shape_cast %parallel_loop3A_632 : vector<1x1x16xf32> to vector<16xf32>
      %parallel_loop3A_634 = vector.shape_cast %parallel_loop3A_627 : vector<16xf32> to vector<1x1x16xf32>
      tpu.vector_store %arg7[%parallel_loop3A_629, %parallel_loop3A_630, %parallel_loop3A_631], %parallel_loop3A_634 {strides = array<i32>} : memref<4x128x128xf32, #tpu.memory_space<vmem>>, vector<1x1x16xf32>,
      %parallel_loop3A_635 = arith.constant 2 : i32
      %parallel_loop3A_636 = arith.index_cast %parallel_loop3A_635 : i32 to index
      %parallel_loop3A_637 = arith.index_cast %parallel_loop3A_620 : i32 to index
      %parallel_loop3A_638 = arith.constant 16 : index
      %parallel_loop3A_639 = tpu.vector_load %arg7[%parallel_loop3A_636, %parallel_loop3A_637, %parallel_loop3A_638] {strides = array<i32>} : memref<4x128x128xf32, #tpu.memory_space<vmem>>, vector<1x1x16xf32>,
      %parallel_loop3A_640 = vector.shape_cast %parallel_loop3A_639 : vector<1x1x16xf32> to vector<16xf32>
      %parallel_loop3A_641 = arith.mulf %parallel_loop3A_640, %get3A_7 : vector<16xf32>
      %parallel_loop3A_642 = arith.constant 2 : i32
      %parallel_loop3A_643 = arith.index_cast %parallel_loop3A_642 : i32 to index
      %parallel_loop3A_644 = arith.index_cast %parallel_loop3A_620 : i32 to index
      %parallel_loop3A_645 = arith.constant 16 : index
      %parallel_loop3A_646 = tpu.vector_load %arg7[%parallel_loop3A_643, %parallel_loop3A_644, %parallel_loop3A_645] {strides = array<i32>} : memref<4x128x128xf32, #tpu.memory_space<vmem>>, vector<1x1x16xf32>,
      %parallel_loop3A_647 = vector.shape_cast %parallel_loop3A_646 : vector<1x1x16xf32> to vector<16xf32>
      %parallel_loop3A_648 = vector.shape_cast %parallel_loop3A_641 : vector<16xf32> to vector<1x1x16xf32>
      tpu.vector_store %arg7[%parallel_loop3A_643, %parallel_loop3A_644, %parallel_loop3A_645], %parallel_loop3A_648 {strides = array<i32>} : memref<4x128x128xf32, #tpu.memory_space<vmem>>, vector<1x1x16xf32>,
      %parallel_loop3A_649 = arith.constant 2 : i32
      %parallel_loop3A_650 = arith.index_cast %parallel_loop3A_649 : i32 to index
      %parallel_loop3A_651 = arith.index_cast %parallel_loop3A_620 : i32 to index
      %parallel_loop3A_652 = arith.constant 32 : index
      %parallel_loop3A_653 = tpu.vector_load %arg7[%parallel_loop3A_650, %parallel_loop3A_651, %parallel_loop3A_652] {strides = array<i32>} : memref<4x128x128xf32, #tpu.memory_space<vmem>>, vector<1x1x16xf32>,
      %parallel_loop3A_654 = vector.shape_cast %parallel_loop3A_653 : vector<1x1x16xf32> to vector<16xf32>
      %parallel_loop3A_655 = arith.mulf %parallel_loop3A_654, %get3A_10 : vector<16xf32>
      %parallel_loop3A_656 = arith.constant 2 : i32
      %parallel_loop3A_657 = arith.index_cast %parallel_loop3A_656 : i32 to index
      %parallel_loop3A_658 = arith.index_cast %parallel_loop3A_620 : i32 to index
      %parallel_loop3A_659 = arith.constant 32 : index
      %parallel_loop3A_660 = tpu.vector_load %arg7[%parallel_loop3A_657, %parallel_loop3A_658, %parallel_loop3A_659] {strides = array<i32>} : memref<4x128x128xf32, #tpu.memory_space<vmem>>, vector<1x1x16xf32>,
      %parallel_loop3A_661 = vector.shape_cast %parallel_loop3A_660 : vector<1x1x16xf32> to vector<16xf32>
      %parallel_loop3A_662 = vector.shape_cast %parallel_loop3A_655 : vector<16xf32> to vector<1x1x16xf32>
      tpu.vector_store %arg7[%parallel_loop3A_657, %parallel_loop3A_658, %parallel_loop3A_659], %parallel_loop3A_662 {strides = array<i32>} : memref<4x128x128xf32, #tpu.memory_space<vmem>>, vector<1x1x16xf32>,
      %parallel_loop3A_663 = arith.constant 2 : i32
      %parallel_loop3A_664 = arith.index_cast %parallel_loop3A_663 : i32 to index
      %parallel_loop3A_665 = arith.index_cast %parallel_loop3A_620 : i32 to index
      %parallel_loop3A_666 = arith.constant 48 : index
      %parallel_loop3A_667 = tpu.vector_load %arg7[%parallel_loop3A_664, %parallel_loop3A_665, %parallel_loop3A_666] {strides = array<i32>} : memref<4x128x128xf32, #tpu.memory_space<vmem>>, vector<1x1x16xf32>,
      %parallel_loop3A_668 = vector.shape_cast %parallel_loop3A_667 : vector<1x1x16xf32> to vector<16xf32>
      %parallel_loop3A_669 = arith.mulf %parallel_loop3A_668, %get3A_13 : vector<16xf32>
      %parallel_loop3A_670 = arith.constant 2 : i32
      %parallel_loop3A_671 = arith.index_cast %parallel_loop3A_670 : i32 to index
      %parallel_loop3A_672 = arith.index_cast %parallel_loop3A_620 : i32 to index
      %parallel_loop3A_673 = arith.constant 48 : index
      %parallel_loop3A_674 = tpu.vector_load %arg7[%parallel_loop3A_671, %parallel_loop3A_672, %parallel_loop3A_673] {strides = array<i32>} : memref<4x128x128xf32, #tpu.memory_space<vmem>>, vector<1x1x16xf32>,
      %parallel_loop3A_675 = vector.shape_cast %parallel_loop3A_674 : vector<1x1x16xf32> to vector<16xf32>
      %parallel_loop3A_676 = vector.shape_cast %parallel_loop3A_669 : vector<16xf32> to vector<1x1x16xf32>
      tpu.vector_store %arg7[%parallel_loop3A_671, %parallel_loop3A_672, %parallel_loop3A_673], %parallel_loop3A_676 {strides = array<i32>} : memref<4x128x128xf32, #tpu.memory_space<vmem>>, vector<1x1x16xf32>,
      %parallel_loop3A_677 = arith.constant 2 : i32
      %parallel_loop3A_678 = arith.index_cast %parallel_loop3A_677 : i32 to index
      %parallel_loop3A_679 = arith.index_cast %parallel_loop3A_620 : i32 to index
      %parallel_loop3A_680 = arith.constant 64 : index
      %parallel_loop3A_681 = tpu.vector_load %arg7[%parallel_loop3A_678, %parallel_loop3A_679, %parallel_loop3A_680] {strides = array<i32>} : memref<4x128x128xf32, #tpu.memory_space<vmem>>, vector<1x1x16xf32>,
      %parallel_loop3A_682 = vector.shape_cast %parallel_loop3A_681 : vector<1x1x16xf32> to vector<16xf32>
      %parallel_loop3A_683 = arith.mulf %parallel_loop3A_682, %get3A_16 : vector<16xf32>
      %parallel_loop3A_684 = arith.constant 2 : i32
      %parallel_loop3A_685 = arith.index_cast %parallel_loop3A_684 : i32 to index
      %parallel_loop3A_686 = arith.index_cast %parallel_loop3A_620 : i32 to index
      %parallel_loop3A_687 = arith.constant 64 : index
      %parallel_loop3A_688 = tpu.vector_load %arg7[%parallel_loop3A_685, %parallel_loop3A_686, %parallel_loop3A_687] {strides = array<i32>} : memref<4x128x128xf32, #tpu.memory_space<vmem>>, vector<1x1x16xf32>,
      %parallel_loop3A_689 = vector.shape_cast %parallel_loop3A_688 : vector<1x1x16xf32> to vector<16xf32>
      %parallel_loop3A_690 = vector.shape_cast %parallel_loop3A_683 : vector<16xf32> to vector<1x1x16xf32>
      tpu.vector_store %arg7[%parallel_loop3A_685, %parallel_loop3A_686, %parallel_loop3A_687], %parallel_loop3A_690 {strides = array<i32>} : memref<4x128x128xf32, #tpu.memory_space<vmem>>, vector<1x1x16xf32>,
      %parallel_loop3A_691 = arith.constant 2 : i32
      %parallel_loop3A_692 = arith.index_cast %parallel_loop3A_691 : i32 to index
      %parallel_loop3A_693 = arith.index_cast %parallel_loop3A_620 : i32 to index
      %parallel_loop3A_694 = arith.constant 80 : index
      %parallel_loop3A_695 = tpu.vector_load %arg7[%parallel_loop3A_692, %parallel_loop3A_693, %parallel_loop3A_694] {strides = array<i32>} : memref<4x128x128xf32, #tpu.memory_space<vmem>>, vector<1x1x16xf32>,
      %parallel_loop3A_696 = vector.shape_cast %parallel_loop3A_695 : vector<1x1x16xf32> to vector<16xf32>
      %parallel_loop3A_697 = arith.mulf %parallel_loop3A_696, %get3A_19 : vector<16xf32>
      %parallel_loop3A_698 = arith.constant 2 : i32
      %parallel_loop3A_699 = arith.index_cast %parallel_loop3A_698 : i32 to index
      %parallel_loop3A_700 = arith.index_cast %parallel_loop3A_620 : i32 to index
      %parallel_loop3A_701 = arith.constant 80 : index
      %parallel_loop3A_702 = tpu.vector_load %arg7[%parallel_loop3A_699, %parallel_loop3A_700, %parallel_loop3A_701] {strides = array<i32>} : memref<4x128x128xf32, #tpu.memory_space<vmem>>, vector<1x1x16xf32>,
      %parallel_loop3A_703 = vector.shape_cast %parallel_loop3A_702 : vector<1x1x16xf32> to vector<16xf32>
      %parallel_loop3A_704 = vector.shape_cast %parallel_loop3A_697 : vector<16xf32> to vector<1x1x16xf32>
      tpu.vector_store %arg7[%parallel_loop3A_699, %parallel_loop3A_700, %parallel_loop3A_701], %parallel_loop3A_704 {strides = array<i32>} : memref<4x128x128xf32, #tpu.memory_space<vmem>>, vector<1x1x16xf32>,
      %parallel_loop3A_705 = arith.constant 2 : i32
      %parallel_loop3A_706 = arith.index_cast %parallel_loop3A_705 : i32 to index
      %parallel_loop3A_707 = arith.index_cast %parallel_loop3A_620 : i32 to index
      %parallel_loop3A_708 = arith.constant 96 : index
      %parallel_loop3A_709 = tpu.vector_load %arg7[%parallel_loop3A_706, %parallel_loop3A_707, %parallel_loop3A_708] {strides = array<i32>} : memref<4x128x128xf32, #tpu.memory_space<vmem>>, vector<1x1x16xf32>,
      %parallel_loop3A_710 = vector.shape_cast %parallel_loop3A_709 : vector<1x1x16xf32> to vector<16xf32>
      %parallel_loop3A_711 = arith.mulf %parallel_loop3A_710, %get3A_22 : vector<16xf32>
      %parallel_loop3A_712 = arith.constant 2 : i32
      %parallel_loop3A_713 = arith.index_cast %parallel_loop3A_712 : i32 to index
      %parallel_loop3A_714 = arith.index_cast %parallel_loop3A_620 : i32 to index
      %parallel_loop3A_715 = arith.constant 96 : index
      %parallel_loop3A_716 = tpu.vector_load %arg7[%parallel_loop3A_713, %parallel_loop3A_714, %parallel_loop3A_715] {strides = array<i32>} : memref<4x128x128xf32, #tpu.memory_space<vmem>>, vector<1x1x16xf32>,
      %parallel_loop3A_717 = vector.shape_cast %parallel_loop3A_716 : vector<1x1x16xf32> to vector<16xf32>
      %parallel_loop3A_718 = vector.shape_cast %parallel_loop3A_711 : vector<16xf32> to vector<1x1x16xf32>
      tpu.vector_store %arg7[%parallel_loop3A_713, %parallel_loop3A_714, %parallel_loop3A_715], %parallel_loop3A_718 {strides = array<i32>} : memref<4x128x128xf32, #tpu.memory_space<vmem>>, vector<1x1x16xf32>,
      %parallel_loop3A_719 = arith.constant 2 : i32
      %parallel_loop3A_720 = arith.index_cast %parallel_loop3A_719 : i32 to index
      %parallel_loop3A_721 = arith.index_cast %parallel_loop3A_620 : i32 to index
      %parallel_loop3A_722 = arith.constant 112 : index
      %parallel_loop3A_723 = tpu.vector_load %arg7[%parallel_loop3A_720, %parallel_loop3A_721, %parallel_loop3A_722] {strides = array<i32>} : memref<4x128x128xf32, #tpu.memory_space<vmem>>, vector<1x1x16xf32>,
      %parallel_loop3A_724 = vector.shape_cast %parallel_loop3A_723 : vector<1x1x16xf32> to vector<16xf32>
      %parallel_loop3A_725 = arith.mulf %parallel_loop3A_724, %get3A_25 : vector<16xf32>
      %parallel_loop3A_726 = arith.constant 2 : i32
      %parallel_loop3A_727 = arith.index_cast %parallel_loop3A_726 : i32 to index
      %parallel_loop3A_728 = arith.index_cast %parallel_loop3A_620 : i32 to index
      %parallel_loop3A_729 = arith.constant 112 : index
      %parallel_loop3A_730 = tpu.vector_load %arg7[%parallel_loop3A_727, %parallel_loop3A_728, %parallel_loop3A_729] {strides = array<i32>} : memref<4x128x128xf32, #tpu.memory_space<vmem>>, vector<1x1x16xf32>,
      %parallel_loop3A_731 = vector.shape_cast %parallel_loop3A_730 : vector<1x1x16xf32> to vector<16xf32>
      %parallel_loop3A_732 = vector.shape_cast %parallel_loop3A_725 : vector<16xf32> to vector<1x1x16xf32>
      tpu.vector_store %arg7[%parallel_loop3A_727, %parallel_loop3A_728, %parallel_loop3A_729], %parallel_loop3A_732 {strides = array<i32>} : memref<4x128x128xf32, #tpu.memory_space<vmem>>, vector<1x1x16xf32>,
    } {sc.loop_unroll_factor = 4 : i64, sc.parallel_access}
    %add3A_487 = arith.constant 198 : i32
    %add3A_488 = arith.addi %mul3A_2, %add3A_487 : i32
    %mul3A_489 = arith.constant 128 : i32
    %mul3A_490 = arith.muli %add3A_488, %mul3A_489 : i32
    %dma_start3A_491 = arith.constant 2 : i32
    %dma_start3A_492 = arith.constant 2 : i32
    %dma_start3A_493 = arith.constant 0 : i32
    %dma_start3A_494 = arith.constant 0 : i32
    %dma_start3A_495 = tpu.memref_slice %arg7[%dma_start3A_491, %dma_start3A_493, %dma_start3A_494] : memref<4x128x128xf32, #tpu.memory_space<vmem>> -> memref<1x128x128xf32, #tpu.memory_space<vmem>>
    %dma_start3A_496 = tpu.memref_squeeze %dma_start3A_495 : memref<1x128x128xf32, #tpu.memory_space<vmem>> -> memref<128x128xf32, #tpu.memory_space<vmem>>
    %dma_start3A_497 = arith.constant 0 : i32
    %dma_start3A_498 = tpu.memref_slice %arg5[%mul3A_490, %dma_start3A_497] : memref<819200x128xf32, #tpu.memory_space<hbm>> -> memref<128x128xf32, #tpu.memory_space<hbm>>
    %dma_start3A_499 = tpu.memref_slice %arg10[%dma_start3A_492] : memref<4x!tpu.dma_semaphore, #tpu.memory_space<semaphore_mem>> -> memref<1x!tpu.dma_semaphore, #tpu.memory_space<semaphore_mem>>
    %dma_start3A_500 = tpu.memref_squeeze %dma_start3A_499 : memref<1x!tpu.dma_semaphore, #tpu.memory_space<semaphore_mem>> -> memref<!tpu.dma_semaphore, #tpu.memory_space<semaphore_mem>>
    %dma_start3A_501 = arith.constant 0 : i32
    %dma_start3A_502 = tpu.memref_slice %arg5[%mul3A_490, %dma_start3A_501] : memref<819200x128xf32, #tpu.memory_space<hbm>> -> memref<128x128xf32, #tpu.memory_space<hbm>>
    %dma_start3A_503 = arith.constant 0 : i32
    %dma_start3A_504 = arith.constant 0 : i32
    %dma_start3A_505 = tpu.memref_slice %arg7[%dma_start3A_491, %dma_start3A_503, %dma_start3A_504] : memref<4x128x128xf32, #tpu.memory_space<vmem>> -> memref<1x128x128xf32, #tpu.memory_space<vmem>>
    %dma_start3A_506 = tpu.memref_squeeze %dma_start3A_505 : memref<1x128x128xf32, #tpu.memory_space<vmem>> -> memref<128x128xf32, #tpu.memory_space<vmem>>
    tpu.enqueue_dma source(%dma_start3A_506 : memref<128x128xf32, #tpu.memory_space<vmem>>) target(%dma_start3A_502 : memref<128x128xf32, #tpu.memory_space<hbm>>) target_semaphore(%dma_start3A_500 : memref<!tpu.dma_semaphore, #tpu.memory_space<semaphore_mem>>)
    %dma_wait3A_507 = arith.constant 3 : i32
    %dma_wait3A_508 = arith.constant 3 : i32
    %dma_wait3A_509 = arith.constant 0 : i32
    %dma_wait3A_510 = arith.constant 0 : i32
    %dma_wait3A_511 = tpu.memref_slice %arg7[%dma_wait3A_507, %dma_wait3A_509, %dma_wait3A_510] : memref<4x128x128xf32, #tpu.memory_space<vmem>> -> memref<1x128x128xf32, #tpu.memory_space<vmem>>
    %dma_wait3A_512 = tpu.memref_squeeze %dma_wait3A_511 : memref<1x128x128xf32, #tpu.memory_space<vmem>> -> memref<128x128xf32, #tpu.memory_space<vmem>>
    %dma_wait3A_513 = arith.constant 0 : i32
    %dma_wait3A_514 = arith.constant 0 : i32
    %dma_wait3A_515 = tpu.memref_slice %arg3[%dma_wait3A_513, %dma_wait3A_514] : memref<1000000x128xf32, #tpu.memory_space<hbm>> -> memref<128x128xf32, #tpu.memory_space<hbm>>
    %dma_wait3A_516 = tpu.memref_slice %arg9[%dma_wait3A_508] : memref<4x!tpu.dma_semaphore, #tpu.memory_space<semaphore_mem>> -> memref<1x!tpu.dma_semaphore, #tpu.memory_space<semaphore_mem>>
    %dma_wait3A_517 = tpu.memref_squeeze %dma_wait3A_516 : memref<1x!tpu.dma_semaphore, #tpu.memory_space<semaphore_mem>> -> memref<!tpu.dma_semaphore, #tpu.memory_space<semaphore_mem>>
    %dma_wait3A_518 = arith.constant 0 : i32
    %dma_wait3A_519 = arith.constant 0 : i32
    %dma_wait3A_520 = tpu.memref_slice %arg7[%dma_wait3A_507, %dma_wait3A_518, %dma_wait3A_519] : memref<4x128x128xf32, #tpu.memory_space<vmem>> -> memref<1x128x128xf32, #tpu.memory_space<vmem>>
    %dma_wait3A_521 = tpu.memref_squeeze %dma_wait3A_520 : memref<1x128x128xf32, #tpu.memory_space<vmem>> -> memref<128x128xf32, #tpu.memory_space<vmem>>
    %dma_wait3A_522 = arith.constant 0 : i32
    %dma_wait3A_523 = arith.constant 0 : i32
    %dma_wait3A_524 = tpu.memref_slice %arg3[%dma_wait3A_522, %dma_wait3A_523] : memref<1000000x128xf32, #tpu.memory_space<hbm>> -> memref<128x128xf32, #tpu.memory_space<hbm>>
    tpu.wait_dma2 semaphore(%dma_wait3A_517 : memref<!tpu.dma_semaphore, #tpu.memory_space<semaphore_mem>>) src(%dma_wait3A_524 : memref<128x128xf32, #tpu.memory_space<hbm>>) dst(%dma_wait3A_521 : memref<128x128xf32, #tpu.memory_space<vmem>>)
    %parallel_loop3A_525 = arith.constant 0 : i32
    %parallel_loop3A_526 = arith.constant 128 : i32
    %parallel_loop3A_527 = arith.constant 1 : i32
    scf.for %parallel_loop3A_620 = %parallel_loop3A_525 to %parallel_loop3A_526 step %parallel_loop3A_527  : i32 {
      %parallel_loop3A_621 = arith.constant 3 : i32
      %parallel_loop3A_622 = arith.index_cast %parallel_loop3A_621 : i32 to index
      %parallel_loop3A_623 = arith.index_cast %parallel_loop3A_620 : i32 to index
      %parallel_loop3A_624 = arith.constant 0 : index
      %parallel_loop3A_625 = tpu.vector_load %arg7[%parallel_loop3A_622, %parallel_loop3A_623, %parallel_loop3A_624] {strides = array<i32>} : memref<4x128x128xf32, #tpu.memory_space<vmem>>, vector<1x1x16xf32>,
      %parallel_loop3A_626 = vector.shape_cast %parallel_loop3A_625 : vector<1x1x16xf32> to vector<16xf32>
      %parallel_loop3A_627 = arith.mulf %parallel_loop3A_626, %get3A_4 : vector<16xf32>
      %parallel_loop3A_628 = arith.constant 3 : i32
      %parallel_loop3A_629 = arith.index_cast %parallel_loop3A_628 : i32 to index
      %parallel_loop3A_630 = arith.index_cast %parallel_loop3A_620 : i32 to index
      %parallel_loop3A_631 = arith.constant 0 : index
      %parallel_loop3A_632 = tpu.vector_load %arg7[%parallel_loop3A_629, %parallel_loop3A_630, %parallel_loop3A_631] {strides = array<i32>} : memref<4x128x128xf32, #tpu.memory_space<vmem>>, vector<1x1x16xf32>,
      %parallel_loop3A_633 = vector.shape_cast %parallel_loop3A_632 : vector<1x1x16xf32> to vector<16xf32>
      %parallel_loop3A_634 = vector.shape_cast %parallel_loop3A_627 : vector<16xf32> to vector<1x1x16xf32>
      tpu.vector_store %arg7[%parallel_loop3A_629, %parallel_loop3A_630, %parallel_loop3A_631], %parallel_loop3A_634 {strides = array<i32>} : memref<4x128x128xf32, #tpu.memory_space<vmem>>, vector<1x1x16xf32>,
      %parallel_loop3A_635 = arith.constant 3 : i32
      %parallel_loop3A_636 = arith.index_cast %parallel_loop3A_635 : i32 to index
      %parallel_loop3A_637 = arith.index_cast %parallel_loop3A_620 : i32 to index
      %parallel_loop3A_638 = arith.constant 16 : index
      %parallel_loop3A_639 = tpu.vector_load %arg7[%parallel_loop3A_636, %parallel_loop3A_637, %parallel_loop3A_638] {strides = array<i32>} : memref<4x128x128xf32, #tpu.memory_space<vmem>>, vector<1x1x16xf32>,
      %parallel_loop3A_640 = vector.shape_cast %parallel_loop3A_639 : vector<1x1x16xf32> to vector<16xf32>
      %parallel_loop3A_641 = arith.mulf %parallel_loop3A_640, %get3A_7 : vector<16xf32>
      %parallel_loop3A_642 = arith.constant 3 : i32
      %parallel_loop3A_643 = arith.index_cast %parallel_loop3A_642 : i32 to index
      %parallel_loop3A_644 = arith.index_cast %parallel_loop3A_620 : i32 to index
      %parallel_loop3A_645 = arith.constant 16 : index
      %parallel_loop3A_646 = tpu.vector_load %arg7[%parallel_loop3A_643, %parallel_loop3A_644, %parallel_loop3A_645] {strides = array<i32>} : memref<4x128x128xf32, #tpu.memory_space<vmem>>, vector<1x1x16xf32>,
      %parallel_loop3A_647 = vector.shape_cast %parallel_loop3A_646 : vector<1x1x16xf32> to vector<16xf32>
      %parallel_loop3A_648 = vector.shape_cast %parallel_loop3A_641 : vector<16xf32> to vector<1x1x16xf32>
      tpu.vector_store %arg7[%parallel_loop3A_643, %parallel_loop3A_644, %parallel_loop3A_645], %parallel_loop3A_648 {strides = array<i32>} : memref<4x128x128xf32, #tpu.memory_space<vmem>>, vector<1x1x16xf32>,
      %parallel_loop3A_649 = arith.constant 3 : i32
      %parallel_loop3A_650 = arith.index_cast %parallel_loop3A_649 : i32 to index
      %parallel_loop3A_651 = arith.index_cast %parallel_loop3A_620 : i32 to index
      %parallel_loop3A_652 = arith.constant 32 : index
      %parallel_loop3A_653 = tpu.vector_load %arg7[%parallel_loop3A_650, %parallel_loop3A_651, %parallel_loop3A_652] {strides = array<i32>} : memref<4x128x128xf32, #tpu.memory_space<vmem>>, vector<1x1x16xf32>,
      %parallel_loop3A_654 = vector.shape_cast %parallel_loop3A_653 : vector<1x1x16xf32> to vector<16xf32>
      %parallel_loop3A_655 = arith.mulf %parallel_loop3A_654, %get3A_10 : vector<16xf32>
      %parallel_loop3A_656 = arith.constant 3 : i32
      %parallel_loop3A_657 = arith.index_cast %parallel_loop3A_656 : i32 to index
      %parallel_loop3A_658 = arith.index_cast %parallel_loop3A_620 : i32 to index
      %parallel_loop3A_659 = arith.constant 32 : index
      %parallel_loop3A_660 = tpu.vector_load %arg7[%parallel_loop3A_657, %parallel_loop3A_658, %parallel_loop3A_659] {strides = array<i32>} : memref<4x128x128xf32, #tpu.memory_space<vmem>>, vector<1x1x16xf32>,
      %parallel_loop3A_661 = vector.shape_cast %parallel_loop3A_660 : vector<1x1x16xf32> to vector<16xf32>
      %parallel_loop3A_662 = vector.shape_cast %parallel_loop3A_655 : vector<16xf32> to vector<1x1x16xf32>
      tpu.vector_store %arg7[%parallel_loop3A_657, %parallel_loop3A_658, %parallel_loop3A_659], %parallel_loop3A_662 {strides = array<i32>} : memref<4x128x128xf32, #tpu.memory_space<vmem>>, vector<1x1x16xf32>,
      %parallel_loop3A_663 = arith.constant 3 : i32
      %parallel_loop3A_664 = arith.index_cast %parallel_loop3A_663 : i32 to index
      %parallel_loop3A_665 = arith.index_cast %parallel_loop3A_620 : i32 to index
      %parallel_loop3A_666 = arith.constant 48 : index
      %parallel_loop3A_667 = tpu.vector_load %arg7[%parallel_loop3A_664, %parallel_loop3A_665, %parallel_loop3A_666] {strides = array<i32>} : memref<4x128x128xf32, #tpu.memory_space<vmem>>, vector<1x1x16xf32>,
      %parallel_loop3A_668 = vector.shape_cast %parallel_loop3A_667 : vector<1x1x16xf32> to vector<16xf32>
      %parallel_loop3A_669 = arith.mulf %parallel_loop3A_668, %get3A_13 : vector<16xf32>
      %parallel_loop3A_670 = arith.constant 3 : i32
      %parallel_loop3A_671 = arith.index_cast %parallel_loop3A_670 : i32 to index
      %parallel_loop3A_672 = arith.index_cast %parallel_loop3A_620 : i32 to index
      %parallel_loop3A_673 = arith.constant 48 : index
      %parallel_loop3A_674 = tpu.vector_load %arg7[%parallel_loop3A_671, %parallel_loop3A_672, %parallel_loop3A_673] {strides = array<i32>} : memref<4x128x128xf32, #tpu.memory_space<vmem>>, vector<1x1x16xf32>,
      %parallel_loop3A_675 = vector.shape_cast %parallel_loop3A_674 : vector<1x1x16xf32> to vector<16xf32>
      %parallel_loop3A_676 = vector.shape_cast %parallel_loop3A_669 : vector<16xf32> to vector<1x1x16xf32>
      tpu.vector_store %arg7[%parallel_loop3A_671, %parallel_loop3A_672, %parallel_loop3A_673], %parallel_loop3A_676 {strides = array<i32>} : memref<4x128x128xf32, #tpu.memory_space<vmem>>, vector<1x1x16xf32>,
      %parallel_loop3A_677 = arith.constant 3 : i32
      %parallel_loop3A_678 = arith.index_cast %parallel_loop3A_677 : i32 to index
      %parallel_loop3A_679 = arith.index_cast %parallel_loop3A_620 : i32 to index
      %parallel_loop3A_680 = arith.constant 64 : index
      %parallel_loop3A_681 = tpu.vector_load %arg7[%parallel_loop3A_678, %parallel_loop3A_679, %parallel_loop3A_680] {strides = array<i32>} : memref<4x128x128xf32, #tpu.memory_space<vmem>>, vector<1x1x16xf32>,
      %parallel_loop3A_682 = vector.shape_cast %parallel_loop3A_681 : vector<1x1x16xf32> to vector<16xf32>
      %parallel_loop3A_683 = arith.mulf %parallel_loop3A_682, %get3A_16 : vector<16xf32>
      %parallel_loop3A_684 = arith.constant 3 : i32
      %parallel_loop3A_685 = arith.index_cast %parallel_loop3A_684 : i32 to index
      %parallel_loop3A_686 = arith.index_cast %parallel_loop3A_620 : i32 to index
      %parallel_loop3A_687 = arith.constant 64 : index
      %parallel_loop3A_688 = tpu.vector_load %arg7[%parallel_loop3A_685, %parallel_loop3A_686, %parallel_loop3A_687] {strides = array<i32>} : memref<4x128x128xf32, #tpu.memory_space<vmem>>, vector<1x1x16xf32>,
      %parallel_loop3A_689 = vector.shape_cast %parallel_loop3A_688 : vector<1x1x16xf32> to vector<16xf32>
      %parallel_loop3A_690 = vector.shape_cast %parallel_loop3A_683 : vector<16xf32> to vector<1x1x16xf32>
      tpu.vector_store %arg7[%parallel_loop3A_685, %parallel_loop3A_686, %parallel_loop3A_687], %parallel_loop3A_690 {strides = array<i32>} : memref<4x128x128xf32, #tpu.memory_space<vmem>>, vector<1x1x16xf32>,
      %parallel_loop3A_691 = arith.constant 3 : i32
      %parallel_loop3A_692 = arith.index_cast %parallel_loop3A_691 : i32 to index
      %parallel_loop3A_693 = arith.index_cast %parallel_loop3A_620 : i32 to index
      %parallel_loop3A_694 = arith.constant 80 : index
      %parallel_loop3A_695 = tpu.vector_load %arg7[%parallel_loop3A_692, %parallel_loop3A_693, %parallel_loop3A_694] {strides = array<i32>} : memref<4x128x128xf32, #tpu.memory_space<vmem>>, vector<1x1x16xf32>,
      %parallel_loop3A_696 = vector.shape_cast %parallel_loop3A_695 : vector<1x1x16xf32> to vector<16xf32>
      %parallel_loop3A_697 = arith.mulf %parallel_loop3A_696, %get3A_19 : vector<16xf32>
      %parallel_loop3A_698 = arith.constant 3 : i32
      %parallel_loop3A_699 = arith.index_cast %parallel_loop3A_698 : i32 to index
      %parallel_loop3A_700 = arith.index_cast %parallel_loop3A_620 : i32 to index
      %parallel_loop3A_701 = arith.constant 80 : index
      %parallel_loop3A_702 = tpu.vector_load %arg7[%parallel_loop3A_699, %parallel_loop3A_700, %parallel_loop3A_701] {strides = array<i32>} : memref<4x128x128xf32, #tpu.memory_space<vmem>>, vector<1x1x16xf32>,
      %parallel_loop3A_703 = vector.shape_cast %parallel_loop3A_702 : vector<1x1x16xf32> to vector<16xf32>
      %parallel_loop3A_704 = vector.shape_cast %parallel_loop3A_697 : vector<16xf32> to vector<1x1x16xf32>
      tpu.vector_store %arg7[%parallel_loop3A_699, %parallel_loop3A_700, %parallel_loop3A_701], %parallel_loop3A_704 {strides = array<i32>} : memref<4x128x128xf32, #tpu.memory_space<vmem>>, vector<1x1x16xf32>,
      %parallel_loop3A_705 = arith.constant 3 : i32
      %parallel_loop3A_706 = arith.index_cast %parallel_loop3A_705 : i32 to index
      %parallel_loop3A_707 = arith.index_cast %parallel_loop3A_620 : i32 to index
      %parallel_loop3A_708 = arith.constant 96 : index
      %parallel_loop3A_709 = tpu.vector_load %arg7[%parallel_loop3A_706, %parallel_loop3A_707, %parallel_loop3A_708] {strides = array<i32>} : memref<4x128x128xf32, #tpu.memory_space<vmem>>, vector<1x1x16xf32>,
      %parallel_loop3A_710 = vector.shape_cast %parallel_loop3A_709 : vector<1x1x16xf32> to vector<16xf32>
      %parallel_loop3A_711 = arith.mulf %parallel_loop3A_710, %get3A_22 : vector<16xf32>
      %parallel_loop3A_712 = arith.constant 3 : i32
      %parallel_loop3A_713 = arith.index_cast %parallel_loop3A_712 : i32 to index
      %parallel_loop3A_714 = arith.index_cast %parallel_loop3A_620 : i32 to index
      %parallel_loop3A_715 = arith.constant 96 : index
      %parallel_loop3A_716 = tpu.vector_load %arg7[%parallel_loop3A_713, %parallel_loop3A_714, %parallel_loop3A_715] {strides = array<i32>} : memref<4x128x128xf32, #tpu.memory_space<vmem>>, vector<1x1x16xf32>,
      %parallel_loop3A_717 = vector.shape_cast %parallel_loop3A_716 : vector<1x1x16xf32> to vector<16xf32>
      %parallel_loop3A_718 = vector.shape_cast %parallel_loop3A_711 : vector<16xf32> to vector<1x1x16xf32>
      tpu.vector_store %arg7[%parallel_loop3A_713, %parallel_loop3A_714, %parallel_loop3A_715], %parallel_loop3A_718 {strides = array<i32>} : memref<4x128x128xf32, #tpu.memory_space<vmem>>, vector<1x1x16xf32>,
      %parallel_loop3A_719 = arith.constant 3 : i32
      %parallel_loop3A_720 = arith.index_cast %parallel_loop3A_719 : i32 to index
      %parallel_loop3A_721 = arith.index_cast %parallel_loop3A_620 : i32 to index
      %parallel_loop3A_722 = arith.constant 112 : index
      %parallel_loop3A_723 = tpu.vector_load %arg7[%parallel_loop3A_720, %parallel_loop3A_721, %parallel_loop3A_722] {strides = array<i32>} : memref<4x128x128xf32, #tpu.memory_space<vmem>>, vector<1x1x16xf32>,
      %parallel_loop3A_724 = vector.shape_cast %parallel_loop3A_723 : vector<1x1x16xf32> to vector<16xf32>
      %parallel_loop3A_725 = arith.mulf %parallel_loop3A_724, %get3A_25 : vector<16xf32>
      %parallel_loop3A_726 = arith.constant 3 : i32
      %parallel_loop3A_727 = arith.index_cast %parallel_loop3A_726 : i32 to index
      %parallel_loop3A_728 = arith.index_cast %parallel_loop3A_620 : i32 to index
      %parallel_loop3A_729 = arith.constant 112 : index
      %parallel_loop3A_730 = tpu.vector_load %arg7[%parallel_loop3A_727, %parallel_loop3A_728, %parallel_loop3A_729] {strides = array<i32>} : memref<4x128x128xf32, #tpu.memory_space<vmem>>, vector<1x1x16xf32>,
      %parallel_loop3A_731 = vector.shape_cast %parallel_loop3A_730 : vector<1x1x16xf32> to vector<16xf32>
      %parallel_loop3A_732 = vector.shape_cast %parallel_loop3A_725 : vector<16xf32> to vector<1x1x16xf32>
      tpu.vector_store %arg7[%parallel_loop3A_727, %parallel_loop3A_728, %parallel_loop3A_729], %parallel_loop3A_732 {strides = array<i32>} : memref<4x128x128xf32, #tpu.memory_space<vmem>>, vector<1x1x16xf32>,
    } {sc.loop_unroll_factor = 4 : i64, sc.parallel_access}
    %add3A_528 = arith.constant 199 : i32
    %add3A_529 = arith.addi %mul3A_2, %add3A_528 : i32
    %mul3A_530 = arith.constant 128 : i32
    %mul3A_531 = arith.muli %add3A_529, %mul3A_530 : i32
    %dma_start3A_532 = arith.constant 3 : i32
    %dma_start3A_533 = arith.constant 3 : i32
    %dma_start3A_534 = arith.constant 0 : i32
    %dma_start3A_535 = arith.constant 0 : i32
    %dma_start3A_536 = tpu.memref_slice %arg7[%dma_start3A_532, %dma_start3A_534, %dma_start3A_535] : memref<4x128x128xf32, #tpu.memory_space<vmem>> -> memref<1x128x128xf32, #tpu.memory_space<vmem>>
    %dma_start3A_537 = tpu.memref_squeeze %dma_start3A_536 : memref<1x128x128xf32, #tpu.memory_space<vmem>> -> memref<128x128xf32, #tpu.memory_space<vmem>>
    %dma_start3A_538 = arith.constant 0 : i32
    %dma_start3A_539 = tpu.memref_slice %arg5[%mul3A_531, %dma_start3A_538] : memref<819200x128xf32, #tpu.memory_space<hbm>> -> memref<128x128xf32, #tpu.memory_space<hbm>>
    %dma_start3A_540 = tpu.memref_slice %arg10[%dma_start3A_533] : memref<4x!tpu.dma_semaphore, #tpu.memory_space<semaphore_mem>> -> memref<1x!tpu.dma_semaphore, #tpu.memory_space<semaphore_mem>>
    %dma_start3A_541 = tpu.memref_squeeze %dma_start3A_540 : memref<1x!tpu.dma_semaphore, #tpu.memory_space<semaphore_mem>> -> memref<!tpu.dma_semaphore, #tpu.memory_space<semaphore_mem>>
    %dma_start3A_542 = arith.constant 0 : i32
    %dma_start3A_543 = tpu.memref_slice %arg5[%mul3A_531, %dma_start3A_542] : memref<819200x128xf32, #tpu.memory_space<hbm>> -> memref<128x128xf32, #tpu.memory_space<hbm>>
    %dma_start3A_544 = arith.constant 0 : i32
    %dma_start3A_545 = arith.constant 0 : i32
    %dma_start3A_546 = tpu.memref_slice %arg7[%dma_start3A_532, %dma_start3A_544, %dma_start3A_545] : memref<4x128x128xf32, #tpu.memory_space<vmem>> -> memref<1x128x128xf32, #tpu.memory_space<vmem>>
    %dma_start3A_547 = tpu.memref_squeeze %dma_start3A_546 : memref<1x128x128xf32, #tpu.memory_space<vmem>> -> memref<128x128xf32, #tpu.memory_space<vmem>>
    tpu.enqueue_dma source(%dma_start3A_547 : memref<128x128xf32, #tpu.memory_space<vmem>>) target(%dma_start3A_543 : memref<128x128xf32, #tpu.memory_space<hbm>>) target_semaphore(%dma_start3A_541 : memref<!tpu.dma_semaphore, #tpu.memory_space<semaphore_mem>>)
    %dma_wait3A_548 = arith.constant 0 : i32
    %dma_wait3A_549 = arith.constant 0 : i32
    %dma_wait3A_550 = arith.constant 0 : i32
    %dma_wait3A_551 = arith.constant 0 : i32
    %dma_wait3A_552 = tpu.memref_slice %arg7[%dma_wait3A_548, %dma_wait3A_550, %dma_wait3A_551] : memref<4x128x128xf32, #tpu.memory_space<vmem>> -> memref<1x128x128xf32, #tpu.memory_space<vmem>>
    %dma_wait3A_553 = tpu.memref_squeeze %dma_wait3A_552 : memref<1x128x128xf32, #tpu.memory_space<vmem>> -> memref<128x128xf32, #tpu.memory_space<vmem>>
    %dma_wait3A_554 = arith.constant 0 : i32
    %dma_wait3A_555 = arith.constant 0 : i32
    %dma_wait3A_556 = tpu.memref_slice %arg5[%dma_wait3A_554, %dma_wait3A_555] : memref<819200x128xf32, #tpu.memory_space<hbm>> -> memref<128x128xf32, #tpu.memory_space<hbm>>
    %dma_wait3A_557 = tpu.memref_slice %arg10[%dma_wait3A_549] : memref<4x!tpu.dma_semaphore, #tpu.memory_space<semaphore_mem>> -> memref<1x!tpu.dma_semaphore, #tpu.memory_space<semaphore_mem>>
    %dma_wait3A_558 = tpu.memref_squeeze %dma_wait3A_557 : memref<1x!tpu.dma_semaphore, #tpu.memory_space<semaphore_mem>> -> memref<!tpu.dma_semaphore, #tpu.memory_space<semaphore_mem>>
    %dma_wait3A_559 = arith.constant 0 : i32
    %dma_wait3A_560 = arith.constant 0 : i32
    %dma_wait3A_561 = tpu.memref_slice %arg5[%dma_wait3A_559, %dma_wait3A_560] : memref<819200x128xf32, #tpu.memory_space<hbm>> -> memref<128x128xf32, #tpu.memory_space<hbm>>
    %dma_wait3A_562 = arith.constant 0 : i32
    %dma_wait3A_563 = arith.constant 0 : i32
    %dma_wait3A_564 = tpu.memref_slice %arg7[%dma_wait3A_548, %dma_wait3A_562, %dma_wait3A_563] : memref<4x128x128xf32, #tpu.memory_space<vmem>> -> memref<1x128x128xf32, #tpu.memory_space<vmem>>
    %dma_wait3A_565 = tpu.memref_squeeze %dma_wait3A_564 : memref<1x128x128xf32, #tpu.memory_space<vmem>> -> memref<128x128xf32, #tpu.memory_space<vmem>>
    tpu.wait_dma2 semaphore(%dma_wait3A_558 : memref<!tpu.dma_semaphore, #tpu.memory_space<semaphore_mem>>) src(%dma_wait3A_565 : memref<128x128xf32, #tpu.memory_space<vmem>>) dst(%dma_wait3A_561 : memref<128x128xf32, #tpu.memory_space<hbm>>)
    %dma_wait3A_566 = arith.constant 1 : i32
    %dma_wait3A_567 = arith.constant 1 : i32
    %dma_wait3A_568 = arith.constant 0 : i32
    %dma_wait3A_569 = arith.constant 0 : i32
    %dma_wait3A_570 = tpu.memref_slice %arg7[%dma_wait3A_566, %dma_wait3A_568, %dma_wait3A_569] : memref<4x128x128xf32, #tpu.memory_space<vmem>> -> memref<1x128x128xf32, #tpu.memory_space<vmem>>
    %dma_wait3A_571 = tpu.memref_squeeze %dma_wait3A_570 : memref<1x128x128xf32, #tpu.memory_space<vmem>> -> memref<128x128xf32, #tpu.memory_space<vmem>>
    %dma_wait3A_572 = arith.constant 0 : i32
    %dma_wait3A_573 = arith.constant 0 : i32
    %dma_wait3A_574 = tpu.memref_slice %arg5[%dma_wait3A_572, %dma_wait3A_573] : memref<819200x128xf32, #tpu.memory_space<hbm>> -> memref<128x128xf32, #tpu.memory_space<hbm>>
    %dma_wait3A_575 = tpu.memref_slice %arg10[%dma_wait3A_567] : memref<4x!tpu.dma_semaphore, #tpu.memory_space<semaphore_mem>> -> memref<1x!tpu.dma_semaphore, #tpu.memory_space<semaphore_mem>>
    %dma_wait3A_576 = tpu.memref_squeeze %dma_wait3A_575 : memref<1x!tpu.dma_semaphore, #tpu.memory_space<semaphore_mem>> -> memref<!tpu.dma_semaphore, #tpu.memory_space<semaphore_mem>>
    %dma_wait3A_577 = arith.constant 0 : i32
    %dma_wait3A_578 = arith.constant 0 : i32
    %dma_wait3A_579 = tpu.memref_slice %arg5[%dma_wait3A_577, %dma_wait3A_578] : memref<819200x128xf32, #tpu.memory_space<hbm>> -> memref<128x128xf32, #tpu.memory_space<hbm>>
    %dma_wait3A_580 = arith.constant 0 : i32
    %dma_wait3A_581 = arith.constant 0 : i32
    %dma_wait3A_582 = tpu.memref_slice %arg7[%dma_wait3A_566, %dma_wait3A_580, %dma_wait3A_581] : memref<4x128x128xf32, #tpu.memory_space<vmem>> -> memref<1x128x128xf32, #tpu.memory_space<vmem>>
    %dma_wait3A_583 = tpu.memref_squeeze %dma_wait3A_582 : memref<1x128x128xf32, #tpu.memory_space<vmem>> -> memref<128x128xf32, #tpu.memory_space<vmem>>
    tpu.wait_dma2 semaphore(%dma_wait3A_576 : memref<!tpu.dma_semaphore, #tpu.memory_space<semaphore_mem>>) src(%dma_wait3A_583 : memref<128x128xf32, #tpu.memory_space<vmem>>) dst(%dma_wait3A_579 : memref<128x128xf32, #tpu.memory_space<hbm>>)
    %dma_wait3A_584 = arith.constant 2 : i32
    %dma_wait3A_585 = arith.constant 2 : i32
    %dma_wait3A_586 = arith.constant 0 : i32
    %dma_wait3A_587 = arith.constant 0 : i32
    %dma_wait3A_588 = tpu.memref_slice %arg7[%dma_wait3A_584, %dma_wait3A_586, %dma_wait3A_587] : memref<4x128x128xf32, #tpu.memory_space<vmem>> -> memref<1x128x128xf32, #tpu.memory_space<vmem>>
    %dma_wait3A_589 = tpu.memref_squeeze %dma_wait3A_588 : memref<1x128x128xf32, #tpu.memory_space<vmem>> -> memref<128x128xf32, #tpu.memory_space<vmem>>
    %dma_wait3A_590 = arith.constant 0 : i32
    %dma_wait3A_591 = arith.constant 0 : i32
    %dma_wait3A_592 = tpu.memref_slice %arg5[%dma_wait3A_590, %dma_wait3A_591] : memref<819200x128xf32, #tpu.memory_space<hbm>> -> memref<128x128xf32, #tpu.memory_space<hbm>>
    %dma_wait3A_593 = tpu.memref_slice %arg10[%dma_wait3A_585] : memref<4x!tpu.dma_semaphore, #tpu.memory_space<semaphore_mem>> -> memref<1x!tpu.dma_semaphore, #tpu.memory_space<semaphore_mem>>
    %dma_wait3A_594 = tpu.memref_squeeze %dma_wait3A_593 : memref<1x!tpu.dma_semaphore, #tpu.memory_space<semaphore_mem>> -> memref<!tpu.dma_semaphore, #tpu.memory_space<semaphore_mem>>
    %dma_wait3A_595 = arith.constant 0 : i32
    %dma_wait3A_596 = arith.constant 0 : i32
    %dma_wait3A_597 = tpu.memref_slice %arg5[%dma_wait3A_595, %dma_wait3A_596] : memref<819200x128xf32, #tpu.memory_space<hbm>> -> memref<128x128xf32, #tpu.memory_space<hbm>>
    %dma_wait3A_598 = arith.constant 0 : i32
    %dma_wait3A_599 = arith.constant 0 : i32
    %dma_wait3A_600 = tpu.memref_slice %arg7[%dma_wait3A_584, %dma_wait3A_598, %dma_wait3A_599] : memref<4x128x128xf32, #tpu.memory_space<vmem>> -> memref<1x128x128xf32, #tpu.memory_space<vmem>>
    %dma_wait3A_601 = tpu.memref_squeeze %dma_wait3A_600 : memref<1x128x128xf32, #tpu.memory_space<vmem>> -> memref<128x128xf32, #tpu.memory_space<vmem>>
    tpu.wait_dma2 semaphore(%dma_wait3A_594 : memref<!tpu.dma_semaphore, #tpu.memory_space<semaphore_mem>>) src(%dma_wait3A_601 : memref<128x128xf32, #tpu.memory_space<vmem>>) dst(%dma_wait3A_597 : memref<128x128xf32, #tpu.memory_space<hbm>>)
    %dma_wait3A_602 = arith.constant 3 : i32
    %dma_wait3A_603 = arith.constant 3 : i32
    %dma_wait3A_604 = arith.constant 0 : i32
    %dma_wait3A_605 = arith.constant 0 : i32
    %dma_wait3A_606 = tpu.memref_slice %arg7[%dma_wait3A_602, %dma_wait3A_604, %dma_wait3A_605] : memref<4x128x128xf32, #tpu.memory_space<vmem>> -> memref<1x128x128xf32, #tpu.memory_space<vmem>>
    %dma_wait3A_607 = tpu.memref_squeeze %dma_wait3A_606 : memref<1x128x128xf32, #tpu.memory_space<vmem>> -> memref<128x128xf32, #tpu.memory_space<vmem>>
    %dma_wait3A_608 = arith.constant 0 : i32
    %dma_wait3A_609 = arith.constant 0 : i32
    %dma_wait3A_610 = tpu.memref_slice %arg5[%dma_wait3A_608, %dma_wait3A_609] : memref<819200x128xf32, #tpu.memory_space<hbm>> -> memref<128x128xf32, #tpu.memory_space<hbm>>
    %dma_wait3A_611 = tpu.memref_slice %arg10[%dma_wait3A_603] : memref<4x!tpu.dma_semaphore, #tpu.memory_space<semaphore_mem>> -> memref<1x!tpu.dma_semaphore, #tpu.memory_space<semaphore_mem>>
    %dma_wait3A_612 = tpu.memref_squeeze %dma_wait3A_611 : memref<1x!tpu.dma_semaphore, #tpu.memory_space<semaphore_mem>> -> memref<!tpu.dma_semaphore, #tpu.memory_space<semaphore_mem>>
    %dma_wait3A_613 = arith.constant 0 : i32
    %dma_wait3A_614 = arith.constant 0 : i32
    %dma_wait3A_615 = tpu.memref_slice %arg5[%dma_wait3A_613, %dma_wait3A_614] : memref<819200x128xf32, #tpu.memory_space<hbm>> -> memref<128x128xf32, #tpu.memory_space<hbm>>
    %dma_wait3A_616 = arith.constant 0 : i32
    %dma_wait3A_617 = arith.constant 0 : i32
    %dma_wait3A_618 = tpu.memref_slice %arg7[%dma_wait3A_602, %dma_wait3A_616, %dma_wait3A_617] : memref<4x128x128xf32, #tpu.memory_space<vmem>> -> memref<1x128x128xf32, #tpu.memory_space<vmem>>
    %dma_wait3A_619 = tpu.memref_squeeze %dma_wait3A_618 : memref<1x128x128xf32, #tpu.memory_space<vmem>> -> memref<128x128xf32, #tpu.memory_space<vmem>>
    tpu.wait_dma2 semaphore(%dma_wait3A_612 : memref<!tpu.dma_semaphore, #tpu.memory_space<semaphore_mem>>) src(%dma_wait3A_619 : memref<128x128xf32, #tpu.memory_space<vmem>>) dst(%dma_wait3A_615 : memref<128x128xf32, #tpu.memory_space<hbm>>)
    return
  }
}

</mosaic_0001>

<sc_bundles>
// kernel: kernel.3.cloned.1.call-start
scs
__scs_entry_jumppad:
0x0: {  	(pc) =	sbr.rel $0x88, $3  }
0x1: {  	(tag) =	ssettag $0x0;
	lr =	simm.s32 $0x1  }
0x2: {  	[smem:$0x3F9E] =	sst lr;
	_ =	strace $0xD0000000  }
0x3: {  	_ = 	snop  }
0x4: {  	_ = 	snop  }
0x5: {  	_ = 	snop  }
0x6: {  	_ = 	snop  }
0x7: {  	_ = 	snop  }
__scs_overlays_trampoline_lowered:
0x8: {  	[smem:$0x3FAD] =	sst s0  }
0x9: {  	[smem:$0x3FAE] =	sst s1  }
0xa: {  	[smem:$0x3FAF] =	sst s2  }
0xb: {  	[smem:$0x3FB0] =	sst s3  }
0xc: {  	[smem:$0x3FB1] =	sst s4  }
0xd: {  	[smem:$0x3FB2] =	sst s5  }
0xe: {  	[smem:$0x3FB3] =	sst s6  }
0xf: {  	[smem:$0x3FB4] =	sst s7  }
0x10: {  	[smem:$0x3FB5] =	sst s8  }
0x11: {  	[smem:$0x3FB6] =	sst s9;
	s0 =	simm.s32 @!p0 $0x0  }
0x12: {  	s1 =	sld [smem:$0x3F9C];
	s0 =	simm.s32 @p0 $0x1  }
0x13: {  	[smem:$0x3FB7] =	sst s0;
	s0 =	simm.s32 @!p1 $0x0  }
0x14: {  	s2 =	sld [smem:$0x3F9B];
	s0 =	simm.s32 @p1 $0x1  }
0x15: {  	[smem:$0x3FB8] =	sst s0;
	s0 =	simm.s32 @!p2 $0x0  }
0x16: {  	s3 =	sld [smem:$0x3FDB];
	s0 =	simm.s32 @p2 $0x1  }
0x17: {  	s4 =	simm.s32 $0x1BF5;
	[smem:$0x3FBA] =	sst s0  }
0x18: {  	s0 =	sld [smem:$0x3F9D];
	_ =	swait.ge [sflag:s4], $0x0  }
0x19: {  	s7 =	sld [smem:$0x3F9E]  }
0x1a: {  	s8 =	sadd.s32 $0xFFFFE003, lr  }
0x1b: {  	s9 =	sadd.s32 $0xFFFFFEF7, lr;
	s5 =	simm.s32 $0xFFFFFFFF;
	p2 =	slt.u32 s8, $0xFFFFF086  }
0x1c: {  	p1 =	slt.u32 s9, $0xF7A;
	s5 =	simm.s32 @!p2 $0x0  }
0x1d: {  	s5 =	simm.s32 @p1 $0x1;
	p0 =	seq.s32 s7, s2  }
0x1e: {  	s7 =	smul.u32 @!p0 $0xF7A, s2;
	p2 =	seq.s32 @!p0 s5, $0x0  }
0x1f: {  	s9 =	smul.u32 $0xF7A, s1;
	s8 =	simm.s32 @!p0 $0x1BF5;
	p2 =	por !p2, p0  }
0x20: {  	[sflag:s8] =	ssyncset.s32 @!p0 $0xFFFFF086;
	s6 =	sadd.s32 @!p0 s3, s7;
	s7 =	simm.s32 @!p0 $0x108  }
0x21: {  	s3 =	sadd.s32 s3, s9;
	s6 =	sadd.s32 @!p0 $0x88, s6;
	s7 =	simm.s32 @p2 $0x1082  }
0x22: {  	[simem:s7], [sflag:s8] =	dma.local @!p0 [hbm:s6], $0xF7A  }
0x23: {  	s9 =	sor.u32 $0xD0000000, s2;
	s6 =	simm.s32 $0x108;
	_ =	swait.ge @!p0 [sflag:s8], $0x0  }
0x24: {  	s3 =	sadd.s32 $0x88, s3;
	s6 =	simm.s32 @!p1 $0x1082;
	[sflag:s4] =	ssyncset.s32 $0xFFFFF086  }
0x25: {  	[simem:s6], [sflag:s4] =	dma.local [hbm:s3], $0xF7A  }
0x26: {  	[smem:$0x3F9E] =	sst s1;
	(tag) =	ssettag s2;
	_ =	strace s9  }
0x27: {  	s1 =	sld [smem:$0x3FAE]  }
0x28: {  	s2 =	sld [smem:$0x3FAF]  }
0x29: {  	s4 =	sld [smem:$0x3FB1]  }
0x2a: {  	p0 =	seq.s32 s5, $0x0;
	s5 =	sld [smem:$0x3FB2]  }
0x2b: {  	s6 =	sld [smem:$0x3FB3]  }
0x2c: {  	s7 =	sld [smem:$0x3FB4]  }
0x2d: {  	s3 =	simm.s32 $0x108;
	s8 =	sld [smem:$0x3FB5]  }
0x2e: {  	s3 =	simm.s32 @!p0 $0x1082;
	s9 =	sld [smem:$0x3FB6]  }
0x2f: {  	lr =	sadd.s32 s0, s3;
	s0 =	sld [smem:$0x3FAD]  }
0x30: {  	s3 =	sld [smem:$0x3FB0]  }
0x31: {  	[smem:$0x3FB9] =	sst s10  }
0x32: {  	s10 =	sld [smem:$0x3FB7];
	_ =	sdelay $0x3  }
0x33: {  	p0 =	seq.s32 s10, $0x1;
	s10 =	sld [smem:$0x3FB9];
	_ =	sdelay $0x3  }
0x34: {  	[smem:$0x3FB9] =	sst s10  }
0x35: {  	s10 =	sld [smem:$0x3FB8];
	_ =	sdelay $0x3  }
0x36: {  	p1 =	seq.s32 s10, $0x1;
	s10 =	sld [smem:$0x3FB9];
	_ =	sdelay $0x3  }
0x37: {  	[smem:$0x3FB9] =	sst s10  }
0x38: {  	s10 =	sld [smem:$0x3FBA]  }
0x39: {  	_ = 	snop;
	(pc) =	sbr.ind lr, $3  }
0x3a: {  	_ = 	snop  }
0x3b: {  	_ = 	snop  }
0x3c: {  	p2 =	seq.s32 s10, $0x1;
	s10 =	sld [smem:$0x3FB9]  }
0x3d: {  	_ =	shalt  }
0x3e: {  	_ =	shalt  }
0x3f: {  	_ =	shalt  }
0x40: {  	_ =	shalt  }
0x41: {  	_ =	shalt  }
0x42: {  	_ =	shalt  }
0x43: {  	_ =	shalt  }
0x44: {  	_ =	shalt  }
0x45: {  	_ =	shalt  }
0x46: {  	_ =	shalt  }
0x47: {  	_ =	shalt  }
0x48: {  	_ =	shalt  }
0x49: {  	_ =	shalt  }
0x4a: {  	_ =	shalt  }
0x4b: {  	_ =	shalt  }
0x4c: {  	_ =	shalt  }
0x4d: {  	_ =	shalt  }
0x4e: {  	_ =	shalt  }
0x4f: {  	_ =	shalt  }
0x50: {  	_ =	shalt  }
0x51: {  	_ =	shalt  }
0x52: {  	_ =	shalt  }
0x53: {  	_ =	shalt  }
0x54: {  	_ =	shalt  }
0x55: {  	_ =	shalt  }
0x56: {  	_ =	shalt  }
0x57: {  	_ =	shalt  }
0x58: {  	_ =	shalt  }
0x59: {  	_ =	shalt  }
0x5a: {  	_ =	shalt  }
0x5b: {  	_ =	shalt  }
0x5c: {  	_ =	shalt  }
0x5d: {  	_ =	shalt  }
0x5e: {  	_ =	shalt  }
0x5f: {  	_ =	shalt  }
0x60: {  	_ =	shalt  }
0x61: {  	_ =	shalt  }
0x62: {  	_ =	shalt  }
0x63: {  	_ =	shalt  }
0x64: {  	_ =	shalt  }
0x65: {  	_ =	shalt  }
0x66: {  	_ =	shalt  }
0x67: {  	_ =	shalt  }
0x68: {  	_ =	shalt  }
0x69: {  	_ =	shalt  }
0x6a: {  	_ =	shalt  }
0x6b: {  	_ =	shalt  }
0x6c: {  	_ =	shalt  }
0x6d: {  	_ =	shalt  }
0x6e: {  	_ =	shalt  }
0x6f: {  	_ =	shalt  }
0x70: {  	_ =	shalt  }
0x71: {  	_ =	shalt  }
0x72: {  	_ =	shalt  }
0x73: {  	_ =	shalt  }
0x74: {  	_ =	shalt  }
0x75: {  	_ =	shalt  }
0x76: {  	_ =	shalt  }
0x77: {  	_ =	shalt  }
0x78: {  	_ =	shalt  }
0x79: {  	_ =	shalt  }
0x7a: {  	_ =	shalt  }
0x7b: {  	_ =	shalt  }
0x7c: {  	_ =	shalt  }
0x7d: {  	_ =	shalt  }
0x7e: {  	_ =	shalt  }
0x7f: {  	_ =	shalt  }
0x80: {  	_ =	shalt  }
0x81: {  	_ =	shalt  }
0x82: {  	_ =	shalt  }
0x83: {  	_ =	shalt  }
0x84: {  	_ =	shalt  }
0x85: {  	_ =	shalt  }
0x86: {  	_ =	shalt  }
0x87: {  	_ =	shalt  }
.Lfunc_end0:
.L_simem_size_0:
called_computation_lowered:
.L_overlay_start_0:
0x88: {  	s2 =	sld [smem:$0x3FD9]  }
0x89: {  	s3 =	sld [smem:$0x3FFE];
	_ =	sdelay $0x1  }
0x8a: {  	s1 =	srdreg.scid  }
0x8b: {  	s0 =	sand.u32 $0x1, s1  }
0x8c: {  	s17 =	sshll.u32 s0, $0xA;
	s2 =	sadd.s32 s3, s2  }
0x8d: {  	s2 =	sadd.s32 s2, s17  }
0x8e: {  	[smem:$0x3FC5] =	sst s2  }
0x8f: {  	_ = 	snop  }
0x90: {  	s2 =	sld [smem:$0x3FC8]  }
0x91: {  	s18 =	sld [smem:$0x3FD0];
	(tm) =	ssettm $0x1  }
0x92: {  	s4 =	sld [smem:$0x3FFB];
	_ =	sdelay $0x3  }
0x93: {  	_ =	strace s4  }
0x94: {  	s4 =	sld [smem:$0x3FFC];
	_ =	sdelay $0x3  }
0x95: {  	_ =	strace s4  }
0x96: {  	s4 =	sld [smem:$0x3FFD];
	_ =	sdelay $0x3  }
0x97: {  	_ =	strace s4  }
0x98: {  	_ =	strace $0x8FFFFFFF  }
0x99: {  	s19 =	sld [smem:$0x3FDB];
	_ =	sdelay $0x1  }
0x9a: {  	s5 =	simm.s32 $_scs_section_size  }
0x9b: {  	s6 =	simm.s32 $_size__tile_overlayer_lowered;
	s7 =	simm.s32 $_tile_overlayer_lowered  }
0x9c: {  	s22 =	simm.s32 $0x1BFF;
	s21 =	sshll.u32 s7, $0x1;
	s4 =	sadd.s32 s5, s19  }
0x9d: {  	s8 =	simm.s32 $0x0;
	s20 =	sshll.u32 s6, $0x1;
	s6 =	sadd.s32 s21, s4  }
0x9e: {  	[timem:s8], [sflag:s22] =	dma.local [hbm:s6], s20  }
0x9f: {  	_ =	swait.ge [sflag:s22], s20  }
0xa0: {  	s5 =	ssub.s32 $0x0, s20;
	[sflag:s22] =	ssyncset.done $0x0  }
0xa1: {  	[sflag:s22] =	ssyncadd.s32 s5;
	_ =	sdelay $0x1  }
0xa2: {  	s23 =	simm.s32 $0x1B8B  }
0xa3: {  	_ =	swait.ge [sflag:s23], $0x1  }
0xa4: {  	[sflag:s23] =	ssyncset.done $0x0  }
0xa5: {  	s25 =	simm.s32 $0x1B8E;
	s24 =	sld [smem:$0x3FFE];
	[sflag:s23] =	ssyncadd.s32 $0xFFFFFFFF  }
0xa6: {  	s26 =	simm.s32 $execute0_lowered;
	[smem:$0x3FD2] =	sst s25  }
0xa7: {  	s6 =	sshll.u32 s26, $0x1;
	_ =	strace $0x80000046;
	[dreg:$0x1] =	wrdreg $0xFFFFFFFF  }
0xa8: {  	s28 =	simm.s32 $_size_execute0_lowered;
	s4 =	sadd.s32 s4, s6;
	[dreg:$0x0] =	wrdreg $0x0  }
0xa9: {  	s6 =	sshll.u32 s28, $0x1;
	[dreg:$0x2] =	wrdreg s4  }
0xaa: {  	[dreg:$0x3] =	wrdreg s6  }
0xab: {  	[dreg:$0x4] =	wrdreg $0xC0  }
0xac: {  	_ =	task [dreg:s8], $0x5FFFF  }
0xad: {  	[dreg:$0x1] =	wrdreg $0xFFFFFFFF  }
0xae: {  	[dreg:$0x0] =	wrdreg $0x60  }
0xaf: {  	[dreg:$0x2] =	wrdreg s24  }
0xb0: {  	[dreg:$0x3] =	wrdreg s2  }
0xb1: {  	[dreg:$0x4] =	wrdreg s18  }
0xb2: {  	[dreg:$0x5] =	wrdreg $0x9  }
0xb3: {  	_ =	task.clear_ibuf [dreg:s8], $0x6FFFF;
	_ =	strace $0x90000046  }
0xb4: {  	s29 =	simm.s32 $0x9;
	_ =	strace $0x80000048  }
0xb5: {  	_ =	swait.ge [sflag:s29], $0x1  }
0xb6: {  	[sflag:s29] =	ssyncadd.s32 $0xFFFFFFFF  }
0xb7: {  	_ =	strace $0x90000048  }
0xb8: {  	_ =	sfence  }
0xb9: {  	s30 =	sld [smem:$0x0];
	_ =	sdelay $0x2  }
0xba: {  	s31 =	sshll.u32 s1, $0xD;
	s1 =	sshrl.u32 s1, $0x2  }
0xbb: {  	s3 =	sand.u32 $0x4000, s31;
	s1 =	sadd.s32 s1, s30  }
0xbc: {  	s0 =	sor.u32 s3, s0;
	s1 =	sshll.u32 s1, $0x11  }
0xbd: {  	s0 =	sor.u32 s1, s0  }
0xbe: {  	s0 =	sadd.s32 $0x8F2B, s0  }
0xbf: {  	[sflag:s0] =	ssyncadd.remote.s32 $0x1  }
0xc0: {  	_ =	sfence.sel $0xFFFF  }
0xc1: {  	[dreg:$0x0] =	wrdreg $0xFFFFFFFF;
	(pc) =	sbr.abs _section_cstart, $3  }
0xc2: {  	[dreg:$0x1] =	wrdreg $0xFFFFFFFF  }
0xc3: {  	_ =	task.clear_ibuf [dreg:s8], $0x2FFFF;
	_ =	strace $0x9FFFFFFF  }
0xc4: {  	(tm) =	ssettm $0x7FFFFFFF  }
0xc5: {  	_ =	shalt  }
tec
execute0_lowered:
.L_overlay_start_1:
0x0: {  	(tag) =	ssettag $0x1  }
0x1: {  	s0 =	rddreg [dreg:$0x0]  }
0x2: {  	s2 =	rddreg [dreg:$0x1];
	s1 =	srdreg.scid  }
0x3: {  	s4 =	stileid.u32;
	s3 =	rddreg [dreg:$0x2];
	s29 =	simm.s32 $0x12400  }
0x4: {  	s30 =	simm.s32 $0x2;
	s1 =	sand.u32 $0x1, s1;
	s5 =	sshll.u32 s4, $0x1  }
0x5: {  	s31 =	simm.s32 $0x5;
	s4 =	simm.s32 $0x0;
	s5 =	sor.u32 s1, s5  }
0x6: {  	s28 =	simm.s32 $0x4;
	[smem:$0x7FF] =	sst s4;
	s6 =	smul.u32 $0xC80, s5  }
0x7: {  	s1 =	ssub.s32 $0x2, s1;
	_ =	strace $0x80000047;
	s7 =	smul.u32 $0x64000, s5  }
0x8: {  	s18 =	sshrl.u32 s1, $0x1;
	s19 =	smul.u32 $0x320000, s5;
	s8 =	sadd.s32 s6, s0  }
0x9: {  	s0 =	sadd.s32 $0x19600, s0;
	s6 =	sadd.s32 s3, s7;
	s7 =	smul.u32 $0xC8, s5  }
0xa: {  	s5 =	simm.s32 $0x0;
	[dreg:$0x4] =	wrdreg s0;
	s20 =	sadd.s32 $0x600, s8  }
0xb: {  	s0 =	ssub.s32 s1, s18;
	s21 =	sadd.s32 $0x800, s6;
	[dreg:$0x5] =	wrdreg s20  }
0xc: {  	s22 =	sadd.s32 $0x1000, s6;
	s23 =	sadd.s32 $0x1800, s6;
	[dreg:$0x6] =	wrdreg s21  }
0xd: {  	s1 =	sshrl.u32 s19, $0x3;
	s19 =	simm.s32 $0x6;
	[dreg:$0x7] =	wrdreg s22  }
0xe: {  	[dreg:$0x8] =	wrdreg s23;
	s12 =	sor.u32 $0x1, s7;
	s13 =	sor.u32 $0x2, s7  }
0xf: {  	s1 =	sadd.s32 s3, s1;
	s18 =	smax.u32 s0, $0x1;
	s20 =	simm.s32 $0x9  }
0x10: {  	s21 =	simm.s32 $0x80;
	s22 =	simm.s32 $0x6400;
	s24 =	sadd.s32 $0x62000, s1  }
0x11: {  	s23 =	simm.s32 $0xA400;
	s25 =	sadd.s32 $0x62800, s1;
	[dreg:$0x9] =	wrdreg s24  }
0x12: {  	s0 =	simm.s32 $0x3;
	s26 =	sadd.s32 $0x63000, s1;
	[dreg:$0xa] =	wrdreg s25  }
0x13: {  	s17 =	sadd.s32 $0x63800, s1;
	s1 =	simm.s32 $0x7;
	[dreg:$0xb] =	wrdreg s26  }
0x14: {  	s25 =	simm.s32 $0xE400;
	s26 =	simm.s32 $0x1;
	s24 =	simm.s32 $0x8  }
.LBB2_1:
0x15: {  	s8 =	rddreg [dreg:$0x4];
	s9 =	simm.s32 $0x16400  }
0x16: {  	[tilespmem:s9], [sflag:$0x9] =	stream.linear.gather [hbm4b:s8+s4], $0x80, $0x38;
	[tilespmem:$0x16480] =	vst v63  }
0x17: {  	_ =	swait.ge [sflag:s20], $0x80  }
0x18: {  	[sflag:s20] =	ssyncset.done $0x0  }
0x19: {  	[sflag:s20] =	ssyncadd.s32 $0xFFFFFF80  }
0x1a: {  	v0 =	vld [tilespmem:$0x16400]  }
0x1b: {  	v5 =	vld [tilespmem:$0x16410]  }
0x1c: {  	v6 =	vld [tilespmem:$0x16420]  }
0x1d: {  	v4 =	vld [tilespmem:$0x16430]  }
0x1e: {  	v3 =	vld [tilespmem:$0x16440]  }
0x1f: {  	v2 =	vld [tilespmem:$0x16450]  }
0x20: {  	s15 =	rddreg [dreg:$0x5];
	v1 =	vld [tilespmem:$0x16460]  }
0x21: {  	v7 =	vld [tilespmem:$0x16470];
	[tilespmem:s4], [sflag:$0x9] =	stream.linear.gather [hbm4b:s15+s4], $0x6400, $0x38  }
0x22: {  	_ =	swait.ge [sflag:s20], $0x6400  }
0x23: {  	[sflag:s20] =	ssyncset.done $0x0  }
0x24: {  	[sflag:s20] =	ssyncadd.s32 $0xFFFF9C00  }
0x25: {  	[tilespmem:s22], [sflag:$0x1] =	stream.indirect.gather [hbm4b:s2+s21], $0x80, s4, s21, $0xb8;
	[tilespmem:$0x16480] =	vst v63  }
0x26: {  	_ = 	snop  }
0x27: {  	[tilespmem:s23], [sflag:$0x2] =	stream.indirect.gather [hbm4b:s2+s21], $0x80, s21, s21, $0xb8;
	[tilespmem:$0x16480] =	vst v63  }
0x28: {  	s16 =	simm.s32 $0x100  }
0x29: {  	[tilespmem:s25], [sflag:$0x3] =	stream.indirect.gather [hbm4b:s2+s21], $0x80, s16, s21, $0xb8;
	[tilespmem:$0x16480] =	vst v63  }
0x2a: {  	_ =	swait.ge [sflag:s26], $0x4000  }
0x2b: {  	[sflag:s26] =	ssyncset.done $0x0  }
0x2c: {  	s8 =	simm.s32 $0x6500;
	[sflag:s26] =	ssyncadd.s32 $0xFFFFC000  }
0x2d: {  	v8 =	vld [tilespmem:s8+$0xF0]  }
0x2e: {  	v9 =	vld [tilespmem:s8+$0xFFFFFF10]  }
0x2f: {  	v10 =	vld [tilespmem:s8+$0xFFFFFF20]  }
0x30: {  	v11 =	vld [tilespmem:s8+$0xFFFFFF30]  }
0x31: {  	v14 =	vld [tilespmem:s8+$0xFFFFFF60]  }
0x32: {  	v12 =	vld [tilespmem:s8+$0xFFFFFF40]  }
0x33: {  	v13 =	vld [tilespmem:s8+$0xFFFFFF50];
	v8 =	vmul.f32 v8, v7  }
0x34: {  	v16 =	vld [tilespmem:s8+$0xFFFFFF80];
	v9 =	vmul.f32 v9, v5  }
0x35: {  	v15 =	vld [tilespmem:s8+$0xFFFFFF70];
	v10 =	vmul.f32 v10, v6;
	[tilespmem:s8+$0xF0] =	vst v8  }
0x36: {  	v62 =	vld [tilespmem:s8+$0xFFFFFFD0];
	v14 =	vmul.f32 v14, v1;
	[tilespmem:s8+$0xFFFFFF10] =	vst v9  }
0x37: {  	v8 =	vld [tilespmem:s8+$0xFFFFFF90];
	[tilespmem:s8+$0xFFFFFF20] =	vst v10;
	v10 =	vmul.f32 v12, v3  }
0x38: {  	v9 =	vmul.f32 v11, v4;
	[tilespmem:s8+$0xFFFFFF60] =	vst v14;
	v14 =	vld [tilespmem:s8+$0xFFFFFFF0]  }
0x39: {  	v11 =	vld [tilespmem:s8+$0xFFFFFFA0];
	[tilespmem:s8+$0xFFFFFF40] =	vst v10;
	v10 =	vmul.f32 v16, v0  }
0x3a: {  	v12 =	vld [tilespmem:s8+$0xFFFFFFB0];
	[tilespmem:s8+$0xFFFFFF30] =	vst v9;
	v9 =	vmul.f32 v13, v2  }
0x3b: {  	v13 =	vld [tilespmem:s8+$0xFFFFFFC0];
	[tilespmem:s8+$0xFFFFFF80] =	vst v10;
	v10 =	vmul.f32 v15, v7  }
0x3c: {  	[tilespmem:s8+$0xFFFFFF50] =	vst v9;
	v9 =	vld [tilespmem:s8+$0xFFFFFFE0];
	v8 =	vmul.f32 v8, v5  }
0x3d: {  	v15 =	vld [tilespmem:s8+$0x30];
	v14 =	vmul.f32 v14, v7;
	[tilespmem:s8+$0xFFFFFF70] =	vst v10  }
0x3e: {  	v10 =	vmul.f32 v11, v6;
	v11 =	vld [tilespmem:s8+$0x0];
	[tilespmem:s8+$0xFFFFFF90] =	vst v8  }
0x3f: {  	v8 =	vmul.f32 v12, v4;
	v12 =	vld [tilespmem:s8+$0x10];
	[tilespmem:s8+$0xFFFFFFF0] =	vst v14  }
0x40: {  	[tilespmem:s8+$0xFFFFFFA0] =	vst v10;
	v10 =	vmul.f32 v13, v3;
	v13 =	vld [tilespmem:s8+$0x20]  }
0x41: {  	v14 =	vld [tilespmem:s8+$0x80];
	[tilespmem:s8+$0xFFFFFFB0] =	vst v8;
	v8 =	vmul.f32 v62, v2  }
0x42: {  	v9 =	vmul.f32 v9, v1;
	[tilespmem:s8+$0xFFFFFFC0] =	vst v10;
	v10 =	vld [tilespmem:s8+$0x40]  }
0x43: {  	[tilespmem:s8+$0xFFFFFFD0] =	vst v8;
	v8 =	vmul.f32 v11, v0  }
0x44: {  	v11 =	vld [tilespmem:s8+$0x50];
	[tilespmem:s8+$0xFFFFFFE0] =	vst v9;
	v12 =	vmul.f32 v12, v5  }
0x45: {  	v9 =	vld [tilespmem:s8+$0x60];
	[tilespmem:s8+$0x0] =	vst v8;
	v8 =	vmul.f32 v13, v6  }
0x46: {  	v14 =	vmul.f32 v14, v0;
	v13 =	vld [tilespmem:s8+$0x70];
	[tilespmem:s8+$0x10] =	vst v12  }
0x47: {  	v12 =	vmul.f32 v15, v4;
	v15 =	vld [tilespmem:s8+$0x90];
	[tilespmem:s8+$0x20] =	vst v8;
	v8 =	vmul.f32 v10, v3  }
0x48: {  	v63 =	vld [tilespmem:s8+$0xA0];
	[tilespmem:s8+$0x80] =	vst v14  }
0x49: {  	v10 =	vmul.f32 v11, v2;
	[tilespmem:s8+$0x40] =	vst v8;
	v8 =	vld [tilespmem:s8+$0xB0]  }
0x4a: {  	[tilespmem:s8+$0x30] =	vst v12;
	v11 =	vmul.f32 v9, v1;
	v9 =	vld [tilespmem:s8+$0xC0]  }
0x4b: {  	[tilespmem:s8+$0x50] =	vst v10;
	v12 =	vmul.f32 v13, v7;
	v10 =	vld [tilespmem:s8+$0xD0]  }
0x4c: {  	[tilespmem:s8+$0x60] =	vst v11;
	v11 =	vld [tilespmem:s8+$0xE0];
	v13 =	vmul.f32 v15, v5  }
0x4d: {  	s10 =	simm.s32 $0x6700;
	s9 =	simm.s32 $0x0;
	v14 =	vmul.f32 v63, v6;
	[tilespmem:s8+$0x70] =	vst v12;
	v12 =	vld [tilespmem:s8+$0xFFFFFF00]  }
.LBB2_2:
0x4e: {  	v15 =	vld [tilespmem:s10+$0xF0];
	s9 =	sadd.s32 $0x4, s9;
	[tilespmem:s8+$0x90] =	vst v13;
	v8 =	vmul.f32 v8, v4  }
0x4f: {  	v13 =	vld [tilespmem:s10+$0xFFFFFF10];
	p0 =	slt.u32 s9, $0x7C;
	[tilespmem:s8+$0xA0] =	vst v14;
	v9 =	vmul.f32 v9, v3  }
0x50: {  	v14 =	vld [tilespmem:s10+$0xFFFFFF20];
	[tilespmem:s8+$0xB0] =	vst v8;
	v8 =	vmul.f32 v10, v2  }
0x51: {  	v10 =	vld [tilespmem:s10+$0xFFFFFF30];
	[tilespmem:s8+$0xC0] =	vst v9;
	v9 =	vmul.f32 v11, v1  }
0x52: {  	v11 =	vld [tilespmem:s10+$0xFFFFFF40];
	v12 =	vmul.f32 v12, v0;
	[tilespmem:s8+$0xD0] =	vst v8  }
0x53: {  	v8 =	vld [tilespmem:s10+$0xFFFFFF50];
	v15 =	vmul.f32 v15, v7;
	[tilespmem:s8+$0xE0] =	vst v9  }
0x54: {  	v9 =	vmul.f32 v13, v5;
	v13 =	vld [tilespmem:s10+$0xFFFFFF60];
	[tilespmem:s8+$0xFFFFFF00] =	vst v12;
	s8 =	smov.u32 s10  }
0x55: {  	v12 =	vmul.f32 v14, v6;
	v14 =	vld [tilespmem:s10+$0xFFFFFF70];
	[tilespmem:s10+$0xF0] =	vst v15  }
0x56: {  	[tilespmem:s10+$0xFFFFFF10] =	vst v9;
	v9 =	vmul.f32 v10, v4;
	v10 =	vld [tilespmem:s10+$0xFFFFFF80]  }
0x57: {  	[tilespmem:s10+$0xFFFFFF20] =	vst v12;
	v11 =	vmul.f32 v11, v3;
	v12 =	vld [tilespmem:s10+$0xFFFFFF90]  }
0x58: {  	[tilespmem:s10+$0xFFFFFF30] =	vst v9;
	v8 =	vmul.f32 v8, v2;
	v9 =	vld [tilespmem:s10+$0xFFFFFFA0]  }
0x59: {  	[tilespmem:s10+$0xFFFFFF40] =	vst v11;
	v11 =	vmul.f32 v13, v1;
	v13 =	vld [tilespmem:s10+$0xFFFFFFB0]  }
0x5a: {  	[tilespmem:s10+$0xFFFFFF50] =	vst v8;
	v8 =	vmul.f32 v14, v7;
	v14 =	vld [tilespmem:s10+$0xFFFFFFC0]  }
0x5b: {  	[tilespmem:s10+$0xFFFFFF60] =	vst v11;
	v10 =	vmul.f32 v10, v0;
	v11 =	vld [tilespmem:s10+$0xFFFFFFD0]  }
0x5c: {  	[tilespmem:s10+$0xFFFFFF70] =	vst v8;
	v8 =	vmul.f32 v12, v5;
	v12 =	vld [tilespmem:s10+$0xFFFFFFE0]  }
0x5d: {  	[tilespmem:s10+$0xFFFFFF80] =	vst v10;
	v9 =	vmul.f32 v9, v6;
	v10 =	vld [tilespmem:s10+$0xFFFFFFF0]  }
0x5e: {  	[tilespmem:s10+$0xFFFFFF90] =	vst v8;
	v8 =	vmul.f32 v13, v4;
	v13 =	vld [tilespmem:s10+$0x0]  }
0x5f: {  	[tilespmem:s10+$0xFFFFFFA0] =	vst v9;
	v9 =	vmul.f32 v14, v3;
	v14 =	vld [tilespmem:s10+$0x10]  }
0x60: {  	[tilespmem:s10+$0xFFFFFFB0] =	vst v8;
	v8 =	vmul.f32 v11, v2;
	v11 =	vld [tilespmem:s10+$0x20]  }
0x61: {  	[tilespmem:s10+$0xFFFFFFC0] =	vst v9;
	v9 =	vmul.f32 v12, v1;
	v12 =	vld [tilespmem:s10+$0x30]  }
0x62: {  	[tilespmem:s10+$0xFFFFFFD0] =	vst v8;
	v8 =	vmul.f32 v10, v7;
	v10 =	vld [tilespmem:s10+$0x40]  }
0x63: {  	[tilespmem:s10+$0xFFFFFFE0] =	vst v9;
	v9 =	vmul.f32 v13, v0;
	v13 =	vld [tilespmem:s10+$0x50]  }
0x64: {  	[tilespmem:s10+$0xFFFFFFF0] =	vst v8;
	v8 =	vmul.f32 v14, v5;
	v14 =	vld [tilespmem:s10+$0x60]  }
0x65: {  	[tilespmem:s10+$0x0] =	vst v9;
	v9 =	vmul.f32 v11, v6;
	v11 =	vld [tilespmem:s10+$0x70]  }
0x66: {  	[tilespmem:s10+$0x10] =	vst v8;
	v8 =	vmul.f32 v12, v4;
	v12 =	vld [tilespmem:s10+$0x80]  }
0x67: {  	[tilespmem:s10+$0x20] =	vst v9;
	v9 =	vmul.f32 v10, v3;
	v15 =	vld [tilespmem:s10+$0x90]  }
0x68: {  	[tilespmem:s10+$0x30] =	vst v8;
	v10 =	vmul.f32 v13, v2;
	v16 =	vld [tilespmem:s10+$0xA0]  }
.Ltmp0:
0x69: {  	[tilespmem:s10+$0x40] =	vst v9;
	v13 =	vmul.f32 v14, v1;
	v8 =	vld [tilespmem:s10+$0xB0];
	(pc) =	sbr.rel @p0 .LBB2_2-.Ltmp0, $4  }
0x6a: {  	[tilespmem:s10+$0x50] =	vst v10;
	v11 =	vmul.f32 v11, v7;
	v9 =	vld [tilespmem:s10+$0xC0]  }
0x6b: {  	[tilespmem:s10+$0x60] =	vst v13;
	v14 =	vmul.f32 v12, v0;
	v10 =	vld [tilespmem:s10+$0xD0]  }
0x6c: {  	[tilespmem:s10+$0x70] =	vst v11;
	v13 =	vmul.f32 v15, v5;
	v11 =	vld [tilespmem:s10+$0xE0]  }
0x6d: {  	s10 =	sadd.s32 $0x200, s10;
	v12 =	vld [tilespmem:s8+$0xFFFFFF00];
	[tilespmem:s8+$0x80] =	vst v14;
	v14 =	vmul.f32 v16, v6  }
0x6e: {  	[tilespmem:s8+$0x90] =	vst v13;
	v8 =	vmul.f32 v8, v4  }
0x6f: {  	[tilespmem:s8+$0xA0] =	vst v14;
	v9 =	vmul.f32 v9, v3  }
0x70: {  	[tilespmem:s8+$0xB0] =	vst v8;
	v8 =	vmul.f32 v10, v2  }
0x71: {  	[tilespmem:s8+$0xC0] =	vst v9;
	v9 =	vmul.f32 v11, v1  }
0x72: {  	v10 =	vmul.f32 v12, v0;
	[tilespmem:s8+$0xD0] =	vst v8  }
0x73: {  	[tilespmem:s8+$0xE0] =	vst v9  }
0x74: {  	[tilespmem:s8+$0xFFFFFF00] =	vst v10  }
0x75: {  	[hbm4b:s6+s4] =	stream.linear.scatter [tilespmem:s22], [sflag:$0x5], $0x4000, $0x38;
	[tilespmem:$0x16480] =	vst v63  }
0x76: {  	s16 =	simm.s32 $0x180  }
0x77: {  	[tilespmem:s29], [sflag:$0x4] =	stream.indirect.gather [hbm4b:s2+s21], $0x80, s16, s21, $0xb8;
	[tilespmem:$0x16480] =	vst v63  }
0x78: {  	_ =	swait.ge [sflag:s30], $0x4000  }
0x79: {  	[sflag:s30] =	ssyncset.done $0x0  }
0x7a: {  	s8 =	simm.s32 $0xA400;
	[sflag:s30] =	ssyncadd.s32 $0xFFFFC000  }
0x7b: {  	v8 =	vld [tilespmem:s8+$0x1F0]  }
0x7c: {  	v9 =	vld [tilespmem:s8+$0x10]  }
0x7d: {  	v10 =	vld [tilespmem:s8+$0x20]  }
0x7e: {  	v11 =	vld [tilespmem:s8+$0x30]  }
0x7f: {  	v14 =	vld [tilespmem:s8+$0x60]  }
0x80: {  	v12 =	vld [tilespmem:s8+$0x40]  }
0x81: {  	v13 =	vld [tilespmem:s8+$0x50];
	v8 =	vmul.f32 v8, v7  }
0x82: {  	v16 =	vld [tilespmem:s8+$0x80];
	v9 =	vmul.f32 v9, v5  }
0x83: {  	v15 =	vld [tilespmem:s8+$0x70];
	v10 =	vmul.f32 v10, v6;
	[tilespmem:s8+$0x1F0] =	vst v8  }
0x84: {  	v62 =	vld [tilespmem:s8+$0xD0];
	v14 =	vmul.f32 v14, v1;
	[tilespmem:s8+$0x10] =	vst v9  }
0x85: {  	v8 =	vld [tilespmem:s8+$0x90];
	[tilespmem:s8+$0x20] =	vst v10;
	v10 =	vmul.f32 v12, v3  }
0x86: {  	v9 =	vmul.f32 v11, v4;
	[tilespmem:s8+$0x60] =	vst v14;
	v14 =	vld [tilespmem:s8+$0xF0]  }
0x87: {  	v11 =	vld [tilespmem:s8+$0xA0];
	[tilespmem:s8+$0x40] =	vst v10;
	v10 =	vmul.f32 v16, v0  }
0x88: {  	v12 =	vld [tilespmem:s8+$0xB0];
	[tilespmem:s8+$0x30] =	vst v9;
	v9 =	vmul.f32 v13, v2  }
0x89: {  	v13 =	vld [tilespmem:s8+$0xC0];
	[tilespmem:s8+$0x80] =	vst v10;
	v10 =	vmul.f32 v15, v7  }
0x8a: {  	[tilespmem:s8+$0x50] =	vst v9;
	v9 =	vld [tilespmem:s8+$0xE0];
	v8 =	vmul.f32 v8, v5  }
0x8b: {  	v15 =	vld [tilespmem:s8+$0x130];
	v14 =	vmul.f32 v14, v7;
	[tilespmem:s8+$0x70] =	vst v10  }
0x8c: {  	v10 =	vmul.f32 v11, v6;
	v11 =	vld [tilespmem:s8+$0x100];
	[tilespmem:s8+$0x90] =	vst v8  }
0x8d: {  	v8 =	vmul.f32 v12, v4;
	v12 =	vld [tilespmem:s8+$0x110];
	[tilespmem:s8+$0xF0] =	vst v14  }
0x8e: {  	[tilespmem:s8+$0xA0] =	vst v10;
	v10 =	vmul.f32 v13, v3;
	v13 =	vld [tilespmem:s8+$0x120]  }
0x8f: {  	v14 =	vld [tilespmem:s8+$0x180];
	[tilespmem:s8+$0xB0] =	vst v8;
	v8 =	vmul.f32 v62, v2  }
0x90: {  	v9 =	vmul.f32 v9, v1;
	[tilespmem:s8+$0xC0] =	vst v10;
	v10 =	vld [tilespmem:s8+$0x140]  }
0x91: {  	[tilespmem:s8+$0xD0] =	vst v8;
	v8 =	vmul.f32 v11, v0  }
0x92: {  	v11 =	vld [tilespmem:s8+$0x150];
	[tilespmem:s8+$0xE0] =	vst v9;
	v12 =	vmul.f32 v12, v5  }
0x93: {  	v9 =	vld [tilespmem:s8+$0x160];
	[tilespmem:s8+$0x100] =	vst v8;
	v8 =	vmul.f32 v13, v6  }
0x94: {  	v14 =	vmul.f32 v14, v0;
	v13 =	vld [tilespmem:s8+$0x170];
	[tilespmem:s8+$0x110] =	vst v12  }
0x95: {  	v12 =	vmul.f32 v15, v4;
	v15 =	vld [tilespmem:s8+$0x190];
	[tilespmem:s8+$0x120] =	vst v8;
	v8 =	vmul.f32 v10, v3  }
0x96: {  	v63 =	vld [tilespmem:s8+$0x1A0];
	[tilespmem:s8+$0x180] =	vst v14  }
0x97: {  	v10 =	vmul.f32 v11, v2;
	[tilespmem:s8+$0x140] =	vst v8;
	v8 =	vld [tilespmem:s8+$0x1B0]  }
0x98: {  	[tilespmem:s8+$0x130] =	vst v12;
	v11 =	vmul.f32 v9, v1;
	v9 =	vld [tilespmem:s8+$0x1C0]  }
0x99: {  	[tilespmem:s8+$0x150] =	vst v10;
	v12 =	vmul.f32 v13, v7;
	v10 =	vld [tilespmem:s8+$0x1D0]  }
0x9a: {  	[tilespmem:s8+$0x160] =	vst v11;
	v11 =	vld [tilespmem:s8+$0x1E0];
	v13 =	vmul.f32 v15, v5  }
0x9b: {  	s9 =	simm.s32 $0x0;
	s10 =	simm.s32 $0xA600;
	v14 =	vmul.f32 v63, v6;
	[tilespmem:s8+$0x170] =	vst v12;
	v12 =	vld [tilespmem:s8+$0x0]  }
.LBB2_4:
0x9c: {  	v15 =	vld [tilespmem:s10+$0x1F0];
	s9 =	sadd.s32 $0x4, s9;
	[tilespmem:s8+$0x190] =	vst v13;
	v8 =	vmul.f32 v8, v4  }
0x9d: {  	v13 =	vld [tilespmem:s10+$0x10];
	p0 =	slt.u32 s9, $0x7C;
	[tilespmem:s8+$0x1A0] =	vst v14;
	v9 =	vmul.f32 v9, v3  }
0x9e: {  	v14 =	vld [tilespmem:s10+$0x20];
	[tilespmem:s8+$0x1B0] =	vst v8;
	v8 =	vmul.f32 v10, v2  }
0x9f: {  	v10 =	vld [tilespmem:s10+$0x30];
	[tilespmem:s8+$0x1C0] =	vst v9;
	v9 =	vmul.f32 v11, v1  }
0xa0: {  	v11 =	vld [tilespmem:s10+$0x40];
	v12 =	vmul.f32 v12, v0;
	[tilespmem:s8+$0x1D0] =	vst v8  }
0xa1: {  	v8 =	vld [tilespmem:s10+$0x50];
	v15 =	vmul.f32 v15, v7;
	[tilespmem:s8+$0x1E0] =	vst v9  }
0xa2: {  	v9 =	vmul.f32 v13, v5;
	v13 =	vld [tilespmem:s10+$0x60];
	[tilespmem:s8+$0x0] =	vst v12;
	s8 =	smov.u32 s10  }
0xa3: {  	v12 =	vmul.f32 v14, v6;
	v14 =	vld [tilespmem:s10+$0x70];
	[tilespmem:s10+$0x1F0] =	vst v15  }
0xa4: {  	[tilespmem:s10+$0x10] =	vst v9;
	v9 =	vmul.f32 v10, v4;
	v10 =	vld [tilespmem:s10+$0x80]  }
0xa5: {  	[tilespmem:s10+$0x20] =	vst v12;
	v11 =	vmul.f32 v11, v3;
	v12 =	vld [tilespmem:s10+$0x90]  }
0xa6: {  	[tilespmem:s10+$0x30] =	vst v9;
	v8 =	vmul.f32 v8, v2;
	v9 =	vld [tilespmem:s10+$0xA0]  }
0xa7: {  	[tilespmem:s10+$0x40] =	vst v11;
	v11 =	vmul.f32 v13, v1;
	v13 =	vld [tilespmem:s10+$0xB0]  }
0xa8: {  	[tilespmem:s10+$0x50] =	vst v8;
	v8 =	vmul.f32 v14, v7;
	v14 =	vld [tilespmem:s10+$0xC0]  }
0xa9: {  	[tilespmem:s10+$0x60] =	vst v11;
	v10 =	vmul.f32 v10, v0;
	v11 =	vld [tilespmem:s10+$0xD0]  }
0xaa: {  	[tilespmem:s10+$0x70] =	vst v8;
	v8 =	vmul.f32 v12, v5;
	v12 =	vld [tilespmem:s10+$0xE0]  }
0xab: {  	[tilespmem:s10+$0x80] =	vst v10;
	v9 =	vmul.f32 v9, v6;
	v10 =	vld [tilespmem:s10+$0xF0]  }
0xac: {  	[tilespmem:s10+$0x90] =	vst v8;
	v8 =	vmul.f32 v13, v4;
	v13 =	vld [tilespmem:s10+$0x100]  }
0xad: {  	[tilespmem:s10+$0xA0] =	vst v9;
	v9 =	vmul.f32 v14, v3;
	v14 =	vld [tilespmem:s10+$0x110]  }
0xae: {  	[tilespmem:s10+$0xB0] =	vst v8;
	v8 =	vmul.f32 v11, v2;
	v11 =	vld [tilespmem:s10+$0x120]  }
0xaf: {  	[tilespmem:s10+$0xC0] =	vst v9;
	v9 =	vmul.f32 v12, v1;
	v12 =	vld [tilespmem:s10+$0x130]  }
0xb0: {  	[tilespmem:s10+$0xD0] =	vst v8;
	v8 =	vmul.f32 v10, v7;
	v10 =	vld [tilespmem:s10+$0x140]  }
0xb1: {  	[tilespmem:s10+$0xE0] =	vst v9;
	v9 =	vmul.f32 v13, v0;
	v13 =	vld [tilespmem:s10+$0x150]  }
0xb2: {  	[tilespmem:s10+$0xF0] =	vst v8;
	v8 =	vmul.f32 v14, v5;
	v14 =	vld [tilespmem:s10+$0x160]  }
0xb3: {  	[tilespmem:s10+$0x100] =	vst v9;
	v9 =	vmul.f32 v11, v6;
	v11 =	vld [tilespmem:s10+$0x170]  }
0xb4: {  	[tilespmem:s10+$0x110] =	vst v8;
	v8 =	vmul.f32 v12, v4;
	v12 =	vld [tilespmem:s10+$0x180]  }
0xb5: {  	[tilespmem:s10+$0x120] =	vst v9;
	v9 =	vmul.f32 v10, v3;
	v15 =	vld [tilespmem:s10+$0x190]  }
0xb6: {  	[tilespmem:s10+$0x130] =	vst v8;
	v10 =	vmul.f32 v13, v2;
	v16 =	vld [tilespmem:s10+$0x1A0]  }
.Ltmp1:
0xb7: {  	[tilespmem:s10+$0x140] =	vst v9;
	v13 =	vmul.f32 v14, v1;
	v8 =	vld [tilespmem:s10+$0x1B0];
	(pc) =	sbr.rel @p0 .LBB2_4-.Ltmp1, $4  }
0xb8: {  	[tilespmem:s10+$0x150] =	vst v10;
	v11 =	vmul.f32 v11, v7;
	v9 =	vld [tilespmem:s10+$0x1C0]  }
0xb9: {  	[tilespmem:s10+$0x160] =	vst v13;
	v14 =	vmul.f32 v12, v0;
	v10 =	vld [tilespmem:s10+$0x1D0]  }
0xba: {  	[tilespmem:s10+$0x170] =	vst v11;
	v13 =	vmul.f32 v15, v5;
	v11 =	vld [tilespmem:s10+$0x1E0]  }
0xbb: {  	s10 =	sadd.s32 $0x200, s10;
	v12 =	vld [tilespmem:s8+$0x0];
	[tilespmem:s8+$0x180] =	vst v14;
	v14 =	vmul.f32 v16, v6  }
0xbc: {  	[tilespmem:s8+$0x190] =	vst v13;
	v8 =	vmul.f32 v8, v4  }
0xbd: {  	[tilespmem:s8+$0x1A0] =	vst v14;
	v9 =	vmul.f32 v9, v3  }
0xbe: {  	[tilespmem:s8+$0x1B0] =	vst v8;
	v8 =	vmul.f32 v10, v2  }
0xbf: {  	[tilespmem:s8+$0x1C0] =	vst v9;
	v9 =	vmul.f32 v11, v1  }
0xc0: {  	v10 =	vmul.f32 v12, v0;
	[tilespmem:s8+$0x1D0] =	vst v8  }
0xc1: {  	[tilespmem:s8+$0x1E0] =	vst v9  }
0xc2: {  	[tilespmem:s8+$0x0] =	vst v10  }
0xc3: {  	s8 =	rddreg [dreg:$0x6]  }
0xc4: {  	[hbm4b:s8+s4] =	stream.linear.scatter [tilespmem:s23], [sflag:$0x6], $0x4000, $0x38;
	[tilespmem:$0x16480] =	vst v63  }
0xc5: {  	_ =	swait.ge [sflag:s31], $0x4000  }
0xc6: {  	[sflag:s31] =	ssyncset.done $0x0  }
0xc7: {  	s16 =	simm.s32 $0x200;
	[sflag:s31] =	ssyncadd.s32 $0xFFFFC000  }
0xc8: {  	[tilespmem:s22], [sflag:$0x1] =	stream.indirect.gather [hbm4b:s2+s21], $0x80, s16, s21, $0xb8;
	[tilespmem:$0x16480] =	vst v63  }
0xc9: {  	_ =	swait.ge [sflag:s0], $0x4000  }
0xca: {  	[sflag:s0] =	ssyncset.done $0x0  }
0xcb: {  	s8 =	simm.s32 $0xE400;
	[sflag:s0] =	ssyncadd.s32 $0xFFFFC000  }
0xcc: {  	v8 =	vld [tilespmem:s8+$0x1F0]  }
0xcd: {  	v9 =	vld [tilespmem:s8+$0x10]  }
0xce: {  	v10 =	vld [tilespmem:s8+$0x20]  }
0xcf: {  	v11 =	vld [tilespmem:s8+$0x30]  }
0xd0: {  	v14 =	vld [tilespmem:s8+$0x60]  }
0xd1: {  	v12 =	vld [tilespmem:s8+$0x40]  }
0xd2: {  	v13 =	vld [tilespmem:s8+$0x50];
	v8 =	vmul.f32 v8, v7  }
0xd3: {  	v16 =	vld [tilespmem:s8+$0x80];
	v9 =	vmul.f32 v9, v5  }
0xd4: {  	v15 =	vld [tilespmem:s8+$0x70];
	v10 =	vmul.f32 v10, v6;
	[tilespmem:s8+$0x1F0] =	vst v8  }
0xd5: {  	v62 =	vld [tilespmem:s8+$0xD0];
	v14 =	vmul.f32 v14, v1;
	[tilespmem:s8+$0x10] =	vst v9  }
0xd6: {  	v8 =	vld [tilespmem:s8+$0x90];
	[tilespmem:s8+$0x20] =	vst v10;
	v10 =	vmul.f32 v12, v3  }
0xd7: {  	v9 =	vmul.f32 v11, v4;
	[tilespmem:s8+$0x60] =	vst v14;
	v14 =	vld [tilespmem:s8+$0xF0]  }
0xd8: {  	v11 =	vld [tilespmem:s8+$0xA0];
	[tilespmem:s8+$0x40] =	vst v10;
	v10 =	vmul.f32 v16, v0  }
0xd9: {  	v12 =	vld [tilespmem:s8+$0xB0];
	[tilespmem:s8+$0x30] =	vst v9;
	v9 =	vmul.f32 v13, v2  }
0xda: {  	v13 =	vld [tilespmem:s8+$0xC0];
	[tilespmem:s8+$0x80] =	vst v10;
	v10 =	vmul.f32 v15, v7  }
0xdb: {  	[tilespmem:s8+$0x50] =	vst v9;
	v9 =	vld [tilespmem:s8+$0xE0];
	v8 =	vmul.f32 v8, v5  }
0xdc: {  	v15 =	vld [tilespmem:s8+$0x130];
	v14 =	vmul.f32 v14, v7;
	[tilespmem:s8+$0x70] =	vst v10  }
0xdd: {  	v10 =	vmul.f32 v11, v6;
	v11 =	vld [tilespmem:s8+$0x100];
	[tilespmem:s8+$0x90] =	vst v8  }
0xde: {  	v8 =	vmul.f32 v12, v4;
	v12 =	vld [tilespmem:s8+$0x110];
	[tilespmem:s8+$0xF0] =	vst v14  }
0xdf: {  	[tilespmem:s8+$0xA0] =	vst v10;
	v10 =	vmul.f32 v13, v3;
	v13 =	vld [tilespmem:s8+$0x120]  }
0xe0: {  	v14 =	vld [tilespmem:s8+$0x180];
	[tilespmem:s8+$0xB0] =	vst v8;
	v8 =	vmul.f32 v62, v2  }
0xe1: {  	v9 =	vmul.f32 v9, v1;
	[tilespmem:s8+$0xC0] =	vst v10;
	v10 =	vld [tilespmem:s8+$0x140]  }
0xe2: {  	[tilespmem:s8+$0xD0] =	vst v8;
	v8 =	vmul.f32 v11, v0  }
0xe3: {  	v11 =	vld [tilespmem:s8+$0x150];
	[tilespmem:s8+$0xE0] =	vst v9;
	v12 =	vmul.f32 v12, v5  }
0xe4: {  	v9 =	vld [tilespmem:s8+$0x160];
	[tilespmem:s8+$0x100] =	vst v8;
	v8 =	vmul.f32 v13, v6  }
0xe5: {  	v14 =	vmul.f32 v14, v0;
	v13 =	vld [tilespmem:s8+$0x170];
	[tilespmem:s8+$0x110] =	vst v12  }
0xe6: {  	v12 =	vmul.f32 v15, v4;
	v15 =	vld [tilespmem:s8+$0x190];
	[tilespmem:s8+$0x120] =	vst v8;
	v8 =	vmul.f32 v10, v3  }
0xe7: {  	v63 =	vld [tilespmem:s8+$0x1A0];
	[tilespmem:s8+$0x180] =	vst v14  }
0xe8: {  	v10 =	vmul.f32 v11, v2;
	[tilespmem:s8+$0x140] =	vst v8;
	v8 =	vld [tilespmem:s8+$0x1B0]  }
0xe9: {  	[tilespmem:s8+$0x130] =	vst v12;
	v11 =	vmul.f32 v9, v1;
	v9 =	vld [tilespmem:s8+$0x1C0]  }
0xea: {  	[tilespmem:s8+$0x150] =	vst v10;
	v12 =	vmul.f32 v13, v7;
	v10 =	vld [tilespmem:s8+$0x1D0]  }
0xeb: {  	[tilespmem:s8+$0x160] =	vst v11;
	v11 =	vld [tilespmem:s8+$0x1E0];
	v13 =	vmul.f32 v15, v5  }
0xec: {  	s9 =	simm.s32 $0x0;
	s10 =	simm.s32 $0xE600;
	v14 =	vmul.f32 v63, v6;
	[tilespmem:s8+$0x170] =	vst v12;
	v12 =	vld [tilespmem:s8+$0x0]  }
.LBB2_6:
0xed: {  	v15 =	vld [tilespmem:s10+$0x1F0];
	s9 =	sadd.s32 $0x4, s9;
	[tilespmem:s8+$0x190] =	vst v13;
	v8 =	vmul.f32 v8, v4  }
0xee: {  	v13 =	vld [tilespmem:s10+$0x10];
	p0 =	slt.u32 s9, $0x7C;
	[tilespmem:s8+$0x1A0] =	vst v14;
	v9 =	vmul.f32 v9, v3  }
0xef: {  	v14 =	vld [tilespmem:s10+$0x20];
	[tilespmem:s8+$0x1B0] =	vst v8;
	v8 =	vmul.f32 v10, v2  }
0xf0: {  	v10 =	vld [tilespmem:s10+$0x30];
	[tilespmem:s8+$0x1C0] =	vst v9;
	v9 =	vmul.f32 v11, v1  }
0xf1: {  	v11 =	vld [tilespmem:s10+$0x40];
	v12 =	vmul.f32 v12, v0;
	[tilespmem:s8+$0x1D0] =	vst v8  }
0xf2: {  	v8 =	vld [tilespmem:s10+$0x50];
	v15 =	vmul.f32 v15, v7;
	[tilespmem:s8+$0x1E0] =	vst v9  }
0xf3: {  	v9 =	vmul.f32 v13, v5;
	v13 =	vld [tilespmem:s10+$0x60];
	[tilespmem:s8+$0x0] =	vst v12;
	s8 =	smov.u32 s10  }
0xf4: {  	v12 =	vmul.f32 v14, v6;
	v14 =	vld [tilespmem:s10+$0x70];
	[tilespmem:s10+$0x1F0] =	vst v15  }
0xf5: {  	[tilespmem:s10+$0x10] =	vst v9;
	v9 =	vmul.f32 v10, v4;
	v10 =	vld [tilespmem:s10+$0x80]  }
0xf6: {  	[tilespmem:s10+$0x20] =	vst v12;
	v11 =	vmul.f32 v11, v3;
	v12 =	vld [tilespmem:s10+$0x90]  }
0xf7: {  	[tilespmem:s10+$0x30] =	vst v9;
	v8 =	vmul.f32 v8, v2;
	v9 =	vld [tilespmem:s10+$0xA0]  }
0xf8: {  	[tilespmem:s10+$0x40] =	vst v11;
	v11 =	vmul.f32 v13, v1;
	v13 =	vld [tilespmem:s10+$0xB0]  }
0xf9: {  	[tilespmem:s10+$0x50] =	vst v8;
	v8 =	vmul.f32 v14, v7;
	v14 =	vld [tilespmem:s10+$0xC0]  }
0xfa: {  	[tilespmem:s10+$0x60] =	vst v11;
	v10 =	vmul.f32 v10, v0;
	v11 =	vld [tilespmem:s10+$0xD0]  }
0xfb: {  	[tilespmem:s10+$0x70] =	vst v8;
	v8 =	vmul.f32 v12, v5;
	v12 =	vld [tilespmem:s10+$0xE0]  }
0xfc: {  	[tilespmem:s10+$0x80] =	vst v10;
	v9 =	vmul.f32 v9, v6;
	v10 =	vld [tilespmem:s10+$0xF0]  }
0xfd: {  	[tilespmem:s10+$0x90] =	vst v8;
	v8 =	vmul.f32 v13, v4;
	v13 =	vld [tilespmem:s10+$0x100]  }
0xfe: {  	[tilespmem:s10+$0xA0] =	vst v9;
	v9 =	vmul.f32 v14, v3;
	v14 =	vld [tilespmem:s10+$0x110]  }
0xff: {  	[tilespmem:s10+$0xB0] =	vst v8;
	v8 =	vmul.f32 v11, v2;
	v11 =	vld [tilespmem:s10+$0x120]  }
0x100: {  	[tilespmem:s10+$0xC0] =	vst v9;
	v9 =	vmul.f32 v12, v1;
	v12 =	vld [tilespmem:s10+$0x130]  }
0x101: {  	[tilespmem:s10+$0xD0] =	vst v8;
	v8 =	vmul.f32 v10, v7;
	v10 =	vld [tilespmem:s10+$0x140]  }
0x102: {  	[tilespmem:s10+$0xE0] =	vst v9;
	v9 =	vmul.f32 v13, v0;
	v13 =	vld [tilespmem:s10+$0x150]  }
0x103: {  	[tilespmem:s10+$0xF0] =	vst v8;
	v8 =	vmul.f32 v14, v5;
	v14 =	vld [tilespmem:s10+$0x160]  }
0x104: {  	[tilespmem:s10+$0x100] =	vst v9;
	v9 =	vmul.f32 v11, v6;
	v11 =	vld [tilespmem:s10+$0x170]  }
0x105: {  	[tilespmem:s10+$0x110] =	vst v8;
	v8 =	vmul.f32 v12, v4;
	v12 =	vld [tilespmem:s10+$0x180]  }
0x106: {  	[tilespmem:s10+$0x120] =	vst v9;
	v9 =	vmul.f32 v10, v3;
	v15 =	vld [tilespmem:s10+$0x190]  }
0x107: {  	[tilespmem:s10+$0x130] =	vst v8;
	v10 =	vmul.f32 v13, v2;
	v16 =	vld [tilespmem:s10+$0x1A0]  }
.Ltmp2:
0x108: {  	[tilespmem:s10+$0x140] =	vst v9;
	v13 =	vmul.f32 v14, v1;
	v8 =	vld [tilespmem:s10+$0x1B0];
	(pc) =	sbr.rel @p0 .LBB2_6-.Ltmp2, $4  }
0x109: {  	[tilespmem:s10+$0x150] =	vst v10;
	v11 =	vmul.f32 v11, v7;
	v9 =	vld [tilespmem:s10+$0x1C0]  }
0x10a: {  	[tilespmem:s10+$0x160] =	vst v13;
	v14 =	vmul.f32 v12, v0;
	v10 =	vld [tilespmem:s10+$0x1D0]  }
0x10b: {  	[tilespmem:s10+$0x170] =	vst v11;
	v13 =	vmul.f32 v15, v5;
	v11 =	vld [tilespmem:s10+$0x1E0]  }
0x10c: {  	s10 =	sadd.s32 $0x200, s10;
	v12 =	vld [tilespmem:s8+$0x0];
	[tilespmem:s8+$0x180] =	vst v14;
	v14 =	vmul.f32 v16, v6  }
0x10d: {  	[tilespmem:s8+$0x190] =	vst v13;
	v8 =	vmul.f32 v8, v4  }
0x10e: {  	[tilespmem:s8+$0x1A0] =	vst v14;
	v9 =	vmul.f32 v9, v3  }
0x10f: {  	[tilespmem:s8+$0x1B0] =	vst v8;
	v8 =	vmul.f32 v10, v2  }
0x110: {  	[tilespmem:s8+$0x1C0] =	vst v9;
	v9 =	vmul.f32 v11, v1  }
0x111: {  	v10 =	vmul.f32 v12, v0;
	[tilespmem:s8+$0x1D0] =	vst v8  }
0x112: {  	[tilespmem:s8+$0x1E0] =	vst v9  }
0x113: {  	[tilespmem:s8+$0x0] =	vst v10  }
0x114: {  	s8 =	rddreg [dreg:$0x7]  }
0x115: {  	[hbm4b:s8+s4] =	stream.linear.scatter [tilespmem:s25], [sflag:$0x7], $0x4000, $0x38;
	[tilespmem:$0x16480] =	vst v63  }
0x116: {  	_ =	swait.ge [sflag:s19], $0x4000  }
0x117: {  	[sflag:s19] =	ssyncset.done $0x0  }
0x118: {  	s16 =	simm.s32 $0x280;
	[sflag:s19] =	ssyncadd.s32 $0xFFFFC000  }
0x119: {  	[tilespmem:s23], [sflag:$0x2] =	stream.indirect.gather [hbm4b:s2+s21], $0x80, s16, s21, $0xb8;
	[tilespmem:$0x16480] =	vst v63  }
0x11a: {  	_ =	swait.ge [sflag:s28], $0x4000  }
0x11b: {  	[sflag:s28] =	ssyncset.done $0x0  }
0x11c: {  	s8 =	simm.s32 $0x12400;
	[sflag:s28] =	ssyncadd.s32 $0xFFFFC000  }
0x11d: {  	v8 =	vld [tilespmem:s8+$0x1F0]  }
0x11e: {  	v9 =	vld [tilespmem:s8+$0x10]  }
0x11f: {  	v10 =	vld [tilespmem:s8+$0x20]  }
0x120: {  	v11 =	vld [tilespmem:s8+$0x30]  }
0x121: {  	v14 =	vld [tilespmem:s8+$0x60]  }
0x122: {  	v12 =	vld [tilespmem:s8+$0x40]  }
0x123: {  	v13 =	vld [tilespmem:s8+$0x50];
	v8 =	vmul.f32 v8, v7  }
0x124: {  	v16 =	vld [tilespmem:s8+$0x80];
	v9 =	vmul.f32 v9, v5  }
0x125: {  	v15 =	vld [tilespmem:s8+$0x70];
	v10 =	vmul.f32 v10, v6;
	[tilespmem:s8+$0x1F0] =	vst v8  }
0x126: {  	v62 =	vld [tilespmem:s8+$0xD0];
	v14 =	vmul.f32 v14, v1;
	[tilespmem:s8+$0x10] =	vst v9  }
0x127: {  	v8 =	vld [tilespmem:s8+$0x90];
	[tilespmem:s8+$0x20] =	vst v10;
	v10 =	vmul.f32 v12, v3  }
0x128: {  	v9 =	vmul.f32 v11, v4;
	[tilespmem:s8+$0x60] =	vst v14;
	v14 =	vld [tilespmem:s8+$0xF0]  }
0x129: {  	v11 =	vld [tilespmem:s8+$0xA0];
	[tilespmem:s8+$0x40] =	vst v10;
	v10 =	vmul.f32 v16, v0  }
0x12a: {  	v12 =	vld [tilespmem:s8+$0xB0];
	[tilespmem:s8+$0x30] =	vst v9;
	v9 =	vmul.f32 v13, v2  }
0x12b: {  	v13 =	vld [tilespmem:s8+$0xC0];
	[tilespmem:s8+$0x80] =	vst v10;
	v10 =	vmul.f32 v15, v7  }
0x12c: {  	[tilespmem:s8+$0x50] =	vst v9;
	v9 =	vld [tilespmem:s8+$0xE0];
	v8 =	vmul.f32 v8, v5  }
0x12d: {  	v15 =	vld [tilespmem:s8+$0x130];
	v14 =	vmul.f32 v14, v7;
	[tilespmem:s8+$0x70] =	vst v10  }
0x12e: {  	v10 =	vmul.f32 v11, v6;
	v11 =	vld [tilespmem:s8+$0x100];
	[tilespmem:s8+$0x90] =	vst v8  }
0x12f: {  	v8 =	vmul.f32 v12, v4;
	v12 =	vld [tilespmem:s8+$0x110];
	[tilespmem:s8+$0xF0] =	vst v14  }
0x130: {  	[tilespmem:s8+$0xA0] =	vst v10;
	v10 =	vmul.f32 v13, v3;
	v13 =	vld [tilespmem:s8+$0x120]  }
0x131: {  	v14 =	vld [tilespmem:s8+$0x180];
	[tilespmem:s8+$0xB0] =	vst v8;
	v8 =	vmul.f32 v62, v2  }
0x132: {  	v9 =	vmul.f32 v9, v1;
	[tilespmem:s8+$0xC0] =	vst v10;
	v10 =	vld [tilespmem:s8+$0x140]  }
0x133: {  	[tilespmem:s8+$0xD0] =	vst v8;
	v8 =	vmul.f32 v11, v0  }
0x134: {  	v11 =	vld [tilespmem:s8+$0x150];
	[tilespmem:s8+$0xE0] =	vst v9;
	v12 =	vmul.f32 v12, v5  }
0x135: {  	v9 =	vld [tilespmem:s8+$0x160];
	[tilespmem:s8+$0x100] =	vst v8;
	v8 =	vmul.f32 v13, v6  }
0x136: {  	v14 =	vmul.f32 v14, v0;
	v13 =	vld [tilespmem:s8+$0x170];
	[tilespmem:s8+$0x110] =	vst v12  }
0x137: {  	v12 =	vmul.f32 v15, v4;
	v15 =	vld [tilespmem:s8+$0x190];
	[tilespmem:s8+$0x120] =	vst v8;
	v8 =	vmul.f32 v10, v3  }
0x138: {  	v63 =	vld [tilespmem:s8+$0x1A0];
	[tilespmem:s8+$0x180] =	vst v14  }
0x139: {  	v10 =	vmul.f32 v11, v2;
	[tilespmem:s8+$0x140] =	vst v8;
	v8 =	vld [tilespmem:s8+$0x1B0]  }
0x13a: {  	[tilespmem:s8+$0x130] =	vst v12;
	v11 =	vmul.f32 v9, v1;
	v9 =	vld [tilespmem:s8+$0x1C0]  }
0x13b: {  	[tilespmem:s8+$0x150] =	vst v10;
	v12 =	vmul.f32 v13, v7;
	v10 =	vld [tilespmem:s8+$0x1D0]  }
0x13c: {  	[tilespmem:s8+$0x160] =	vst v11;
	v11 =	vld [tilespmem:s8+$0x1E0];
	v13 =	vmul.f32 v15, v5  }
0x13d: {  	s9 =	simm.s32 $0x0;
	s10 =	simm.s32 $0x12600;
	v14 =	vmul.f32 v63, v6;
	[tilespmem:s8+$0x170] =	vst v12;
	v12 =	vld [tilespmem:s8+$0x0]  }
.LBB2_8:
0x13e: {  	v15 =	vld [tilespmem:s10+$0x1F0];
	s9 =	sadd.s32 $0x4, s9;
	[tilespmem:s8+$0x190] =	vst v13;
	v8 =	vmul.f32 v8, v4  }
0x13f: {  	v13 =	vld [tilespmem:s10+$0x10];
	p0 =	slt.u32 s9, $0x7C;
	[tilespmem:s8+$0x1A0] =	vst v14;
	v9 =	vmul.f32 v9, v3  }
0x140: {  	v14 =	vld [tilespmem:s10+$0x20];
	[tilespmem:s8+$0x1B0] =	vst v8;
	v8 =	vmul.f32 v10, v2  }
0x141: {  	v10 =	vld [tilespmem:s10+$0x30];
	[tilespmem:s8+$0x1C0] =	vst v9;
	v9 =	vmul.f32 v11, v1  }
0x142: {  	v11 =	vld [tilespmem:s10+$0x40];
	v12 =	vmul.f32 v12, v0;
	[tilespmem:s8+$0x1D0] =	vst v8  }
0x143: {  	v8 =	vld [tilespmem:s10+$0x50];
	v15 =	vmul.f32 v15, v7;
	[tilespmem:s8+$0x1E0] =	vst v9  }
0x144: {  	v9 =	vmul.f32 v13, v5;
	v13 =	vld [tilespmem:s10+$0x60];
	[tilespmem:s8+$0x0] =	vst v12;
	s8 =	smov.u32 s10  }
0x145: {  	v12 =	vmul.f32 v14, v6;
	v14 =	vld [tilespmem:s10+$0x70];
	[tilespmem:s10+$0x1F0] =	vst v15  }
0x146: {  	[tilespmem:s10+$0x10] =	vst v9;
	v9 =	vmul.f32 v10, v4;
	v10 =	vld [tilespmem:s10+$0x80]  }
0x147: {  	[tilespmem:s10+$0x20] =	vst v12;
	v11 =	vmul.f32 v11, v3;
	v12 =	vld [tilespmem:s10+$0x90]  }
0x148: {  	[tilespmem:s10+$0x30] =	vst v9;
	v8 =	vmul.f32 v8, v2;
	v9 =	vld [tilespmem:s10+$0xA0]  }
0x149: {  	[tilespmem:s10+$0x40] =	vst v11;
	v11 =	vmul.f32 v13, v1;
	v13 =	vld [tilespmem:s10+$0xB0]  }
0x14a: {  	[tilespmem:s10+$0x50] =	vst v8;
	v8 =	vmul.f32 v14, v7;
	v14 =	vld [tilespmem:s10+$0xC0]  }
0x14b: {  	[tilespmem:s10+$0x60] =	vst v11;
	v10 =	vmul.f32 v10, v0;
	v11 =	vld [tilespmem:s10+$0xD0]  }
0x14c: {  	[tilespmem:s10+$0x70] =	vst v8;
	v8 =	vmul.f32 v12, v5;
	v12 =	vld [tilespmem:s10+$0xE0]  }
0x14d: {  	[tilespmem:s10+$0x80] =	vst v10;
	v9 =	vmul.f32 v9, v6;
	v10 =	vld [tilespmem:s10+$0xF0]  }
0x14e: {  	[tilespmem:s10+$0x90] =	vst v8;
	v8 =	vmul.f32 v13, v4;
	v13 =	vld [tilespmem:s10+$0x100]  }
0x14f: {  	[tilespmem:s10+$0xA0] =	vst v9;
	v9 =	vmul.f32 v14, v3;
	v14 =	vld [tilespmem:s10+$0x110]  }
0x150: {  	[tilespmem:s10+$0xB0] =	vst v8;
	v8 =	vmul.f32 v11, v2;
	v11 =	vld [tilespmem:s10+$0x120]  }
0x151: {  	[tilespmem:s10+$0xC0] =	vst v9;
	v9 =	vmul.f32 v12, v1;
	v12 =	vld [tilespmem:s10+$0x130]  }
0x152: {  	[tilespmem:s10+$0xD0] =	vst v8;
	v8 =	vmul.f32 v10, v7;
	v10 =	vld [tilespmem:s10+$0x140]  }
0x153: {  	[tilespmem:s10+$0xE0] =	vst v9;
	v9 =	vmul.f32 v13, v0;
	v13 =	vld [tilespmem:s10+$0x150]  }
0x154: {  	[tilespmem:s10+$0xF0] =	vst v8;
	v8 =	vmul.f32 v14, v5;
	v14 =	vld [tilespmem:s10+$0x160]  }
0x155: {  	[tilespmem:s10+$0x100] =	vst v9;
	v9 =	vmul.f32 v11, v6;
	v11 =	vld [tilespmem:s10+$0x170]  }
0x156: {  	[tilespmem:s10+$0x110] =	vst v8;
	v8 =	vmul.f32 v12, v4;
	v12 =	vld [tilespmem:s10+$0x180]  }
0x157: {  	[tilespmem:s10+$0x120] =	vst v9;
	v9 =	vmul.f32 v10, v3;
	v15 =	vld [tilespmem:s10+$0x190]  }
0x158: {  	[tilespmem:s10+$0x130] =	vst v8;
	v10 =	vmul.f32 v13, v2;
	v16 =	vld [tilespmem:s10+$0x1A0]  }
.Ltmp3:
0x159: {  	[tilespmem:s10+$0x140] =	vst v9;
	v13 =	vmul.f32 v14, v1;
	v8 =	vld [tilespmem:s10+$0x1B0];
	(pc) =	sbr.rel @p0 .LBB2_8-.Ltmp3, $4  }
0x15a: {  	[tilespmem:s10+$0x150] =	vst v10;
	v11 =	vmul.f32 v11, v7;
	v9 =	vld [tilespmem:s10+$0x1C0]  }
0x15b: {  	[tilespmem:s10+$0x160] =	vst v13;
	v14 =	vmul.f32 v12, v0;
	v10 =	vld [tilespmem:s10+$0x1D0]  }
0x15c: {  	[tilespmem:s10+$0x170] =	vst v11;
	v13 =	vmul.f32 v15, v5;
	v11 =	vld [tilespmem:s10+$0x1E0]  }
0x15d: {  	s10 =	sadd.s32 $0x200, s10;
	v12 =	vld [tilespmem:s8+$0x0];
	[tilespmem:s8+$0x180] =	vst v14;
	v14 =	vmul.f32 v16, v6  }
0x15e: {  	[tilespmem:s8+$0x190] =	vst v13;
	v8 =	vmul.f32 v8, v4  }
0x15f: {  	[tilespmem:s8+$0x1A0] =	vst v14;
	v9 =	vmul.f32 v9, v3  }
0x160: {  	[tilespmem:s8+$0x1B0] =	vst v8;
	v8 =	vmul.f32 v10, v2  }
0x161: {  	[tilespmem:s8+$0x1C0] =	vst v9;
	v62 =	vmul.f32 v11, v1  }
0x162: {  	v63 =	vmul.f32 v12, v0;
	[tilespmem:s8+$0x1D0] =	vst v8  }
0x163: {  	[tilespmem:s8+$0x1E0] =	vst v62  }
0x164: {  	[tilespmem:s8+$0x0] =	vst v63  }
0x165: {  	s8 =	rddreg [dreg:$0x8]  }
0x166: {  	[hbm4b:s8+s4] =	stream.linear.scatter [tilespmem:s29], [sflag:$0x8], $0x4000, $0x38;
	[tilespmem:$0x16480] =	vst v63  }
0x167: {  	_ =	swait.ge [sflag:s1], $0x4000  }
0x168: {  	[sflag:s1] =	ssyncset.done $0x0  }
0x169: {  	s16 =	simm.s32 $0x300;
	s8 =	simm.s32 $0x1;
	[sflag:s1] =	ssyncadd.s32 $0xFFFFC000  }
0x16a: {  	[tilespmem:s25], [sflag:$0x3] =	stream.indirect.gather [hbm4b:s2+s21], $0x80, s16, s21, $0xb8;
	[tilespmem:$0x16480] =	vst v63  }
.LBB2_10:
0x16b: {  	_ =	swait.ge [sflag:s26], $0x4000  }
0x16c: {  	[sflag:s26] =	ssyncset.done $0x0  }
0x16d: {  	s9 =	simm.s32 $0x6500;
	[sflag:s26] =	ssyncadd.s32 $0xFFFFC000  }
0x16e: {  	v8 =	vld [tilespmem:s9+$0xF0]  }
0x16f: {  	v9 =	vld [tilespmem:s9+$0xFFFFFF10]  }
0x170: {  	v10 =	vld [tilespmem:s9+$0xFFFFFF20]  }
0x171: {  	v11 =	vld [tilespmem:s9+$0xFFFFFF30]  }
0x172: {  	v14 =	vld [tilespmem:s9+$0xFFFFFF60]  }
0x173: {  	v12 =	vld [tilespmem:s9+$0xFFFFFF40]  }
0x174: {  	v13 =	vld [tilespmem:s9+$0xFFFFFF50];
	v8 =	vmul.f32 v8, v7  }
0x175: {  	v16 =	vld [tilespmem:s9+$0xFFFFFF80];
	v9 =	vmul.f32 v9, v5  }
0x176: {  	v15 =	vld [tilespmem:s9+$0xFFFFFF70];
	v10 =	vmul.f32 v10, v6;
	[tilespmem:s9+$0xF0] =	vst v8  }
0x177: {  	v62 =	vld [tilespmem:s9+$0xFFFFFFD0];
	v14 =	vmul.f32 v14, v1;
	[tilespmem:s9+$0xFFFFFF10] =	vst v9  }
0x178: {  	v8 =	vld [tilespmem:s9+$0xFFFFFF90];
	[tilespmem:s9+$0xFFFFFF20] =	vst v10;
	v10 =	vmul.f32 v12, v3  }
0x179: {  	v9 =	vmul.f32 v11, v4;
	[tilespmem:s9+$0xFFFFFF60] =	vst v14;
	v14 =	vld [tilespmem:s9+$0xFFFFFFF0]  }
0x17a: {  	v11 =	vld [tilespmem:s9+$0xFFFFFFA0];
	[tilespmem:s9+$0xFFFFFF40] =	vst v10;
	v10 =	vmul.f32 v16, v0  }
0x17b: {  	v12 =	vld [tilespmem:s9+$0xFFFFFFB0];
	[tilespmem:s9+$0xFFFFFF30] =	vst v9;
	v9 =	vmul.f32 v13, v2  }
0x17c: {  	v13 =	vld [tilespmem:s9+$0xFFFFFFC0];
	[tilespmem:s9+$0xFFFFFF80] =	vst v10;
	v10 =	vmul.f32 v15, v7  }
0x17d: {  	[tilespmem:s9+$0xFFFFFF50] =	vst v9;
	v9 =	vld [tilespmem:s9+$0xFFFFFFE0];
	v8 =	vmul.f32 v8, v5  }
0x17e: {  	v15 =	vld [tilespmem:s9+$0x30];
	v14 =	vmul.f32 v14, v7;
	[tilespmem:s9+$0xFFFFFF70] =	vst v10  }
0x17f: {  	v10 =	vmul.f32 v11, v6;
	v11 =	vld [tilespmem:s9+$0x0];
	[tilespmem:s9+$0xFFFFFF90] =	vst v8  }
0x180: {  	v8 =	vmul.f32 v12, v4;
	v12 =	vld [tilespmem:s9+$0x10];
	[tilespmem:s9+$0xFFFFFFF0] =	vst v14  }
0x181: {  	[tilespmem:s9+$0xFFFFFFA0] =	vst v10;
	v10 =	vmul.f32 v13, v3;
	v13 =	vld [tilespmem:s9+$0x20]  }
0x182: {  	v14 =	vld [tilespmem:s9+$0x80];
	[tilespmem:s9+$0xFFFFFFB0] =	vst v8;
	v8 =	vmul.f32 v62, v2  }
0x183: {  	v9 =	vmul.f32 v9, v1;
	[tilespmem:s9+$0xFFFFFFC0] =	vst v10;
	v10 =	vld [tilespmem:s9+$0x40]  }
0x184: {  	[tilespmem:s9+$0xFFFFFFD0] =	vst v8;
	v8 =	vmul.f32 v11, v0;
	v11 =	vld [tilespmem:s9+$0x50]  }
0x185: {  	[tilespmem:s9+$0xFFFFFFE0] =	vst v9;
	v9 =	vld [tilespmem:s9+$0x60];
	v12 =	vmul.f32 v12, v5  }
0x186: {  	[tilespmem:s9+$0x0] =	vst v8;
	v8 =	vmul.f32 v13, v6;
	v13 =	vld [tilespmem:s9+$0x70]  }
0x187: {  	v14 =	vmul.f32 v14, v0;
	[tilespmem:s9+$0x10] =	vst v12  }
0x188: {  	v12 =	vmul.f32 v15, v4;
	v15 =	vld [tilespmem:s9+$0x90];
	[tilespmem:s9+$0x20] =	vst v8;
	v8 =	vmul.f32 v10, v3  }
0x189: {  	v63 =	vld [tilespmem:s9+$0xA0];
	[tilespmem:s9+$0x80] =	vst v14;
	v10 =	vmul.f32 v11, v2  }
0x18a: {  	[tilespmem:s9+$0x40] =	vst v8;
	v8 =	vld [tilespmem:s9+$0xB0]  }
0x18b: {  	v11 =	vmul.f32 v9, v1;
	v9 =	vld [tilespmem:s9+$0xC0];
	[tilespmem:s9+$0x50] =	vst v10;
	v10 =	vmul.f32 v13, v7  }
0x18c: {  	[tilespmem:s9+$0x30] =	vst v12;
	v12 =	vld [tilespmem:s9+$0xD0]  }
0x18d: {  	v13 =	vmul.f32 v15, v5;
	[tilespmem:s9+$0x70] =	vst v10;
	v10 =	vld [tilespmem:s9+$0xE0]  }
0x18e: {  	s10 =	simm.s32 $0x0;
	s11 =	simm.s32 $0x6700;
	v14 =	vmul.f32 v63, v6;
	[tilespmem:s9+$0x60] =	vst v11;
	v11 =	vld [tilespmem:s9+$0xFFFFFF00]  }
.LBB2_11:
0x18f: {  	v15 =	vld [tilespmem:s11+$0xF0];
	s10 =	sadd.s32 $0x4, s10;
	[tilespmem:s9+$0x90] =	vst v13;
	v8 =	vmul.f32 v8, v4  }
0x190: {  	v13 =	vld [tilespmem:s11+$0xFFFFFF10];
	p0 =	slt.u32 s10, $0x7C;
	[tilespmem:s9+$0xA0] =	vst v14;
	v9 =	vmul.f32 v9, v3  }
0x191: {  	v14 =	vld [tilespmem:s11+$0xFFFFFF20];
	[tilespmem:s9+$0xB0] =	vst v8;
	v8 =	vmul.f32 v12, v2  }
0x192: {  	v12 =	vld [tilespmem:s11+$0xFFFFFF30];
	[tilespmem:s9+$0xC0] =	vst v9;
	v9 =	vmul.f32 v10, v1  }
0x193: {  	v10 =	vld [tilespmem:s11+$0xFFFFFF40];
	v11 =	vmul.f32 v11, v0;
	[tilespmem:s9+$0xD0] =	vst v8  }
0x194: {  	v8 =	vld [tilespmem:s11+$0xFFFFFF50];
	v15 =	vmul.f32 v15, v7;
	[tilespmem:s9+$0xE0] =	vst v9  }
0x195: {  	v9 =	vmul.f32 v13, v5;
	v13 =	vld [tilespmem:s11+$0xFFFFFF60];
	[tilespmem:s9+$0xFFFFFF00] =	vst v11;
	s9 =	smov.u32 s11  }
0x196: {  	v11 =	vmul.f32 v14, v6;
	v14 =	vld [tilespmem:s11+$0xFFFFFF70];
	[tilespmem:s11+$0xF0] =	vst v15  }
0x197: {  	[tilespmem:s11+$0xFFFFFF10] =	vst v9;
	v9 =	vmul.f32 v12, v4;
	v12 =	vld [tilespmem:s11+$0xFFFFFF80]  }
0x198: {  	[tilespmem:s11+$0xFFFFFF20] =	vst v11;
	v10 =	vmul.f32 v10, v3;
	v11 =	vld [tilespmem:s11+$0xFFFFFF90]  }
0x199: {  	[tilespmem:s11+$0xFFFFFF30] =	vst v9;
	v8 =	vmul.f32 v8, v2;
	v9 =	vld [tilespmem:s11+$0xFFFFFFA0]  }
0x19a: {  	[tilespmem:s11+$0xFFFFFF40] =	vst v10;
	v10 =	vmul.f32 v13, v1;
	v13 =	vld [tilespmem:s11+$0xFFFFFFB0]  }
0x19b: {  	[tilespmem:s11+$0xFFFFFF50] =	vst v8;
	v8 =	vmul.f32 v14, v7;
	v14 =	vld [tilespmem:s11+$0xFFFFFFC0]  }
0x19c: {  	[tilespmem:s11+$0xFFFFFF60] =	vst v10;
	v10 =	vmul.f32 v12, v0;
	v12 =	vld [tilespmem:s11+$0xFFFFFFD0]  }
0x19d: {  	[tilespmem:s11+$0xFFFFFF70] =	vst v8;
	v8 =	vmul.f32 v11, v5;
	v11 =	vld [tilespmem:s11+$0xFFFFFFE0]  }
0x19e: {  	[tilespmem:s11+$0xFFFFFF80] =	vst v10;
	v9 =	vmul.f32 v9, v6;
	v10 =	vld [tilespmem:s11+$0xFFFFFFF0]  }
0x19f: {  	[tilespmem:s11+$0xFFFFFF90] =	vst v8;
	v8 =	vmul.f32 v13, v4;
	v13 =	vld [tilespmem:s11+$0x0]  }
0x1a0: {  	[tilespmem:s11+$0xFFFFFFA0] =	vst v9;
	v9 =	vmul.f32 v14, v3;
	v14 =	vld [tilespmem:s11+$0x10]  }
0x1a1: {  	[tilespmem:s11+$0xFFFFFFB0] =	vst v8;
	v8 =	vmul.f32 v12, v2;
	v12 =	vld [tilespmem:s11+$0x20]  }
0x1a2: {  	[tilespmem:s11+$0xFFFFFFC0] =	vst v9;
	v9 =	vmul.f32 v11, v1;
	v11 =	vld [tilespmem:s11+$0x30]  }
0x1a3: {  	[tilespmem:s11+$0xFFFFFFD0] =	vst v8;
	v8 =	vmul.f32 v10, v7;
	v10 =	vld [tilespmem:s11+$0x40]  }
0x1a4: {  	[tilespmem:s11+$0xFFFFFFE0] =	vst v9;
	v9 =	vmul.f32 v13, v0;
	v13 =	vld [tilespmem:s11+$0x50]  }
0x1a5: {  	[tilespmem:s11+$0xFFFFFFF0] =	vst v8;
	v8 =	vmul.f32 v14, v5;
	v14 =	vld [tilespmem:s11+$0x60]  }
0x1a6: {  	[tilespmem:s11+$0x0] =	vst v9;
	v9 =	vmul.f32 v12, v6;
	v12 =	vld [tilespmem:s11+$0x70]  }
0x1a7: {  	[tilespmem:s11+$0x10] =	vst v8;
	v8 =	vmul.f32 v11, v4;
	v11 =	vld [tilespmem:s11+$0x80]  }
0x1a8: {  	[tilespmem:s11+$0x20] =	vst v9;
	v9 =	vmul.f32 v10, v3;
	v10 =	vld [tilespmem:s11+$0x90]  }
0x1a9: {  	[tilespmem:s11+$0x30] =	vst v8;
	v13 =	vmul.f32 v13, v2;
	v15 =	vld [tilespmem:s11+$0xA0]  }
.Ltmp4:
0x1aa: {  	[tilespmem:s11+$0x40] =	vst v9;
	v14 =	vmul.f32 v14, v1;
	v8 =	vld [tilespmem:s11+$0xB0];
	(pc) =	sbr.rel @p0 .LBB2_11-.Ltmp4, $4  }
0x1ab: {  	[tilespmem:s11+$0x50] =	vst v13;
	v13 =	vmul.f32 v12, v7;
	v9 =	vld [tilespmem:s11+$0xC0]  }
0x1ac: {  	[tilespmem:s11+$0x60] =	vst v14;
	v14 =	vmul.f32 v11, v0;
	v12 =	vld [tilespmem:s11+$0xD0]  }
0x1ad: {  	[tilespmem:s11+$0x70] =	vst v13;
	v13 =	vmul.f32 v10, v5;
	v10 =	vld [tilespmem:s11+$0xE0]  }
0x1ae: {  	s11 =	sadd.s32 $0x200, s11;
	v11 =	vld [tilespmem:s9+$0xFFFFFF00];
	[tilespmem:s9+$0x80] =	vst v14;
	v14 =	vmul.f32 v15, v6  }
0x1af: {  	[tilespmem:s9+$0x90] =	vst v13;
	v8 =	vmul.f32 v8, v4  }
0x1b0: {  	[tilespmem:s9+$0xA0] =	vst v14;
	v9 =	vmul.f32 v9, v3  }
0x1b1: {  	s10 =	sshll.u32 s8, $0x2;
	[tilespmem:s9+$0xB0] =	vst v8;
	v8 =	vmul.f32 v12, v2  }
0x1b2: {  	s11 =	sadd.s32 s7, s10;
	[tilespmem:s9+$0xC0] =	vst v9;
	v9 =	vmul.f32 v10, v1  }
0x1b3: {  	s11 =	sshll.u32 s11, $0xB;
	v10 =	vmul.f32 v11, v0;
	[tilespmem:s9+$0xD0] =	vst v8  }
0x1b4: {  	s11 =	sand.u32 $0x1FFFE000, s11;
	[tilespmem:s9+$0xE0] =	vst v9  }
0x1b5: {  	s15 =	sadd.s32 s3, s11;
	[tilespmem:s9+$0xFFFFFF00] =	vst v10  }
0x1b6: {  	[hbm4b:s15+s4] =	stream.linear.scatter [tilespmem:s22], [sflag:$0x5], $0x4000, $0x38;
	[tilespmem:$0x16480] =	vst v63  }
0x1b7: {  	s9 =	sshllo.u32 s8, $0x2;
	_ =	swait.ge [sflag:s24], $0x4000  }
0x1b8: {  	s16 =	sshll.u32 s9, $0x7;
	[sflag:s24] =	ssyncset.done $0x0  }
0x1b9: {  	s11 =	sand.u32 $0x3FFFFF80, s16;
	[sflag:s24] =	ssyncadd.s32 $0xFFFFC000  }
0x1ba: {  	[tilespmem:s29], [sflag:$0x4] =	stream.indirect.gather [hbm4b:s2+s21], $0x80, s11, s21, $0xb8;
	[tilespmem:$0x16480] =	vst v63  }
0x1bb: {  	_ =	swait.ge [sflag:s30], $0x4000  }
0x1bc: {  	[sflag:s30] =	ssyncset.done $0x0  }
0x1bd: {  	s11 =	simm.s32 $0xA400;
	[sflag:s30] =	ssyncadd.s32 $0xFFFFC000  }
0x1be: {  	v8 =	vld [tilespmem:s11+$0x1F0]  }
0x1bf: {  	v9 =	vld [tilespmem:s11+$0x10]  }
0x1c0: {  	v10 =	vld [tilespmem:s11+$0x20]  }
0x1c1: {  	v11 =	vld [tilespmem:s11+$0x30]  }
0x1c2: {  	v14 =	vld [tilespmem:s11+$0x60]  }
0x1c3: {  	v12 =	vld [tilespmem:s11+$0x40]  }
0x1c4: {  	v13 =	vld [tilespmem:s11+$0x50];
	v8 =	vmul.f32 v8, v7  }
0x1c5: {  	v16 =	vld [tilespmem:s11+$0x80];
	v9 =	vmul.f32 v9, v5  }
0x1c6: {  	v15 =	vld [tilespmem:s11+$0x70];
	v10 =	vmul.f32 v10, v6;
	[tilespmem:s11+$0x1F0] =	vst v8  }
0x1c7: {  	v62 =	vld [tilespmem:s11+$0xD0];
	v14 =	vmul.f32 v14, v1;
	[tilespmem:s11+$0x10] =	vst v9  }
0x1c8: {  	v8 =	vld [tilespmem:s11+$0x90];
	[tilespmem:s11+$0x20] =	vst v10;
	v10 =	vmul.f32 v12, v3  }
0x1c9: {  	v9 =	vmul.f32 v11, v4;
	[tilespmem:s11+$0x60] =	vst v14;
	v14 =	vld [tilespmem:s11+$0xF0]  }
0x1ca: {  	v11 =	vld [tilespmem:s11+$0xA0];
	[tilespmem:s11+$0x40] =	vst v10;
	v10 =	vmul.f32 v16, v0  }
0x1cb: {  	v12 =	vld [tilespmem:s11+$0xB0];
	[tilespmem:s11+$0x30] =	vst v9;
	v9 =	vmul.f32 v13, v2  }
0x1cc: {  	v13 =	vld [tilespmem:s11+$0xC0];
	[tilespmem:s11+$0x80] =	vst v10;
	v10 =	vmul.f32 v15, v7  }
0x1cd: {  	[tilespmem:s11+$0x50] =	vst v9;
	v9 =	vld [tilespmem:s11+$0xE0];
	v8 =	vmul.f32 v8, v5  }
0x1ce: {  	v15 =	vld [tilespmem:s11+$0x130];
	v14 =	vmul.f32 v14, v7;
	[tilespmem:s11+$0x70] =	vst v10  }
0x1cf: {  	v10 =	vmul.f32 v11, v6;
	v11 =	vld [tilespmem:s11+$0x100];
	[tilespmem:s11+$0x90] =	vst v8  }
0x1d0: {  	v8 =	vmul.f32 v12, v4;
	v12 =	vld [tilespmem:s11+$0x110];
	[tilespmem:s11+$0xF0] =	vst v14  }
0x1d1: {  	[tilespmem:s11+$0xA0] =	vst v10;
	v10 =	vmul.f32 v13, v3;
	v13 =	vld [tilespmem:s11+$0x120]  }
0x1d2: {  	v14 =	vld [tilespmem:s11+$0x180];
	[tilespmem:s11+$0xB0] =	vst v8;
	v8 =	vmul.f32 v62, v2  }
0x1d3: {  	v9 =	vmul.f32 v9, v1;
	[tilespmem:s11+$0xC0] =	vst v10;
	v10 =	vld [tilespmem:s11+$0x140]  }
0x1d4: {  	[tilespmem:s11+$0xD0] =	vst v8;
	v8 =	vmul.f32 v11, v0  }
0x1d5: {  	v11 =	vld [tilespmem:s11+$0x150];
	[tilespmem:s11+$0xE0] =	vst v9;
	v12 =	vmul.f32 v12, v5  }
0x1d6: {  	v9 =	vld [tilespmem:s11+$0x160];
	[tilespmem:s11+$0x100] =	vst v8;
	v8 =	vmul.f32 v13, v6  }
0x1d7: {  	v14 =	vmul.f32 v14, v0;
	v13 =	vld [tilespmem:s11+$0x170];
	[tilespmem:s11+$0x110] =	vst v12  }
0x1d8: {  	v12 =	vmul.f32 v15, v4;
	v15 =	vld [tilespmem:s11+$0x190];
	[tilespmem:s11+$0x120] =	vst v8;
	v8 =	vmul.f32 v10, v3  }
0x1d9: {  	v63 =	vld [tilespmem:s11+$0x1A0];
	[tilespmem:s11+$0x180] =	vst v14  }
0x1da: {  	v10 =	vmul.f32 v11, v2;
	[tilespmem:s11+$0x140] =	vst v8;
	v8 =	vld [tilespmem:s11+$0x1B0]  }
0x1db: {  	[tilespmem:s11+$0x130] =	vst v12;
	v11 =	vmul.f32 v9, v1;
	v9 =	vld [tilespmem:s11+$0x1C0]  }
0x1dc: {  	[tilespmem:s11+$0x150] =	vst v10;
	v12 =	vmul.f32 v13, v7;
	v10 =	vld [tilespmem:s11+$0x1D0]  }
0x1dd: {  	[tilespmem:s11+$0x160] =	vst v11;
	v11 =	vld [tilespmem:s11+$0x1E0];
	v13 =	vmul.f32 v15, v5  }
0x1de: {  	s14 =	simm.s32 $0x0;
	s15 =	simm.s32 $0xA600;
	v14 =	vmul.f32 v63, v6;
	[tilespmem:s11+$0x170] =	vst v12;
	v12 =	vld [tilespmem:s11+$0x0]  }
.LBB2_13:
0x1df: {  	v15 =	vld [tilespmem:s15+$0x1F0];
	s14 =	sadd.s32 $0x4, s14;
	[tilespmem:s11+$0x190] =	vst v13;
	v8 =	vmul.f32 v8, v4  }
0x1e0: {  	v13 =	vld [tilespmem:s15+$0x10];
	p0 =	slt.u32 s14, $0x7C;
	[tilespmem:s11+$0x1A0] =	vst v14;
	v9 =	vmul.f32 v9, v3  }
0x1e1: {  	v14 =	vld [tilespmem:s15+$0x20];
	[tilespmem:s11+$0x1B0] =	vst v8;
	v8 =	vmul.f32 v10, v2  }
0x1e2: {  	v10 =	vld [tilespmem:s15+$0x30];
	[tilespmem:s11+$0x1C0] =	vst v9;
	v9 =	vmul.f32 v11, v1  }
0x1e3: {  	v11 =	vld [tilespmem:s15+$0x40];
	v12 =	vmul.f32 v12, v0;
	[tilespmem:s11+$0x1D0] =	vst v8  }
0x1e4: {  	v8 =	vld [tilespmem:s15+$0x50];
	v15 =	vmul.f32 v15, v7;
	[tilespmem:s11+$0x1E0] =	vst v9  }
0x1e5: {  	v9 =	vmul.f32 v13, v5;
	v13 =	vld [tilespmem:s15+$0x60];
	[tilespmem:s11+$0x0] =	vst v12;
	s11 =	smov.u32 s15  }
0x1e6: {  	v12 =	vmul.f32 v14, v6;
	v14 =	vld [tilespmem:s15+$0x70];
	[tilespmem:s15+$0x1F0] =	vst v15  }
0x1e7: {  	[tilespmem:s15+$0x10] =	vst v9;
	v9 =	vmul.f32 v10, v4;
	v10 =	vld [tilespmem:s15+$0x80]  }
0x1e8: {  	[tilespmem:s15+$0x20] =	vst v12;
	v11 =	vmul.f32 v11, v3;
	v12 =	vld [tilespmem:s15+$0x90]  }
0x1e9: {  	[tilespmem:s15+$0x30] =	vst v9;
	v8 =	vmul.f32 v8, v2;
	v9 =	vld [tilespmem:s15+$0xA0]  }
0x1ea: {  	[tilespmem:s15+$0x40] =	vst v11;
	v11 =	vmul.f32 v13, v1;
	v13 =	vld [tilespmem:s15+$0xB0]  }
0x1eb: {  	[tilespmem:s15+$0x50] =	vst v8;
	v8 =	vmul.f32 v14, v7;
	v14 =	vld [tilespmem:s15+$0xC0]  }
0x1ec: {  	[tilespmem:s15+$0x60] =	vst v11;
	v10 =	vmul.f32 v10, v0;
	v11 =	vld [tilespmem:s15+$0xD0]  }
0x1ed: {  	[tilespmem:s15+$0x70] =	vst v8;
	v8 =	vmul.f32 v12, v5;
	v12 =	vld [tilespmem:s15+$0xE0]  }
0x1ee: {  	[tilespmem:s15+$0x80] =	vst v10;
	v9 =	vmul.f32 v9, v6;
	v10 =	vld [tilespmem:s15+$0xF0]  }
0x1ef: {  	[tilespmem:s15+$0x90] =	vst v8;
	v8 =	vmul.f32 v13, v4;
	v13 =	vld [tilespmem:s15+$0x100]  }
0x1f0: {  	[tilespmem:s15+$0xA0] =	vst v9;
	v9 =	vmul.f32 v14, v3;
	v14 =	vld [tilespmem:s15+$0x110]  }
0x1f1: {  	[tilespmem:s15+$0xB0] =	vst v8;
	v8 =	vmul.f32 v11, v2;
	v11 =	vld [tilespmem:s15+$0x120]  }
0x1f2: {  	[tilespmem:s15+$0xC0] =	vst v9;
	v9 =	vmul.f32 v12, v1;
	v12 =	vld [tilespmem:s15+$0x130]  }
0x1f3: {  	[tilespmem:s15+$0xD0] =	vst v8;
	v8 =	vmul.f32 v10, v7;
	v10 =	vld [tilespmem:s15+$0x140]  }
0x1f4: {  	[tilespmem:s15+$0xE0] =	vst v9;
	v9 =	vmul.f32 v13, v0;
	v13 =	vld [tilespmem:s15+$0x150]  }
0x1f5: {  	[tilespmem:s15+$0xF0] =	vst v8;
	v8 =	vmul.f32 v14, v5;
	v14 =	vld [tilespmem:s15+$0x160]  }
0x1f6: {  	[tilespmem:s15+$0x100] =	vst v9;
	v9 =	vmul.f32 v11, v6;
	v11 =	vld [tilespmem:s15+$0x170]  }
0x1f7: {  	[tilespmem:s15+$0x110] =	vst v8;
	v8 =	vmul.f32 v12, v4;
	v12 =	vld [tilespmem:s15+$0x180]  }
0x1f8: {  	[tilespmem:s15+$0x120] =	vst v9;
	v9 =	vmul.f32 v10, v3;
	v15 =	vld [tilespmem:s15+$0x190]  }
0x1f9: {  	[tilespmem:s15+$0x130] =	vst v8;
	v10 =	vmul.f32 v13, v2;
	v16 =	vld [tilespmem:s15+$0x1A0]  }
.Ltmp5:
0x1fa: {  	[tilespmem:s15+$0x140] =	vst v9;
	v13 =	vmul.f32 v14, v1;
	v8 =	vld [tilespmem:s15+$0x1B0];
	(pc) =	sbr.rel @p0 .LBB2_13-.Ltmp5, $4  }
0x1fb: {  	[tilespmem:s15+$0x150] =	vst v10;
	v11 =	vmul.f32 v11, v7;
	v9 =	vld [tilespmem:s15+$0x1C0]  }
0x1fc: {  	[tilespmem:s15+$0x160] =	vst v13;
	v14 =	vmul.f32 v12, v0;
	v10 =	vld [tilespmem:s15+$0x1D0]  }
0x1fd: {  	[tilespmem:s15+$0x170] =	vst v11;
	v13 =	vmul.f32 v15, v5;
	v11 =	vld [tilespmem:s15+$0x1E0]  }
0x1fe: {  	s15 =	sadd.s32 $0x200, s15;
	v12 =	vld [tilespmem:s11+$0x0];
	[tilespmem:s11+$0x180] =	vst v14;
	v14 =	vmul.f32 v16, v6  }
0x1ff: {  	[tilespmem:s11+$0x190] =	vst v13;
	v8 =	vmul.f32 v8, v4  }
0x200: {  	[tilespmem:s11+$0x1A0] =	vst v14;
	v9 =	vmul.f32 v9, v3  }
0x201: {  	[tilespmem:s11+$0x1B0] =	vst v8;
	v8 =	vmul.f32 v10, v2  }
0x202: {  	s14 =	sadd.s32 s10, s12;
	[tilespmem:s11+$0x1C0] =	vst v9;
	v9 =	vmul.f32 v11, v1  }
0x203: {  	s14 =	sshll.u32 s14, $0xB;
	v10 =	vmul.f32 v12, v0;
	[tilespmem:s11+$0x1D0] =	vst v8  }
0x204: {  	s14 =	sand.u32 $0x1FFFE800, s14;
	[tilespmem:s11+$0x1E0] =	vst v9  }
0x205: {  	s14 =	sadd.s32 s3, s14;
	[tilespmem:s11+$0x0] =	vst v10  }
0x206: {  	[hbm4b:s14+s4] =	stream.linear.scatter [tilespmem:s23], [sflag:$0x6], $0x4000, $0x38;
	[tilespmem:$0x16480] =	vst v63  }
0x207: {  	s15 =	sshll.u32 s8, $0x9;
	_ =	swait.ge [sflag:s31], $0x4000  }
0x208: {  	s11 =	sand.u32 $0x3FFFFE00, s15;
	[sflag:s31] =	ssyncset.done $0x0  }
0x209: {  	s16 =	sadd.s32 $0x200, s11;
	[sflag:s31] =	ssyncadd.s32 $0xFFFFC000  }
0x20a: {  	[tilespmem:s22], [sflag:$0x1] =	stream.indirect.gather [hbm4b:s2+s21], $0x80, s16, s21, $0xb8;
	[tilespmem:$0x16480] =	vst v63  }
0x20b: {  	_ =	swait.ge [sflag:s0], $0x4000  }
0x20c: {  	[sflag:s0] =	ssyncset.done $0x0  }
0x20d: {  	s14 =	simm.s32 $0xE400;
	[sflag:s0] =	ssyncadd.s32 $0xFFFFC000  }
0x20e: {  	v8 =	vld [tilespmem:s14+$0x1F0]  }
0x20f: {  	v9 =	vld [tilespmem:s14+$0x10]  }
0x210: {  	v10 =	vld [tilespmem:s14+$0x20]  }
0x211: {  	v11 =	vld [tilespmem:s14+$0x30]  }
0x212: {  	v14 =	vld [tilespmem:s14+$0x60]  }
0x213: {  	v12 =	vld [tilespmem:s14+$0x40]  }
0x214: {  	v13 =	vld [tilespmem:s14+$0x50];
	v8 =	vmul.f32 v8, v7  }
0x215: {  	v16 =	vld [tilespmem:s14+$0x80];
	v9 =	vmul.f32 v9, v5  }
0x216: {  	v15 =	vld [tilespmem:s14+$0x70];
	v10 =	vmul.f32 v10, v6;
	[tilespmem:s14+$0x1F0] =	vst v8  }
0x217: {  	v62 =	vld [tilespmem:s14+$0xD0];
	v14 =	vmul.f32 v14, v1;
	[tilespmem:s14+$0x10] =	vst v9  }
0x218: {  	v8 =	vld [tilespmem:s14+$0x90];
	[tilespmem:s14+$0x20] =	vst v10;
	v10 =	vmul.f32 v12, v3  }
0x219: {  	v9 =	vmul.f32 v11, v4;
	[tilespmem:s14+$0x60] =	vst v14;
	v14 =	vld [tilespmem:s14+$0xF0]  }
0x21a: {  	v11 =	vld [tilespmem:s14+$0xA0];
	[tilespmem:s14+$0x40] =	vst v10;
	v10 =	vmul.f32 v16, v0  }
0x21b: {  	v12 =	vld [tilespmem:s14+$0xB0];
	[tilespmem:s14+$0x30] =	vst v9;
	v9 =	vmul.f32 v13, v2  }
0x21c: {  	v13 =	vld [tilespmem:s14+$0xC0];
	[tilespmem:s14+$0x80] =	vst v10;
	v10 =	vmul.f32 v15, v7  }
0x21d: {  	[tilespmem:s14+$0x50] =	vst v9;
	v9 =	vld [tilespmem:s14+$0xE0];
	v8 =	vmul.f32 v8, v5  }
0x21e: {  	v15 =	vld [tilespmem:s14+$0x130];
	v14 =	vmul.f32 v14, v7;
	[tilespmem:s14+$0x70] =	vst v10  }
0x21f: {  	v10 =	vmul.f32 v11, v6;
	v11 =	vld [tilespmem:s14+$0x100];
	[tilespmem:s14+$0x90] =	vst v8  }
0x220: {  	v8 =	vmul.f32 v12, v4;
	v12 =	vld [tilespmem:s14+$0x110];
	[tilespmem:s14+$0xF0] =	vst v14  }
0x221: {  	[tilespmem:s14+$0xA0] =	vst v10;
	v10 =	vmul.f32 v13, v3;
	v13 =	vld [tilespmem:s14+$0x120]  }
0x222: {  	v14 =	vld [tilespmem:s14+$0x180];
	[tilespmem:s14+$0xB0] =	vst v8;
	v8 =	vmul.f32 v62, v2  }
0x223: {  	v9 =	vmul.f32 v9, v1;
	[tilespmem:s14+$0xC0] =	vst v10;
	v10 =	vld [tilespmem:s14+$0x140]  }
0x224: {  	[tilespmem:s14+$0xD0] =	vst v8;
	v8 =	vmul.f32 v11, v0  }
0x225: {  	v11 =	vld [tilespmem:s14+$0x150];
	[tilespmem:s14+$0xE0] =	vst v9;
	v12 =	vmul.f32 v12, v5  }
0x226: {  	v9 =	vld [tilespmem:s14+$0x160];
	[tilespmem:s14+$0x100] =	vst v8;
	v8 =	vmul.f32 v13, v6  }
0x227: {  	v14 =	vmul.f32 v14, v0;
	v13 =	vld [tilespmem:s14+$0x170];
	[tilespmem:s14+$0x110] =	vst v12  }
0x228: {  	v12 =	vmul.f32 v15, v4;
	v15 =	vld [tilespmem:s14+$0x190];
	[tilespmem:s14+$0x120] =	vst v8;
	v8 =	vmul.f32 v10, v3  }
0x229: {  	v63 =	vld [tilespmem:s14+$0x1A0];
	[tilespmem:s14+$0x180] =	vst v14  }
0x22a: {  	v10 =	vmul.f32 v11, v2;
	[tilespmem:s14+$0x140] =	vst v8;
	v8 =	vld [tilespmem:s14+$0x1B0]  }
0x22b: {  	[tilespmem:s14+$0x130] =	vst v12;
	v11 =	vmul.f32 v9, v1;
	v9 =	vld [tilespmem:s14+$0x1C0]  }
0x22c: {  	[tilespmem:s14+$0x150] =	vst v10;
	v12 =	vmul.f32 v13, v7;
	v10 =	vld [tilespmem:s14+$0x1D0]  }
0x22d: {  	[tilespmem:s14+$0x160] =	vst v11;
	v11 =	vld [tilespmem:s14+$0x1E0];
	v13 =	vmul.f32 v15, v5  }
0x22e: {  	s15 =	simm.s32 $0x0;
	s16 =	simm.s32 $0xE600;
	v14 =	vmul.f32 v63, v6;
	[tilespmem:s14+$0x170] =	vst v12;
	v12 =	vld [tilespmem:s14+$0x0]  }
.LBB2_15:
0x22f: {  	v15 =	vld [tilespmem:s16+$0x1F0];
	s15 =	sadd.s32 $0x4, s15;
	[tilespmem:s14+$0x190] =	vst v13;
	v8 =	vmul.f32 v8, v4  }
0x230: {  	v13 =	vld [tilespmem:s16+$0x10];
	p0 =	slt.u32 s15, $0x7C;
	[tilespmem:s14+$0x1A0] =	vst v14;
	v9 =	vmul.f32 v9, v3  }
0x231: {  	v14 =	vld [tilespmem:s16+$0x20];
	[tilespmem:s14+$0x1B0] =	vst v8;
	v8 =	vmul.f32 v10, v2  }
0x232: {  	v10 =	vld [tilespmem:s16+$0x30];
	[tilespmem:s14+$0x1C0] =	vst v9;
	v9 =	vmul.f32 v11, v1  }
0x233: {  	v11 =	vld [tilespmem:s16+$0x40];
	v12 =	vmul.f32 v12, v0;
	[tilespmem:s14+$0x1D0] =	vst v8  }
0x234: {  	v8 =	vld [tilespmem:s16+$0x50];
	v15 =	vmul.f32 v15, v7;
	[tilespmem:s14+$0x1E0] =	vst v9  }
0x235: {  	v9 =	vmul.f32 v13, v5;
	v13 =	vld [tilespmem:s16+$0x60];
	[tilespmem:s14+$0x0] =	vst v12;
	s14 =	smov.u32 s16  }
0x236: {  	v12 =	vmul.f32 v14, v6;
	v14 =	vld [tilespmem:s16+$0x70];
	[tilespmem:s16+$0x1F0] =	vst v15  }
0x237: {  	[tilespmem:s16+$0x10] =	vst v9;
	v9 =	vmul.f32 v10, v4;
	v10 =	vld [tilespmem:s16+$0x80]  }
0x238: {  	[tilespmem:s16+$0x20] =	vst v12;
	v11 =	vmul.f32 v11, v3;
	v12 =	vld [tilespmem:s16+$0x90]  }
0x239: {  	[tilespmem:s16+$0x30] =	vst v9;
	v8 =	vmul.f32 v8, v2;
	v9 =	vld [tilespmem:s16+$0xA0]  }
0x23a: {  	[tilespmem:s16+$0x40] =	vst v11;
	v11 =	vmul.f32 v13, v1;
	v13 =	vld [tilespmem:s16+$0xB0]  }
0x23b: {  	[tilespmem:s16+$0x50] =	vst v8;
	v8 =	vmul.f32 v14, v7;
	v14 =	vld [tilespmem:s16+$0xC0]  }
0x23c: {  	[tilespmem:s16+$0x60] =	vst v11;
	v10 =	vmul.f32 v10, v0;
	v11 =	vld [tilespmem:s16+$0xD0]  }
0x23d: {  	[tilespmem:s16+$0x70] =	vst v8;
	v8 =	vmul.f32 v12, v5;
	v12 =	vld [tilespmem:s16+$0xE0]  }
0x23e: {  	[tilespmem:s16+$0x80] =	vst v10;
	v9 =	vmul.f32 v9, v6;
	v10 =	vld [tilespmem:s16+$0xF0]  }
0x23f: {  	[tilespmem:s16+$0x90] =	vst v8;
	v8 =	vmul.f32 v13, v4;
	v13 =	vld [tilespmem:s16+$0x100]  }
0x240: {  	[tilespmem:s16+$0xA0] =	vst v9;
	v9 =	vmul.f32 v14, v3;
	v14 =	vld [tilespmem:s16+$0x110]  }
0x241: {  	[tilespmem:s16+$0xB0] =	vst v8;
	v8 =	vmul.f32 v11, v2;
	v11 =	vld [tilespmem:s16+$0x120]  }
0x242: {  	[tilespmem:s16+$0xC0] =	vst v9;
	v9 =	vmul.f32 v12, v1;
	v12 =	vld [tilespmem:s16+$0x130]  }
0x243: {  	[tilespmem:s16+$0xD0] =	vst v8;
	v8 =	vmul.f32 v10, v7;
	v10 =	vld [tilespmem:s16+$0x140]  }
0x244: {  	[tilespmem:s16+$0xE0] =	vst v9;
	v9 =	vmul.f32 v13, v0;
	v13 =	vld [tilespmem:s16+$0x150]  }
0x245: {  	[tilespmem:s16+$0xF0] =	vst v8;
	v8 =	vmul.f32 v14, v5;
	v14 =	vld [tilespmem:s16+$0x160]  }
0x246: {  	[tilespmem:s16+$0x100] =	vst v9;
	v9 =	vmul.f32 v11, v6;
	v11 =	vld [tilespmem:s16+$0x170]  }
0x247: {  	[tilespmem:s16+$0x110] =	vst v8;
	v8 =	vmul.f32 v12, v4;
	v12 =	vld [tilespmem:s16+$0x180]  }
0x248: {  	[tilespmem:s16+$0x120] =	vst v9;
	v9 =	vmul.f32 v10, v3;
	v15 =	vld [tilespmem:s16+$0x190]  }
0x249: {  	[tilespmem:s16+$0x130] =	vst v8;
	v10 =	vmul.f32 v13, v2;
	v16 =	vld [tilespmem:s16+$0x1A0]  }
.Ltmp6:
0x24a: {  	[tilespmem:s16+$0x140] =	vst v9;
	v13 =	vmul.f32 v14, v1;
	v8 =	vld [tilespmem:s16+$0x1B0];
	(pc) =	sbr.rel @p0 .LBB2_15-.Ltmp6, $4  }
0x24b: {  	[tilespmem:s16+$0x150] =	vst v10;
	v11 =	vmul.f32 v11, v7;
	v9 =	vld [tilespmem:s16+$0x1C0]  }
0x24c: {  	[tilespmem:s16+$0x160] =	vst v13;
	v14 =	vmul.f32 v12, v0;
	v10 =	vld [tilespmem:s16+$0x1D0]  }
0x24d: {  	[tilespmem:s16+$0x170] =	vst v11;
	v13 =	vmul.f32 v15, v5;
	v11 =	vld [tilespmem:s16+$0x1E0]  }
0x24e: {  	s16 =	sadd.s32 $0x200, s16;
	v12 =	vld [tilespmem:s14+$0x0];
	[tilespmem:s14+$0x180] =	vst v14;
	v14 =	vmul.f32 v16, v6  }
0x24f: {  	[tilespmem:s14+$0x190] =	vst v13;
	v8 =	vmul.f32 v8, v4  }
0x250: {  	[tilespmem:s14+$0x1A0] =	vst v14;
	v9 =	vmul.f32 v9, v3  }
0x251: {  	[tilespmem:s14+$0x1B0] =	vst v8;
	v8 =	vmul.f32 v10, v2  }
0x252: {  	s10 =	sadd.s32 s10, s13;
	[tilespmem:s14+$0x1C0] =	vst v9;
	v9 =	vmul.f32 v11, v1  }
0x253: {  	s10 =	sshll.u32 s10, $0xB;
	v10 =	vmul.f32 v12, v0;
	[tilespmem:s14+$0x1D0] =	vst v8  }
0x254: {  	s10 =	sand.u32 $0x1FFFF000, s10;
	[tilespmem:s14+$0x1E0] =	vst v9  }
0x255: {  	s10 =	sadd.s32 s3, s10;
	[tilespmem:s14+$0x0] =	vst v10  }
0x256: {  	[hbm4b:s10+s4] =	stream.linear.scatter [tilespmem:s25], [sflag:$0x7], $0x4000, $0x38;
	[tilespmem:$0x16480] =	vst v63  }
0x257: {  	_ =	swait.ge [sflag:s19], $0x4000  }
0x258: {  	[sflag:s19] =	ssyncset.done $0x0  }
0x259: {  	s16 =	sadd.s32 $0x280, s11;
	[sflag:s19] =	ssyncadd.s32 $0xFFFFC000  }
0x25a: {  	[tilespmem:s23], [sflag:$0x2] =	stream.indirect.gather [hbm4b:s2+s21], $0x80, s16, s21, $0xb8;
	[tilespmem:$0x16480] =	vst v63  }
0x25b: {  	_ =	swait.ge [sflag:s28], $0x4000  }
0x25c: {  	[sflag:s28] =	ssyncset.done $0x0  }
0x25d: {  	s10 =	simm.s32 $0x12400;
	[sflag:s28] =	ssyncadd.s32 $0xFFFFC000  }
0x25e: {  	v8 =	vld [tilespmem:s10+$0x1F0]  }
0x25f: {  	v9 =	vld [tilespmem:s10+$0x10]  }
0x260: {  	v10 =	vld [tilespmem:s10+$0x20]  }
0x261: {  	v11 =	vld [tilespmem:s10+$0x30]  }
0x262: {  	v14 =	vld [tilespmem:s10+$0x60]  }
0x263: {  	v12 =	vld [tilespmem:s10+$0x40]  }
0x264: {  	v13 =	vld [tilespmem:s10+$0x50];
	v8 =	vmul.f32 v8, v7  }
0x265: {  	v16 =	vld [tilespmem:s10+$0x80];
	v9 =	vmul.f32 v9, v5  }
0x266: {  	v15 =	vld [tilespmem:s10+$0x70];
	v10 =	vmul.f32 v10, v6;
	[tilespmem:s10+$0x1F0] =	vst v8  }
0x267: {  	v62 =	vld [tilespmem:s10+$0xD0];
	v14 =	vmul.f32 v14, v1;
	[tilespmem:s10+$0x10] =	vst v9  }
0x268: {  	v8 =	vld [tilespmem:s10+$0x90];
	[tilespmem:s10+$0x20] =	vst v10;
	v10 =	vmul.f32 v12, v3  }
0x269: {  	v9 =	vmul.f32 v11, v4;
	[tilespmem:s10+$0x60] =	vst v14;
	v14 =	vld [tilespmem:s10+$0xF0]  }
0x26a: {  	v11 =	vld [tilespmem:s10+$0xA0];
	[tilespmem:s10+$0x40] =	vst v10;
	v10 =	vmul.f32 v16, v0  }
0x26b: {  	v12 =	vld [tilespmem:s10+$0xB0];
	[tilespmem:s10+$0x30] =	vst v9;
	v9 =	vmul.f32 v13, v2  }
0x26c: {  	v13 =	vld [tilespmem:s10+$0xC0];
	[tilespmem:s10+$0x80] =	vst v10;
	v10 =	vmul.f32 v15, v7  }
0x26d: {  	[tilespmem:s10+$0x50] =	vst v9;
	v9 =	vld [tilespmem:s10+$0xE0];
	v8 =	vmul.f32 v8, v5  }
0x26e: {  	v15 =	vld [tilespmem:s10+$0x130];
	v14 =	vmul.f32 v14, v7;
	[tilespmem:s10+$0x70] =	vst v10  }
0x26f: {  	v10 =	vmul.f32 v11, v6;
	v11 =	vld [tilespmem:s10+$0x100];
	[tilespmem:s10+$0x90] =	vst v8  }
0x270: {  	v8 =	vmul.f32 v12, v4;
	v12 =	vld [tilespmem:s10+$0x110];
	[tilespmem:s10+$0xF0] =	vst v14  }
0x271: {  	[tilespmem:s10+$0xA0] =	vst v10;
	v10 =	vmul.f32 v13, v3;
	v13 =	vld [tilespmem:s10+$0x120]  }
0x272: {  	v14 =	vld [tilespmem:s10+$0x180];
	[tilespmem:s10+$0xB0] =	vst v8;
	v8 =	vmul.f32 v62, v2  }
0x273: {  	v9 =	vmul.f32 v9, v1;
	[tilespmem:s10+$0xC0] =	vst v10;
	v10 =	vld [tilespmem:s10+$0x140]  }
0x274: {  	[tilespmem:s10+$0xD0] =	vst v8;
	v8 =	vmul.f32 v11, v0  }
0x275: {  	v11 =	vld [tilespmem:s10+$0x150];
	[tilespmem:s10+$0xE0] =	vst v9;
	v12 =	vmul.f32 v12, v5  }
0x276: {  	v9 =	vld [tilespmem:s10+$0x160];
	[tilespmem:s10+$0x100] =	vst v8;
	v8 =	vmul.f32 v13, v6  }
0x277: {  	v14 =	vmul.f32 v14, v0;
	v13 =	vld [tilespmem:s10+$0x170];
	[tilespmem:s10+$0x110] =	vst v12  }
0x278: {  	v12 =	vmul.f32 v15, v4;
	v15 =	vld [tilespmem:s10+$0x190];
	[tilespmem:s10+$0x120] =	vst v8;
	v8 =	vmul.f32 v10, v3  }
0x279: {  	v63 =	vld [tilespmem:s10+$0x1A0];
	[tilespmem:s10+$0x180] =	vst v14  }
0x27a: {  	v10 =	vmul.f32 v11, v2;
	[tilespmem:s10+$0x140] =	vst v8;
	v8 =	vld [tilespmem:s10+$0x1B0]  }
0x27b: {  	[tilespmem:s10+$0x130] =	vst v12;
	v11 =	vmul.f32 v9, v1;
	v9 =	vld [tilespmem:s10+$0x1C0]  }
0x27c: {  	[tilespmem:s10+$0x150] =	vst v10;
	v12 =	vmul.f32 v13, v7;
	v10 =	vld [tilespmem:s10+$0x1D0]  }
0x27d: {  	[tilespmem:s10+$0x160] =	vst v11;
	v11 =	vld [tilespmem:s10+$0x1E0];
	v13 =	vmul.f32 v15, v5  }
0x27e: {  	s15 =	simm.s32 $0x12600;
	s14 =	simm.s32 $0x0;
	v14 =	vmul.f32 v63, v6;
	[tilespmem:s10+$0x170] =	vst v12;
	v12 =	vld [tilespmem:s10+$0x0]  }
.LBB2_17:
0x27f: {  	v15 =	vld [tilespmem:s15+$0x1F0];
	s14 =	sadd.s32 $0x4, s14;
	[tilespmem:s10+$0x190] =	vst v13;
	v8 =	vmul.f32 v8, v4  }
0x280: {  	v13 =	vld [tilespmem:s15+$0x10];
	p0 =	slt.u32 s14, $0x7C;
	[tilespmem:s10+$0x1A0] =	vst v14;
	v9 =	vmul.f32 v9, v3  }
0x281: {  	v14 =	vld [tilespmem:s15+$0x20];
	[tilespmem:s10+$0x1B0] =	vst v8;
	v8 =	vmul.f32 v10, v2  }
0x282: {  	v10 =	vld [tilespmem:s15+$0x30];
	[tilespmem:s10+$0x1C0] =	vst v9;
	v9 =	vmul.f32 v11, v1  }
0x283: {  	v11 =	vld [tilespmem:s15+$0x40];
	v12 =	vmul.f32 v12, v0;
	[tilespmem:s10+$0x1D0] =	vst v8  }
0x284: {  	v8 =	vld [tilespmem:s15+$0x50];
	v15 =	vmul.f32 v15, v7;
	[tilespmem:s10+$0x1E0] =	vst v9  }
0x285: {  	v9 =	vmul.f32 v13, v5;
	v13 =	vld [tilespmem:s15+$0x60];
	[tilespmem:s10+$0x0] =	vst v12;
	s10 =	smov.u32 s15  }
0x286: {  	v12 =	vmul.f32 v14, v6;
	v14 =	vld [tilespmem:s15+$0x70];
	[tilespmem:s15+$0x1F0] =	vst v15  }
0x287: {  	[tilespmem:s15+$0x10] =	vst v9;
	v9 =	vmul.f32 v10, v4;
	v10 =	vld [tilespmem:s15+$0x80]  }
0x288: {  	[tilespmem:s15+$0x20] =	vst v12;
	v11 =	vmul.f32 v11, v3;
	v12 =	vld [tilespmem:s15+$0x90]  }
0x289: {  	[tilespmem:s15+$0x30] =	vst v9;
	v8 =	vmul.f32 v8, v2;
	v9 =	vld [tilespmem:s15+$0xA0]  }
0x28a: {  	[tilespmem:s15+$0x40] =	vst v11;
	v11 =	vmul.f32 v13, v1;
	v13 =	vld [tilespmem:s15+$0xB0]  }
0x28b: {  	[tilespmem:s15+$0x50] =	vst v8;
	v8 =	vmul.f32 v14, v7;
	v14 =	vld [tilespmem:s15+$0xC0]  }
0x28c: {  	[tilespmem:s15+$0x60] =	vst v11;
	v10 =	vmul.f32 v10, v0;
	v11 =	vld [tilespmem:s15+$0xD0]  }
0x28d: {  	[tilespmem:s15+$0x70] =	vst v8;
	v8 =	vmul.f32 v12, v5;
	v12 =	vld [tilespmem:s15+$0xE0]  }
0x28e: {  	[tilespmem:s15+$0x80] =	vst v10;
	v9 =	vmul.f32 v9, v6;
	v10 =	vld [tilespmem:s15+$0xF0]  }
0x28f: {  	[tilespmem:s15+$0x90] =	vst v8;
	v8 =	vmul.f32 v13, v4;
	v13 =	vld [tilespmem:s15+$0x100]  }
0x290: {  	[tilespmem:s15+$0xA0] =	vst v9;
	v9 =	vmul.f32 v14, v3;
	v14 =	vld [tilespmem:s15+$0x110]  }
0x291: {  	[tilespmem:s15+$0xB0] =	vst v8;
	v8 =	vmul.f32 v11, v2;
	v11 =	vld [tilespmem:s15+$0x120]  }
0x292: {  	[tilespmem:s15+$0xC0] =	vst v9;
	v9 =	vmul.f32 v12, v1;
	v12 =	vld [tilespmem:s15+$0x130]  }
0x293: {  	[tilespmem:s15+$0xD0] =	vst v8;
	v8 =	vmul.f32 v10, v7;
	v10 =	vld [tilespmem:s15+$0x140]  }
0x294: {  	[tilespmem:s15+$0xE0] =	vst v9;
	v9 =	vmul.f32 v13, v0;
	v13 =	vld [tilespmem:s15+$0x150]  }
0x295: {  	[tilespmem:s15+$0xF0] =	vst v8;
	v8 =	vmul.f32 v14, v5;
	v14 =	vld [tilespmem:s15+$0x160]  }
0x296: {  	[tilespmem:s15+$0x100] =	vst v9;
	v9 =	vmul.f32 v11, v6;
	v11 =	vld [tilespmem:s15+$0x170]  }
0x297: {  	[tilespmem:s15+$0x110] =	vst v8;
	v8 =	vmul.f32 v12, v4;
	v12 =	vld [tilespmem:s15+$0x180]  }
0x298: {  	[tilespmem:s15+$0x120] =	vst v9;
	v9 =	vmul.f32 v10, v3;
	v15 =	vld [tilespmem:s15+$0x190]  }
0x299: {  	[tilespmem:s15+$0x130] =	vst v8;
	v10 =	vmul.f32 v13, v2;
	v16 =	vld [tilespmem:s15+$0x1A0]  }
.Ltmp7:
0x29a: {  	[tilespmem:s15+$0x140] =	vst v9;
	v13 =	vmul.f32 v14, v1;
	v8 =	vld [tilespmem:s15+$0x1B0];
	(pc) =	sbr.rel @p0 .LBB2_17-.Ltmp7, $4  }
0x29b: {  	[tilespmem:s15+$0x150] =	vst v10;
	v11 =	vmul.f32 v11, v7;
	v9 =	vld [tilespmem:s15+$0x1C0]  }
0x29c: {  	[tilespmem:s15+$0x160] =	vst v13;
	v14 =	vmul.f32 v12, v0;
	v10 =	vld [tilespmem:s15+$0x1D0]  }
0x29d: {  	[tilespmem:s15+$0x170] =	vst v11;
	v13 =	vmul.f32 v15, v5;
	v11 =	vld [tilespmem:s15+$0x1E0]  }
0x29e: {  	s15 =	sadd.s32 $0x200, s15;
	v12 =	vld [tilespmem:s10+$0x0];
	[tilespmem:s10+$0x180] =	vst v14;
	v14 =	vmul.f32 v16, v6  }
0x29f: {  	[tilespmem:s10+$0x190] =	vst v13;
	v8 =	vmul.f32 v8, v4  }
0x2a0: {  	[tilespmem:s10+$0x1A0] =	vst v14;
	v9 =	vmul.f32 v9, v3  }
0x2a1: {  	[tilespmem:s10+$0x1B0] =	vst v8;
	v8 =	vmul.f32 v10, v2  }
0x2a2: {  	s9 =	sadd.s32 s7, s9;
	[tilespmem:s10+$0x1C0] =	vst v9;
	v62 =	vmul.f32 v11, v1  }
0x2a3: {  	s9 =	sshll.u32 s9, $0xB;
	v63 =	vmul.f32 v12, v0;
	[tilespmem:s10+$0x1D0] =	vst v8  }
0x2a4: {  	s8 =	sadd.s32 $0x1, s8;
	s9 =	sand.u32 $0x1FFFF800, s9;
	[tilespmem:s10+$0x1E0] =	vst v62  }
0x2a5: {  	p0 =	sne.s32 s8, $0x31;
	s9 =	sadd.s32 s3, s9;
	[tilespmem:s10+$0x0] =	vst v63  }
0x2a6: {  	[hbm4b:s9+s4] =	stream.linear.scatter [tilespmem:s29], [sflag:$0x8], $0x4000, $0x38;
	[tilespmem:$0x16480] =	vst v63  }
.Ltmp8:
0x2a7: {  	_ = 	snop;
	(pc) =	sbr.rel @p0 .LBB2_10-.Ltmp8, $4  }
0x2a8: {  	_ =	swait.ge [sflag:s1], $0x4000  }
0x2a9: {  	[sflag:s1] =	ssyncset.done $0x0  }
0x2aa: {  	s16 =	sadd.s32 $0x300, s11;
	[sflag:s1] =	ssyncadd.s32 $0xFFFFC000  }
0x2ab: {  	[tilespmem:s25], [sflag:$0x3] =	stream.indirect.gather [hbm4b:s2+s21], $0x80, s16, s21, $0xb8;
	[tilespmem:$0x16480] =	vst v63  }
0x2ac: {  	_ =	swait.ge [sflag:s26], $0x4000  }
0x2ad: {  	[sflag:s26] =	ssyncset.done $0x0  }
0x2ae: {  	s8 =	simm.s32 $0x6500;
	[sflag:s26] =	ssyncadd.s32 $0xFFFFC000  }
0x2af: {  	v8 =	vld [tilespmem:s8+$0xF0]  }
0x2b0: {  	v9 =	vld [tilespmem:s8+$0xFFFFFF10]  }
0x2b1: {  	v10 =	vld [tilespmem:s8+$0xFFFFFF20]  }
0x2b2: {  	v11 =	vld [tilespmem:s8+$0xFFFFFF30]  }
0x2b3: {  	v14 =	vld [tilespmem:s8+$0xFFFFFF60]  }
0x2b4: {  	v12 =	vld [tilespmem:s8+$0xFFFFFF40]  }
0x2b5: {  	v13 =	vld [tilespmem:s8+$0xFFFFFF50];
	v8 =	vmul.f32 v8, v7  }
0x2b6: {  	v16 =	vld [tilespmem:s8+$0xFFFFFF80];
	v9 =	vmul.f32 v9, v5  }
0x2b7: {  	v15 =	vld [tilespmem:s8+$0xFFFFFF70];
	v10 =	vmul.f32 v10, v6;
	[tilespmem:s8+$0xF0] =	vst v8  }
0x2b8: {  	v62 =	vld [tilespmem:s8+$0xFFFFFFD0];
	v14 =	vmul.f32 v14, v1;
	[tilespmem:s8+$0xFFFFFF10] =	vst v9  }
0x2b9: {  	v8 =	vld [tilespmem:s8+$0xFFFFFF90];
	[tilespmem:s8+$0xFFFFFF20] =	vst v10;
	v10 =	vmul.f32 v12, v3  }
0x2ba: {  	v9 =	vmul.f32 v11, v4;
	[tilespmem:s8+$0xFFFFFF60] =	vst v14;
	v14 =	vld [tilespmem:s8+$0xFFFFFFF0]  }
0x2bb: {  	v11 =	vld [tilespmem:s8+$0xFFFFFFA0];
	[tilespmem:s8+$0xFFFFFF40] =	vst v10;
	v10 =	vmul.f32 v16, v0  }
0x2bc: {  	v12 =	vld [tilespmem:s8+$0xFFFFFFB0];
	[tilespmem:s8+$0xFFFFFF30] =	vst v9;
	v9 =	vmul.f32 v13, v2  }
0x2bd: {  	v13 =	vld [tilespmem:s8+$0xFFFFFFC0];
	[tilespmem:s8+$0xFFFFFF80] =	vst v10;
	v10 =	vmul.f32 v15, v7  }
0x2be: {  	[tilespmem:s8+$0xFFFFFF50] =	vst v9;
	v9 =	vld [tilespmem:s8+$0xFFFFFFE0];
	v8 =	vmul.f32 v8, v5  }
0x2bf: {  	v15 =	vld [tilespmem:s8+$0x30];
	v14 =	vmul.f32 v14, v7;
	[tilespmem:s8+$0xFFFFFF70] =	vst v10  }
0x2c0: {  	v10 =	vmul.f32 v11, v6;
	v11 =	vld [tilespmem:s8+$0x0];
	[tilespmem:s8+$0xFFFFFF90] =	vst v8  }
0x2c1: {  	v8 =	vmul.f32 v12, v4;
	v12 =	vld [tilespmem:s8+$0x10];
	[tilespmem:s8+$0xFFFFFFF0] =	vst v14  }
0x2c2: {  	[tilespmem:s8+$0xFFFFFFA0] =	vst v10;
	v10 =	vmul.f32 v13, v3;
	v13 =	vld [tilespmem:s8+$0x20]  }
0x2c3: {  	v14 =	vld [tilespmem:s8+$0x80];
	[tilespmem:s8+$0xFFFFFFB0] =	vst v8;
	v8 =	vmul.f32 v62, v2  }
0x2c4: {  	v9 =	vmul.f32 v9, v1;
	[tilespmem:s8+$0xFFFFFFC0] =	vst v10;
	v10 =	vld [tilespmem:s8+$0x40]  }
0x2c5: {  	[tilespmem:s8+$0xFFFFFFD0] =	vst v8;
	v8 =	vmul.f32 v11, v0  }
0x2c6: {  	v11 =	vld [tilespmem:s8+$0x50];
	[tilespmem:s8+$0xFFFFFFE0] =	vst v9;
	v12 =	vmul.f32 v12, v5  }
0x2c7: {  	v9 =	vld [tilespmem:s8+$0x60];
	[tilespmem:s8+$0x0] =	vst v8;
	v8 =	vmul.f32 v13, v6  }
0x2c8: {  	v14 =	vmul.f32 v14, v0;
	v13 =	vld [tilespmem:s8+$0x70];
	[tilespmem:s8+$0x10] =	vst v12  }
0x2c9: {  	v12 =	vmul.f32 v15, v4;
	v15 =	vld [tilespmem:s8+$0x90];
	[tilespmem:s8+$0x20] =	vst v8;
	v8 =	vmul.f32 v10, v3  }
0x2ca: {  	v63 =	vld [tilespmem:s8+$0xA0];
	[tilespmem:s8+$0x80] =	vst v14  }
0x2cb: {  	v10 =	vmul.f32 v11, v2;
	[tilespmem:s8+$0x40] =	vst v8;
	v8 =	vld [tilespmem:s8+$0xB0]  }
0x2cc: {  	[tilespmem:s8+$0x30] =	vst v12;
	v11 =	vmul.f32 v9, v1;
	v9 =	vld [tilespmem:s8+$0xC0]  }
0x2cd: {  	[tilespmem:s8+$0x50] =	vst v10;
	v12 =	vmul.f32 v13, v7;
	v10 =	vld [tilespmem:s8+$0xD0]  }
0x2ce: {  	[tilespmem:s8+$0x60] =	vst v11;
	v11 =	vld [tilespmem:s8+$0xE0];
	v13 =	vmul.f32 v15, v5  }
0x2cf: {  	s9 =	simm.s32 $0x0;
	s10 =	simm.s32 $0x6700;
	v14 =	vmul.f32 v63, v6;
	[tilespmem:s8+$0x70] =	vst v12;
	v12 =	vld [tilespmem:s8+$0xFFFFFF00]  }
.LBB2_20:
0x2d0: {  	v15 =	vld [tilespmem:s10+$0xF0];
	s9 =	sadd.s32 $0x4, s9;
	[tilespmem:s8+$0x90] =	vst v13;
	v8 =	vmul.f32 v8, v4  }
0x2d1: {  	v13 =	vld [tilespmem:s10+$0xFFFFFF10];
	p0 =	slt.u32 s9, $0x7C;
	[tilespmem:s8+$0xA0] =	vst v14;
	v9 =	vmul.f32 v9, v3  }
0x2d2: {  	v14 =	vld [tilespmem:s10+$0xFFFFFF20];
	[tilespmem:s8+$0xB0] =	vst v8;
	v8 =	vmul.f32 v10, v2  }
0x2d3: {  	v10 =	vld [tilespmem:s10+$0xFFFFFF30];
	[tilespmem:s8+$0xC0] =	vst v9;
	v9 =	vmul.f32 v11, v1  }
0x2d4: {  	v11 =	vld [tilespmem:s10+$0xFFFFFF40];
	v12 =	vmul.f32 v12, v0;
	[tilespmem:s8+$0xD0] =	vst v8  }
0x2d5: {  	v8 =	vld [tilespmem:s10+$0xFFFFFF50];
	v15 =	vmul.f32 v15, v7;
	[tilespmem:s8+$0xE0] =	vst v9  }
0x2d6: {  	v9 =	vmul.f32 v13, v5;
	v13 =	vld [tilespmem:s10+$0xFFFFFF60];
	[tilespmem:s8+$0xFFFFFF00] =	vst v12;
	s8 =	smov.u32 s10  }
0x2d7: {  	v12 =	vmul.f32 v14, v6;
	v14 =	vld [tilespmem:s10+$0xFFFFFF70];
	[tilespmem:s10+$0xF0] =	vst v15  }
0x2d8: {  	[tilespmem:s10+$0xFFFFFF10] =	vst v9;
	v9 =	vmul.f32 v10, v4;
	v10 =	vld [tilespmem:s10+$0xFFFFFF80]  }
0x2d9: {  	[tilespmem:s10+$0xFFFFFF20] =	vst v12;
	v11 =	vmul.f32 v11, v3;
	v12 =	vld [tilespmem:s10+$0xFFFFFF90]  }
0x2da: {  	[tilespmem:s10+$0xFFFFFF30] =	vst v9;
	v8 =	vmul.f32 v8, v2;
	v9 =	vld [tilespmem:s10+$0xFFFFFFA0]  }
0x2db: {  	[tilespmem:s10+$0xFFFFFF40] =	vst v11;
	v11 =	vmul.f32 v13, v1;
	v13 =	vld [tilespmem:s10+$0xFFFFFFB0]  }
0x2dc: {  	[tilespmem:s10+$0xFFFFFF50] =	vst v8;
	v8 =	vmul.f32 v14, v7;
	v14 =	vld [tilespmem:s10+$0xFFFFFFC0]  }
0x2dd: {  	[tilespmem:s10+$0xFFFFFF60] =	vst v11;
	v10 =	vmul.f32 v10, v0;
	v11 =	vld [tilespmem:s10+$0xFFFFFFD0]  }
0x2de: {  	[tilespmem:s10+$0xFFFFFF70] =	vst v8;
	v8 =	vmul.f32 v12, v5;
	v12 =	vld [tilespmem:s10+$0xFFFFFFE0]  }
0x2df: {  	[tilespmem:s10+$0xFFFFFF80] =	vst v10;
	v9 =	vmul.f32 v9, v6;
	v10 =	vld [tilespmem:s10+$0xFFFFFFF0]  }
0x2e0: {  	[tilespmem:s10+$0xFFFFFF90] =	vst v8;
	v8 =	vmul.f32 v13, v4;
	v13 =	vld [tilespmem:s10+$0x0]  }
0x2e1: {  	[tilespmem:s10+$0xFFFFFFA0] =	vst v9;
	v9 =	vmul.f32 v14, v3;
	v14 =	vld [tilespmem:s10+$0x10]  }
0x2e2: {  	[tilespmem:s10+$0xFFFFFFB0] =	vst v8;
	v8 =	vmul.f32 v11, v2;
	v11 =	vld [tilespmem:s10+$0x20]  }
0x2e3: {  	[tilespmem:s10+$0xFFFFFFC0] =	vst v9;
	v9 =	vmul.f32 v12, v1;
	v12 =	vld [tilespmem:s10+$0x30]  }
0x2e4: {  	[tilespmem:s10+$0xFFFFFFD0] =	vst v8;
	v8 =	vmul.f32 v10, v7;
	v10 =	vld [tilespmem:s10+$0x40]  }
0x2e5: {  	[tilespmem:s10+$0xFFFFFFE0] =	vst v9;
	v9 =	vmul.f32 v13, v0;
	v13 =	vld [tilespmem:s10+$0x50]  }
0x2e6: {  	[tilespmem:s10+$0xFFFFFFF0] =	vst v8;
	v8 =	vmul.f32 v14, v5;
	v14 =	vld [tilespmem:s10+$0x60]  }
0x2e7: {  	[tilespmem:s10+$0x0] =	vst v9;
	v9 =	vmul.f32 v11, v6;
	v11 =	vld [tilespmem:s10+$0x70]  }
0x2e8: {  	[tilespmem:s10+$0x10] =	vst v8;
	v8 =	vmul.f32 v12, v4;
	v12 =	vld [tilespmem:s10+$0x80]  }
0x2e9: {  	[tilespmem:s10+$0x20] =	vst v9;
	v9 =	vmul.f32 v10, v3;
	v15 =	vld [tilespmem:s10+$0x90]  }
0x2ea: {  	[tilespmem:s10+$0x30] =	vst v8;
	v10 =	vmul.f32 v13, v2;
	v16 =	vld [tilespmem:s10+$0xA0]  }
.Ltmp9:
0x2eb: {  	[tilespmem:s10+$0x40] =	vst v9;
	v13 =	vmul.f32 v14, v1;
	v8 =	vld [tilespmem:s10+$0xB0];
	(pc) =	sbr.rel @p0 .LBB2_20-.Ltmp9, $4  }
0x2ec: {  	[tilespmem:s10+$0x50] =	vst v10;
	v11 =	vmul.f32 v11, v7;
	v9 =	vld [tilespmem:s10+$0xC0]  }
0x2ed: {  	[tilespmem:s10+$0x60] =	vst v13;
	v14 =	vmul.f32 v12, v0;
	v10 =	vld [tilespmem:s10+$0xD0]  }
0x2ee: {  	[tilespmem:s10+$0x70] =	vst v11;
	v13 =	vmul.f32 v15, v5;
	v11 =	vld [tilespmem:s10+$0xE0]  }
0x2ef: {  	s10 =	sadd.s32 $0x200, s10;
	v12 =	vld [tilespmem:s8+$0xFFFFFF00];
	[tilespmem:s8+$0x80] =	vst v14;
	v14 =	vmul.f32 v16, v6  }
0x2f0: {  	[tilespmem:s8+$0x90] =	vst v13;
	v8 =	vmul.f32 v8, v4  }
0x2f1: {  	[tilespmem:s8+$0xA0] =	vst v14;
	v9 =	vmul.f32 v9, v3  }
0x2f2: {  	[tilespmem:s8+$0xB0] =	vst v8;
	v8 =	vmul.f32 v10, v2  }
0x2f3: {  	[tilespmem:s8+$0xC0] =	vst v9;
	v9 =	vmul.f32 v11, v1  }
0x2f4: {  	v10 =	vmul.f32 v12, v0;
	[tilespmem:s8+$0xD0] =	vst v8  }
0x2f5: {  	[tilespmem:s8+$0xE0] =	vst v9  }
0x2f6: {  	[tilespmem:s8+$0xFFFFFF00] =	vst v10  }
0x2f7: {  	s8 =	rddreg [dreg:$0x9]  }
0x2f8: {  	[hbm4b:s8+s4] =	stream.linear.scatter [tilespmem:s22], [sflag:$0x5], $0x4000, $0x38;
	[tilespmem:$0x16480] =	vst v63  }
0x2f9: {  	_ =	swait.ge [sflag:s24], $0x4000  }
0x2fa: {  	[sflag:s24] =	ssyncset.done $0x0  }
0x2fb: {  	s16 =	simm.s32 $0x6380;
	[sflag:s24] =	ssyncadd.s32 $0xFFFFC000  }
0x2fc: {  	[tilespmem:s29], [sflag:$0x4] =	stream.indirect.gather [hbm4b:s2+s21], $0x80, s16, s21, $0xb8;
	[tilespmem:$0x16480] =	vst v63  }
0x2fd: {  	_ =	swait.ge [sflag:s30], $0x4000  }
0x2fe: {  	[sflag:s30] =	ssyncset.done $0x0  }
0x2ff: {  	s8 =	simm.s32 $0xA400;
	[sflag:s30] =	ssyncadd.s32 $0xFFFFC000  }
0x300: {  	v8 =	vld [tilespmem:s8+$0x1F0]  }
0x301: {  	v9 =	vld [tilespmem:s8+$0x10]  }
0x302: {  	v10 =	vld [tilespmem:s8+$0x20]  }
0x303: {  	v11 =	vld [tilespmem:s8+$0x30]  }
0x304: {  	v14 =	vld [tilespmem:s8+$0x60]  }
0x305: {  	v12 =	vld [tilespmem:s8+$0x40]  }
0x306: {  	v13 =	vld [tilespmem:s8+$0x50];
	v8 =	vmul.f32 v8, v7  }
0x307: {  	v16 =	vld [tilespmem:s8+$0x80];
	v9 =	vmul.f32 v9, v5  }
0x308: {  	v15 =	vld [tilespmem:s8+$0x70];
	v10 =	vmul.f32 v10, v6;
	[tilespmem:s8+$0x1F0] =	vst v8  }
0x309: {  	v62 =	vld [tilespmem:s8+$0xD0];
	v14 =	vmul.f32 v14, v1;
	[tilespmem:s8+$0x10] =	vst v9  }
0x30a: {  	v8 =	vld [tilespmem:s8+$0x90];
	[tilespmem:s8+$0x20] =	vst v10;
	v10 =	vmul.f32 v12, v3  }
0x30b: {  	v9 =	vmul.f32 v11, v4;
	[tilespmem:s8+$0x60] =	vst v14;
	v14 =	vld [tilespmem:s8+$0xF0]  }
0x30c: {  	v11 =	vld [tilespmem:s8+$0xA0];
	[tilespmem:s8+$0x40] =	vst v10;
	v10 =	vmul.f32 v16, v0  }
0x30d: {  	v12 =	vld [tilespmem:s8+$0xB0];
	[tilespmem:s8+$0x30] =	vst v9;
	v9 =	vmul.f32 v13, v2  }
0x30e: {  	v13 =	vld [tilespmem:s8+$0xC0];
	[tilespmem:s8+$0x80] =	vst v10;
	v10 =	vmul.f32 v15, v7  }
0x30f: {  	[tilespmem:s8+$0x50] =	vst v9;
	v9 =	vld [tilespmem:s8+$0xE0];
	v8 =	vmul.f32 v8, v5  }
0x310: {  	v15 =	vld [tilespmem:s8+$0x130];
	v14 =	vmul.f32 v14, v7;
	[tilespmem:s8+$0x70] =	vst v10  }
0x311: {  	v10 =	vmul.f32 v11, v6;
	v11 =	vld [tilespmem:s8+$0x100];
	[tilespmem:s8+$0x90] =	vst v8  }
0x312: {  	v8 =	vmul.f32 v12, v4;
	v12 =	vld [tilespmem:s8+$0x110];
	[tilespmem:s8+$0xF0] =	vst v14  }
0x313: {  	[tilespmem:s8+$0xA0] =	vst v10;
	v10 =	vmul.f32 v13, v3;
	v13 =	vld [tilespmem:s8+$0x120]  }
0x314: {  	v14 =	vld [tilespmem:s8+$0x180];
	[tilespmem:s8+$0xB0] =	vst v8;
	v8 =	vmul.f32 v62, v2  }
0x315: {  	v9 =	vmul.f32 v9, v1;
	[tilespmem:s8+$0xC0] =	vst v10;
	v10 =	vld [tilespmem:s8+$0x140]  }
0x316: {  	[tilespmem:s8+$0xD0] =	vst v8;
	v8 =	vmul.f32 v11, v0  }
0x317: {  	v11 =	vld [tilespmem:s8+$0x150];
	[tilespmem:s8+$0xE0] =	vst v9;
	v12 =	vmul.f32 v12, v5  }
0x318: {  	v9 =	vld [tilespmem:s8+$0x160];
	[tilespmem:s8+$0x100] =	vst v8;
	v8 =	vmul.f32 v13, v6  }
0x319: {  	v14 =	vmul.f32 v14, v0;
	v13 =	vld [tilespmem:s8+$0x170];
	[tilespmem:s8+$0x110] =	vst v12  }
0x31a: {  	v12 =	vmul.f32 v15, v4;
	v15 =	vld [tilespmem:s8+$0x190];
	[tilespmem:s8+$0x120] =	vst v8;
	v8 =	vmul.f32 v10, v3  }
0x31b: {  	v63 =	vld [tilespmem:s8+$0x1A0];
	[tilespmem:s8+$0x180] =	vst v14  }
0x31c: {  	v10 =	vmul.f32 v11, v2;
	[tilespmem:s8+$0x140] =	vst v8;
	v8 =	vld [tilespmem:s8+$0x1B0]  }
0x31d: {  	[tilespmem:s8+$0x130] =	vst v12;
	v11 =	vmul.f32 v9, v1;
	v9 =	vld [tilespmem:s8+$0x1C0]  }
0x31e: {  	[tilespmem:s8+$0x150] =	vst v10;
	v12 =	vmul.f32 v13, v7;
	v10 =	vld [tilespmem:s8+$0x1D0]  }
0x31f: {  	[tilespmem:s8+$0x160] =	vst v11;
	v11 =	vld [tilespmem:s8+$0x1E0];
	v13 =	vmul.f32 v15, v5  }
0x320: {  	s9 =	simm.s32 $0x0;
	s10 =	simm.s32 $0xA600;
	v14 =	vmul.f32 v63, v6;
	[tilespmem:s8+$0x170] =	vst v12;
	v12 =	vld [tilespmem:s8+$0x0]  }
.LBB2_22:
0x321: {  	v15 =	vld [tilespmem:s10+$0x1F0];
	s9 =	sadd.s32 $0x4, s9;
	[tilespmem:s8+$0x190] =	vst v13;
	v8 =	vmul.f32 v8, v4  }
0x322: {  	v13 =	vld [tilespmem:s10+$0x10];
	p0 =	slt.u32 s9, $0x7C;
	[tilespmem:s8+$0x1A0] =	vst v14;
	v9 =	vmul.f32 v9, v3  }
0x323: {  	v14 =	vld [tilespmem:s10+$0x20];
	[tilespmem:s8+$0x1B0] =	vst v8;
	v8 =	vmul.f32 v10, v2  }
0x324: {  	v10 =	vld [tilespmem:s10+$0x30];
	[tilespmem:s8+$0x1C0] =	vst v9;
	v9 =	vmul.f32 v11, v1  }
0x325: {  	v11 =	vld [tilespmem:s10+$0x40];
	v12 =	vmul.f32 v12, v0;
	[tilespmem:s8+$0x1D0] =	vst v8  }
0x326: {  	v8 =	vld [tilespmem:s10+$0x50];
	v15 =	vmul.f32 v15, v7;
	[tilespmem:s8+$0x1E0] =	vst v9  }
0x327: {  	v9 =	vmul.f32 v13, v5;
	v13 =	vld [tilespmem:s10+$0x60];
	[tilespmem:s8+$0x0] =	vst v12;
	s8 =	smov.u32 s10  }
0x328: {  	v12 =	vmul.f32 v14, v6;
	v14 =	vld [tilespmem:s10+$0x70];
	[tilespmem:s10+$0x1F0] =	vst v15  }
0x329: {  	[tilespmem:s10+$0x10] =	vst v9;
	v9 =	vmul.f32 v10, v4;
	v10 =	vld [tilespmem:s10+$0x80]  }
0x32a: {  	[tilespmem:s10+$0x20] =	vst v12;
	v11 =	vmul.f32 v11, v3;
	v12 =	vld [tilespmem:s10+$0x90]  }
0x32b: {  	[tilespmem:s10+$0x30] =	vst v9;
	v8 =	vmul.f32 v8, v2;
	v9 =	vld [tilespmem:s10+$0xA0]  }
0x32c: {  	[tilespmem:s10+$0x40] =	vst v11;
	v11 =	vmul.f32 v13, v1;
	v13 =	vld [tilespmem:s10+$0xB0]  }
0x32d: {  	[tilespmem:s10+$0x50] =	vst v8;
	v8 =	vmul.f32 v14, v7;
	v14 =	vld [tilespmem:s10+$0xC0]  }
0x32e: {  	[tilespmem:s10+$0x60] =	vst v11;
	v10 =	vmul.f32 v10, v0;
	v11 =	vld [tilespmem:s10+$0xD0]  }
0x32f: {  	[tilespmem:s10+$0x70] =	vst v8;
	v8 =	vmul.f32 v12, v5;
	v12 =	vld [tilespmem:s10+$0xE0]  }
0x330: {  	[tilespmem:s10+$0x80] =	vst v10;
	v9 =	vmul.f32 v9, v6;
	v10 =	vld [tilespmem:s10+$0xF0]  }
0x331: {  	[tilespmem:s10+$0x90] =	vst v8;
	v8 =	vmul.f32 v13, v4;
	v13 =	vld [tilespmem:s10+$0x100]  }
0x332: {  	[tilespmem:s10+$0xA0] =	vst v9;
	v9 =	vmul.f32 v14, v3;
	v14 =	vld [tilespmem:s10+$0x110]  }
0x333: {  	[tilespmem:s10+$0xB0] =	vst v8;
	v8 =	vmul.f32 v11, v2;
	v11 =	vld [tilespmem:s10+$0x120]  }
0x334: {  	[tilespmem:s10+$0xC0] =	vst v9;
	v9 =	vmul.f32 v12, v1;
	v12 =	vld [tilespmem:s10+$0x130]  }
0x335: {  	[tilespmem:s10+$0xD0] =	vst v8;
	v8 =	vmul.f32 v10, v7;
	v10 =	vld [tilespmem:s10+$0x140]  }
0x336: {  	[tilespmem:s10+$0xE0] =	vst v9;
	v9 =	vmul.f32 v13, v0;
	v13 =	vld [tilespmem:s10+$0x150]  }
0x337: {  	[tilespmem:s10+$0xF0] =	vst v8;
	v8 =	vmul.f32 v14, v5;
	v14 =	vld [tilespmem:s10+$0x160]  }
0x338: {  	[tilespmem:s10+$0x100] =	vst v9;
	v9 =	vmul.f32 v11, v6;
	v11 =	vld [tilespmem:s10+$0x170]  }
0x339: {  	[tilespmem:s10+$0x110] =	vst v8;
	v8 =	vmul.f32 v12, v4;
	v12 =	vld [tilespmem:s10+$0x180]  }
0x33a: {  	[tilespmem:s10+$0x120] =	vst v9;
	v9 =	vmul.f32 v10, v3;
	v15 =	vld [tilespmem:s10+$0x190]  }
0x33b: {  	[tilespmem:s10+$0x130] =	vst v8;
	v10 =	vmul.f32 v13, v2;
	v16 =	vld [tilespmem:s10+$0x1A0]  }
.Ltmp10:
0x33c: {  	[tilespmem:s10+$0x140] =	vst v9;
	v13 =	vmul.f32 v14, v1;
	v8 =	vld [tilespmem:s10+$0x1B0];
	(pc) =	sbr.rel @p0 .LBB2_22-.Ltmp10, $4  }
0x33d: {  	[tilespmem:s10+$0x150] =	vst v10;
	v11 =	vmul.f32 v11, v7;
	v9 =	vld [tilespmem:s10+$0x1C0]  }
0x33e: {  	[tilespmem:s10+$0x160] =	vst v13;
	v14 =	vmul.f32 v12, v0;
	v10 =	vld [tilespmem:s10+$0x1D0]  }
0x33f: {  	[tilespmem:s10+$0x170] =	vst v11;
	v13 =	vmul.f32 v15, v5;
	v11 =	vld [tilespmem:s10+$0x1E0]  }
0x340: {  	s10 =	sadd.s32 $0x200, s10;
	v12 =	vld [tilespmem:s8+$0x0];
	[tilespmem:s8+$0x180] =	vst v14;
	v14 =	vmul.f32 v16, v6  }
0x341: {  	[tilespmem:s8+$0x190] =	vst v13;
	v8 =	vmul.f32 v8, v4  }
0x342: {  	[tilespmem:s8+$0x1A0] =	vst v14;
	v9 =	vmul.f32 v9, v3  }
0x343: {  	[tilespmem:s8+$0x1B0] =	vst v8;
	v8 =	vmul.f32 v10, v2  }
0x344: {  	[tilespmem:s8+$0x1C0] =	vst v9;
	v9 =	vmul.f32 v11, v1  }
0x345: {  	v10 =	vmul.f32 v12, v0;
	[tilespmem:s8+$0x1D0] =	vst v8  }
0x346: {  	[tilespmem:s8+$0x1E0] =	vst v9  }
0x347: {  	[tilespmem:s8+$0x0] =	vst v10  }
0x348: {  	s8 =	rddreg [dreg:$0xa]  }
0x349: {  	[hbm4b:s8+s4] =	stream.linear.scatter [tilespmem:s23], [sflag:$0x6], $0x4000, $0x38;
	[tilespmem:$0x16480] =	vst v63  }
0x34a: {  	_ =	swait.ge [sflag:s0], $0x4000  }
0x34b: {  	[sflag:s0] =	ssyncset.done $0x0  }
0x34c: {  	s8 =	simm.s32 $0xE400;
	[sflag:s0] =	ssyncadd.s32 $0xFFFFC000  }
0x34d: {  	v8 =	vld [tilespmem:s8+$0x1F0]  }
0x34e: {  	v9 =	vld [tilespmem:s8+$0x10]  }
0x34f: {  	v10 =	vld [tilespmem:s8+$0x20]  }
0x350: {  	v11 =	vld [tilespmem:s8+$0x30]  }
0x351: {  	v14 =	vld [tilespmem:s8+$0x60]  }
0x352: {  	v12 =	vld [tilespmem:s8+$0x40]  }
0x353: {  	v13 =	vld [tilespmem:s8+$0x50];
	v8 =	vmul.f32 v8, v7  }
0x354: {  	v16 =	vld [tilespmem:s8+$0x80];
	v9 =	vmul.f32 v9, v5  }
0x355: {  	v15 =	vld [tilespmem:s8+$0x70];
	v10 =	vmul.f32 v10, v6;
	[tilespmem:s8+$0x1F0] =	vst v8  }
0x356: {  	v62 =	vld [tilespmem:s8+$0xD0];
	v14 =	vmul.f32 v14, v1;
	[tilespmem:s8+$0x10] =	vst v9  }
0x357: {  	v8 =	vld [tilespmem:s8+$0x90];
	[tilespmem:s8+$0x20] =	vst v10;
	v10 =	vmul.f32 v12, v3  }
0x358: {  	v9 =	vmul.f32 v11, v4;
	[tilespmem:s8+$0x60] =	vst v14;
	v14 =	vld [tilespmem:s8+$0xF0]  }
0x359: {  	v11 =	vld [tilespmem:s8+$0xA0];
	[tilespmem:s8+$0x40] =	vst v10;
	v10 =	vmul.f32 v16, v0  }
0x35a: {  	v12 =	vld [tilespmem:s8+$0xB0];
	[tilespmem:s8+$0x30] =	vst v9;
	v9 =	vmul.f32 v13, v2  }
0x35b: {  	v13 =	vld [tilespmem:s8+$0xC0];
	[tilespmem:s8+$0x80] =	vst v10;
	v10 =	vmul.f32 v15, v7  }
0x35c: {  	[tilespmem:s8+$0x50] =	vst v9;
	v9 =	vld [tilespmem:s8+$0xE0];
	v8 =	vmul.f32 v8, v5  }
0x35d: {  	v15 =	vld [tilespmem:s8+$0x130];
	v14 =	vmul.f32 v14, v7;
	[tilespmem:s8+$0x70] =	vst v10  }
0x35e: {  	v10 =	vmul.f32 v11, v6;
	v11 =	vld [tilespmem:s8+$0x100];
	[tilespmem:s8+$0x90] =	vst v8  }
0x35f: {  	v8 =	vmul.f32 v12, v4;
	v12 =	vld [tilespmem:s8+$0x110];
	[tilespmem:s8+$0xF0] =	vst v14  }
0x360: {  	[tilespmem:s8+$0xA0] =	vst v10;
	v10 =	vmul.f32 v13, v3;
	v13 =	vld [tilespmem:s8+$0x120]  }
0x361: {  	v14 =	vld [tilespmem:s8+$0x180];
	[tilespmem:s8+$0xB0] =	vst v8;
	v8 =	vmul.f32 v62, v2  }
0x362: {  	v9 =	vmul.f32 v9, v1;
	[tilespmem:s8+$0xC0] =	vst v10;
	v10 =	vld [tilespmem:s8+$0x140]  }
0x363: {  	[tilespmem:s8+$0xD0] =	vst v8;
	v8 =	vmul.f32 v11, v0  }
0x364: {  	v11 =	vld [tilespmem:s8+$0x150];
	[tilespmem:s8+$0xE0] =	vst v9;
	v12 =	vmul.f32 v12, v5  }
0x365: {  	v9 =	vld [tilespmem:s8+$0x160];
	[tilespmem:s8+$0x100] =	vst v8;
	v8 =	vmul.f32 v13, v6  }
0x366: {  	v14 =	vmul.f32 v14, v0;
	v13 =	vld [tilespmem:s8+$0x170];
	[tilespmem:s8+$0x110] =	vst v12  }
0x367: {  	v12 =	vmul.f32 v15, v4;
	v15 =	vld [tilespmem:s8+$0x190];
	[tilespmem:s8+$0x120] =	vst v8;
	v8 =	vmul.f32 v10, v3  }
0x368: {  	v63 =	vld [tilespmem:s8+$0x1A0];
	[tilespmem:s8+$0x180] =	vst v14  }
0x369: {  	v10 =	vmul.f32 v11, v2;
	[tilespmem:s8+$0x140] =	vst v8;
	v8 =	vld [tilespmem:s8+$0x1B0]  }
0x36a: {  	[tilespmem:s8+$0x130] =	vst v12;
	v11 =	vmul.f32 v9, v1;
	v9 =	vld [tilespmem:s8+$0x1C0]  }
0x36b: {  	[tilespmem:s8+$0x150] =	vst v10;
	v12 =	vmul.f32 v13, v7;
	v10 =	vld [tilespmem:s8+$0x1D0]  }
0x36c: {  	[tilespmem:s8+$0x160] =	vst v11;
	v11 =	vld [tilespmem:s8+$0x1E0];
	v13 =	vmul.f32 v15, v5  }
0x36d: {  	s9 =	simm.s32 $0x0;
	s10 =	simm.s32 $0xE600;
	v14 =	vmul.f32 v63, v6;
	[tilespmem:s8+$0x170] =	vst v12;
	v12 =	vld [tilespmem:s8+$0x0]  }
.LBB2_24:
0x36e: {  	v15 =	vld [tilespmem:s10+$0x1F0];
	s9 =	sadd.s32 $0x4, s9;
	[tilespmem:s8+$0x190] =	vst v13;
	v8 =	vmul.f32 v8, v4  }
0x36f: {  	v13 =	vld [tilespmem:s10+$0x10];
	p0 =	slt.u32 s9, $0x7C;
	[tilespmem:s8+$0x1A0] =	vst v14;
	v9 =	vmul.f32 v9, v3  }
0x370: {  	v14 =	vld [tilespmem:s10+$0x20];
	[tilespmem:s8+$0x1B0] =	vst v8;
	v8 =	vmul.f32 v10, v2  }
0x371: {  	v10 =	vld [tilespmem:s10+$0x30];
	[tilespmem:s8+$0x1C0] =	vst v9;
	v9 =	vmul.f32 v11, v1  }
0x372: {  	v11 =	vld [tilespmem:s10+$0x40];
	v12 =	vmul.f32 v12, v0;
	[tilespmem:s8+$0x1D0] =	vst v8  }
0x373: {  	v8 =	vld [tilespmem:s10+$0x50];
	v15 =	vmul.f32 v15, v7;
	[tilespmem:s8+$0x1E0] =	vst v9  }
0x374: {  	v9 =	vmul.f32 v13, v5;
	v13 =	vld [tilespmem:s10+$0x60];
	[tilespmem:s8+$0x0] =	vst v12;
	s8 =	smov.u32 s10  }
0x375: {  	v12 =	vmul.f32 v14, v6;
	v14 =	vld [tilespmem:s10+$0x70];
	[tilespmem:s10+$0x1F0] =	vst v15  }
0x376: {  	[tilespmem:s10+$0x10] =	vst v9;
	v9 =	vmul.f32 v10, v4;
	v10 =	vld [tilespmem:s10+$0x80]  }
0x377: {  	[tilespmem:s10+$0x20] =	vst v12;
	v11 =	vmul.f32 v11, v3;
	v12 =	vld [tilespmem:s10+$0x90]  }
0x378: {  	[tilespmem:s10+$0x30] =	vst v9;
	v8 =	vmul.f32 v8, v2;
	v9 =	vld [tilespmem:s10+$0xA0]  }
0x379: {  	[tilespmem:s10+$0x40] =	vst v11;
	v11 =	vmul.f32 v13, v1;
	v13 =	vld [tilespmem:s10+$0xB0]  }
0x37a: {  	[tilespmem:s10+$0x50] =	vst v8;
	v8 =	vmul.f32 v14, v7;
	v14 =	vld [tilespmem:s10+$0xC0]  }
0x37b: {  	[tilespmem:s10+$0x60] =	vst v11;
	v10 =	vmul.f32 v10, v0;
	v11 =	vld [tilespmem:s10+$0xD0]  }
0x37c: {  	[tilespmem:s10+$0x70] =	vst v8;
	v8 =	vmul.f32 v12, v5;
	v12 =	vld [tilespmem:s10+$0xE0]  }
0x37d: {  	[tilespmem:s10+$0x80] =	vst v10;
	v9 =	vmul.f32 v9, v6;
	v10 =	vld [tilespmem:s10+$0xF0]  }
0x37e: {  	[tilespmem:s10+$0x90] =	vst v8;
	v8 =	vmul.f32 v13, v4;
	v13 =	vld [tilespmem:s10+$0x100]  }
0x37f: {  	[tilespmem:s10+$0xA0] =	vst v9;
	v9 =	vmul.f32 v14, v3;
	v14 =	vld [tilespmem:s10+$0x110]  }
0x380: {  	[tilespmem:s10+$0xB0] =	vst v8;
	v8 =	vmul.f32 v11, v2;
	v11 =	vld [tilespmem:s10+$0x120]  }
0x381: {  	[tilespmem:s10+$0xC0] =	vst v9;
	v9 =	vmul.f32 v12, v1;
	v12 =	vld [tilespmem:s10+$0x130]  }
0x382: {  	[tilespmem:s10+$0xD0] =	vst v8;
	v8 =	vmul.f32 v10, v7;
	v10 =	vld [tilespmem:s10+$0x140]  }
0x383: {  	[tilespmem:s10+$0xE0] =	vst v9;
	v9 =	vmul.f32 v13, v0;
	v13 =	vld [tilespmem:s10+$0x150]  }
0x384: {  	[tilespmem:s10+$0xF0] =	vst v8;
	v8 =	vmul.f32 v14, v5;
	v14 =	vld [tilespmem:s10+$0x160]  }
0x385: {  	[tilespmem:s10+$0x100] =	vst v9;
	v9 =	vmul.f32 v11, v6;
	v11 =	vld [tilespmem:s10+$0x170]  }
0x386: {  	[tilespmem:s10+$0x110] =	vst v8;
	v8 =	vmul.f32 v12, v4;
	v12 =	vld [tilespmem:s10+$0x180]  }
0x387: {  	[tilespmem:s10+$0x120] =	vst v9;
	v9 =	vmul.f32 v10, v3;
	v15 =	vld [tilespmem:s10+$0x190]  }
0x388: {  	[tilespmem:s10+$0x130] =	vst v8;
	v10 =	vmul.f32 v13, v2;
	v16 =	vld [tilespmem:s10+$0x1A0]  }
.Ltmp11:
0x389: {  	[tilespmem:s10+$0x140] =	vst v9;
	v13 =	vmul.f32 v14, v1;
	v8 =	vld [tilespmem:s10+$0x1B0];
	(pc) =	sbr.rel @p0 .LBB2_24-.Ltmp11, $4  }
0x38a: {  	[tilespmem:s10+$0x150] =	vst v10;
	v11 =	vmul.f32 v11, v7;
	v9 =	vld [tilespmem:s10+$0x1C0]  }
0x38b: {  	[tilespmem:s10+$0x160] =	vst v13;
	v14 =	vmul.f32 v12, v0;
	v10 =	vld [tilespmem:s10+$0x1D0]  }
0x38c: {  	[tilespmem:s10+$0x170] =	vst v11;
	v13 =	vmul.f32 v15, v5;
	v11 =	vld [tilespmem:s10+$0x1E0]  }
0x38d: {  	s10 =	sadd.s32 $0x200, s10;
	v12 =	vld [tilespmem:s8+$0x0];
	[tilespmem:s8+$0x180] =	vst v14;
	v14 =	vmul.f32 v16, v6  }
0x38e: {  	[tilespmem:s8+$0x190] =	vst v13;
	v8 =	vmul.f32 v8, v4  }
0x38f: {  	[tilespmem:s8+$0x1A0] =	vst v14;
	v9 =	vmul.f32 v9, v3  }
0x390: {  	[tilespmem:s8+$0x1B0] =	vst v8;
	v8 =	vmul.f32 v10, v2  }
0x391: {  	[tilespmem:s8+$0x1C0] =	vst v9;
	v9 =	vmul.f32 v11, v1  }
0x392: {  	v10 =	vmul.f32 v12, v0;
	[tilespmem:s8+$0x1D0] =	vst v8  }
0x393: {  	[tilespmem:s8+$0x1E0] =	vst v9  }
0x394: {  	[tilespmem:s8+$0x0] =	vst v10  }
0x395: {  	s8 =	rddreg [dreg:$0xb]  }
0x396: {  	[hbm4b:s8+s4] =	stream.linear.scatter [tilespmem:s25], [sflag:$0x7], $0x4000, $0x38;
	[tilespmem:$0x16480] =	vst v63  }
0x397: {  	_ =	swait.ge [sflag:s28], $0x4000  }
0x398: {  	[sflag:s28] =	ssyncset.done $0x0  }
0x399: {  	s8 =	simm.s32 $0x12400;
	[sflag:s28] =	ssyncadd.s32 $0xFFFFC000  }
0x39a: {  	v8 =	vld [tilespmem:s8+$0x1F0]  }
0x39b: {  	v9 =	vld [tilespmem:s8+$0x10]  }
0x39c: {  	v10 =	vld [tilespmem:s8+$0x20]  }
0x39d: {  	v11 =	vld [tilespmem:s8+$0x30]  }
0x39e: {  	v14 =	vld [tilespmem:s8+$0x60]  }
0x39f: {  	v12 =	vld [tilespmem:s8+$0x40]  }
0x3a0: {  	v13 =	vld [tilespmem:s8+$0x50];
	v8 =	vmul.f32 v8, v7  }
0x3a1: {  	v16 =	vld [tilespmem:s8+$0x80];
	v9 =	vmul.f32 v9, v5  }
0x3a2: {  	v15 =	vld [tilespmem:s8+$0x70];
	v10 =	vmul.f32 v10, v6;
	[tilespmem:s8+$0x1F0] =	vst v8  }
0x3a3: {  	v62 =	vld [tilespmem:s8+$0xD0];
	v14 =	vmul.f32 v14, v1;
	[tilespmem:s8+$0x10] =	vst v9  }
0x3a4: {  	v8 =	vld [tilespmem:s8+$0x90];
	[tilespmem:s8+$0x20] =	vst v10;
	v10 =	vmul.f32 v12, v3  }
0x3a5: {  	v9 =	vmul.f32 v11, v4;
	[tilespmem:s8+$0x60] =	vst v14;
	v14 =	vld [tilespmem:s8+$0xF0]  }
0x3a6: {  	v11 =	vld [tilespmem:s8+$0xA0];
	[tilespmem:s8+$0x40] =	vst v10;
	v10 =	vmul.f32 v16, v0  }
0x3a7: {  	v12 =	vld [tilespmem:s8+$0xB0];
	[tilespmem:s8+$0x30] =	vst v9;
	v9 =	vmul.f32 v13, v2  }
0x3a8: {  	v13 =	vld [tilespmem:s8+$0xC0];
	[tilespmem:s8+$0x80] =	vst v10;
	v10 =	vmul.f32 v15, v7  }
0x3a9: {  	[tilespmem:s8+$0x50] =	vst v9;
	v9 =	vld [tilespmem:s8+$0xE0];
	v8 =	vmul.f32 v8, v5  }
0x3aa: {  	v15 =	vld [tilespmem:s8+$0x130];
	v14 =	vmul.f32 v14, v7;
	[tilespmem:s8+$0x70] =	vst v10  }
0x3ab: {  	v10 =	vmul.f32 v11, v6;
	v11 =	vld [tilespmem:s8+$0x100];
	[tilespmem:s8+$0x90] =	vst v8  }
0x3ac: {  	v8 =	vmul.f32 v12, v4;
	v12 =	vld [tilespmem:s8+$0x110];
	[tilespmem:s8+$0xF0] =	vst v14  }
0x3ad: {  	[tilespmem:s8+$0xA0] =	vst v10;
	v10 =	vmul.f32 v13, v3;
	v13 =	vld [tilespmem:s8+$0x120]  }
0x3ae: {  	v14 =	vld [tilespmem:s8+$0x180];
	[tilespmem:s8+$0xB0] =	vst v8;
	v8 =	vmul.f32 v62, v2  }
0x3af: {  	v9 =	vmul.f32 v9, v1;
	[tilespmem:s8+$0xC0] =	vst v10;
	v10 =	vld [tilespmem:s8+$0x140]  }
0x3b0: {  	[tilespmem:s8+$0xD0] =	vst v8;
	v8 =	vmul.f32 v11, v0  }
0x3b1: {  	v11 =	vld [tilespmem:s8+$0x150];
	[tilespmem:s8+$0xE0] =	vst v9;
	v12 =	vmul.f32 v12, v5  }
0x3b2: {  	v9 =	vld [tilespmem:s8+$0x160];
	[tilespmem:s8+$0x100] =	vst v8;
	v8 =	vmul.f32 v13, v6  }
0x3b3: {  	v14 =	vmul.f32 v14, v0;
	v13 =	vld [tilespmem:s8+$0x170];
	[tilespmem:s8+$0x110] =	vst v12  }
0x3b4: {  	v12 =	vmul.f32 v15, v4;
	v15 =	vld [tilespmem:s8+$0x190];
	[tilespmem:s8+$0x120] =	vst v8;
	v8 =	vmul.f32 v10, v3  }
0x3b5: {  	v63 =	vld [tilespmem:s8+$0x1A0];
	[tilespmem:s8+$0x180] =	vst v14  }
0x3b6: {  	v10 =	vmul.f32 v11, v2;
	[tilespmem:s8+$0x140] =	vst v8;
	v8 =	vld [tilespmem:s8+$0x1B0]  }
0x3b7: {  	[tilespmem:s8+$0x130] =	vst v12;
	v11 =	vmul.f32 v9, v1;
	v9 =	vld [tilespmem:s8+$0x1C0]  }
0x3b8: {  	[tilespmem:s8+$0x150] =	vst v10;
	v12 =	vmul.f32 v13, v7;
	v10 =	vld [tilespmem:s8+$0x1D0]  }
0x3b9: {  	[tilespmem:s8+$0x160] =	vst v11;
	v11 =	vld [tilespmem:s8+$0x1E0];
	v13 =	vmul.f32 v15, v5  }
0x3ba: {  	s9 =	simm.s32 $0x0;
	s10 =	simm.s32 $0x12600;
	v14 =	vmul.f32 v63, v6;
	[tilespmem:s8+$0x170] =	vst v12;
	v12 =	vld [tilespmem:s8+$0x0]  }
.LBB2_26:
0x3bb: {  	v15 =	vld [tilespmem:s10+$0x1F0];
	s9 =	sadd.s32 $0x4, s9;
	[tilespmem:s8+$0x190] =	vst v13;
	v8 =	vmul.f32 v8, v4  }
0x3bc: {  	v13 =	vld [tilespmem:s10+$0x10];
	p0 =	slt.u32 s9, $0x7C;
	[tilespmem:s8+$0x1A0] =	vst v14;
	v9 =	vmul.f32 v9, v3  }
0x3bd: {  	v14 =	vld [tilespmem:s10+$0x20];
	[tilespmem:s8+$0x1B0] =	vst v8;
	v8 =	vmul.f32 v10, v2  }
0x3be: {  	v10 =	vld [tilespmem:s10+$0x30];
	[tilespmem:s8+$0x1C0] =	vst v9;
	v9 =	vmul.f32 v11, v1  }
0x3bf: {  	v11 =	vld [tilespmem:s10+$0x40];
	v12 =	vmul.f32 v12, v0;
	[tilespmem:s8+$0x1D0] =	vst v8  }
0x3c0: {  	v8 =	vld [tilespmem:s10+$0x50];
	v15 =	vmul.f32 v15, v7;
	[tilespmem:s8+$0x1E0] =	vst v9  }
0x3c1: {  	v9 =	vmul.f32 v13, v5;
	v13 =	vld [tilespmem:s10+$0x60];
	[tilespmem:s8+$0x0] =	vst v12;
	s8 =	smov.u32 s10  }
0x3c2: {  	v12 =	vmul.f32 v14, v6;
	v14 =	vld [tilespmem:s10+$0x70];
	[tilespmem:s10+$0x1F0] =	vst v15  }
0x3c3: {  	[tilespmem:s10+$0x10] =	vst v9;
	v9 =	vmul.f32 v10, v4;
	v10 =	vld [tilespmem:s10+$0x80]  }
0x3c4: {  	[tilespmem:s10+$0x20] =	vst v12;
	v11 =	vmul.f32 v11, v3;
	v12 =	vld [tilespmem:s10+$0x90]  }
0x3c5: {  	[tilespmem:s10+$0x30] =	vst v9;
	v8 =	vmul.f32 v8, v2;
	v9 =	vld [tilespmem:s10+$0xA0]  }
0x3c6: {  	[tilespmem:s10+$0x40] =	vst v11;
	v11 =	vmul.f32 v13, v1;
	v13 =	vld [tilespmem:s10+$0xB0]  }
0x3c7: {  	[tilespmem:s10+$0x50] =	vst v8;
	v8 =	vmul.f32 v14, v7;
	v14 =	vld [tilespmem:s10+$0xC0]  }
0x3c8: {  	[tilespmem:s10+$0x60] =	vst v11;
	v10 =	vmul.f32 v10, v0;
	v11 =	vld [tilespmem:s10+$0xD0]  }
0x3c9: {  	[tilespmem:s10+$0x70] =	vst v8;
	v8 =	vmul.f32 v12, v5;
	v12 =	vld [tilespmem:s10+$0xE0]  }
0x3ca: {  	[tilespmem:s10+$0x80] =	vst v10;
	v9 =	vmul.f32 v9, v6;
	v10 =	vld [tilespmem:s10+$0xF0]  }
0x3cb: {  	[tilespmem:s10+$0x90] =	vst v8;
	v8 =	vmul.f32 v13, v4;
	v13 =	vld [tilespmem:s10+$0x100]  }
0x3cc: {  	[tilespmem:s10+$0xA0] =	vst v9;
	v9 =	vmul.f32 v14, v3;
	v14 =	vld [tilespmem:s10+$0x110]  }
0x3cd: {  	[tilespmem:s10+$0xB0] =	vst v8;
	v8 =	vmul.f32 v11, v2;
	v11 =	vld [tilespmem:s10+$0x120]  }
0x3ce: {  	[tilespmem:s10+$0xC0] =	vst v9;
	v9 =	vmul.f32 v12, v1;
	v12 =	vld [tilespmem:s10+$0x130]  }
0x3cf: {  	[tilespmem:s10+$0xD0] =	vst v8;
	v8 =	vmul.f32 v10, v7;
	v10 =	vld [tilespmem:s10+$0x140]  }
0x3d0: {  	[tilespmem:s10+$0xE0] =	vst v9;
	v9 =	vmul.f32 v13, v0;
	v13 =	vld [tilespmem:s10+$0x150]  }
0x3d1: {  	[tilespmem:s10+$0xF0] =	vst v8;
	v8 =	vmul.f32 v14, v5;
	v14 =	vld [tilespmem:s10+$0x160]  }
0x3d2: {  	[tilespmem:s10+$0x100] =	vst v9;
	v9 =	vmul.f32 v11, v6;
	v11 =	vld [tilespmem:s10+$0x170]  }
0x3d3: {  	[tilespmem:s10+$0x110] =	vst v8;
	v8 =	vmul.f32 v12, v4;
	v12 =	vld [tilespmem:s10+$0x180]  }
0x3d4: {  	[tilespmem:s10+$0x120] =	vst v9;
	v9 =	vmul.f32 v10, v3;
	v15 =	vld [tilespmem:s10+$0x190]  }
0x3d5: {  	[tilespmem:s10+$0x130] =	vst v8;
	v10 =	vmul.f32 v13, v2;
	v16 =	vld [tilespmem:s10+$0x1A0]  }
.Ltmp12:
0x3d6: {  	[tilespmem:s10+$0x140] =	vst v9;
	v13 =	vmul.f32 v14, v1;
	v8 =	vld [tilespmem:s10+$0x1B0];
	(pc) =	sbr.rel @p0 .LBB2_26-.Ltmp12, $4  }
0x3d7: {  	[tilespmem:s10+$0x150] =	vst v10;
	v11 =	vmul.f32 v11, v7;
	v9 =	vld [tilespmem:s10+$0x1C0]  }
0x3d8: {  	[tilespmem:s10+$0x160] =	vst v13;
	v14 =	vmul.f32 v12, v0;
	v10 =	vld [tilespmem:s10+$0x1D0]  }
0x3d9: {  	[tilespmem:s10+$0x170] =	vst v11;
	v13 =	vmul.f32 v15, v5;
	v11 =	vld [tilespmem:s10+$0x1E0]  }
0x3da: {  	s10 =	sadd.s32 $0x200, s10;
	v12 =	vld [tilespmem:s8+$0x0];
	[tilespmem:s8+$0x180] =	vst v14;
	v14 =	vmul.f32 v16, v6  }
0x3db: {  	[tilespmem:s8+$0x190] =	vst v13;
	v4 =	vmul.f32 v8, v4  }
0x3dc: {  	[tilespmem:s8+$0x1A0] =	vst v14;
	v3 =	vmul.f32 v9, v3  }
0x3dd: {  	[tilespmem:s8+$0x1B0] =	vst v4;
	v2 =	vmul.f32 v10, v2  }
0x3de: {  	[tilespmem:s8+$0x1C0] =	vst v3;
	v1 =	vmul.f32 v11, v1  }
0x3df: {  	v0 =	vmul.f32 v12, v0;
	[tilespmem:s8+$0x1D0] =	vst v2  }
0x3e0: {  	[tilespmem:s8+$0x1E0] =	vst v1  }
0x3e1: {  	[tilespmem:s8+$0x0] =	vst v0  }
0x3e2: {  	[hbm4b:s17+s4] =	stream.linear.scatter [tilespmem:s29], [sflag:$0x8], $0x4000, $0x38;
	[tilespmem:$0x16480] =	vst v63  }
0x3e3: {  	_ =	swait.ge [sflag:s31], $0x4000  }
0x3e4: {  	[sflag:s31] =	ssyncset.done $0x0  }
0x3e5: {  	[sflag:s31] =	ssyncadd.s32 $0xFFFFC000  }
0x3e6: {  	_ =	swait.ge [sflag:s19], $0x4000  }
0x3e7: {  	[sflag:s19] =	ssyncset.done $0x0  }
0x3e8: {  	s5 =	sadd.s32 $0x1, s5;
	[sflag:s19] =	ssyncadd.s32 $0xFFFFC000  }
0x3e9: {  	p0 =	sne.s32 s5, s18;
	_ =	swait.ge [sflag:s1], $0x4000  }
.Ltmp13:
0x3ea: {  	[sflag:s1] =	ssyncset.done $0x0;
	(pc) =	sbr.rel @p0 .LBB2_1-.Ltmp13, $4  }
0x3eb: {  	[sflag:s1] =	ssyncadd.s32 $0xFFFFC000  }
0x3ec: {  	_ =	swait.ge [sflag:s24], $0x4000  }
0x3ed: {  	[sflag:s24] =	ssyncset.done $0x0  }
0x3ee: {  	[sflag:s24] =	ssyncadd.s32 $0xFFFFC000  }
0x3ef: {  	_ =	sfence.sel $0x180000  }
0x3f0: {  	[bflag:$0x0] =	sbarrier.arrive $0xFFFF  }
0x3f1: {  	_ =	strace $0x90000047  }
0x3f2: {  	s0 =	stileid.u32;
	[bflag:$0x2] =	sbarrier.arrive $0xFFFF  }
0x3f3: {  	p0 =	sne.s32 s0, $0x0;
	s0 =	rddreg [dreg:$0x3]  }
0x3f4: {  	s0 =	sadd.s32 @!p0 $0x100000, s0  }
0x3f5: {  	[sflag:s0] =	ssyncadd.tile.s32 @!p0 $0x1;
	_ =	shalt  }
.Lfunc_end2:
_tile_overlayer_lowered:
.L_overlay_start_2:
0x3f6: {  	(tag) =	ssettag $0x2  }
0x3f7: {  	s0 =	rddreg [dreg:$0x0];
	s2 =	stileid.u32  }
0x3f8: {  	s1 =	rddreg [dreg:$0x1];
	p0 =	sne.s32 s2, $0x0  }
0x3f9: {  	s3 =	rddreg [dreg:$0x2];
	[bflag:$0x3] =	sbarrier.arrive $0xFFFF;
	s2 =	simm.s32 @!p0 $0x1C09  }
0x3fa: {  	[timem:s3], [sflag:s2] =	dma.local @!p0 [hbm:s0], s1  }
0x3fb: {  	s0 =	simm.s32 @!p0 $0x9  }
0x3fc: {  	_ =	swait.ge @!p0 [sflag:s0], s1  }
0x3fd: {  	s1 =	ssub.s32 @!p0 $0x0, s1;
	[sflag:s0] =	ssyncset.done @!p0 $0x0  }
0x3fe: {  	[sflag:s0] =	ssyncadd.s32 @!p0 s1  }
0x3ff: {  	[bflag:$0x3] =	sbarrier.arrive $0xFFFF  }
0x400: {  	_ =	shalt  }

</sc_bundles>
